<compile_context>
chip_gen: v7x
topology: tpu7x:2x2x1
jax: 0.10.2.dev20260603
libtpu: 0.0.44.dev20260713+nightly
codegen_flags: <defaults>
</compile_context>

<pallas_src>
import functools

import jax
import jax.numpy as jnp
from jax import lax
from jax.experimental import pallas as pl
from jax.experimental.pallas import tpu as pltpu
from jax.experimental.pallas import tpu_sc as plsc

_N = 100000
_NPAD = 100352
_RPT = _NPAD // 16
_RB = 512
_R = _NPAD // _RB
_CH = 128
_EB = 512
_NP2 = 10
_EPS = 1e-5


def _mesh():
    return plsc.VectorSubcoreMesh(core_axis_name="c", subcore_axis_name="s")


def _bf(a):
    return a.astype(jnp.bfloat16).astype(jnp.float32)


def _mm(a, b):
    return lax.dot_general(a, b, (((1,), (0,)), ((), ())),
                           precision=lax.Precision.HIGHEST,
                           preferred_element_type=jnp.float32)



def _make_deg(epad):
    per_tile = epad // 32
    blocks = per_tile // _EB

    @functools.partial(
        pl.kernel,
        out_type=jax.ShapeDtypeStruct((2, 16, _RPT), jnp.float32),
        mesh=_mesh(),
        compiler_params=pltpu.CompilerParams(use_tc_tiling_on_sc=False),
        scratch_types=[
            pltpu.VMEM((_EB,), jnp.int32),
            pltpu.VMEM((_EB,), jnp.float32),
            pltpu.VMEM_SHARED((_NPAD,), jnp.float32),
        ],
    )
    def deg_kernel(dst_hbm, ones_hbm, z1_hbm, degp_hbm, dstbuf, ones_v, acc):
        cid = lax.axis_index("c")
        sid = lax.axis_index("s")
        wid = cid * 16 + sid
        pltpu.sync_copy(z1_hbm, acc.at[pl.ds(sid * _RPT, _RPT)])
        pltpu.sync_copy(ones_hbm, ones_v)
        plsc.subcore_barrier()
        base = wid * per_tile

        def blk_body(b, carry):
            pltpu.sync_copy(dst_hbm.at[pl.ds(base + b * _EB, _EB)], dstbuf)
            pltpu.sync_copy(ones_v, acc.at[dstbuf], add=True)
            return carry

        lax.fori_loop(0, blocks, blk_body, 0)
        plsc.subcore_barrier()
        pltpu.sync_copy(acc.at[pl.ds(sid * _RPT, _RPT)], degp_hbm.at[cid, sid])

    return deg_kernel


def _make_conv1(epad):
    per_tile = epad // 32
    blocks = per_tile // _EB

    @functools.partial(
        pl.kernel,
        out_type=jax.ShapeDtypeStruct((2, 16, _RPT, 16), jnp.float32),
        mesh=_mesh(),
        compiler_params=pltpu.CompilerParams(use_tc_tiling_on_sc=False),
        scratch_types=[
            pltpu.VMEM((_EB,), jnp.int32),
            pltpu.VMEM((_EB,), jnp.int32),
            pltpu.VMEM((_EB,), jnp.int32),
            pltpu.VMEM((_EB,), jnp.int32),
            pltpu.VMEM((_EB, 16), jnp.float32),
            pltpu.VMEM((_EB, 16), jnp.float32),
            pltpu.VMEM_SHARED((_NPAD, 16), jnp.float32),
            pltpu.SemaphoreType.DMA,
            pltpu.SemaphoreType.DMA,
        ],
    )
    def conv1_kernel(src_hbm, dst_hbm, y_hbm, zrows_hbm, outp_hbm,
                     srcbuf0, dstbuf0, srcbuf1, dstbuf1, rows0, rows1,
                     acc, sem0, sem1):
        cid = lax.axis_index("c")
        sid = lax.axis_index("s")
        wid = cid * 16 + sid
        pltpu.sync_copy(zrows_hbm, acc.at[pl.ds(sid * _RPT, _RPT)])
        plsc.subcore_barrier()
        base = wid * per_tile
        pairs = blocks // 2

        pltpu.sync_copy(src_hbm.at[pl.ds(base, _EB)], srcbuf0)
        pltpu.sync_copy(dst_hbm.at[pl.ds(base, _EB)], dstbuf0)
        pltpu.async_copy(y_hbm.at[srcbuf0], rows0, sem0)

        def pair_body(t, carry):
            e1 = base + (2 * t + 1) * _EB
            pltpu.sync_copy(src_hbm.at[pl.ds(e1, _EB)], srcbuf1)
            pltpu.sync_copy(dst_hbm.at[pl.ds(e1, _EB)], dstbuf1)
            pltpu.async_copy(y_hbm.at[srcbuf1], rows1, sem1)
            pltpu.make_async_copy(y_hbm.at[srcbuf0], rows0, sem0).wait()
            pltpu.sync_copy(rows0, acc.at[dstbuf0], add=True)

            @pl.when(t + 1 < pairs)
            def _():
                e2 = base + (2 * t + 2) * _EB
                pltpu.sync_copy(src_hbm.at[pl.ds(e2, _EB)], srcbuf0)
                pltpu.sync_copy(dst_hbm.at[pl.ds(e2, _EB)], dstbuf0)
                pltpu.async_copy(y_hbm.at[srcbuf0], rows0, sem0)

            pltpu.make_async_copy(y_hbm.at[srcbuf1], rows1, sem1).wait()
            pltpu.sync_copy(rows1, acc.at[dstbuf1], add=True)
            return carry

        lax.fori_loop(0, pairs, pair_body, 0)
        plsc.subcore_barrier()
        pltpu.sync_copy(acc.at[pl.ds(sid * _RPT, _RPT)], outp_hbm.at[cid, sid])

    return conv1_kernel


def _make_conv2(epad):
    per_tile = epad // 16
    blocks = per_tile // _EB

    @functools.partial(
        pl.kernel,
        out_type=jax.ShapeDtypeStruct((_NP2, 16, _RPT, 16), jnp.float32),
        mesh=_mesh(),
        compiler_params=pltpu.CompilerParams(use_tc_tiling_on_sc=False),
        scratch_types=[
            pltpu.VMEM((_EB,), jnp.int32),
            pltpu.VMEM((_EB,), jnp.int32),
            pltpu.VMEM((_EB,), jnp.int32),
            pltpu.VMEM((_EB,), jnp.int32),
            pltpu.VMEM((_EB, 16), jnp.float32),
            pltpu.VMEM((_EB, 16), jnp.float32),
            pltpu.VMEM_SHARED((_NPAD, 16), jnp.float32),
            pltpu.SemaphoreType.DMA,
            pltpu.SemaphoreType.DMA,
        ],
    )
    def conv2_kernel(src_hbm, dst_hbm, y3_hbm, zrows_hbm, out3_hbm,
                     srcbuf0, dstbuf0, srcbuf1, dstbuf1, rows0, rows1,
                     acc, sem0, sem1):
        cid = lax.axis_index("c")
        sid = lax.axis_index("s")
        for q in range(_NP2 // 2):
            p = q * 2 + cid
            yp = y3_hbm.at[p]
            pltpu.sync_copy(zrows_hbm, acc.at[pl.ds(sid * _RPT, _RPT)])
            plsc.subcore_barrier()
            base = sid * per_tile
            pairs = blocks // 2

            pltpu.sync_copy(src_hbm.at[pl.ds(base, _EB)], srcbuf0)
            pltpu.sync_copy(dst_hbm.at[pl.ds(base, _EB)], dstbuf0)
            pltpu.async_copy(yp.at[srcbuf0], rows0, sem0)

            def pair_body(t, carry):
                e1 = base + (2 * t + 1) * _EB
                pltpu.sync_copy(src_hbm.at[pl.ds(e1, _EB)], srcbuf1)
                pltpu.sync_copy(dst_hbm.at[pl.ds(e1, _EB)], dstbuf1)
                pltpu.async_copy(yp.at[srcbuf1], rows1, sem1)
                pltpu.make_async_copy(yp.at[srcbuf0], rows0, sem0).wait()
                pltpu.sync_copy(rows0, acc.at[dstbuf0], add=True)

                @pl.when(t + 1 < pairs)
                def _():
                    e2 = base + (2 * t + 2) * _EB
                    pltpu.sync_copy(src_hbm.at[pl.ds(e2, _EB)], srcbuf0)
                    pltpu.sync_copy(dst_hbm.at[pl.ds(e2, _EB)], dstbuf0)
                    pltpu.async_copy(yp.at[srcbuf0], rows0, sem0)

                pltpu.make_async_copy(yp.at[srcbuf1], rows1, sem1).wait()
                pltpu.sync_copy(rows1, acc.at[dstbuf1], add=True)
                return carry

            lax.fori_loop(0, pairs, pair_body, 0)
            plsc.subcore_barrier()
            pltpu.sync_copy(acc.at[pl.ds(sid * _RPT, _RPT)], out3_hbm.at[p, sid])
            plsc.subcore_barrier()

    return conv2_kernel



def _t1_call(degp_t, x16):
    def body(dg_ref, x_ref, y0_ref, dv_ref):
        d = dg_ref[:, 0:1] + dg_ref[:, 1:2] + 1.0
        dv = jnp.broadcast_to(lax.rsqrt(d), (_RB, 16))
        dv_ref[...] = dv
        y0_ref[...] = _bf(x_ref[...]) * dv

    return pl.pallas_call(
        body,
        grid=(_R,),
        in_specs=[
            pl.BlockSpec((_RB, 2), lambda r: (r, 0)),
            pl.BlockSpec((_RB, 16), lambda r: (r, 0)),
        ],
        out_specs=[
            pl.BlockSpec((_RB, 16), lambda r: (r, 0)),
            pl.BlockSpec((_RB, 16), lambda r: (r, 0)),
        ],
        out_shape=[
            jax.ShapeDtypeStruct((_NPAD, 16), jnp.float32),
            jax.ShapeDtypeStruct((_NPAD, 16), jnp.float32),
        ],
    )(degp_t, x16)


def _t2_call(out1p, y0, dv16, w1p, b1p):
    def body(op_ref, y0_ref, dv_ref, w_ref, b_ref, y1_ref):
        dv = dv_ref[...]
        agg = (op_ref[0] + op_ref[1] + y0_ref[...]) * dv
        h = jnp.maximum(_mm(agg, _bf(w_ref[...])) + b_ref[...], 0.0)
        for p in range(_NP2):
            y1_ref[p] = _bf(h[:, p * 16:(p + 1) * 16]) * dv

    return pl.pallas_call(
        body,
        grid=(_R,),
        in_specs=[
            pl.BlockSpec((2, _RB, 16), lambda r: (0, r, 0)),
            pl.BlockSpec((_RB, 16), lambda r: (r, 0)),
            pl.BlockSpec((_RB, 16), lambda r: (r, 0)),
            pl.BlockSpec((16, 160), lambda r: (0, 0)),
            pl.BlockSpec((1, 160), lambda r: (0, 0)),
        ],
        out_specs=pl.BlockSpec((_NP2, _RB, 16), lambda r: (0, r, 0)),
        out_shape=jax.ShapeDtypeStruct((_NP2, _NPAD, 16), jnp.float32),
    )(out1p, y0, dv16, w1p, b1p)


def _d1_call(out3, y1, dv16, w2p, b2r):
    def body(o3_ref, y1_ref, dv_ref, w_ref, b_ref, h_ref, s_ref):
        r = pl.program_id(0)
        dv = dv_ref[...]
        ms = [(o3_ref[p] + y1_ref[p]) * dv for p in range(_NP2)]
        m = jnp.concatenate(ms, axis=1)
        h = _mm(m, _bf(w_ref[...])) + b_ref[...]
        h_ref[...] = h
        mask = (lax.broadcasted_iota(jnp.int32, (_RB, 1), 0) + r * _RB) < _N
        hm = jnp.where(mask, h, 0.0)

        @pl.when(r == 0)
        def _():
            s_ref[...] = jnp.zeros((8, 200), jnp.float32)

        s_ref[0:1, :] = s_ref[0:1, :] + jnp.sum(hm, axis=0, keepdims=True)
        s_ref[1:2, :] = s_ref[1:2, :] + jnp.sum(hm * hm, axis=0, keepdims=True)

    return pl.pallas_call(
        body,
        grid=(_R,),
        in_specs=[
            pl.BlockSpec((_NP2, _RB, 16), lambda r: (0, r, 0)),
            pl.BlockSpec((_NP2, _RB, 16), lambda r: (0, r, 0)),
            pl.BlockSpec((_RB, 16), lambda r: (r, 0)),
            pl.BlockSpec((160, 200), lambda r: (0, 0)),
            pl.BlockSpec((1, 200), lambda r: (0, 0)),
        ],
        out_specs=[
            pl.BlockSpec((_RB, 200), lambda r: (r, 0)),
            pl.BlockSpec((8, 200), lambda r: (0, 0)),
        ],
        out_shape=[
            jax.ShapeDtypeStruct((_NPAD, 200), jnp.float32),
            jax.ShapeDtypeStruct((8, 200), jnp.float32),
        ],
    )(out3, y1, dv16, w2p, b2r)


def _bn_mlp_call(h, s, g, be, w, b, fin, fout, last):
    def body(h_ref, s_ref, g_ref, be_ref, w_ref, b_ref, o_ref, so_ref):
        r = pl.program_id(0)
        mean = s_ref[0:1, :] * (1.0 / _N)
        var = s_ref[1:2, :] * (1.0 / _N) - mean * mean
        scale = g_ref[...] * lax.rsqrt(var + _EPS)
        z = jnp.maximum((h_ref[...] - mean) * scale + be_ref[...], 0.0)
        o = lax.dot_general(
            z.astype(jnp.bfloat16), w_ref[...].astype(jnp.bfloat16),
            (((1,), (0,)), ((), ())),
            preferred_element_type=jnp.float32) + b_ref[...]
        o_ref[...] = o
        if not last:
            mask = (lax.broadcasted_iota(jnp.int32, (_RB, 1), 0)
                    + r * _RB) < _N
            om = jnp.where(mask, o, 0.0)

            @pl.when(r == 0)
            def _():
                so_ref[...] = jnp.zeros((8, fout), jnp.float32)

            so_ref[0:1, :] = so_ref[0:1, :] + jnp.sum(om, axis=0, keepdims=True)
            so_ref[1:2, :] = so_ref[1:2, :] + jnp.sum(om * om, axis=0,
                                                      keepdims=True)

    out_specs = [pl.BlockSpec((_RB, fout), lambda r: (r, 0)),
                 pl.BlockSpec((8, fout), lambda r: (0, 0))]
    out_shape = [jax.ShapeDtypeStruct((_NPAD, fout), jnp.float32),
                 jax.ShapeDtypeStruct((8, fout), jnp.float32)]
    res = pl.pallas_call(
        body,
        grid=(_R,),
        in_specs=[
            pl.BlockSpec((_RB, fin), lambda r: (r, 0)),
            pl.BlockSpec((8, fin), lambda r: (0, 0)),
            pl.BlockSpec((1, fin), lambda r: (0, 0)),
            pl.BlockSpec((1, fin), lambda r: (0, 0)),
            pl.BlockSpec((fin, fout), lambda r: (0, 0)),
            pl.BlockSpec((1, fout), lambda r: (0, 0)),
        ],
        out_specs=out_specs,
        out_shape=out_shape,
    )(h, s, g, be, w, b)
    return res[0], res[1]



def kernel(x, edge_index, W1, b1, W2, b2, g1, be1, Wl2, bl2, g2, be2,
           Wl3, bl3, g3, be3, Wl4, bl4):
    n = x.shape[0]
    e = edge_index.shape[1]
    blocks1 = -(-e // (_CH * 32 * 16))
    chunks = blocks1 * 32 * 16
    epad = chunks * _CH

    src = edge_index[0].astype(jnp.int32)
    dst = edge_index[1].astype(jnp.int32)
    fill = jnp.full((epad - e,), _NPAD - 1, jnp.int32)
    srcp = jnp.concatenate([src, fill])
    dstp = jnp.concatenate([dst, fill])

    x16 = jnp.pad(x, ((0, _NPAD - n), (0, 16 - x.shape[1])))
    w1p = jnp.pad(W1, ((0, 16 - W1.shape[0]), (0, 160 - W1.shape[1])))
    b1p = jnp.pad(b1, (0, 160 - b1.shape[0])).reshape(1, 160)
    w2p = jnp.pad(W2, ((0, 160 - W2.shape[0]), (0, 0)))
    b2r = b2.reshape(1, 200)
    wl4p = jnp.pad(Wl4, ((0, 0), (0, 8 - Wl4.shape[1])))
    bl4p = jnp.pad(bl4, (0, 8 - bl4.shape[0])).reshape(1, 8)

    ones = jnp.ones((_EB,), jnp.float32)
    z1 = jnp.zeros((_RPT,), jnp.float32)
    zrows = jnp.zeros((_RPT, 16), jnp.float32)

    degp = _make_deg(epad)(dstp, ones, z1)
    degp_t = degp.reshape(2, _NPAD).T
    y0, dv16 = _t1_call(degp_t, x16)

    out1p = _make_conv1(epad)(srcp, dstp, y0, zrows)
    out1p = out1p.reshape(2, _NPAD, 16)
    y1 = _t2_call(out1p, y0, dv16, w1p, b1p)

    out3 = _make_conv2(epad)(srcp, dstp, y1, zrows)
    out3 = out3.reshape(_NP2, _NPAD, 16)
    h2, s1 = _d1_call(out3, y1, dv16, w2p, b2r)

    h3, s2 = _bn_mlp_call(h2, s1, g1.reshape(1, 200), be1.reshape(1, 200),
                          Wl2, bl2.reshape(1, 400), 200, 400, False)
    h4, s3 = _bn_mlp_call(h3, s2, g2.reshape(1, 400), be2.reshape(1, 400),
                          Wl3, bl3.reshape(1, 200), 400, 200, False)
    h5, _ = _bn_mlp_call(h4, s3, g3.reshape(1, 200), be3.reshape(1, 200),
                         wl4p, bl4p, 200, 8, True)
    return h5[:n, 0:1]

# --- scband reference (transcript-rebuilt; emitter-appended) ---
"""Pipeline reference for scband-gcn1-40905268527513 (READ-ONLY COPY).

The authoritative reference and input builder live on the scoring server;
editing this copy changes nothing except your own understanding.
"""

import jax, jax.numpy as jnp
import numpy as np

N_NODES = 100000
N_EDGES = 3200000
EPS = 1e-5


def _glorot(key, shape):
    fan_in, fan_out = shape[0], shape[1]
    limit = np.sqrt(6.0 / (fan_in + fan_out))
    return jax.random.uniform(key, shape, jnp.float32, -limit, limit)


def setup_inputs(seed: int = 0) -> dict:
    key = jax.random.key(seed)
    ks = jax.random.split(key, 16)
    x = jax.random.normal(ks[0], (N_NODES, 15), jnp.float32)
    edge_index = jax.random.randint(ks[1], (2, N_EDGES), 0, N_NODES, jnp.int64)
    return {
        "x": x,
        "edge_index": edge_index,
        "W1": _glorot(ks[2], (15, 150)),
        "b1": jnp.zeros((150,), jnp.float32),
        "W2": _glorot(ks[3], (150, 200)),
        "b2": jnp.zeros((200,), jnp.float32),
        "g1": jnp.ones((200,), jnp.float32),
        "be1": jnp.zeros((200,), jnp.float32),
        "Wl2": _glorot(ks[4], (200, 400)),
        "bl2": jnp.zeros((400,), jnp.float32),
        "g2": jnp.ones((400,), jnp.float32),
        "be2": jnp.zeros((400,), jnp.float32),
        "Wl3": _glorot(ks[5], (400, 200)),
        "bl3": jnp.zeros((200,), jnp.float32),
        "g3": jnp.ones((200,), jnp.float32),
        "be3": jnp.zeros((200,), jnp.float32),
        "Wl4": _glorot(ks[6], (200, 1)),
        "bl4": jnp.zeros((1,), jnp.float32),
    }


def gcn_conv(x, edge_index, W, b, num_nodes):
    # PyG GCNConv: x' = D^-1/2 (A + I) D^-1/2 X W + b
    loop = jnp.arange(num_nodes, dtype=edge_index.dtype)
    src = jnp.concatenate([edge_index[0], loop])
    dst = jnp.concatenate([edge_index[1], loop])
    deg = jnp.zeros((num_nodes,), jnp.float32).at[dst].add(1.0)
    dinv = jnp.where(deg > 0, 1.0 / jnp.sqrt(deg), 0.0)
    norm = dinv[src] * dinv[dst]
    xw = x @ W
    msg = xw[src] * norm[:, None]
    out = jnp.zeros((num_nodes, W.shape[1]), jnp.float32).at[dst].add(msg)
    return out + b


def batch_norm(x, gamma, beta):
    mean = jnp.mean(x, axis=0)
    var = jnp.mean((x - mean) ** 2, axis=0)  # biased, matches torch normalization
    return (x - mean) / jnp.sqrt(var + EPS) * gamma + beta


def reference(x, edge_index, W1, b1, W2, b2, g1, be1, Wl2, bl2, g2, be2, Wl3, bl3, g3, be3, Wl4, bl4):
    n = x.shape[0]
    h = gcn_conv(x, edge_index, W1, b1, n)
    h = jax.nn.relu(h)
    h = gcn_conv(h, edge_index, W2, b2, n)
    h = batch_norm(h, g1, be1)
    h = jax.nn.relu(h)
    # dropout: identity (deterministic eval behavior)
    h = h @ Wl2 + bl2
    h = batch_norm(h, g2, be2)
    h = jax.nn.relu(h)
    h = h @ Wl3 + bl3
    h = batch_norm(h, g3, be3)
    h = jax.nn.relu(h)
    h = h @ Wl4 + bl4
    return h

if __name__ == "__main__":
    import jax
    _d = setup_inputs()
    print(jax.jit(kernel)(*tuple(_d.values())))

</pallas_src>

<mosaic_0001>
#map = affine_map<(d0, d1) -> (0)>
#map1 = affine_map<(d0, d1) -> (0, 0, 0)>
#map2 = affine_map<(d0, d1) -> (0, 0)>
#map3 = affine_map<(d0, d1) -> (0, 0, 0, 0)>
module attributes {stable_mosaic.version = 14 : i64} {
  func.func @conv2_kernel(%arg0: i32, %arg1: i32, %arg2: memref<3211264xi32, #tpu.memory_space<hbm>>, %arg3: memref<3211264xi32, #tpu.memory_space<hbm>>, %arg4: memref<10x100352x16xf32, #tpu.memory_space<hbm>>, %arg5: memref<6272x16xf32, #tpu.memory_space<hbm>>, %arg6: memref<10x16x6272x16xf32, #tpu.memory_space<hbm>>, %arg7: memref<512xi32, #tpu.memory_space<vmem>>, %arg8: memref<512xi32, #tpu.memory_space<vmem>>, %arg9: memref<512xi32, #tpu.memory_space<vmem>>, %arg10: memref<512xi32, #tpu.memory_space<vmem>>, %arg11: memref<512x16xf32, #tpu.memory_space<vmem>>, %arg12: memref<512x16xf32, #tpu.memory_space<vmem>>, %arg13: memref<100352x16xf32, #tpu.memory_space<vmem_shared>>, %arg14: memref<!tpu.dma_semaphore, #tpu.memory_space<semaphore_mem>>, %arg15: memref<!tpu.dma_semaphore, #tpu.memory_space<semaphore_mem>>) attributes {dimension_semantics = [#tpu.dimension_semantics<core_parallel>, #tpu.dimension_semantics<subcore_parallel>], iteration_bounds = array<i64: 2, 16>, scalar_prefetch = 0 : i64, scratch_operands = 9 : i64, tpu.core_type = #tpu.core_type<sc_vector_subcore>, window_params = [{transform_indices = #map}, {transform_indices = #map}, {transform_indices = #map1}, {transform_indices = #map2}, {transform_indices = #map3}]} {
    %add3A = arith.constant 0 : i32
    %add3A_0 = arith.addi %add3A, %arg0 : i32
    %mul3A = arith.constant 6272 : i32
    %mul3A_1 = arith.muli %arg1, %mul3A : i32
    "tpu.region"() ({
      %run_scoped3A = tpu.sem_alloc : memref<!tpu.dma_semaphore, #tpu.memory_space<semaphore_mem>>
      %dma_start3A_115 = arith.constant 0 : i32
      %dma_start3A_116 = tpu.memref_slice %arg13[%mul3A_1, %dma_start3A_115] : memref<100352x16xf32, #tpu.memory_space<vmem_shared>> -> memref<6272x16xf32, #tpu.memory_space<vmem_shared>>
      tpu.enqueue_dma source(%arg5 : memref<6272x16xf32, #tpu.memory_space<hbm>>) target(%dma_start3A_116 : memref<6272x16xf32, #tpu.memory_space<vmem_shared>>) target_semaphore(%run_scoped3A : memref<!tpu.dma_semaphore, #tpu.memory_space<semaphore_mem>>)
      %dma_wait3A = arith.constant 0 : i32
      %dma_wait3A_117 = tpu.memref_slice %arg13[%mul3A_1, %dma_wait3A] : memref<100352x16xf32, #tpu.memory_space<vmem_shared>> -> memref<6272x16xf32, #tpu.memory_space<vmem_shared>>
      tpu.wait_dma2 semaphore(%run_scoped3A : memref<!tpu.dma_semaphore, #tpu.memory_space<semaphore_mem>>) src(%arg5 : memref<6272x16xf32, #tpu.memory_space<hbm>>) dst(%dma_wait3A_117 : memref<6272x16xf32, #tpu.memory_space<vmem_shared>>)
      tpu.yield
    }) : () -> ()
    %barrier3A = arith.constant 0 : index
    tpu.barrier barrier_id(%barrier3A)
    %mul3A_2 = arith.constant 200704 : i32
    %mul3A_3 = arith.muli %arg1, %mul3A_2 : i32
    "tpu.region"() ({
      %run_scoped3A = tpu.sem_alloc : memref<!tpu.dma_semaphore, #tpu.memory_space<semaphore_mem>>
      %dma_start3A_115 = tpu.memref_slice %arg2[%mul3A_3] : memref<3211264xi32, #tpu.memory_space<hbm>> -> memref<512xi32, #tpu.memory_space<hbm>>
      %dma_start3A_116 = tpu.memref_slice %arg2[%mul3A_3] : memref<3211264xi32, #tpu.memory_space<hbm>> -> memref<512xi32, #tpu.memory_space<hbm>>
      tpu.enqueue_dma source(%dma_start3A_116 : memref<512xi32, #tpu.memory_space<hbm>>) target(%arg7 : memref<512xi32, #tpu.memory_space<vmem>>) target_semaphore(%run_scoped3A : memref<!tpu.dma_semaphore, #tpu.memory_space<semaphore_mem>>)
      %dma_wait3A = tpu.memref_slice %arg2[%mul3A_3] : memref<3211264xi32, #tpu.memory_space<hbm>> -> memref<512xi32, #tpu.memory_space<hbm>>
      %dma_wait3A_117 = tpu.memref_slice %arg2[%mul3A_3] : memref<3211264xi32, #tpu.memory_space<hbm>> -> memref<512xi32, #tpu.memory_space<hbm>>
      tpu.wait_dma2 semaphore(%run_scoped3A : memref<!tpu.dma_semaphore, #tpu.memory_space<semaphore_mem>>) src(%dma_wait3A_117 : memref<512xi32, #tpu.memory_space<hbm>>) dst(%arg7 : memref<512xi32, #tpu.memory_space<vmem>>)
      tpu.yield
    }) : () -> ()
    "tpu.region"() ({
      %run_scoped3A = tpu.sem_alloc : memref<!tpu.dma_semaphore, #tpu.memory_space<semaphore_mem>>
      %dma_start3A_115 = tpu.memref_slice %arg3[%mul3A_3] : memref<3211264xi32, #tpu.memory_space<hbm>> -> memref<512xi32, #tpu.memory_space<hbm>>
      %dma_start3A_116 = tpu.memref_slice %arg3[%mul3A_3] : memref<3211264xi32, #tpu.memory_space<hbm>> -> memref<512xi32, #tpu.memory_space<hbm>>
      tpu.enqueue_dma source(%dma_start3A_116 : memref<512xi32, #tpu.memory_space<hbm>>) target(%arg8 : memref<512xi32, #tpu.memory_space<vmem>>) target_semaphore(%run_scoped3A : memref<!tpu.dma_semaphore, #tpu.memory_space<semaphore_mem>>)
      %dma_wait3A = tpu.memref_slice %arg3[%mul3A_3] : memref<3211264xi32, #tpu.memory_space<hbm>> -> memref<512xi32, #tpu.memory_space<hbm>>
      %dma_wait3A_117 = tpu.memref_slice %arg3[%mul3A_3] : memref<3211264xi32, #tpu.memory_space<hbm>> -> memref<512xi32, #tpu.memory_space<hbm>>
      tpu.wait_dma2 semaphore(%run_scoped3A : memref<!tpu.dma_semaphore, #tpu.memory_space<semaphore_mem>>) src(%dma_wait3A_117 : memref<512xi32, #tpu.memory_space<hbm>>) dst(%arg8 : memref<512xi32, #tpu.memory_space<vmem>>)
      tpu.yield
    }) : () -> ()
    %dma_start3A = arith.constant 0 : i32
    %dma_start3A_4 = arith.constant 0 : i32
    %dma_start3A_5 = tpu.memref_slice %arg4[%add3A_0, %dma_start3A, %dma_start3A_4] : memref<10x100352x16xf32, #tpu.memory_space<hbm>> -> memref<1x100352x16xf32, #tpu.memory_space<hbm>>
    %dma_start3A_6 = tpu.memref_squeeze %dma_start3A_5 : memref<1x100352x16xf32, #tpu.memory_space<hbm>> -> memref<100352x16xf32, #tpu.memory_space<hbm>>
    %dma_start3A_7 = arith.constant 0 : i32
    %dma_start3A_8 = arith.constant 0 : i32
    %dma_start3A_9 = tpu.memref_slice %dma_start3A_6[%dma_start3A_7, %dma_start3A_8] : memref<100352x16xf32, #tpu.memory_space<hbm>> -> memref<100352x16xf32, #tpu.memory_space<hbm>>
    tpu.enqueue_indirect_dma source(%dma_start3A_9 : memref<100352x16xf32, #tpu.memory_space<hbm>>) target(%arg11 : memref<512x16xf32, #tpu.memory_space<vmem>>) offsets(%arg7 : memref<512xi32, #tpu.memory_space<vmem>>) semaphore(%arg14 : memref<!tpu.dma_semaphore, #tpu.memory_space<semaphore_mem>>)
    %scan3A = arith.constant 0 : i32
    %scan3A_10 = arith.constant 0 : i32
    %scan3A_11 = arith.constant 196 : i32
    %scan3A_12 = arith.addi %scan3A_10, %scan3A_11 : i32
    %scan3A_13 = arith.constant 1 : i32
    scf.for %scan3A_115 = %scan3A_10 to %scan3A_12 step %scan3A_13  : i32 {
      %mul3A_116 = arith.constant 2 : i32
      %mul3A_117 = arith.muli %mul3A_116, %scan3A_115 : i32
      %add3A_118 = arith.constant 1 : i32
      %add3A_119 = arith.addi %mul3A_117, %add3A_118 : i32
      %mul3A_120 = arith.constant 512 : i32
      %mul3A_121 = arith.muli %add3A_119, %mul3A_120 : i32
      %add3A_122 = arith.addi %mul3A_3, %mul3A_121 : i32
      "tpu.region"() ({
        %run_scoped3A = tpu.sem_alloc : memref<!tpu.dma_semaphore, #tpu.memory_space<semaphore_mem>>
        %dma_start3A_147 = tpu.memref_slice %arg2[%add3A_122] : memref<3211264xi32, #tpu.memory_space<hbm>> -> memref<512xi32, #tpu.memory_space<hbm>>
        %dma_start3A_148 = tpu.memref_slice %arg2[%add3A_122] : memref<3211264xi32, #tpu.memory_space<hbm>> -> memref<512xi32, #tpu.memory_space<hbm>>
        tpu.enqueue_dma source(%dma_start3A_148 : memref<512xi32, #tpu.memory_space<hbm>>) target(%arg9 : memref<512xi32, #tpu.memory_space<vmem>>) target_semaphore(%run_scoped3A : memref<!tpu.dma_semaphore, #tpu.memory_space<semaphore_mem>>)
        %dma_wait3A_149 = tpu.memref_slice %arg2[%add3A_122] : memref<3211264xi32, #tpu.memory_space<hbm>> -> memref<512xi32, #tpu.memory_space<hbm>>
        %dma_wait3A_150 = tpu.memref_slice %arg2[%add3A_122] : memref<3211264xi32, #tpu.memory_space<hbm>> -> memref<512xi32, #tpu.memory_space<hbm>>
        tpu.wait_dma2 semaphore(%run_scoped3A : memref<!tpu.dma_semaphore, #tpu.memory_space<semaphore_mem>>) src(%dma_wait3A_150 : memref<512xi32, #tpu.memory_space<hbm>>) dst(%arg9 : memref<512xi32, #tpu.memory_space<vmem>>)
        tpu.yield
      }) : () -> ()
      "tpu.region"() ({
        %run_scoped3A = tpu.sem_alloc : memref<!tpu.dma_semaphore, #tpu.memory_space<semaphore_mem>>
        %dma_start3A_147 = tpu.memref_slice %arg3[%add3A_122] : memref<3211264xi32, #tpu.memory_space<hbm>> -> memref<512xi32, #tpu.memory_space<hbm>>
        %dma_start3A_148 = tpu.memref_slice %arg3[%add3A_122] : memref<3211264xi32, #tpu.memory_space<hbm>> -> memref<512xi32, #tpu.memory_space<hbm>>
        tpu.enqueue_dma source(%dma_start3A_148 : memref<512xi32, #tpu.memory_space<hbm>>) target(%arg10 : memref<512xi32, #tpu.memory_space<vmem>>) target_semaphore(%run_scoped3A : memref<!tpu.dma_semaphore, #tpu.memory_space<semaphore_mem>>)
        %dma_wait3A_149 = tpu.memref_slice %arg3[%add3A_122] : memref<3211264xi32, #tpu.memory_space<hbm>> -> memref<512xi32, #tpu.memory_space<hbm>>
        %dma_wait3A_150 = tpu.memref_slice %arg3[%add3A_122] : memref<3211264xi32, #tpu.memory_space<hbm>> -> memref<512xi32, #tpu.memory_space<hbm>>
        tpu.wait_dma2 semaphore(%run_scoped3A : memref<!tpu.dma_semaphore, #tpu.memory_space<semaphore_mem>>) src(%dma_wait3A_150 : memref<512xi32, #tpu.memory_space<hbm>>) dst(%arg10 : memref<512xi32, #tpu.memory_space<vmem>>)
        tpu.yield
      }) : () -> ()
      %dma_start3A_123 = arith.constant 0 : i32
      %dma_start3A_124 = arith.constant 0 : i32
      %dma_start3A_125 = tpu.memref_slice %arg4[%add3A_0, %dma_start3A_123, %dma_start3A_124] : memref<10x100352x16xf32, #tpu.memory_space<hbm>> -> memref<1x100352x16xf32, #tpu.memory_space<hbm>>
      %dma_start3A_126 = tpu.memref_squeeze %dma_start3A_125 : memref<1x100352x16xf32, #tpu.memory_space<hbm>> -> memref<100352x16xf32, #tpu.memory_space<hbm>>
      %dma_start3A_127 = arith.constant 0 : i32
      %dma_start3A_128 = arith.constant 0 : i32
      %dma_start3A_129 = tpu.memref_slice %dma_start3A_126[%dma_start3A_127, %dma_start3A_128] : memref<100352x16xf32, #tpu.memory_space<hbm>> -> memref<100352x16xf32, #tpu.memory_space<hbm>>
      tpu.enqueue_indirect_dma source(%dma_start3A_129 : memref<100352x16xf32, #tpu.memory_space<hbm>>) target(%arg12 : memref<512x16xf32, #tpu.memory_space<vmem>>) offsets(%arg9 : memref<512xi32, #tpu.memory_space<vmem>>) semaphore(%arg15 : memref<!tpu.dma_semaphore, #tpu.memory_space<semaphore_mem>>)
      %dma_wait3A = arith.constant 0 : i32
      %dma_wait3A_130 = arith.constant 0 : i32
      %dma_wait3A_131 = tpu.memref_slice %arg4[%add3A_0, %dma_wait3A, %dma_wait3A_130] : memref<10x100352x16xf32, #tpu.memory_space<hbm>> -> memref<1x100352x16xf32, #tpu.memory_space<hbm>>
      %dma_wait3A_132 = tpu.memref_squeeze %dma_wait3A_131 : memref<1x100352x16xf32, #tpu.memory_space<hbm>> -> memref<100352x16xf32, #tpu.memory_space<hbm>>
      %dma_wait3A_133 = arith.constant 0 : i32
      %dma_wait3A_134 = arith.constant 0 : i32
      %dma_wait3A_135 = tpu.memref_slice %dma_wait3A_132[%dma_wait3A_133, %dma_wait3A_134] : memref<100352x16xf32, #tpu.memory_space<hbm>> -> memref<100352x16xf32, #tpu.memory_space<hbm>>
      tpu.wait_indirect_dma semaphore(%arg14 : memref<!tpu.dma_semaphore, #tpu.memory_space<semaphore_mem>>) src(%dma_wait3A_135 : memref<100352x16xf32, #tpu.memory_space<hbm>>) dst(%arg11 : memref<512x16xf32, #tpu.memory_space<vmem>>)
      "tpu.region"() ({
        %run_scoped3A = tpu.sem_alloc : memref<!tpu.dma_semaphore, #tpu.memory_space<semaphore_mem>>
        %dma_start3A_147 = arith.constant 0 : i32
        %dma_start3A_148 = arith.constant 0 : i32
        %dma_start3A_149 = tpu.memref_slice %arg13[%dma_start3A_147, %dma_start3A_148] : memref<100352x16xf32, #tpu.memory_space<vmem_shared>> -> memref<100352x16xf32, #tpu.memory_space<vmem_shared>>
        tpu.enqueue_indirect_dma source(%arg11 : memref<512x16xf32, #tpu.memory_space<vmem>>) target(%dma_start3A_149 : memref<100352x16xf32, #tpu.memory_space<vmem_shared>>) offsets(%arg8 : memref<512xi32, #tpu.memory_space<vmem>>) semaphore(%run_scoped3A : memref<!tpu.dma_semaphore, #tpu.memory_space<semaphore_mem>>) {add = true}
        %dma_wait3A_150 = arith.constant 0 : i32
        %dma_wait3A_151 = arith.constant 0 : i32
        %dma_wait3A_152 = tpu.memref_slice %arg13[%dma_wait3A_150, %dma_wait3A_151] : memref<100352x16xf32, #tpu.memory_space<vmem_shared>> -> memref<100352x16xf32, #tpu.memory_space<vmem_shared>>
        tpu.wait_indirect_dma semaphore(%run_scoped3A : memref<!tpu.dma_semaphore, #tpu.memory_space<semaphore_mem>>) src(%arg11 : memref<512x16xf32, #tpu.memory_space<vmem>>) dst(%dma_wait3A_152 : memref<100352x16xf32, #tpu.memory_space<vmem_shared>>)
        tpu.yield
      }) : () -> ()
      %add3A_136 = arith.constant 1 : i32
      %add3A_137 = arith.addi %scan3A_115, %add3A_136 : i32
      %lt3A = arith.constant 196 : i32
      %lt3A_138 = arith.cmpi slt, %add3A_137, %lt3A : i32
      %convert_element_type3A = arith.extui %lt3A_138 : i1 to i32
      %cond3A = arith.constant 0 : i32
      %cond3A_139 = arith.cmpi ne, %convert_element_type3A, %cond3A : i32
      scf.if %cond3A_139 {
        %mul3A_147 = arith.constant 2 : i32
        %mul3A_148 = arith.muli %mul3A_147, %scan3A_115 : i32
        %add3A_149 = arith.constant 2 : i32
        %add3A_150 = arith.addi %mul3A_148, %add3A_149 : i32
        %mul3A_151 = arith.constant 512 : i32
        %mul3A_152 = arith.muli %add3A_150, %mul3A_151 : i32
        %add3A_153 = arith.addi %mul3A_3, %mul3A_152 : i32
        "tpu.region"() ({
          %run_scoped3A = tpu.sem_alloc : memref<!tpu.dma_semaphore, #tpu.memory_space<semaphore_mem>>
          %dma_start3A_161 = tpu.memref_slice %arg2[%add3A_153] : memref<3211264xi32, #tpu.memory_space<hbm>> -> memref<512xi32, #tpu.memory_space<hbm>>
          %dma_start3A_162 = tpu.memref_slice %arg2[%add3A_153] : memref<3211264xi32, #tpu.memory_space<hbm>> -> memref<512xi32, #tpu.memory_space<hbm>>
          tpu.enqueue_dma source(%dma_start3A_162 : memref<512xi32, #tpu.memory_space<hbm>>) target(%arg7 : memref<512xi32, #tpu.memory_space<vmem>>) target_semaphore(%run_scoped3A : memref<!tpu.dma_semaphore, #tpu.memory_space<semaphore_mem>>)
          %dma_wait3A_163 = tpu.memref_slice %arg2[%add3A_153] : memref<3211264xi32, #tpu.memory_space<hbm>> -> memref<512xi32, #tpu.memory_space<hbm>>
          %dma_wait3A_164 = tpu.memref_slice %arg2[%add3A_153] : memref<3211264xi32, #tpu.memory_space<hbm>> -> memref<512xi32, #tpu.memory_space<hbm>>
          tpu.wait_dma2 semaphore(%run_scoped3A : memref<!tpu.dma_semaphore, #tpu.memory_space<semaphore_mem>>) src(%dma_wait3A_164 : memref<512xi32, #tpu.memory_space<hbm>>) dst(%arg7 : memref<512xi32, #tpu.memory_space<vmem>>)
          tpu.yield
        }) : () -> ()
        "tpu.region"() ({
          %run_scoped3A = tpu.sem_alloc : memref<!tpu.dma_semaphore, #tpu.memory_space<semaphore_mem>>
          %dma_start3A_161 = tpu.memref_slice %arg3[%add3A_153] : memref<3211264xi32, #tpu.memory_space<hbm>> -> memref<512xi32, #tpu.memory_space<hbm>>
          %dma_start3A_162 = tpu.memref_slice %arg3[%add3A_153] : memref<3211264xi32, #tpu.memory_space<hbm>> -> memref<512xi32, #tpu.memory_space<hbm>>
          tpu.enqueue_dma source(%dma_start3A_162 : memref<512xi32, #tpu.memory_space<hbm>>) target(%arg8 : memref<512xi32, #tpu.memory_space<vmem>>) target_semaphore(%run_scoped3A : memref<!tpu.dma_semaphore, #tpu.memory_space<semaphore_mem>>)
          %dma_wait3A_163 = tpu.memref_slice %arg3[%add3A_153] : memref<3211264xi32, #tpu.memory_space<hbm>> -> memref<512xi32, #tpu.memory_space<hbm>>
          %dma_wait3A_164 = tpu.memref_slice %arg3[%add3A_153] : memref<3211264xi32, #tpu.memory_space<hbm>> -> memref<512xi32, #tpu.memory_space<hbm>>
          tpu.wait_dma2 semaphore(%run_scoped3A : memref<!tpu.dma_semaphore, #tpu.memory_space<semaphore_mem>>) src(%dma_wait3A_164 : memref<512xi32, #tpu.memory_space<hbm>>) dst(%arg8 : memref<512xi32, #tpu.memory_space<vmem>>)
          tpu.yield
        }) : () -> ()
        %dma_start3A_154 = arith.constant 0 : i32
        %dma_start3A_155 = arith.constant 0 : i32
        %dma_start3A_156 = tpu.memref_slice %arg4[%add3A_0, %dma_start3A_154, %dma_start3A_155] : memref<10x100352x16xf32, #tpu.memory_space<hbm>> -> memref<1x100352x16xf32, #tpu.memory_space<hbm>>
        %dma_start3A_157 = tpu.memref_squeeze %dma_start3A_156 : memref<1x100352x16xf32, #tpu.memory_space<hbm>> -> memref<100352x16xf32, #tpu.memory_space<hbm>>
        %dma_start3A_158 = arith.constant 0 : i32
        %dma_start3A_159 = arith.constant 0 : i32
        %dma_start3A_160 = tpu.memref_slice %dma_start3A_157[%dma_start3A_158, %dma_start3A_159] : memref<100352x16xf32, #tpu.memory_space<hbm>> -> memref<100352x16xf32, #tpu.memory_space<hbm>>
        tpu.enqueue_indirect_dma source(%dma_start3A_160 : memref<100352x16xf32, #tpu.memory_space<hbm>>) target(%arg11 : memref<512x16xf32, #tpu.memory_space<vmem>>) offsets(%arg7 : memref<512xi32, #tpu.memory_space<vmem>>) semaphore(%arg14 : memref<!tpu.dma_semaphore, #tpu.memory_space<semaphore_mem>>)
      } else {
      }
      %dma_wait3A_140 = arith.constant 0 : i32
      %dma_wait3A_141 = arith.constant 0 : i32
      %dma_wait3A_142 = tpu.memref_slice %arg4[%add3A_0, %dma_wait3A_140, %dma_wait3A_141] : memref<10x100352x16xf32, #tpu.memory_space<hbm>> -> memref<1x100352x16xf32, #tpu.memory_space<hbm>>
      %dma_wait3A_143 = tpu.memref_squeeze %dma_wait3A_142 : memref<1x100352x16xf32, #tpu.memory_space<hbm>> -> memref<100352x16xf32, #tpu.memory_space<hbm>>
      %dma_wait3A_144 = arith.constant 0 : i32
      %dma_wait3A_145 = arith.constant 0 : i32
      %dma_wait3A_146 = tpu.memref_slice %dma_wait3A_143[%dma_wait3A_144, %dma_wait3A_145] : memref<100352x16xf32, #tpu.memory_space<hbm>> -> memref<100352x16xf32, #tpu.memory_space<hbm>>
      tpu.wait_indirect_dma semaphore(%arg15 : memref<!tpu.dma_semaphore, #tpu.memory_space<semaphore_mem>>) src(%dma_wait3A_146 : memref<100352x16xf32, #tpu.memory_space<hbm>>) dst(%arg12 : memref<512x16xf32, #tpu.memory_space<vmem>>)
      "tpu.region"() ({
        %run_scoped3A = tpu.sem_alloc : memref<!tpu.dma_semaphore, #tpu.memory_space<semaphore_mem>>
        %dma_start3A_147 = arith.constant 0 : i32
        %dma_start3A_148 = arith.constant 0 : i32
        %dma_start3A_149 = tpu.memref_slice %arg13[%dma_start3A_147, %dma_start3A_148] : memref<100352x16xf32, #tpu.memory_space<vmem_shared>> -> memref<100352x16xf32, #tpu.memory_space<vmem_shared>>
        tpu.enqueue_indirect_dma source(%arg12 : memref<512x16xf32, #tpu.memory_space<vmem>>) target(%dma_start3A_149 : memref<100352x16xf32, #tpu.memory_space<vmem_shared>>) offsets(%arg10 : memref<512xi32, #tpu.memory_space<vmem>>) semaphore(%run_scoped3A : memref<!tpu.dma_semaphore, #tpu.memory_space<semaphore_mem>>) {add = true}
        %dma_wait3A_150 = arith.constant 0 : i32
        %dma_wait3A_151 = arith.constant 0 : i32
        %dma_wait3A_152 = tpu.memref_slice %arg13[%dma_wait3A_150, %dma_wait3A_151] : memref<100352x16xf32, #tpu.memory_space<vmem_shared>> -> memref<100352x16xf32, #tpu.memory_space<vmem_shared>>
        tpu.wait_indirect_dma semaphore(%run_scoped3A : memref<!tpu.dma_semaphore, #tpu.memory_space<semaphore_mem>>) src(%arg12 : memref<512x16xf32, #tpu.memory_space<vmem>>) dst(%dma_wait3A_152 : memref<100352x16xf32, #tpu.memory_space<vmem_shared>>)
        tpu.yield
      }) : () -> ()
    }
    %scan3A_14 = arith.constant 196 : i32
    %barrier3A_15 = arith.constant 0 : index
    tpu.barrier barrier_id(%barrier3A_15)
    %mul3A_16 = arith.constant 6272 : i32
    %mul3A_17 = arith.muli %arg1, %mul3A_16 : i32
    "tpu.region"() ({
      %run_scoped3A = tpu.sem_alloc : memref<!tpu.dma_semaphore, #tpu.memory_space<semaphore_mem>>
      %dma_start3A_115 = arith.constant 0 : i32
      %dma_start3A_116 = arith.constant 0 : i32
      %dma_start3A_117 = tpu.memref_slice %arg6[%add3A_0, %arg1, %dma_start3A_115, %dma_start3A_116] : memref<10x16x6272x16xf32, #tpu.memory_space<hbm>> -> memref<1x1x6272x16xf32, #tpu.memory_space<hbm>>
      %dma_start3A_118 = tpu.memref_squeeze %dma_start3A_117 : memref<1x1x6272x16xf32, #tpu.memory_space<hbm>> -> memref<6272x16xf32, #tpu.memory_space<hbm>>
      %dma_start3A_119 = arith.constant 0 : i32
      %dma_start3A_120 = tpu.memref_slice %arg13[%mul3A_17, %dma_start3A_119] : memref<100352x16xf32, #tpu.memory_space<vmem_shared>> -> memref<6272x16xf32, #tpu.memory_space<vmem_shared>>
      tpu.enqueue_dma source(%dma_start3A_120 : memref<6272x16xf32, #tpu.memory_space<vmem_shared>>) target(%dma_start3A_118 : memref<6272x16xf32, #tpu.memory_space<hbm>>) target_semaphore(%run_scoped3A : memref<!tpu.dma_semaphore, #tpu.memory_space<semaphore_mem>>)
      %dma_wait3A = arith.constant 0 : i32
      %dma_wait3A_121 = arith.constant 0 : i32
      %dma_wait3A_122 = tpu.memref_slice %arg6[%add3A_0, %arg1, %dma_wait3A, %dma_wait3A_121] : memref<10x16x6272x16xf32, #tpu.memory_space<hbm>> -> memref<1x1x6272x16xf32, #tpu.memory_space<hbm>>
      %dma_wait3A_123 = tpu.memref_squeeze %dma_wait3A_122 : memref<1x1x6272x16xf32, #tpu.memory_space<hbm>> -> memref<6272x16xf32, #tpu.memory_space<hbm>>
      %dma_wait3A_124 = arith.constant 0 : i32
      %dma_wait3A_125 = tpu.memref_slice %arg13[%mul3A_17, %dma_wait3A_124] : memref<100352x16xf32, #tpu.memory_space<vmem_shared>> -> memref<6272x16xf32, #tpu.memory_space<vmem_shared>>
      tpu.wait_dma2 semaphore(%run_scoped3A : memref<!tpu.dma_semaphore, #tpu.memory_space<semaphore_mem>>) src(%dma_wait3A_125 : memref<6272x16xf32, #tpu.memory_space<vmem_shared>>) dst(%dma_wait3A_123 : memref<6272x16xf32, #tpu.memory_space<hbm>>)
      tpu.yield
    }) : () -> ()
    %barrier3A_18 = arith.constant 0 : index
    tpu.barrier barrier_id(%barrier3A_18)
    %add3A_19 = arith.constant 2 : i32
    %add3A_20 = arith.addi %add3A_19, %arg0 : i32
    %mul3A_21 = arith.constant 6272 : i32
    %mul3A_22 = arith.muli %arg1, %mul3A_21 : i32
    "tpu.region"() ({
      %run_scoped3A = tpu.sem_alloc : memref<!tpu.dma_semaphore, #tpu.memory_space<semaphore_mem>>
      %dma_start3A_115 = arith.constant 0 : i32
      %dma_start3A_116 = tpu.memref_slice %arg13[%mul3A_22, %dma_start3A_115] : memref<100352x16xf32, #tpu.memory_space<vmem_shared>> -> memref<6272x16xf32, #tpu.memory_space<vmem_shared>>
      tpu.enqueue_dma source(%arg5 : memref<6272x16xf32, #tpu.memory_space<hbm>>) target(%dma_start3A_116 : memref<6272x16xf32, #tpu.memory_space<vmem_shared>>) target_semaphore(%run_scoped3A : memref<!tpu.dma_semaphore, #tpu.memory_space<semaphore_mem>>)
      %dma_wait3A = arith.constant 0 : i32
      %dma_wait3A_117 = tpu.memref_slice %arg13[%mul3A_22, %dma_wait3A] : memref<100352x16xf32, #tpu.memory_space<vmem_shared>> -> memref<6272x16xf32, #tpu.memory_space<vmem_shared>>
      tpu.wait_dma2 semaphore(%run_scoped3A : memref<!tpu.dma_semaphore, #tpu.memory_space<semaphore_mem>>) src(%arg5 : memref<6272x16xf32, #tpu.memory_space<hbm>>) dst(%dma_wait3A_117 : memref<6272x16xf32, #tpu.memory_space<vmem_shared>>)
      tpu.yield
    }) : () -> ()
    %barrier3A_23 = arith.constant 0 : index
    tpu.barrier barrier_id(%barrier3A_23)
    %mul3A_24 = arith.constant 200704 : i32
    %mul3A_25 = arith.muli %arg1, %mul3A_24 : i32
    "tpu.region"() ({
      %run_scoped3A = tpu.sem_alloc : memref<!tpu.dma_semaphore, #tpu.memory_space<semaphore_mem>>
      %dma_start3A_115 = tpu.memref_slice %arg2[%mul3A_25] : memref<3211264xi32, #tpu.memory_space<hbm>> -> memref<512xi32, #tpu.memory_space<hbm>>
      %dma_start3A_116 = tpu.memref_slice %arg2[%mul3A_25] : memref<3211264xi32, #tpu.memory_space<hbm>> -> memref<512xi32, #tpu.memory_space<hbm>>
      tpu.enqueue_dma source(%dma_start3A_116 : memref<512xi32, #tpu.memory_space<hbm>>) target(%arg7 : memref<512xi32, #tpu.memory_space<vmem>>) target_semaphore(%run_scoped3A : memref<!tpu.dma_semaphore, #tpu.memory_space<semaphore_mem>>)
      %dma_wait3A = tpu.memref_slice %arg2[%mul3A_25] : memref<3211264xi32, #tpu.memory_space<hbm>> -> memref<512xi32, #tpu.memory_space<hbm>>
      %dma_wait3A_117 = tpu.memref_slice %arg2[%mul3A_25] : memref<3211264xi32, #tpu.memory_space<hbm>> -> memref<512xi32, #tpu.memory_space<hbm>>
      tpu.wait_dma2 semaphore(%run_scoped3A : memref<!tpu.dma_semaphore, #tpu.memory_space<semaphore_mem>>) src(%dma_wait3A_117 : memref<512xi32, #tpu.memory_space<hbm>>) dst(%arg7 : memref<512xi32, #tpu.memory_space<vmem>>)
      tpu.yield
    }) : () -> ()
    "tpu.region"() ({
      %run_scoped3A = tpu.sem_alloc : memref<!tpu.dma_semaphore, #tpu.memory_space<semaphore_mem>>
      %dma_start3A_115 = tpu.memref_slice %arg3[%mul3A_25] : memref<3211264xi32, #tpu.memory_space<hbm>> -> memref<512xi32, #tpu.memory_space<hbm>>
      %dma_start3A_116 = tpu.memref_slice %arg3[%mul3A_25] : memref<3211264xi32, #tpu.memory_space<hbm>> -> memref<512xi32, #tpu.memory_space<hbm>>
      tpu.enqueue_dma source(%dma_start3A_116 : memref<512xi32, #tpu.memory_space<hbm>>) target(%arg8 : memref<512xi32, #tpu.memory_space<vmem>>) target_semaphore(%run_scoped3A : memref<!tpu.dma_semaphore, #tpu.memory_space<semaphore_mem>>)
      %dma_wait3A = tpu.memref_slice %arg3[%mul3A_25] : memref<3211264xi32, #tpu.memory_space<hbm>> -> memref<512xi32, #tpu.memory_space<hbm>>
      %dma_wait3A_117 = tpu.memref_slice %arg3[%mul3A_25] : memref<3211264xi32, #tpu.memory_space<hbm>> -> memref<512xi32, #tpu.memory_space<hbm>>
      tpu.wait_dma2 semaphore(%run_scoped3A : memref<!tpu.dma_semaphore, #tpu.memory_space<semaphore_mem>>) src(%dma_wait3A_117 : memref<512xi32, #tpu.memory_space<hbm>>) dst(%arg8 : memref<512xi32, #tpu.memory_space<vmem>>)
      tpu.yield
    }) : () -> ()
    %dma_start3A_26 = arith.constant 0 : i32
    %dma_start3A_27 = arith.constant 0 : i32
    %dma_start3A_28 = tpu.memref_slice %arg4[%add3A_20, %dma_start3A_26, %dma_start3A_27] : memref<10x100352x16xf32, #tpu.memory_space<hbm>> -> memref<1x100352x16xf32, #tpu.memory_space<hbm>>
    %dma_start3A_29 = tpu.memref_squeeze %dma_start3A_28 : memref<1x100352x16xf32, #tpu.memory_space<hbm>> -> memref<100352x16xf32, #tpu.memory_space<hbm>>
    %dma_start3A_30 = arith.constant 0 : i32
    %dma_start3A_31 = arith.constant 0 : i32
    %dma_start3A_32 = tpu.memref_slice %dma_start3A_29[%dma_start3A_30, %dma_start3A_31] : memref<100352x16xf32, #tpu.memory_space<hbm>> -> memref<100352x16xf32, #tpu.memory_space<hbm>>
    tpu.enqueue_indirect_dma source(%dma_start3A_32 : memref<100352x16xf32, #tpu.memory_space<hbm>>) target(%arg11 : memref<512x16xf32, #tpu.memory_space<vmem>>) offsets(%arg7 : memref<512xi32, #tpu.memory_space<vmem>>) semaphore(%arg14 : memref<!tpu.dma_semaphore, #tpu.memory_space<semaphore_mem>>)
    %scan3A_33 = arith.constant 0 : i32
    %scan3A_34 = arith.constant 0 : i32
    %scan3A_35 = arith.constant 196 : i32
    %scan3A_36 = arith.addi %scan3A_34, %scan3A_35 : i32
    %scan3A_37 = arith.constant 1 : i32
    scf.for %scan3A_115 = %scan3A_34 to %scan3A_36 step %scan3A_37  : i32 {
      %mul3A_116 = arith.constant 2 : i32
      %mul3A_117 = arith.muli %mul3A_116, %scan3A_115 : i32
      %add3A_118 = arith.constant 1 : i32
      %add3A_119 = arith.addi %mul3A_117, %add3A_118 : i32
      %mul3A_120 = arith.constant 512 : i32
      %mul3A_121 = arith.muli %add3A_119, %mul3A_120 : i32
      %add3A_122 = arith.addi %mul3A_25, %mul3A_121 : i32
      "tpu.region"() ({
        %run_scoped3A = tpu.sem_alloc : memref<!tpu.dma_semaphore, #tpu.memory_space<semaphore_mem>>
        %dma_start3A_147 = tpu.memref_slice %arg2[%add3A_122] : memref<3211264xi32, #tpu.memory_space<hbm>> -> memref<512xi32, #tpu.memory_space<hbm>>
        %dma_start3A_148 = tpu.memref_slice %arg2[%add3A_122] : memref<3211264xi32, #tpu.memory_space<hbm>> -> memref<512xi32, #tpu.memory_space<hbm>>
        tpu.enqueue_dma source(%dma_start3A_148 : memref<512xi32, #tpu.memory_space<hbm>>) target(%arg9 : memref<512xi32, #tpu.memory_space<vmem>>) target_semaphore(%run_scoped3A : memref<!tpu.dma_semaphore, #tpu.memory_space<semaphore_mem>>)
        %dma_wait3A_149 = tpu.memref_slice %arg2[%add3A_122] : memref<3211264xi32, #tpu.memory_space<hbm>> -> memref<512xi32, #tpu.memory_space<hbm>>
        %dma_wait3A_150 = tpu.memref_slice %arg2[%add3A_122] : memref<3211264xi32, #tpu.memory_space<hbm>> -> memref<512xi32, #tpu.memory_space<hbm>>
        tpu.wait_dma2 semaphore(%run_scoped3A : memref<!tpu.dma_semaphore, #tpu.memory_space<semaphore_mem>>) src(%dma_wait3A_150 : memref<512xi32, #tpu.memory_space<hbm>>) dst(%arg9 : memref<512xi32, #tpu.memory_space<vmem>>)
        tpu.yield
      }) : () -> ()
      "tpu.region"() ({
        %run_scoped3A = tpu.sem_alloc : memref<!tpu.dma_semaphore, #tpu.memory_space<semaphore_mem>>
        %dma_start3A_147 = tpu.memref_slice %arg3[%add3A_122] : memref<3211264xi32, #tpu.memory_space<hbm>> -> memref<512xi32, #tpu.memory_space<hbm>>
        %dma_start3A_148 = tpu.memref_slice %arg3[%add3A_122] : memref<3211264xi32, #tpu.memory_space<hbm>> -> memref<512xi32, #tpu.memory_space<hbm>>
        tpu.enqueue_dma source(%dma_start3A_148 : memref<512xi32, #tpu.memory_space<hbm>>) target(%arg10 : memref<512xi32, #tpu.memory_space<vmem>>) target_semaphore(%run_scoped3A : memref<!tpu.dma_semaphore, #tpu.memory_space<semaphore_mem>>)
        %dma_wait3A_149 = tpu.memref_slice %arg3[%add3A_122] : memref<3211264xi32, #tpu.memory_space<hbm>> -> memref<512xi32, #tpu.memory_space<hbm>>
        %dma_wait3A_150 = tpu.memref_slice %arg3[%add3A_122] : memref<3211264xi32, #tpu.memory_space<hbm>> -> memref<512xi32, #tpu.memory_space<hbm>>
        tpu.wait_dma2 semaphore(%run_scoped3A : memref<!tpu.dma_semaphore, #tpu.memory_space<semaphore_mem>>) src(%dma_wait3A_150 : memref<512xi32, #tpu.memory_space<hbm>>) dst(%arg10 : memref<512xi32, #tpu.memory_space<vmem>>)
        tpu.yield
      }) : () -> ()
      %dma_start3A_123 = arith.constant 0 : i32
      %dma_start3A_124 = arith.constant 0 : i32
      %dma_start3A_125 = tpu.memref_slice %arg4[%add3A_20, %dma_start3A_123, %dma_start3A_124] : memref<10x100352x16xf32, #tpu.memory_space<hbm>> -> memref<1x100352x16xf32, #tpu.memory_space<hbm>>
      %dma_start3A_126 = tpu.memref_squeeze %dma_start3A_125 : memref<1x100352x16xf32, #tpu.memory_space<hbm>> -> memref<100352x16xf32, #tpu.memory_space<hbm>>
      %dma_start3A_127 = arith.constant 0 : i32
      %dma_start3A_128 = arith.constant 0 : i32
      %dma_start3A_129 = tpu.memref_slice %dma_start3A_126[%dma_start3A_127, %dma_start3A_128] : memref<100352x16xf32, #tpu.memory_space<hbm>> -> memref<100352x16xf32, #tpu.memory_space<hbm>>
      tpu.enqueue_indirect_dma source(%dma_start3A_129 : memref<100352x16xf32, #tpu.memory_space<hbm>>) target(%arg12 : memref<512x16xf32, #tpu.memory_space<vmem>>) offsets(%arg9 : memref<512xi32, #tpu.memory_space<vmem>>) semaphore(%arg15 : memref<!tpu.dma_semaphore, #tpu.memory_space<semaphore_mem>>)
      %dma_wait3A = arith.constant 0 : i32
      %dma_wait3A_130 = arith.constant 0 : i32
      %dma_wait3A_131 = tpu.memref_slice %arg4[%add3A_20, %dma_wait3A, %dma_wait3A_130] : memref<10x100352x16xf32, #tpu.memory_space<hbm>> -> memref<1x100352x16xf32, #tpu.memory_space<hbm>>
      %dma_wait3A_132 = tpu.memref_squeeze %dma_wait3A_131 : memref<1x100352x16xf32, #tpu.memory_space<hbm>> -> memref<100352x16xf32, #tpu.memory_space<hbm>>
      %dma_wait3A_133 = arith.constant 0 : i32
      %dma_wait3A_134 = arith.constant 0 : i32
      %dma_wait3A_135 = tpu.memref_slice %dma_wait3A_132[%dma_wait3A_133, %dma_wait3A_134] : memref<100352x16xf32, #tpu.memory_space<hbm>> -> memref<100352x16xf32, #tpu.memory_space<hbm>>
      tpu.wait_indirect_dma semaphore(%arg14 : memref<!tpu.dma_semaphore, #tpu.memory_space<semaphore_mem>>) src(%dma_wait3A_135 : memref<100352x16xf32, #tpu.memory_space<hbm>>) dst(%arg11 : memref<512x16xf32, #tpu.memory_space<vmem>>)
      "tpu.region"() ({
        %run_scoped3A = tpu.sem_alloc : memref<!tpu.dma_semaphore, #tpu.memory_space<semaphore_mem>>
        %dma_start3A_147 = arith.constant 0 : i32
        %dma_start3A_148 = arith.constant 0 : i32
        %dma_start3A_149 = tpu.memref_slice %arg13[%dma_start3A_147, %dma_start3A_148] : memref<100352x16xf32, #tpu.memory_space<vmem_shared>> -> memref<100352x16xf32, #tpu.memory_space<vmem_shared>>
        tpu.enqueue_indirect_dma source(%arg11 : memref<512x16xf32, #tpu.memory_space<vmem>>) target(%dma_start3A_149 : memref<100352x16xf32, #tpu.memory_space<vmem_shared>>) offsets(%arg8 : memref<512xi32, #tpu.memory_space<vmem>>) semaphore(%run_scoped3A : memref<!tpu.dma_semaphore, #tpu.memory_space<semaphore_mem>>) {add = true}
        %dma_wait3A_150 = arith.constant 0 : i32
        %dma_wait3A_151 = arith.constant 0 : i32
        %dma_wait3A_152 = tpu.memref_slice %arg13[%dma_wait3A_150, %dma_wait3A_151] : memref<100352x16xf32, #tpu.memory_space<vmem_shared>> -> memref<100352x16xf32, #tpu.memory_space<vmem_shared>>
        tpu.wait_indirect_dma semaphore(%run_scoped3A : memref<!tpu.dma_semaphore, #tpu.memory_space<semaphore_mem>>) src(%arg11 : memref<512x16xf32, #tpu.memory_space<vmem>>) dst(%dma_wait3A_152 : memref<100352x16xf32, #tpu.memory_space<vmem_shared>>)
        tpu.yield
      }) : () -> ()
      %add3A_136 = arith.constant 1 : i32
      %add3A_137 = arith.addi %scan3A_115, %add3A_136 : i32
      %lt3A = arith.constant 196 : i32
      %lt3A_138 = arith.cmpi slt, %add3A_137, %lt3A : i32
      %convert_element_type3A = arith.extui %lt3A_138 : i1 to i32
      %cond3A = arith.constant 0 : i32
      %cond3A_139 = arith.cmpi ne, %convert_element_type3A, %cond3A : i32
      scf.if %cond3A_139 {
        %mul3A_147 = arith.constant 2 : i32
        %mul3A_148 = arith.muli %mul3A_147, %scan3A_115 : i32
        %add3A_149 = arith.constant 2 : i32
        %add3A_150 = arith.addi %mul3A_148, %add3A_149 : i32
        %mul3A_151 = arith.constant 512 : i32
        %mul3A_152 = arith.muli %add3A_150, %mul3A_151 : i32
        %add3A_153 = arith.addi %mul3A_25, %mul3A_152 : i32
        "tpu.region"() ({
          %run_scoped3A = tpu.sem_alloc : memref<!tpu.dma_semaphore, #tpu.memory_space<semaphore_mem>>
          %dma_start3A_161 = tpu.memref_slice %arg2[%add3A_153] : memref<3211264xi32, #tpu.memory_space<hbm>> -> memref<512xi32, #tpu.memory_space<hbm>>
          %dma_start3A_162 = tpu.memref_slice %arg2[%add3A_153] : memref<3211264xi32, #tpu.memory_space<hbm>> -> memref<512xi32, #tpu.memory_space<hbm>>
          tpu.enqueue_dma source(%dma_start3A_162 : memref<512xi32, #tpu.memory_space<hbm>>) target(%arg7 : memref<512xi32, #tpu.memory_space<vmem>>) target_semaphore(%run_scoped3A : memref<!tpu.dma_semaphore, #tpu.memory_space<semaphore_mem>>)
          %dma_wait3A_163 = tpu.memref_slice %arg2[%add3A_153] : memref<3211264xi32, #tpu.memory_space<hbm>> -> memref<512xi32, #tpu.memory_space<hbm>>
          %dma_wait3A_164 = tpu.memref_slice %arg2[%add3A_153] : memref<3211264xi32, #tpu.memory_space<hbm>> -> memref<512xi32, #tpu.memory_space<hbm>>
          tpu.wait_dma2 semaphore(%run_scoped3A : memref<!tpu.dma_semaphore, #tpu.memory_space<semaphore_mem>>) src(%dma_wait3A_164 : memref<512xi32, #tpu.memory_space<hbm>>) dst(%arg7 : memref<512xi32, #tpu.memory_space<vmem>>)
          tpu.yield
        }) : () -> ()
        "tpu.region"() ({
          %run_scoped3A = tpu.sem_alloc : memref<!tpu.dma_semaphore, #tpu.memory_space<semaphore_mem>>
          %dma_start3A_161 = tpu.memref_slice %arg3[%add3A_153] : memref<3211264xi32, #tpu.memory_space<hbm>> -> memref<512xi32, #tpu.memory_space<hbm>>
          %dma_start3A_162 = tpu.memref_slice %arg3[%add3A_153] : memref<3211264xi32, #tpu.memory_space<hbm>> -> memref<512xi32, #tpu.memory_space<hbm>>
          tpu.enqueue_dma source(%dma_start3A_162 : memref<512xi32, #tpu.memory_space<hbm>>) target(%arg8 : memref<512xi32, #tpu.memory_space<vmem>>) target_semaphore(%run_scoped3A : memref<!tpu.dma_semaphore, #tpu.memory_space<semaphore_mem>>)
          %dma_wait3A_163 = tpu.memref_slice %arg3[%add3A_153] : memref<3211264xi32, #tpu.memory_space<hbm>> -> memref<512xi32, #tpu.memory_space<hbm>>
          %dma_wait3A_164 = tpu.memref_slice %arg3[%add3A_153] : memref<3211264xi32, #tpu.memory_space<hbm>> -> memref<512xi32, #tpu.memory_space<hbm>>
          tpu.wait_dma2 semaphore(%run_scoped3A : memref<!tpu.dma_semaphore, #tpu.memory_space<semaphore_mem>>) src(%dma_wait3A_164 : memref<512xi32, #tpu.memory_space<hbm>>) dst(%arg8 : memref<512xi32, #tpu.memory_space<vmem>>)
          tpu.yield
        }) : () -> ()
        %dma_start3A_154 = arith.constant 0 : i32
        %dma_start3A_155 = arith.constant 0 : i32
        %dma_start3A_156 = tpu.memref_slice %arg4[%add3A_20, %dma_start3A_154, %dma_start3A_155] : memref<10x100352x16xf32, #tpu.memory_space<hbm>> -> memref<1x100352x16xf32, #tpu.memory_space<hbm>>
        %dma_start3A_157 = tpu.memref_squeeze %dma_start3A_156 : memref<1x100352x16xf32, #tpu.memory_space<hbm>> -> memref<100352x16xf32, #tpu.memory_space<hbm>>
        %dma_start3A_158 = arith.constant 0 : i32
        %dma_start3A_159 = arith.constant 0 : i32
        %dma_start3A_160 = tpu.memref_slice %dma_start3A_157[%dma_start3A_158, %dma_start3A_159] : memref<100352x16xf32, #tpu.memory_space<hbm>> -> memref<100352x16xf32, #tpu.memory_space<hbm>>
        tpu.enqueue_indirect_dma source(%dma_start3A_160 : memref<100352x16xf32, #tpu.memory_space<hbm>>) target(%arg11 : memref<512x16xf32, #tpu.memory_space<vmem>>) offsets(%arg7 : memref<512xi32, #tpu.memory_space<vmem>>) semaphore(%arg14 : memref<!tpu.dma_semaphore, #tpu.memory_space<semaphore_mem>>)
      } else {
      }
      %dma_wait3A_140 = arith.constant 0 : i32
      %dma_wait3A_141 = arith.constant 0 : i32
      %dma_wait3A_142 = tpu.memref_slice %arg4[%add3A_20, %dma_wait3A_140, %dma_wait3A_141] : memref<10x100352x16xf32, #tpu.memory_space<hbm>> -> memref<1x100352x16xf32, #tpu.memory_space<hbm>>
      %dma_wait3A_143 = tpu.memref_squeeze %dma_wait3A_142 : memref<1x100352x16xf32, #tpu.memory_space<hbm>> -> memref<100352x16xf32, #tpu.memory_space<hbm>>
      %dma_wait3A_144 = arith.constant 0 : i32
      %dma_wait3A_145 = arith.constant 0 : i32
      %dma_wait3A_146 = tpu.memref_slice %dma_wait3A_143[%dma_wait3A_144, %dma_wait3A_145] : memref<100352x16xf32, #tpu.memory_space<hbm>> -> memref<100352x16xf32, #tpu.memory_space<hbm>>
      tpu.wait_indirect_dma semaphore(%arg15 : memref<!tpu.dma_semaphore, #tpu.memory_space<semaphore_mem>>) src(%dma_wait3A_146 : memref<100352x16xf32, #tpu.memory_space<hbm>>) dst(%arg12 : memref<512x16xf32, #tpu.memory_space<vmem>>)
      "tpu.region"() ({
        %run_scoped3A = tpu.sem_alloc : memref<!tpu.dma_semaphore, #tpu.memory_space<semaphore_mem>>
        %dma_start3A_147 = arith.constant 0 : i32
        %dma_start3A_148 = arith.constant 0 : i32
        %dma_start3A_149 = tpu.memref_slice %arg13[%dma_start3A_147, %dma_start3A_148] : memref<100352x16xf32, #tpu.memory_space<vmem_shared>> -> memref<100352x16xf32, #tpu.memory_space<vmem_shared>>
        tpu.enqueue_indirect_dma source(%arg12 : memref<512x16xf32, #tpu.memory_space<vmem>>) target(%dma_start3A_149 : memref<100352x16xf32, #tpu.memory_space<vmem_shared>>) offsets(%arg10 : memref<512xi32, #tpu.memory_space<vmem>>) semaphore(%run_scoped3A : memref<!tpu.dma_semaphore, #tpu.memory_space<semaphore_mem>>) {add = true}
        %dma_wait3A_150 = arith.constant 0 : i32
        %dma_wait3A_151 = arith.constant 0 : i32
        %dma_wait3A_152 = tpu.memref_slice %arg13[%dma_wait3A_150, %dma_wait3A_151] : memref<100352x16xf32, #tpu.memory_space<vmem_shared>> -> memref<100352x16xf32, #tpu.memory_space<vmem_shared>>
        tpu.wait_indirect_dma semaphore(%run_scoped3A : memref<!tpu.dma_semaphore, #tpu.memory_space<semaphore_mem>>) src(%arg12 : memref<512x16xf32, #tpu.memory_space<vmem>>) dst(%dma_wait3A_152 : memref<100352x16xf32, #tpu.memory_space<vmem_shared>>)
        tpu.yield
      }) : () -> ()
    }
    %scan3A_38 = arith.constant 196 : i32
    %barrier3A_39 = arith.constant 0 : index
    tpu.barrier barrier_id(%barrier3A_39)
    %mul3A_40 = arith.constant 6272 : i32
    %mul3A_41 = arith.muli %arg1, %mul3A_40 : i32
    "tpu.region"() ({
      %run_scoped3A = tpu.sem_alloc : memref<!tpu.dma_semaphore, #tpu.memory_space<semaphore_mem>>
      %dma_start3A_115 = arith.constant 0 : i32
      %dma_start3A_116 = arith.constant 0 : i32
      %dma_start3A_117 = tpu.memref_slice %arg6[%add3A_20, %arg1, %dma_start3A_115, %dma_start3A_116] : memref<10x16x6272x16xf32, #tpu.memory_space<hbm>> -> memref<1x1x6272x16xf32, #tpu.memory_space<hbm>>
      %dma_start3A_118 = tpu.memref_squeeze %dma_start3A_117 : memref<1x1x6272x16xf32, #tpu.memory_space<hbm>> -> memref<6272x16xf32, #tpu.memory_space<hbm>>
      %dma_start3A_119 = arith.constant 0 : i32
      %dma_start3A_120 = tpu.memref_slice %arg13[%mul3A_41, %dma_start3A_119] : memref<100352x16xf32, #tpu.memory_space<vmem_shared>> -> memref<6272x16xf32, #tpu.memory_space<vmem_shared>>
      tpu.enqueue_dma source(%dma_start3A_120 : memref<6272x16xf32, #tpu.memory_space<vmem_shared>>) target(%dma_start3A_118 : memref<6272x16xf32, #tpu.memory_space<hbm>>) target_semaphore(%run_scoped3A : memref<!tpu.dma_semaphore, #tpu.memory_space<semaphore_mem>>)
      %dma_wait3A = arith.constant 0 : i32
      %dma_wait3A_121 = arith.constant 0 : i32
      %dma_wait3A_122 = tpu.memref_slice %arg6[%add3A_20, %arg1, %dma_wait3A, %dma_wait3A_121] : memref<10x16x6272x16xf32, #tpu.memory_space<hbm>> -> memref<1x1x6272x16xf32, #tpu.memory_space<hbm>>
      %dma_wait3A_123 = tpu.memref_squeeze %dma_wait3A_122 : memref<1x1x6272x16xf32, #tpu.memory_space<hbm>> -> memref<6272x16xf32, #tpu.memory_space<hbm>>
      %dma_wait3A_124 = arith.constant 0 : i32
      %dma_wait3A_125 = tpu.memref_slice %arg13[%mul3A_41, %dma_wait3A_124] : memref<100352x16xf32, #tpu.memory_space<vmem_shared>> -> memref<6272x16xf32, #tpu.memory_space<vmem_shared>>
      tpu.wait_dma2 semaphore(%run_scoped3A : memref<!tpu.dma_semaphore, #tpu.memory_space<semaphore_mem>>) src(%dma_wait3A_125 : memref<6272x16xf32, #tpu.memory_space<vmem_shared>>) dst(%dma_wait3A_123 : memref<6272x16xf32, #tpu.memory_space<hbm>>)
      tpu.yield
    }) : () -> ()
    %barrier3A_42 = arith.constant 0 : index
    tpu.barrier barrier_id(%barrier3A_42)
    %add3A_43 = arith.constant 4 : i32
    %add3A_44 = arith.addi %add3A_43, %arg0 : i32
    %mul3A_45 = arith.constant 6272 : i32
    %mul3A_46 = arith.muli %arg1, %mul3A_45 : i32
    "tpu.region"() ({
      %run_scoped3A = tpu.sem_alloc : memref<!tpu.dma_semaphore, #tpu.memory_space<semaphore_mem>>
      %dma_start3A_115 = arith.constant 0 : i32
      %dma_start3A_116 = tpu.memref_slice %arg13[%mul3A_46, %dma_start3A_115] : memref<100352x16xf32, #tpu.memory_space<vmem_shared>> -> memref<6272x16xf32, #tpu.memory_space<vmem_shared>>
      tpu.enqueue_dma source(%arg5 : memref<6272x16xf32, #tpu.memory_space<hbm>>) target(%dma_start3A_116 : memref<6272x16xf32, #tpu.memory_space<vmem_shared>>) target_semaphore(%run_scoped3A : memref<!tpu.dma_semaphore, #tpu.memory_space<semaphore_mem>>)
      %dma_wait3A = arith.constant 0 : i32
      %dma_wait3A_117 = tpu.memref_slice %arg13[%mul3A_46, %dma_wait3A] : memref<100352x16xf32, #tpu.memory_space<vmem_shared>> -> memref<6272x16xf32, #tpu.memory_space<vmem_shared>>
      tpu.wait_dma2 semaphore(%run_scoped3A : memref<!tpu.dma_semaphore, #tpu.memory_space<semaphore_mem>>) src(%arg5 : memref<6272x16xf32, #tpu.memory_space<hbm>>) dst(%dma_wait3A_117 : memref<6272x16xf32, #tpu.memory_space<vmem_shared>>)
      tpu.yield
    }) : () -> ()
    %barrier3A_47 = arith.constant 0 : index
    tpu.barrier barrier_id(%barrier3A_47)
    %mul3A_48 = arith.constant 200704 : i32
    %mul3A_49 = arith.muli %arg1, %mul3A_48 : i32
    "tpu.region"() ({
      %run_scoped3A = tpu.sem_alloc : memref<!tpu.dma_semaphore, #tpu.memory_space<semaphore_mem>>
      %dma_start3A_115 = tpu.memref_slice %arg2[%mul3A_49] : memref<3211264xi32, #tpu.memory_space<hbm>> -> memref<512xi32, #tpu.memory_space<hbm>>
      %dma_start3A_116 = tpu.memref_slice %arg2[%mul3A_49] : memref<3211264xi32, #tpu.memory_space<hbm>> -> memref<512xi32, #tpu.memory_space<hbm>>
      tpu.enqueue_dma source(%dma_start3A_116 : memref<512xi32, #tpu.memory_space<hbm>>) target(%arg7 : memref<512xi32, #tpu.memory_space<vmem>>) target_semaphore(%run_scoped3A : memref<!tpu.dma_semaphore, #tpu.memory_space<semaphore_mem>>)
      %dma_wait3A = tpu.memref_slice %arg2[%mul3A_49] : memref<3211264xi32, #tpu.memory_space<hbm>> -> memref<512xi32, #tpu.memory_space<hbm>>
      %dma_wait3A_117 = tpu.memref_slice %arg2[%mul3A_49] : memref<3211264xi32, #tpu.memory_space<hbm>> -> memref<512xi32, #tpu.memory_space<hbm>>
      tpu.wait_dma2 semaphore(%run_scoped3A : memref<!tpu.dma_semaphore, #tpu.memory_space<semaphore_mem>>) src(%dma_wait3A_117 : memref<512xi32, #tpu.memory_space<hbm>>) dst(%arg7 : memref<512xi32, #tpu.memory_space<vmem>>)
      tpu.yield
    }) : () -> ()
    "tpu.region"() ({
      %run_scoped3A = tpu.sem_alloc : memref<!tpu.dma_semaphore, #tpu.memory_space<semaphore_mem>>
      %dma_start3A_115 = tpu.memref_slice %arg3[%mul3A_49] : memref<3211264xi32, #tpu.memory_space<hbm>> -> memref<512xi32, #tpu.memory_space<hbm>>
      %dma_start3A_116 = tpu.memref_slice %arg3[%mul3A_49] : memref<3211264xi32, #tpu.memory_space<hbm>> -> memref<512xi32, #tpu.memory_space<hbm>>
      tpu.enqueue_dma source(%dma_start3A_116 : memref<512xi32, #tpu.memory_space<hbm>>) target(%arg8 : memref<512xi32, #tpu.memory_space<vmem>>) target_semaphore(%run_scoped3A : memref<!tpu.dma_semaphore, #tpu.memory_space<semaphore_mem>>)
      %dma_wait3A = tpu.memref_slice %arg3[%mul3A_49] : memref<3211264xi32, #tpu.memory_space<hbm>> -> memref<512xi32, #tpu.memory_space<hbm>>
      %dma_wait3A_117 = tpu.memref_slice %arg3[%mul3A_49] : memref<3211264xi32, #tpu.memory_space<hbm>> -> memref<512xi32, #tpu.memory_space<hbm>>
      tpu.wait_dma2 semaphore(%run_scoped3A : memref<!tpu.dma_semaphore, #tpu.memory_space<semaphore_mem>>) src(%dma_wait3A_117 : memref<512xi32, #tpu.memory_space<hbm>>) dst(%arg8 : memref<512xi32, #tpu.memory_space<vmem>>)
      tpu.yield
    }) : () -> ()
    %dma_start3A_50 = arith.constant 0 : i32
    %dma_start3A_51 = arith.constant 0 : i32
    %dma_start3A_52 = tpu.memref_slice %arg4[%add3A_44, %dma_start3A_50, %dma_start3A_51] : memref<10x100352x16xf32, #tpu.memory_space<hbm>> -> memref<1x100352x16xf32, #tpu.memory_space<hbm>>
    %dma_start3A_53 = tpu.memref_squeeze %dma_start3A_52 : memref<1x100352x16xf32, #tpu.memory_space<hbm>> -> memref<100352x16xf32, #tpu.memory_space<hbm>>
    %dma_start3A_54 = arith.constant 0 : i32
    %dma_start3A_55 = arith.constant 0 : i32
    %dma_start3A_56 = tpu.memref_slice %dma_start3A_53[%dma_start3A_54, %dma_start3A_55] : memref<100352x16xf32, #tpu.memory_space<hbm>> -> memref<100352x16xf32, #tpu.memory_space<hbm>>
    tpu.enqueue_indirect_dma source(%dma_start3A_56 : memref<100352x16xf32, #tpu.memory_space<hbm>>) target(%arg11 : memref<512x16xf32, #tpu.memory_space<vmem>>) offsets(%arg7 : memref<512xi32, #tpu.memory_space<vmem>>) semaphore(%arg14 : memref<!tpu.dma_semaphore, #tpu.memory_space<semaphore_mem>>)
    %scan3A_57 = arith.constant 0 : i32
    %scan3A_58 = arith.constant 0 : i32
    %scan3A_59 = arith.constant 196 : i32
    %scan3A_60 = arith.addi %scan3A_58, %scan3A_59 : i32
    %scan3A_61 = arith.constant 1 : i32
    scf.for %scan3A_115 = %scan3A_58 to %scan3A_60 step %scan3A_61  : i32 {
      %mul3A_116 = arith.constant 2 : i32
      %mul3A_117 = arith.muli %mul3A_116, %scan3A_115 : i32
      %add3A_118 = arith.constant 1 : i32
      %add3A_119 = arith.addi %mul3A_117, %add3A_118 : i32
      %mul3A_120 = arith.constant 512 : i32
      %mul3A_121 = arith.muli %add3A_119, %mul3A_120 : i32
      %add3A_122 = arith.addi %mul3A_49, %mul3A_121 : i32
      "tpu.region"() ({
        %run_scoped3A = tpu.sem_alloc : memref<!tpu.dma_semaphore, #tpu.memory_space<semaphore_mem>>
        %dma_start3A_147 = tpu.memref_slice %arg2[%add3A_122] : memref<3211264xi32, #tpu.memory_space<hbm>> -> memref<512xi32, #tpu.memory_space<hbm>>
        %dma_start3A_148 = tpu.memref_slice %arg2[%add3A_122] : memref<3211264xi32, #tpu.memory_space<hbm>> -> memref<512xi32, #tpu.memory_space<hbm>>
        tpu.enqueue_dma source(%dma_start3A_148 : memref<512xi32, #tpu.memory_space<hbm>>) target(%arg9 : memref<512xi32, #tpu.memory_space<vmem>>) target_semaphore(%run_scoped3A : memref<!tpu.dma_semaphore, #tpu.memory_space<semaphore_mem>>)
        %dma_wait3A_149 = tpu.memref_slice %arg2[%add3A_122] : memref<3211264xi32, #tpu.memory_space<hbm>> -> memref<512xi32, #tpu.memory_space<hbm>>
        %dma_wait3A_150 = tpu.memref_slice %arg2[%add3A_122] : memref<3211264xi32, #tpu.memory_space<hbm>> -> memref<512xi32, #tpu.memory_space<hbm>>
        tpu.wait_dma2 semaphore(%run_scoped3A : memref<!tpu.dma_semaphore, #tpu.memory_space<semaphore_mem>>) src(%dma_wait3A_150 : memref<512xi32, #tpu.memory_space<hbm>>) dst(%arg9 : memref<512xi32, #tpu.memory_space<vmem>>)
        tpu.yield
      }) : () -> ()
      "tpu.region"() ({
        %run_scoped3A = tpu.sem_alloc : memref<!tpu.dma_semaphore, #tpu.memory_space<semaphore_mem>>
        %dma_start3A_147 = tpu.memref_slice %arg3[%add3A_122] : memref<3211264xi32, #tpu.memory_space<hbm>> -> memref<512xi32, #tpu.memory_space<hbm>>
        %dma_start3A_148 = tpu.memref_slice %arg3[%add3A_122] : memref<3211264xi32, #tpu.memory_space<hbm>> -> memref<512xi32, #tpu.memory_space<hbm>>
        tpu.enqueue_dma source(%dma_start3A_148 : memref<512xi32, #tpu.memory_space<hbm>>) target(%arg10 : memref<512xi32, #tpu.memory_space<vmem>>) target_semaphore(%run_scoped3A : memref<!tpu.dma_semaphore, #tpu.memory_space<semaphore_mem>>)
        %dma_wait3A_149 = tpu.memref_slice %arg3[%add3A_122] : memref<3211264xi32, #tpu.memory_space<hbm>> -> memref<512xi32, #tpu.memory_space<hbm>>
        %dma_wait3A_150 = tpu.memref_slice %arg3[%add3A_122] : memref<3211264xi32, #tpu.memory_space<hbm>> -> memref<512xi32, #tpu.memory_space<hbm>>
        tpu.wait_dma2 semaphore(%run_scoped3A : memref<!tpu.dma_semaphore, #tpu.memory_space<semaphore_mem>>) src(%dma_wait3A_150 : memref<512xi32, #tpu.memory_space<hbm>>) dst(%arg10 : memref<512xi32, #tpu.memory_space<vmem>>)
        tpu.yield
      }) : () -> ()
      %dma_start3A_123 = arith.constant 0 : i32
      %dma_start3A_124 = arith.constant 0 : i32
      %dma_start3A_125 = tpu.memref_slice %arg4[%add3A_44, %dma_start3A_123, %dma_start3A_124] : memref<10x100352x16xf32, #tpu.memory_space<hbm>> -> memref<1x100352x16xf32, #tpu.memory_space<hbm>>
      %dma_start3A_126 = tpu.memref_squeeze %dma_start3A_125 : memref<1x100352x16xf32, #tpu.memory_space<hbm>> -> memref<100352x16xf32, #tpu.memory_space<hbm>>
      %dma_start3A_127 = arith.constant 0 : i32
      %dma_start3A_128 = arith.constant 0 : i32
      %dma_start3A_129 = tpu.memref_slice %dma_start3A_126[%dma_start3A_127, %dma_start3A_128] : memref<100352x16xf32, #tpu.memory_space<hbm>> -> memref<100352x16xf32, #tpu.memory_space<hbm>>
      tpu.enqueue_indirect_dma source(%dma_start3A_129 : memref<100352x16xf32, #tpu.memory_space<hbm>>) target(%arg12 : memref<512x16xf32, #tpu.memory_space<vmem>>) offsets(%arg9 : memref<512xi32, #tpu.memory_space<vmem>>) semaphore(%arg15 : memref<!tpu.dma_semaphore, #tpu.memory_space<semaphore_mem>>)
      %dma_wait3A = arith.constant 0 : i32
      %dma_wait3A_130 = arith.constant 0 : i32
      %dma_wait3A_131 = tpu.memref_slice %arg4[%add3A_44, %dma_wait3A, %dma_wait3A_130] : memref<10x100352x16xf32, #tpu.memory_space<hbm>> -> memref<1x100352x16xf32, #tpu.memory_space<hbm>>
      %dma_wait3A_132 = tpu.memref_squeeze %dma_wait3A_131 : memref<1x100352x16xf32, #tpu.memory_space<hbm>> -> memref<100352x16xf32, #tpu.memory_space<hbm>>
      %dma_wait3A_133 = arith.constant 0 : i32
      %dma_wait3A_134 = arith.constant 0 : i32
      %dma_wait3A_135 = tpu.memref_slice %dma_wait3A_132[%dma_wait3A_133, %dma_wait3A_134] : memref<100352x16xf32, #tpu.memory_space<hbm>> -> memref<100352x16xf32, #tpu.memory_space<hbm>>
      tpu.wait_indirect_dma semaphore(%arg14 : memref<!tpu.dma_semaphore, #tpu.memory_space<semaphore_mem>>) src(%dma_wait3A_135 : memref<100352x16xf32, #tpu.memory_space<hbm>>) dst(%arg11 : memref<512x16xf32, #tpu.memory_space<vmem>>)
      "tpu.region"() ({
        %run_scoped3A = tpu.sem_alloc : memref<!tpu.dma_semaphore, #tpu.memory_space<semaphore_mem>>
        %dma_start3A_147 = arith.constant 0 : i32
        %dma_start3A_148 = arith.constant 0 : i32
        %dma_start3A_149 = tpu.memref_slice %arg13[%dma_start3A_147, %dma_start3A_148] : memref<100352x16xf32, #tpu.memory_space<vmem_shared>> -> memref<100352x16xf32, #tpu.memory_space<vmem_shared>>
        tpu.enqueue_indirect_dma source(%arg11 : memref<512x16xf32, #tpu.memory_space<vmem>>) target(%dma_start3A_149 : memref<100352x16xf32, #tpu.memory_space<vmem_shared>>) offsets(%arg8 : memref<512xi32, #tpu.memory_space<vmem>>) semaphore(%run_scoped3A : memref<!tpu.dma_semaphore, #tpu.memory_space<semaphore_mem>>) {add = true}
        %dma_wait3A_150 = arith.constant 0 : i32
        %dma_wait3A_151 = arith.constant 0 : i32
        %dma_wait3A_152 = tpu.memref_slice %arg13[%dma_wait3A_150, %dma_wait3A_151] : memref<100352x16xf32, #tpu.memory_space<vmem_shared>> -> memref<100352x16xf32, #tpu.memory_space<vmem_shared>>
        tpu.wait_indirect_dma semaphore(%run_scoped3A : memref<!tpu.dma_semaphore, #tpu.memory_space<semaphore_mem>>) src(%arg11 : memref<512x16xf32, #tpu.memory_space<vmem>>) dst(%dma_wait3A_152 : memref<100352x16xf32, #tpu.memory_space<vmem_shared>>)
        tpu.yield
      }) : () -> ()
      %add3A_136 = arith.constant 1 : i32
      %add3A_137 = arith.addi %scan3A_115, %add3A_136 : i32
      %lt3A = arith.constant 196 : i32
      %lt3A_138 = arith.cmpi slt, %add3A_137, %lt3A : i32
      %convert_element_type3A = arith.extui %lt3A_138 : i1 to i32
      %cond3A = arith.constant 0 : i32
      %cond3A_139 = arith.cmpi ne, %convert_element_type3A, %cond3A : i32
      scf.if %cond3A_139 {
        %mul3A_147 = arith.constant 2 : i32
        %mul3A_148 = arith.muli %mul3A_147, %scan3A_115 : i32
        %add3A_149 = arith.constant 2 : i32
        %add3A_150 = arith.addi %mul3A_148, %add3A_149 : i32
        %mul3A_151 = arith.constant 512 : i32
        %mul3A_152 = arith.muli %add3A_150, %mul3A_151 : i32
        %add3A_153 = arith.addi %mul3A_49, %mul3A_152 : i32
        "tpu.region"() ({
          %run_scoped3A = tpu.sem_alloc : memref<!tpu.dma_semaphore, #tpu.memory_space<semaphore_mem>>
          %dma_start3A_161 = tpu.memref_slice %arg2[%add3A_153] : memref<3211264xi32, #tpu.memory_space<hbm>> -> memref<512xi32, #tpu.memory_space<hbm>>
          %dma_start3A_162 = tpu.memref_slice %arg2[%add3A_153] : memref<3211264xi32, #tpu.memory_space<hbm>> -> memref<512xi32, #tpu.memory_space<hbm>>
          tpu.enqueue_dma source(%dma_start3A_162 : memref<512xi32, #tpu.memory_space<hbm>>) target(%arg7 : memref<512xi32, #tpu.memory_space<vmem>>) target_semaphore(%run_scoped3A : memref<!tpu.dma_semaphore, #tpu.memory_space<semaphore_mem>>)
          %dma_wait3A_163 = tpu.memref_slice %arg2[%add3A_153] : memref<3211264xi32, #tpu.memory_space<hbm>> -> memref<512xi32, #tpu.memory_space<hbm>>
          %dma_wait3A_164 = tpu.memref_slice %arg2[%add3A_153] : memref<3211264xi32, #tpu.memory_space<hbm>> -> memref<512xi32, #tpu.memory_space<hbm>>
          tpu.wait_dma2 semaphore(%run_scoped3A : memref<!tpu.dma_semaphore, #tpu.memory_space<semaphore_mem>>) src(%dma_wait3A_164 : memref<512xi32, #tpu.memory_space<hbm>>) dst(%arg7 : memref<512xi32, #tpu.memory_space<vmem>>)
          tpu.yield
        }) : () -> ()
        "tpu.region"() ({
          %run_scoped3A = tpu.sem_alloc : memref<!tpu.dma_semaphore, #tpu.memory_space<semaphore_mem>>
          %dma_start3A_161 = tpu.memref_slice %arg3[%add3A_153] : memref<3211264xi32, #tpu.memory_space<hbm>> -> memref<512xi32, #tpu.memory_space<hbm>>
          %dma_start3A_162 = tpu.memref_slice %arg3[%add3A_153] : memref<3211264xi32, #tpu.memory_space<hbm>> -> memref<512xi32, #tpu.memory_space<hbm>>
          tpu.enqueue_dma source(%dma_start3A_162 : memref<512xi32, #tpu.memory_space<hbm>>) target(%arg8 : memref<512xi32, #tpu.memory_space<vmem>>) target_semaphore(%run_scoped3A : memref<!tpu.dma_semaphore, #tpu.memory_space<semaphore_mem>>)
          %dma_wait3A_163 = tpu.memref_slice %arg3[%add3A_153] : memref<3211264xi32, #tpu.memory_space<hbm>> -> memref<512xi32, #tpu.memory_space<hbm>>
          %dma_wait3A_164 = tpu.memref_slice %arg3[%add3A_153] : memref<3211264xi32, #tpu.memory_space<hbm>> -> memref<512xi32, #tpu.memory_space<hbm>>
          tpu.wait_dma2 semaphore(%run_scoped3A : memref<!tpu.dma_semaphore, #tpu.memory_space<semaphore_mem>>) src(%dma_wait3A_164 : memref<512xi32, #tpu.memory_space<hbm>>) dst(%arg8 : memref<512xi32, #tpu.memory_space<vmem>>)
          tpu.yield
        }) : () -> ()
        %dma_start3A_154 = arith.constant 0 : i32
        %dma_start3A_155 = arith.constant 0 : i32
        %dma_start3A_156 = tpu.memref_slice %arg4[%add3A_44, %dma_start3A_154, %dma_start3A_155] : memref<10x100352x16xf32, #tpu.memory_space<hbm>> -> memref<1x100352x16xf32, #tpu.memory_space<hbm>>
        %dma_start3A_157 = tpu.memref_squeeze %dma_start3A_156 : memref<1x100352x16xf32, #tpu.memory_space<hbm>> -> memref<100352x16xf32, #tpu.memory_space<hbm>>
        %dma_start3A_158 = arith.constant 0 : i32
        %dma_start3A_159 = arith.constant 0 : i32
        %dma_start3A_160 = tpu.memref_slice %dma_start3A_157[%dma_start3A_158, %dma_start3A_159] : memref<100352x16xf32, #tpu.memory_space<hbm>> -> memref<100352x16xf32, #tpu.memory_space<hbm>>
        tpu.enqueue_indirect_dma source(%dma_start3A_160 : memref<100352x16xf32, #tpu.memory_space<hbm>>) target(%arg11 : memref<512x16xf32, #tpu.memory_space<vmem>>) offsets(%arg7 : memref<512xi32, #tpu.memory_space<vmem>>) semaphore(%arg14 : memref<!tpu.dma_semaphore, #tpu.memory_space<semaphore_mem>>)
      } else {
      }
      %dma_wait3A_140 = arith.constant 0 : i32
      %dma_wait3A_141 = arith.constant 0 : i32
      %dma_wait3A_142 = tpu.memref_slice %arg4[%add3A_44, %dma_wait3A_140, %dma_wait3A_141] : memref<10x100352x16xf32, #tpu.memory_space<hbm>> -> memref<1x100352x16xf32, #tpu.memory_space<hbm>>
      %dma_wait3A_143 = tpu.memref_squeeze %dma_wait3A_142 : memref<1x100352x16xf32, #tpu.memory_space<hbm>> -> memref<100352x16xf32, #tpu.memory_space<hbm>>
      %dma_wait3A_144 = arith.constant 0 : i32
      %dma_wait3A_145 = arith.constant 0 : i32
      %dma_wait3A_146 = tpu.memref_slice %dma_wait3A_143[%dma_wait3A_144, %dma_wait3A_145] : memref<100352x16xf32, #tpu.memory_space<hbm>> -> memref<100352x16xf32, #tpu.memory_space<hbm>>
      tpu.wait_indirect_dma semaphore(%arg15 : memref<!tpu.dma_semaphore, #tpu.memory_space<semaphore_mem>>) src(%dma_wait3A_146 : memref<100352x16xf32, #tpu.memory_space<hbm>>) dst(%arg12 : memref<512x16xf32, #tpu.memory_space<vmem>>)
      "tpu.region"() ({
        %run_scoped3A = tpu.sem_alloc : memref<!tpu.dma_semaphore, #tpu.memory_space<semaphore_mem>>
        %dma_start3A_147 = arith.constant 0 : i32
        %dma_start3A_148 = arith.constant 0 : i32
        %dma_start3A_149 = tpu.memref_slice %arg13[%dma_start3A_147, %dma_start3A_148] : memref<100352x16xf32, #tpu.memory_space<vmem_shared>> -> memref<100352x16xf32, #tpu.memory_space<vmem_shared>>
        tpu.enqueue_indirect_dma source(%arg12 : memref<512x16xf32, #tpu.memory_space<vmem>>) target(%dma_start3A_149 : memref<100352x16xf32, #tpu.memory_space<vmem_shared>>) offsets(%arg10 : memref<512xi32, #tpu.memory_space<vmem>>) semaphore(%run_scoped3A : memref<!tpu.dma_semaphore, #tpu.memory_space<semaphore_mem>>) {add = true}
        %dma_wait3A_150 = arith.constant 0 : i32
        %dma_wait3A_151 = arith.constant 0 : i32
        %dma_wait3A_152 = tpu.memref_slice %arg13[%dma_wait3A_150, %dma_wait3A_151] : memref<100352x16xf32, #tpu.memory_space<vmem_shared>> -> memref<100352x16xf32, #tpu.memory_space<vmem_shared>>
        tpu.wait_indirect_dma semaphore(%run_scoped3A : memref<!tpu.dma_semaphore, #tpu.memory_space<semaphore_mem>>) src(%arg12 : memref<512x16xf32, #tpu.memory_space<vmem>>) dst(%dma_wait3A_152 : memref<100352x16xf32, #tpu.memory_space<vmem_shared>>)
        tpu.yield
      }) : () -> ()
    }
    %scan3A_62 = arith.constant 196 : i32
    %barrier3A_63 = arith.constant 0 : index
    tpu.barrier barrier_id(%barrier3A_63)
    %mul3A_64 = arith.constant 6272 : i32
    %mul3A_65 = arith.muli %arg1, %mul3A_64 : i32
    "tpu.region"() ({
      %run_scoped3A = tpu.sem_alloc : memref<!tpu.dma_semaphore, #tpu.memory_space<semaphore_mem>>
      %dma_start3A_115 = arith.constant 0 : i32
      %dma_start3A_116 = arith.constant 0 : i32
      %dma_start3A_117 = tpu.memref_slice %arg6[%add3A_44, %arg1, %dma_start3A_115, %dma_start3A_116] : memref<10x16x6272x16xf32, #tpu.memory_space<hbm>> -> memref<1x1x6272x16xf32, #tpu.memory_space<hbm>>
      %dma_start3A_118 = tpu.memref_squeeze %dma_start3A_117 : memref<1x1x6272x16xf32, #tpu.memory_space<hbm>> -> memref<6272x16xf32, #tpu.memory_space<hbm>>
      %dma_start3A_119 = arith.constant 0 : i32
      %dma_start3A_120 = tpu.memref_slice %arg13[%mul3A_65, %dma_start3A_119] : memref<100352x16xf32, #tpu.memory_space<vmem_shared>> -> memref<6272x16xf32, #tpu.memory_space<vmem_shared>>
      tpu.enqueue_dma source(%dma_start3A_120 : memref<6272x16xf32, #tpu.memory_space<vmem_shared>>) target(%dma_start3A_118 : memref<6272x16xf32, #tpu.memory_space<hbm>>) target_semaphore(%run_scoped3A : memref<!tpu.dma_semaphore, #tpu.memory_space<semaphore_mem>>)
      %dma_wait3A = arith.constant 0 : i32
      %dma_wait3A_121 = arith.constant 0 : i32
      %dma_wait3A_122 = tpu.memref_slice %arg6[%add3A_44, %arg1, %dma_wait3A, %dma_wait3A_121] : memref<10x16x6272x16xf32, #tpu.memory_space<hbm>> -> memref<1x1x6272x16xf32, #tpu.memory_space<hbm>>
      %dma_wait3A_123 = tpu.memref_squeeze %dma_wait3A_122 : memref<1x1x6272x16xf32, #tpu.memory_space<hbm>> -> memref<6272x16xf32, #tpu.memory_space<hbm>>
      %dma_wait3A_124 = arith.constant 0 : i32
      %dma_wait3A_125 = tpu.memref_slice %arg13[%mul3A_65, %dma_wait3A_124] : memref<100352x16xf32, #tpu.memory_space<vmem_shared>> -> memref<6272x16xf32, #tpu.memory_space<vmem_shared>>
      tpu.wait_dma2 semaphore(%run_scoped3A : memref<!tpu.dma_semaphore, #tpu.memory_space<semaphore_mem>>) src(%dma_wait3A_125 : memref<6272x16xf32, #tpu.memory_space<vmem_shared>>) dst(%dma_wait3A_123 : memref<6272x16xf32, #tpu.memory_space<hbm>>)
      tpu.yield
    }) : () -> ()
    %barrier3A_66 = arith.constant 0 : index
    tpu.barrier barrier_id(%barrier3A_66)
    %add3A_67 = arith.constant 6 : i32
    %add3A_68 = arith.addi %add3A_67, %arg0 : i32
    %mul3A_69 = arith.constant 6272 : i32
    %mul3A_70 = arith.muli %arg1, %mul3A_69 : i32
    "tpu.region"() ({
      %run_scoped3A = tpu.sem_alloc : memref<!tpu.dma_semaphore, #tpu.memory_space<semaphore_mem>>
      %dma_start3A_115 = arith.constant 0 : i32
      %dma_start3A_116 = tpu.memref_slice %arg13[%mul3A_70, %dma_start3A_115] : memref<100352x16xf32, #tpu.memory_space<vmem_shared>> -> memref<6272x16xf32, #tpu.memory_space<vmem_shared>>
      tpu.enqueue_dma source(%arg5 : memref<6272x16xf32, #tpu.memory_space<hbm>>) target(%dma_start3A_116 : memref<6272x16xf32, #tpu.memory_space<vmem_shared>>) target_semaphore(%run_scoped3A : memref<!tpu.dma_semaphore, #tpu.memory_space<semaphore_mem>>)
      %dma_wait3A = arith.constant 0 : i32
      %dma_wait3A_117 = tpu.memref_slice %arg13[%mul3A_70, %dma_wait3A] : memref<100352x16xf32, #tpu.memory_space<vmem_shared>> -> memref<6272x16xf32, #tpu.memory_space<vmem_shared>>
      tpu.wait_dma2 semaphore(%run_scoped3A : memref<!tpu.dma_semaphore, #tpu.memory_space<semaphore_mem>>) src(%arg5 : memref<6272x16xf32, #tpu.memory_space<hbm>>) dst(%dma_wait3A_117 : memref<6272x16xf32, #tpu.memory_space<vmem_shared>>)
      tpu.yield
    }) : () -> ()
    %barrier3A_71 = arith.constant 0 : index
    tpu.barrier barrier_id(%barrier3A_71)
    %mul3A_72 = arith.constant 200704 : i32
    %mul3A_73 = arith.muli %arg1, %mul3A_72 : i32
    "tpu.region"() ({
      %run_scoped3A = tpu.sem_alloc : memref<!tpu.dma_semaphore, #tpu.memory_space<semaphore_mem>>
      %dma_start3A_115 = tpu.memref_slice %arg2[%mul3A_73] : memref<3211264xi32, #tpu.memory_space<hbm>> -> memref<512xi32, #tpu.memory_space<hbm>>
      %dma_start3A_116 = tpu.memref_slice %arg2[%mul3A_73] : memref<3211264xi32, #tpu.memory_space<hbm>> -> memref<512xi32, #tpu.memory_space<hbm>>
      tpu.enqueue_dma source(%dma_start3A_116 : memref<512xi32, #tpu.memory_space<hbm>>) target(%arg7 : memref<512xi32, #tpu.memory_space<vmem>>) target_semaphore(%run_scoped3A : memref<!tpu.dma_semaphore, #tpu.memory_space<semaphore_mem>>)
      %dma_wait3A = tpu.memref_slice %arg2[%mul3A_73] : memref<3211264xi32, #tpu.memory_space<hbm>> -> memref<512xi32, #tpu.memory_space<hbm>>
      %dma_wait3A_117 = tpu.memref_slice %arg2[%mul3A_73] : memref<3211264xi32, #tpu.memory_space<hbm>> -> memref<512xi32, #tpu.memory_space<hbm>>
      tpu.wait_dma2 semaphore(%run_scoped3A : memref<!tpu.dma_semaphore, #tpu.memory_space<semaphore_mem>>) src(%dma_wait3A_117 : memref<512xi32, #tpu.memory_space<hbm>>) dst(%arg7 : memref<512xi32, #tpu.memory_space<vmem>>)
      tpu.yield
    }) : () -> ()
    "tpu.region"() ({
      %run_scoped3A = tpu.sem_alloc : memref<!tpu.dma_semaphore, #tpu.memory_space<semaphore_mem>>
      %dma_start3A_115 = tpu.memref_slice %arg3[%mul3A_73] : memref<3211264xi32, #tpu.memory_space<hbm>> -> memref<512xi32, #tpu.memory_space<hbm>>
      %dma_start3A_116 = tpu.memref_slice %arg3[%mul3A_73] : memref<3211264xi32, #tpu.memory_space<hbm>> -> memref<512xi32, #tpu.memory_space<hbm>>
      tpu.enqueue_dma source(%dma_start3A_116 : memref<512xi32, #tpu.memory_space<hbm>>) target(%arg8 : memref<512xi32, #tpu.memory_space<vmem>>) target_semaphore(%run_scoped3A : memref<!tpu.dma_semaphore, #tpu.memory_space<semaphore_mem>>)
      %dma_wait3A = tpu.memref_slice %arg3[%mul3A_73] : memref<3211264xi32, #tpu.memory_space<hbm>> -> memref<512xi32, #tpu.memory_space<hbm>>
      %dma_wait3A_117 = tpu.memref_slice %arg3[%mul3A_73] : memref<3211264xi32, #tpu.memory_space<hbm>> -> memref<512xi32, #tpu.memory_space<hbm>>
      tpu.wait_dma2 semaphore(%run_scoped3A : memref<!tpu.dma_semaphore, #tpu.memory_space<semaphore_mem>>) src(%dma_wait3A_117 : memref<512xi32, #tpu.memory_space<hbm>>) dst(%arg8 : memref<512xi32, #tpu.memory_space<vmem>>)
      tpu.yield
    }) : () -> ()
    %dma_start3A_74 = arith.constant 0 : i32
    %dma_start3A_75 = arith.constant 0 : i32
    %dma_start3A_76 = tpu.memref_slice %arg4[%add3A_68, %dma_start3A_74, %dma_start3A_75] : memref<10x100352x16xf32, #tpu.memory_space<hbm>> -> memref<1x100352x16xf32, #tpu.memory_space<hbm>>
    %dma_start3A_77 = tpu.memref_squeeze %dma_start3A_76 : memref<1x100352x16xf32, #tpu.memory_space<hbm>> -> memref<100352x16xf32, #tpu.memory_space<hbm>>
    %dma_start3A_78 = arith.constant 0 : i32
    %dma_start3A_79 = arith.constant 0 : i32
    %dma_start3A_80 = tpu.memref_slice %dma_start3A_77[%dma_start3A_78, %dma_start3A_79] : memref<100352x16xf32, #tpu.memory_space<hbm>> -> memref<100352x16xf32, #tpu.memory_space<hbm>>
    tpu.enqueue_indirect_dma source(%dma_start3A_80 : memref<100352x16xf32, #tpu.memory_space<hbm>>) target(%arg11 : memref<512x16xf32, #tpu.memory_space<vmem>>) offsets(%arg7 : memref<512xi32, #tpu.memory_space<vmem>>) semaphore(%arg14 : memref<!tpu.dma_semaphore, #tpu.memory_space<semaphore_mem>>)
    %scan3A_81 = arith.constant 0 : i32
    %scan3A_82 = arith.constant 0 : i32
    %scan3A_83 = arith.constant 196 : i32
    %scan3A_84 = arith.addi %scan3A_82, %scan3A_83 : i32
    %scan3A_85 = arith.constant 1 : i32
    scf.for %scan3A_115 = %scan3A_82 to %scan3A_84 step %scan3A_85  : i32 {
      %mul3A_116 = arith.constant 2 : i32
      %mul3A_117 = arith.muli %mul3A_116, %scan3A_115 : i32
      %add3A_118 = arith.constant 1 : i32
      %add3A_119 = arith.addi %mul3A_117, %add3A_118 : i32
      %mul3A_120 = arith.constant 512 : i32
      %mul3A_121 = arith.muli %add3A_119, %mul3A_120 : i32
      %add3A_122 = arith.addi %mul3A_73, %mul3A_121 : i32
      "tpu.region"() ({
        %run_scoped3A = tpu.sem_alloc : memref<!tpu.dma_semaphore, #tpu.memory_space<semaphore_mem>>
        %dma_start3A_147 = tpu.memref_slice %arg2[%add3A_122] : memref<3211264xi32, #tpu.memory_space<hbm>> -> memref<512xi32, #tpu.memory_space<hbm>>
        %dma_start3A_148 = tpu.memref_slice %arg2[%add3A_122] : memref<3211264xi32, #tpu.memory_space<hbm>> -> memref<512xi32, #tpu.memory_space<hbm>>
        tpu.enqueue_dma source(%dma_start3A_148 : memref<512xi32, #tpu.memory_space<hbm>>) target(%arg9 : memref<512xi32, #tpu.memory_space<vmem>>) target_semaphore(%run_scoped3A : memref<!tpu.dma_semaphore, #tpu.memory_space<semaphore_mem>>)
        %dma_wait3A_149 = tpu.memref_slice %arg2[%add3A_122] : memref<3211264xi32, #tpu.memory_space<hbm>> -> memref<512xi32, #tpu.memory_space<hbm>>
        %dma_wait3A_150 = tpu.memref_slice %arg2[%add3A_122] : memref<3211264xi32, #tpu.memory_space<hbm>> -> memref<512xi32, #tpu.memory_space<hbm>>
        tpu.wait_dma2 semaphore(%run_scoped3A : memref<!tpu.dma_semaphore, #tpu.memory_space<semaphore_mem>>) src(%dma_wait3A_150 : memref<512xi32, #tpu.memory_space<hbm>>) dst(%arg9 : memref<512xi32, #tpu.memory_space<vmem>>)
        tpu.yield
      }) : () -> ()
      "tpu.region"() ({
        %run_scoped3A = tpu.sem_alloc : memref<!tpu.dma_semaphore, #tpu.memory_space<semaphore_mem>>
        %dma_start3A_147 = tpu.memref_slice %arg3[%add3A_122] : memref<3211264xi32, #tpu.memory_space<hbm>> -> memref<512xi32, #tpu.memory_space<hbm>>
        %dma_start3A_148 = tpu.memref_slice %arg3[%add3A_122] : memref<3211264xi32, #tpu.memory_space<hbm>> -> memref<512xi32, #tpu.memory_space<hbm>>
        tpu.enqueue_dma source(%dma_start3A_148 : memref<512xi32, #tpu.memory_space<hbm>>) target(%arg10 : memref<512xi32, #tpu.memory_space<vmem>>) target_semaphore(%run_scoped3A : memref<!tpu.dma_semaphore, #tpu.memory_space<semaphore_mem>>)
        %dma_wait3A_149 = tpu.memref_slice %arg3[%add3A_122] : memref<3211264xi32, #tpu.memory_space<hbm>> -> memref<512xi32, #tpu.memory_space<hbm>>
        %dma_wait3A_150 = tpu.memref_slice %arg3[%add3A_122] : memref<3211264xi32, #tpu.memory_space<hbm>> -> memref<512xi32, #tpu.memory_space<hbm>>
        tpu.wait_dma2 semaphore(%run_scoped3A : memref<!tpu.dma_semaphore, #tpu.memory_space<semaphore_mem>>) src(%dma_wait3A_150 : memref<512xi32, #tpu.memory_space<hbm>>) dst(%arg10 : memref<512xi32, #tpu.memory_space<vmem>>)
        tpu.yield
      }) : () -> ()
      %dma_start3A_123 = arith.constant 0 : i32
      %dma_start3A_124 = arith.constant 0 : i32
      %dma_start3A_125 = tpu.memref_slice %arg4[%add3A_68, %dma_start3A_123, %dma_start3A_124] : memref<10x100352x16xf32, #tpu.memory_space<hbm>> -> memref<1x100352x16xf32, #tpu.memory_space<hbm>>
      %dma_start3A_126 = tpu.memref_squeeze %dma_start3A_125 : memref<1x100352x16xf32, #tpu.memory_space<hbm>> -> memref<100352x16xf32, #tpu.memory_space<hbm>>
      %dma_start3A_127 = arith.constant 0 : i32
      %dma_start3A_128 = arith.constant 0 : i32
      %dma_start3A_129 = tpu.memref_slice %dma_start3A_126[%dma_start3A_127, %dma_start3A_128] : memref<100352x16xf32, #tpu.memory_space<hbm>> -> memref<100352x16xf32, #tpu.memory_space<hbm>>
      tpu.enqueue_indirect_dma source(%dma_start3A_129 : memref<100352x16xf32, #tpu.memory_space<hbm>>) target(%arg12 : memref<512x16xf32, #tpu.memory_space<vmem>>) offsets(%arg9 : memref<512xi32, #tpu.memory_space<vmem>>) semaphore(%arg15 : memref<!tpu.dma_semaphore, #tpu.memory_space<semaphore_mem>>)
      %dma_wait3A = arith.constant 0 : i32
      %dma_wait3A_130 = arith.constant 0 : i32
      %dma_wait3A_131 = tpu.memref_slice %arg4[%add3A_68, %dma_wait3A, %dma_wait3A_130] : memref<10x100352x16xf32, #tpu.memory_space<hbm>> -> memref<1x100352x16xf32, #tpu.memory_space<hbm>>
      %dma_wait3A_132 = tpu.memref_squeeze %dma_wait3A_131 : memref<1x100352x16xf32, #tpu.memory_space<hbm>> -> memref<100352x16xf32, #tpu.memory_space<hbm>>
      %dma_wait3A_133 = arith.constant 0 : i32
      %dma_wait3A_134 = arith.constant 0 : i32
      %dma_wait3A_135 = tpu.memref_slice %dma_wait3A_132[%dma_wait3A_133, %dma_wait3A_134] : memref<100352x16xf32, #tpu.memory_space<hbm>> -> memref<100352x16xf32, #tpu.memory_space<hbm>>
      tpu.wait_indirect_dma semaphore(%arg14 : memref<!tpu.dma_semaphore, #tpu.memory_space<semaphore_mem>>) src(%dma_wait3A_135 : memref<100352x16xf32, #tpu.memory_space<hbm>>) dst(%arg11 : memref<512x16xf32, #tpu.memory_space<vmem>>)
      "tpu.region"() ({
        %run_scoped3A = tpu.sem_alloc : memref<!tpu.dma_semaphore, #tpu.memory_space<semaphore_mem>>
        %dma_start3A_147 = arith.constant 0 : i32
        %dma_start3A_148 = arith.constant 0 : i32
        %dma_start3A_149 = tpu.memref_slice %arg13[%dma_start3A_147, %dma_start3A_148] : memref<100352x16xf32, #tpu.memory_space<vmem_shared>> -> memref<100352x16xf32, #tpu.memory_space<vmem_shared>>
        tpu.enqueue_indirect_dma source(%arg11 : memref<512x16xf32, #tpu.memory_space<vmem>>) target(%dma_start3A_149 : memref<100352x16xf32, #tpu.memory_space<vmem_shared>>) offsets(%arg8 : memref<512xi32, #tpu.memory_space<vmem>>) semaphore(%run_scoped3A : memref<!tpu.dma_semaphore, #tpu.memory_space<semaphore_mem>>) {add = true}
        %dma_wait3A_150 = arith.constant 0 : i32
        %dma_wait3A_151 = arith.constant 0 : i32
        %dma_wait3A_152 = tpu.memref_slice %arg13[%dma_wait3A_150, %dma_wait3A_151] : memref<100352x16xf32, #tpu.memory_space<vmem_shared>> -> memref<100352x16xf32, #tpu.memory_space<vmem_shared>>
        tpu.wait_indirect_dma semaphore(%run_scoped3A : memref<!tpu.dma_semaphore, #tpu.memory_space<semaphore_mem>>) src(%arg11 : memref<512x16xf32, #tpu.memory_space<vmem>>) dst(%dma_wait3A_152 : memref<100352x16xf32, #tpu.memory_space<vmem_shared>>)
        tpu.yield
      }) : () -> ()
      %add3A_136 = arith.constant 1 : i32
      %add3A_137 = arith.addi %scan3A_115, %add3A_136 : i32
      %lt3A = arith.constant 196 : i32
      %lt3A_138 = arith.cmpi slt, %add3A_137, %lt3A : i32
      %convert_element_type3A = arith.extui %lt3A_138 : i1 to i32
      %cond3A = arith.constant 0 : i32
      %cond3A_139 = arith.cmpi ne, %convert_element_type3A, %cond3A : i32
      scf.if %cond3A_139 {
        %mul3A_147 = arith.constant 2 : i32
        %mul3A_148 = arith.muli %mul3A_147, %scan3A_115 : i32
        %add3A_149 = arith.constant 2 : i32
        %add3A_150 = arith.addi %mul3A_148, %add3A_149 : i32
        %mul3A_151 = arith.constant 512 : i32
        %mul3A_152 = arith.muli %add3A_150, %mul3A_151 : i32
        %add3A_153 = arith.addi %mul3A_73, %mul3A_152 : i32
        "tpu.region"() ({
          %run_scoped3A = tpu.sem_alloc : memref<!tpu.dma_semaphore, #tpu.memory_space<semaphore_mem>>
          %dma_start3A_161 = tpu.memref_slice %arg2[%add3A_153] : memref<3211264xi32, #tpu.memory_space<hbm>> -> memref<512xi32, #tpu.memory_space<hbm>>
          %dma_start3A_162 = tpu.memref_slice %arg2[%add3A_153] : memref<3211264xi32, #tpu.memory_space<hbm>> -> memref<512xi32, #tpu.memory_space<hbm>>
          tpu.enqueue_dma source(%dma_start3A_162 : memref<512xi32, #tpu.memory_space<hbm>>) target(%arg7 : memref<512xi32, #tpu.memory_space<vmem>>) target_semaphore(%run_scoped3A : memref<!tpu.dma_semaphore, #tpu.memory_space<semaphore_mem>>)
          %dma_wait3A_163 = tpu.memref_slice %arg2[%add3A_153] : memref<3211264xi32, #tpu.memory_space<hbm>> -> memref<512xi32, #tpu.memory_space<hbm>>
          %dma_wait3A_164 = tpu.memref_slice %arg2[%add3A_153] : memref<3211264xi32, #tpu.memory_space<hbm>> -> memref<512xi32, #tpu.memory_space<hbm>>
          tpu.wait_dma2 semaphore(%run_scoped3A : memref<!tpu.dma_semaphore, #tpu.memory_space<semaphore_mem>>) src(%dma_wait3A_164 : memref<512xi32, #tpu.memory_space<hbm>>) dst(%arg7 : memref<512xi32, #tpu.memory_space<vmem>>)
          tpu.yield
        }) : () -> ()
        "tpu.region"() ({
          %run_scoped3A = tpu.sem_alloc : memref<!tpu.dma_semaphore, #tpu.memory_space<semaphore_mem>>
          %dma_start3A_161 = tpu.memref_slice %arg3[%add3A_153] : memref<3211264xi32, #tpu.memory_space<hbm>> -> memref<512xi32, #tpu.memory_space<hbm>>
          %dma_start3A_162 = tpu.memref_slice %arg3[%add3A_153] : memref<3211264xi32, #tpu.memory_space<hbm>> -> memref<512xi32, #tpu.memory_space<hbm>>
          tpu.enqueue_dma source(%dma_start3A_162 : memref<512xi32, #tpu.memory_space<hbm>>) target(%arg8 : memref<512xi32, #tpu.memory_space<vmem>>) target_semaphore(%run_scoped3A : memref<!tpu.dma_semaphore, #tpu.memory_space<semaphore_mem>>)
          %dma_wait3A_163 = tpu.memref_slice %arg3[%add3A_153] : memref<3211264xi32, #tpu.memory_space<hbm>> -> memref<512xi32, #tpu.memory_space<hbm>>
          %dma_wait3A_164 = tpu.memref_slice %arg3[%add3A_153] : memref<3211264xi32, #tpu.memory_space<hbm>> -> memref<512xi32, #tpu.memory_space<hbm>>
          tpu.wait_dma2 semaphore(%run_scoped3A : memref<!tpu.dma_semaphore, #tpu.memory_space<semaphore_mem>>) src(%dma_wait3A_164 : memref<512xi32, #tpu.memory_space<hbm>>) dst(%arg8 : memref<512xi32, #tpu.memory_space<vmem>>)
          tpu.yield
        }) : () -> ()
        %dma_start3A_154 = arith.constant 0 : i32
        %dma_start3A_155 = arith.constant 0 : i32
        %dma_start3A_156 = tpu.memref_slice %arg4[%add3A_68, %dma_start3A_154, %dma_start3A_155] : memref<10x100352x16xf32, #tpu.memory_space<hbm>> -> memref<1x100352x16xf32, #tpu.memory_space<hbm>>
        %dma_start3A_157 = tpu.memref_squeeze %dma_start3A_156 : memref<1x100352x16xf32, #tpu.memory_space<hbm>> -> memref<100352x16xf32, #tpu.memory_space<hbm>>
        %dma_start3A_158 = arith.constant 0 : i32
        %dma_start3A_159 = arith.constant 0 : i32
        %dma_start3A_160 = tpu.memref_slice %dma_start3A_157[%dma_start3A_158, %dma_start3A_159] : memref<100352x16xf32, #tpu.memory_space<hbm>> -> memref<100352x16xf32, #tpu.memory_space<hbm>>
        tpu.enqueue_indirect_dma source(%dma_start3A_160 : memref<100352x16xf32, #tpu.memory_space<hbm>>) target(%arg11 : memref<512x16xf32, #tpu.memory_space<vmem>>) offsets(%arg7 : memref<512xi32, #tpu.memory_space<vmem>>) semaphore(%arg14 : memref<!tpu.dma_semaphore, #tpu.memory_space<semaphore_mem>>)
      } else {
      }
      %dma_wait3A_140 = arith.constant 0 : i32
      %dma_wait3A_141 = arith.constant 0 : i32
      %dma_wait3A_142 = tpu.memref_slice %arg4[%add3A_68, %dma_wait3A_140, %dma_wait3A_141] : memref<10x100352x16xf32, #tpu.memory_space<hbm>> -> memref<1x100352x16xf32, #tpu.memory_space<hbm>>
      %dma_wait3A_143 = tpu.memref_squeeze %dma_wait3A_142 : memref<1x100352x16xf32, #tpu.memory_space<hbm>> -> memref<100352x16xf32, #tpu.memory_space<hbm>>
      %dma_wait3A_144 = arith.constant 0 : i32
      %dma_wait3A_145 = arith.constant 0 : i32
      %dma_wait3A_146 = tpu.memref_slice %dma_wait3A_143[%dma_wait3A_144, %dma_wait3A_145] : memref<100352x16xf32, #tpu.memory_space<hbm>> -> memref<100352x16xf32, #tpu.memory_space<hbm>>
      tpu.wait_indirect_dma semaphore(%arg15 : memref<!tpu.dma_semaphore, #tpu.memory_space<semaphore_mem>>) src(%dma_wait3A_146 : memref<100352x16xf32, #tpu.memory_space<hbm>>) dst(%arg12 : memref<512x16xf32, #tpu.memory_space<vmem>>)
      "tpu.region"() ({
        %run_scoped3A = tpu.sem_alloc : memref<!tpu.dma_semaphore, #tpu.memory_space<semaphore_mem>>
        %dma_start3A_147 = arith.constant 0 : i32
        %dma_start3A_148 = arith.constant 0 : i32
        %dma_start3A_149 = tpu.memref_slice %arg13[%dma_start3A_147, %dma_start3A_148] : memref<100352x16xf32, #tpu.memory_space<vmem_shared>> -> memref<100352x16xf32, #tpu.memory_space<vmem_shared>>
        tpu.enqueue_indirect_dma source(%arg12 : memref<512x16xf32, #tpu.memory_space<vmem>>) target(%dma_start3A_149 : memref<100352x16xf32, #tpu.memory_space<vmem_shared>>) offsets(%arg10 : memref<512xi32, #tpu.memory_space<vmem>>) semaphore(%run_scoped3A : memref<!tpu.dma_semaphore, #tpu.memory_space<semaphore_mem>>) {add = true}
        %dma_wait3A_150 = arith.constant 0 : i32
        %dma_wait3A_151 = arith.constant 0 : i32
        %dma_wait3A_152 = tpu.memref_slice %arg13[%dma_wait3A_150, %dma_wait3A_151] : memref<100352x16xf32, #tpu.memory_space<vmem_shared>> -> memref<100352x16xf32, #tpu.memory_space<vmem_shared>>
        tpu.wait_indirect_dma semaphore(%run_scoped3A : memref<!tpu.dma_semaphore, #tpu.memory_space<semaphore_mem>>) src(%arg12 : memref<512x16xf32, #tpu.memory_space<vmem>>) dst(%dma_wait3A_152 : memref<100352x16xf32, #tpu.memory_space<vmem_shared>>)
        tpu.yield
      }) : () -> ()
    }
    %scan3A_86 = arith.constant 196 : i32
    %barrier3A_87 = arith.constant 0 : index
    tpu.barrier barrier_id(%barrier3A_87)
    %mul3A_88 = arith.constant 6272 : i32
    %mul3A_89 = arith.muli %arg1, %mul3A_88 : i32
    "tpu.region"() ({
      %run_scoped3A = tpu.sem_alloc : memref<!tpu.dma_semaphore, #tpu.memory_space<semaphore_mem>>
      %dma_start3A_115 = arith.constant 0 : i32
      %dma_start3A_116 = arith.constant 0 : i32
      %dma_start3A_117 = tpu.memref_slice %arg6[%add3A_68, %arg1, %dma_start3A_115, %dma_start3A_116] : memref<10x16x6272x16xf32, #tpu.memory_space<hbm>> -> memref<1x1x6272x16xf32, #tpu.memory_space<hbm>>
      %dma_start3A_118 = tpu.memref_squeeze %dma_start3A_117 : memref<1x1x6272x16xf32, #tpu.memory_space<hbm>> -> memref<6272x16xf32, #tpu.memory_space<hbm>>
      %dma_start3A_119 = arith.constant 0 : i32
      %dma_start3A_120 = tpu.memref_slice %arg13[%mul3A_89, %dma_start3A_119] : memref<100352x16xf32, #tpu.memory_space<vmem_shared>> -> memref<6272x16xf32, #tpu.memory_space<vmem_shared>>
      tpu.enqueue_dma source(%dma_start3A_120 : memref<6272x16xf32, #tpu.memory_space<vmem_shared>>) target(%dma_start3A_118 : memref<6272x16xf32, #tpu.memory_space<hbm>>) target_semaphore(%run_scoped3A : memref<!tpu.dma_semaphore, #tpu.memory_space<semaphore_mem>>)
      %dma_wait3A = arith.constant 0 : i32
      %dma_wait3A_121 = arith.constant 0 : i32
      %dma_wait3A_122 = tpu.memref_slice %arg6[%add3A_68, %arg1, %dma_wait3A, %dma_wait3A_121] : memref<10x16x6272x16xf32, #tpu.memory_space<hbm>> -> memref<1x1x6272x16xf32, #tpu.memory_space<hbm>>
      %dma_wait3A_123 = tpu.memref_squeeze %dma_wait3A_122 : memref<1x1x6272x16xf32, #tpu.memory_space<hbm>> -> memref<6272x16xf32, #tpu.memory_space<hbm>>
      %dma_wait3A_124 = arith.constant 0 : i32
      %dma_wait3A_125 = tpu.memref_slice %arg13[%mul3A_89, %dma_wait3A_124] : memref<100352x16xf32, #tpu.memory_space<vmem_shared>> -> memref<6272x16xf32, #tpu.memory_space<vmem_shared>>
      tpu.wait_dma2 semaphore(%run_scoped3A : memref<!tpu.dma_semaphore, #tpu.memory_space<semaphore_mem>>) src(%dma_wait3A_125 : memref<6272x16xf32, #tpu.memory_space<vmem_shared>>) dst(%dma_wait3A_123 : memref<6272x16xf32, #tpu.memory_space<hbm>>)
      tpu.yield
    }) : () -> ()
    %barrier3A_90 = arith.constant 0 : index
    tpu.barrier barrier_id(%barrier3A_90)
    %add3A_91 = arith.constant 8 : i32
    %add3A_92 = arith.addi %add3A_91, %arg0 : i32
    %mul3A_93 = arith.constant 6272 : i32
    %mul3A_94 = arith.muli %arg1, %mul3A_93 : i32
    "tpu.region"() ({
      %run_scoped3A = tpu.sem_alloc : memref<!tpu.dma_semaphore, #tpu.memory_space<semaphore_mem>>
      %dma_start3A_115 = arith.constant 0 : i32
      %dma_start3A_116 = tpu.memref_slice %arg13[%mul3A_94, %dma_start3A_115] : memref<100352x16xf32, #tpu.memory_space<vmem_shared>> -> memref<6272x16xf32, #tpu.memory_space<vmem_shared>>
      tpu.enqueue_dma source(%arg5 : memref<6272x16xf32, #tpu.memory_space<hbm>>) target(%dma_start3A_116 : memref<6272x16xf32, #tpu.memory_space<vmem_shared>>) target_semaphore(%run_scoped3A : memref<!tpu.dma_semaphore, #tpu.memory_space<semaphore_mem>>)
      %dma_wait3A = arith.constant 0 : i32
      %dma_wait3A_117 = tpu.memref_slice %arg13[%mul3A_94, %dma_wait3A] : memref<100352x16xf32, #tpu.memory_space<vmem_shared>> -> memref<6272x16xf32, #tpu.memory_space<vmem_shared>>
      tpu.wait_dma2 semaphore(%run_scoped3A : memref<!tpu.dma_semaphore, #tpu.memory_space<semaphore_mem>>) src(%arg5 : memref<6272x16xf32, #tpu.memory_space<hbm>>) dst(%dma_wait3A_117 : memref<6272x16xf32, #tpu.memory_space<vmem_shared>>)
      tpu.yield
    }) : () -> ()
    %barrier3A_95 = arith.constant 0 : index
    tpu.barrier barrier_id(%barrier3A_95)
    %mul3A_96 = arith.constant 200704 : i32
    %mul3A_97 = arith.muli %arg1, %mul3A_96 : i32
    "tpu.region"() ({
      %run_scoped3A = tpu.sem_alloc : memref<!tpu.dma_semaphore, #tpu.memory_space<semaphore_mem>>
      %dma_start3A_115 = tpu.memref_slice %arg2[%mul3A_97] : memref<3211264xi32, #tpu.memory_space<hbm>> -> memref<512xi32, #tpu.memory_space<hbm>>
      %dma_start3A_116 = tpu.memref_slice %arg2[%mul3A_97] : memref<3211264xi32, #tpu.memory_space<hbm>> -> memref<512xi32, #tpu.memory_space<hbm>>
      tpu.enqueue_dma source(%dma_start3A_116 : memref<512xi32, #tpu.memory_space<hbm>>) target(%arg7 : memref<512xi32, #tpu.memory_space<vmem>>) target_semaphore(%run_scoped3A : memref<!tpu.dma_semaphore, #tpu.memory_space<semaphore_mem>>)
      %dma_wait3A = tpu.memref_slice %arg2[%mul3A_97] : memref<3211264xi32, #tpu.memory_space<hbm>> -> memref<512xi32, #tpu.memory_space<hbm>>
      %dma_wait3A_117 = tpu.memref_slice %arg2[%mul3A_97] : memref<3211264xi32, #tpu.memory_space<hbm>> -> memref<512xi32, #tpu.memory_space<hbm>>
      tpu.wait_dma2 semaphore(%run_scoped3A : memref<!tpu.dma_semaphore, #tpu.memory_space<semaphore_mem>>) src(%dma_wait3A_117 : memref<512xi32, #tpu.memory_space<hbm>>) dst(%arg7 : memref<512xi32, #tpu.memory_space<vmem>>)
      tpu.yield
    }) : () -> ()
    "tpu.region"() ({
      %run_scoped3A = tpu.sem_alloc : memref<!tpu.dma_semaphore, #tpu.memory_space<semaphore_mem>>
      %dma_start3A_115 = tpu.memref_slice %arg3[%mul3A_97] : memref<3211264xi32, #tpu.memory_space<hbm>> -> memref<512xi32, #tpu.memory_space<hbm>>
      %dma_start3A_116 = tpu.memref_slice %arg3[%mul3A_97] : memref<3211264xi32, #tpu.memory_space<hbm>> -> memref<512xi32, #tpu.memory_space<hbm>>
      tpu.enqueue_dma source(%dma_start3A_116 : memref<512xi32, #tpu.memory_space<hbm>>) target(%arg8 : memref<512xi32, #tpu.memory_space<vmem>>) target_semaphore(%run_scoped3A : memref<!tpu.dma_semaphore, #tpu.memory_space<semaphore_mem>>)
      %dma_wait3A = tpu.memref_slice %arg3[%mul3A_97] : memref<3211264xi32, #tpu.memory_space<hbm>> -> memref<512xi32, #tpu.memory_space<hbm>>
      %dma_wait3A_117 = tpu.memref_slice %arg3[%mul3A_97] : memref<3211264xi32, #tpu.memory_space<hbm>> -> memref<512xi32, #tpu.memory_space<hbm>>
      tpu.wait_dma2 semaphore(%run_scoped3A : memref<!tpu.dma_semaphore, #tpu.memory_space<semaphore_mem>>) src(%dma_wait3A_117 : memref<512xi32, #tpu.memory_space<hbm>>) dst(%arg8 : memref<512xi32, #tpu.memory_space<vmem>>)
      tpu.yield
    }) : () -> ()
    %dma_start3A_98 = arith.constant 0 : i32
    %dma_start3A_99 = arith.constant 0 : i32
    %dma_start3A_100 = tpu.memref_slice %arg4[%add3A_92, %dma_start3A_98, %dma_start3A_99] : memref<10x100352x16xf32, #tpu.memory_space<hbm>> -> memref<1x100352x16xf32, #tpu.memory_space<hbm>>
    %dma_start3A_101 = tpu.memref_squeeze %dma_start3A_100 : memref<1x100352x16xf32, #tpu.memory_space<hbm>> -> memref<100352x16xf32, #tpu.memory_space<hbm>>
    %dma_start3A_102 = arith.constant 0 : i32
    %dma_start3A_103 = arith.constant 0 : i32
    %dma_start3A_104 = tpu.memref_slice %dma_start3A_101[%dma_start3A_102, %dma_start3A_103] : memref<100352x16xf32, #tpu.memory_space<hbm>> -> memref<100352x16xf32, #tpu.memory_space<hbm>>
    tpu.enqueue_indirect_dma source(%dma_start3A_104 : memref<100352x16xf32, #tpu.memory_space<hbm>>) target(%arg11 : memref<512x16xf32, #tpu.memory_space<vmem>>) offsets(%arg7 : memref<512xi32, #tpu.memory_space<vmem>>) semaphore(%arg14 : memref<!tpu.dma_semaphore, #tpu.memory_space<semaphore_mem>>)
    %scan3A_105 = arith.constant 0 : i32
    %scan3A_106 = arith.constant 0 : i32
    %scan3A_107 = arith.constant 196 : i32
    %scan3A_108 = arith.addi %scan3A_106, %scan3A_107 : i32
    %scan3A_109 = arith.constant 1 : i32
    scf.for %scan3A_115 = %scan3A_106 to %scan3A_108 step %scan3A_109  : i32 {
      %mul3A_116 = arith.constant 2 : i32
      %mul3A_117 = arith.muli %mul3A_116, %scan3A_115 : i32
      %add3A_118 = arith.constant 1 : i32
      %add3A_119 = arith.addi %mul3A_117, %add3A_118 : i32
      %mul3A_120 = arith.constant 512 : i32
      %mul3A_121 = arith.muli %add3A_119, %mul3A_120 : i32
      %add3A_122 = arith.addi %mul3A_97, %mul3A_121 : i32
      "tpu.region"() ({
        %run_scoped3A = tpu.sem_alloc : memref<!tpu.dma_semaphore, #tpu.memory_space<semaphore_mem>>
        %dma_start3A_147 = tpu.memref_slice %arg2[%add3A_122] : memref<3211264xi32, #tpu.memory_space<hbm>> -> memref<512xi32, #tpu.memory_space<hbm>>
        %dma_start3A_148 = tpu.memref_slice %arg2[%add3A_122] : memref<3211264xi32, #tpu.memory_space<hbm>> -> memref<512xi32, #tpu.memory_space<hbm>>
        tpu.enqueue_dma source(%dma_start3A_148 : memref<512xi32, #tpu.memory_space<hbm>>) target(%arg9 : memref<512xi32, #tpu.memory_space<vmem>>) target_semaphore(%run_scoped3A : memref<!tpu.dma_semaphore, #tpu.memory_space<semaphore_mem>>)
        %dma_wait3A_149 = tpu.memref_slice %arg2[%add3A_122] : memref<3211264xi32, #tpu.memory_space<hbm>> -> memref<512xi32, #tpu.memory_space<hbm>>
        %dma_wait3A_150 = tpu.memref_slice %arg2[%add3A_122] : memref<3211264xi32, #tpu.memory_space<hbm>> -> memref<512xi32, #tpu.memory_space<hbm>>
        tpu.wait_dma2 semaphore(%run_scoped3A : memref<!tpu.dma_semaphore, #tpu.memory_space<semaphore_mem>>) src(%dma_wait3A_150 : memref<512xi32, #tpu.memory_space<hbm>>) dst(%arg9 : memref<512xi32, #tpu.memory_space<vmem>>)
        tpu.yield
      }) : () -> ()
      "tpu.region"() ({
        %run_scoped3A = tpu.sem_alloc : memref<!tpu.dma_semaphore, #tpu.memory_space<semaphore_mem>>
        %dma_start3A_147 = tpu.memref_slice %arg3[%add3A_122] : memref<3211264xi32, #tpu.memory_space<hbm>> -> memref<512xi32, #tpu.memory_space<hbm>>
        %dma_start3A_148 = tpu.memref_slice %arg3[%add3A_122] : memref<3211264xi32, #tpu.memory_space<hbm>> -> memref<512xi32, #tpu.memory_space<hbm>>
        tpu.enqueue_dma source(%dma_start3A_148 : memref<512xi32, #tpu.memory_space<hbm>>) target(%arg10 : memref<512xi32, #tpu.memory_space<vmem>>) target_semaphore(%run_scoped3A : memref<!tpu.dma_semaphore, #tpu.memory_space<semaphore_mem>>)
        %dma_wait3A_149 = tpu.memref_slice %arg3[%add3A_122] : memref<3211264xi32, #tpu.memory_space<hbm>> -> memref<512xi32, #tpu.memory_space<hbm>>
        %dma_wait3A_150 = tpu.memref_slice %arg3[%add3A_122] : memref<3211264xi32, #tpu.memory_space<hbm>> -> memref<512xi32, #tpu.memory_space<hbm>>
        tpu.wait_dma2 semaphore(%run_scoped3A : memref<!tpu.dma_semaphore, #tpu.memory_space<semaphore_mem>>) src(%dma_wait3A_150 : memref<512xi32, #tpu.memory_space<hbm>>) dst(%arg10 : memref<512xi32, #tpu.memory_space<vmem>>)
        tpu.yield
      }) : () -> ()
      %dma_start3A_123 = arith.constant 0 : i32
      %dma_start3A_124 = arith.constant 0 : i32
      %dma_start3A_125 = tpu.memref_slice %arg4[%add3A_92, %dma_start3A_123, %dma_start3A_124] : memref<10x100352x16xf32, #tpu.memory_space<hbm>> -> memref<1x100352x16xf32, #tpu.memory_space<hbm>>
      %dma_start3A_126 = tpu.memref_squeeze %dma_start3A_125 : memref<1x100352x16xf32, #tpu.memory_space<hbm>> -> memref<100352x16xf32, #tpu.memory_space<hbm>>
      %dma_start3A_127 = arith.constant 0 : i32
      %dma_start3A_128 = arith.constant 0 : i32
      %dma_start3A_129 = tpu.memref_slice %dma_start3A_126[%dma_start3A_127, %dma_start3A_128] : memref<100352x16xf32, #tpu.memory_space<hbm>> -> memref<100352x16xf32, #tpu.memory_space<hbm>>
      tpu.enqueue_indirect_dma source(%dma_start3A_129 : memref<100352x16xf32, #tpu.memory_space<hbm>>) target(%arg12 : memref<512x16xf32, #tpu.memory_space<vmem>>) offsets(%arg9 : memref<512xi32, #tpu.memory_space<vmem>>) semaphore(%arg15 : memref<!tpu.dma_semaphore, #tpu.memory_space<semaphore_mem>>)
      %dma_wait3A = arith.constant 0 : i32
      %dma_wait3A_130 = arith.constant 0 : i32
      %dma_wait3A_131 = tpu.memref_slice %arg4[%add3A_92, %dma_wait3A, %dma_wait3A_130] : memref<10x100352x16xf32, #tpu.memory_space<hbm>> -> memref<1x100352x16xf32, #tpu.memory_space<hbm>>
      %dma_wait3A_132 = tpu.memref_squeeze %dma_wait3A_131 : memref<1x100352x16xf32, #tpu.memory_space<hbm>> -> memref<100352x16xf32, #tpu.memory_space<hbm>>
      %dma_wait3A_133 = arith.constant 0 : i32
      %dma_wait3A_134 = arith.constant 0 : i32
      %dma_wait3A_135 = tpu.memref_slice %dma_wait3A_132[%dma_wait3A_133, %dma_wait3A_134] : memref<100352x16xf32, #tpu.memory_space<hbm>> -> memref<100352x16xf32, #tpu.memory_space<hbm>>
      tpu.wait_indirect_dma semaphore(%arg14 : memref<!tpu.dma_semaphore, #tpu.memory_space<semaphore_mem>>) src(%dma_wait3A_135 : memref<100352x16xf32, #tpu.memory_space<hbm>>) dst(%arg11 : memref<512x16xf32, #tpu.memory_space<vmem>>)
      "tpu.region"() ({
        %run_scoped3A = tpu.sem_alloc : memref<!tpu.dma_semaphore, #tpu.memory_space<semaphore_mem>>
        %dma_start3A_147 = arith.constant 0 : i32
        %dma_start3A_148 = arith.constant 0 : i32
        %dma_start3A_149 = tpu.memref_slice %arg13[%dma_start3A_147, %dma_start3A_148] : memref<100352x16xf32, #tpu.memory_space<vmem_shared>> -> memref<100352x16xf32, #tpu.memory_space<vmem_shared>>
        tpu.enqueue_indirect_dma source(%arg11 : memref<512x16xf32, #tpu.memory_space<vmem>>) target(%dma_start3A_149 : memref<100352x16xf32, #tpu.memory_space<vmem_shared>>) offsets(%arg8 : memref<512xi32, #tpu.memory_space<vmem>>) semaphore(%run_scoped3A : memref<!tpu.dma_semaphore, #tpu.memory_space<semaphore_mem>>) {add = true}
        %dma_wait3A_150 = arith.constant 0 : i32
        %dma_wait3A_151 = arith.constant 0 : i32
        %dma_wait3A_152 = tpu.memref_slice %arg13[%dma_wait3A_150, %dma_wait3A_151] : memref<100352x16xf32, #tpu.memory_space<vmem_shared>> -> memref<100352x16xf32, #tpu.memory_space<vmem_shared>>
        tpu.wait_indirect_dma semaphore(%run_scoped3A : memref<!tpu.dma_semaphore, #tpu.memory_space<semaphore_mem>>) src(%arg11 : memref<512x16xf32, #tpu.memory_space<vmem>>) dst(%dma_wait3A_152 : memref<100352x16xf32, #tpu.memory_space<vmem_shared>>)
        tpu.yield
      }) : () -> ()
      %add3A_136 = arith.constant 1 : i32
      %add3A_137 = arith.addi %scan3A_115, %add3A_136 : i32
      %lt3A = arith.constant 196 : i32
      %lt3A_138 = arith.cmpi slt, %add3A_137, %lt3A : i32
      %convert_element_type3A = arith.extui %lt3A_138 : i1 to i32
      %cond3A = arith.constant 0 : i32
      %cond3A_139 = arith.cmpi ne, %convert_element_type3A, %cond3A : i32
      scf.if %cond3A_139 {
        %mul3A_147 = arith.constant 2 : i32
        %mul3A_148 = arith.muli %mul3A_147, %scan3A_115 : i32
        %add3A_149 = arith.constant 2 : i32
        %add3A_150 = arith.addi %mul3A_148, %add3A_149 : i32
        %mul3A_151 = arith.constant 512 : i32
        %mul3A_152 = arith.muli %add3A_150, %mul3A_151 : i32
        %add3A_153 = arith.addi %mul3A_97, %mul3A_152 : i32
        "tpu.region"() ({
          %run_scoped3A = tpu.sem_alloc : memref<!tpu.dma_semaphore, #tpu.memory_space<semaphore_mem>>
          %dma_start3A_161 = tpu.memref_slice %arg2[%add3A_153] : memref<3211264xi32, #tpu.memory_space<hbm>> -> memref<512xi32, #tpu.memory_space<hbm>>
          %dma_start3A_162 = tpu.memref_slice %arg2[%add3A_153] : memref<3211264xi32, #tpu.memory_space<hbm>> -> memref<512xi32, #tpu.memory_space<hbm>>
          tpu.enqueue_dma source(%dma_start3A_162 : memref<512xi32, #tpu.memory_space<hbm>>) target(%arg7 : memref<512xi32, #tpu.memory_space<vmem>>) target_semaphore(%run_scoped3A : memref<!tpu.dma_semaphore, #tpu.memory_space<semaphore_mem>>)
          %dma_wait3A_163 = tpu.memref_slice %arg2[%add3A_153] : memref<3211264xi32, #tpu.memory_space<hbm>> -> memref<512xi32, #tpu.memory_space<hbm>>
          %dma_wait3A_164 = tpu.memref_slice %arg2[%add3A_153] : memref<3211264xi32, #tpu.memory_space<hbm>> -> memref<512xi32, #tpu.memory_space<hbm>>
          tpu.wait_dma2 semaphore(%run_scoped3A : memref<!tpu.dma_semaphore, #tpu.memory_space<semaphore_mem>>) src(%dma_wait3A_164 : memref<512xi32, #tpu.memory_space<hbm>>) dst(%arg7 : memref<512xi32, #tpu.memory_space<vmem>>)
          tpu.yield
        }) : () -> ()
        "tpu.region"() ({
          %run_scoped3A = tpu.sem_alloc : memref<!tpu.dma_semaphore, #tpu.memory_space<semaphore_mem>>
          %dma_start3A_161 = tpu.memref_slice %arg3[%add3A_153] : memref<3211264xi32, #tpu.memory_space<hbm>> -> memref<512xi32, #tpu.memory_space<hbm>>
          %dma_start3A_162 = tpu.memref_slice %arg3[%add3A_153] : memref<3211264xi32, #tpu.memory_space<hbm>> -> memref<512xi32, #tpu.memory_space<hbm>>
          tpu.enqueue_dma source(%dma_start3A_162 : memref<512xi32, #tpu.memory_space<hbm>>) target(%arg8 : memref<512xi32, #tpu.memory_space<vmem>>) target_semaphore(%run_scoped3A : memref<!tpu.dma_semaphore, #tpu.memory_space<semaphore_mem>>)
          %dma_wait3A_163 = tpu.memref_slice %arg3[%add3A_153] : memref<3211264xi32, #tpu.memory_space<hbm>> -> memref<512xi32, #tpu.memory_space<hbm>>
          %dma_wait3A_164 = tpu.memref_slice %arg3[%add3A_153] : memref<3211264xi32, #tpu.memory_space<hbm>> -> memref<512xi32, #tpu.memory_space<hbm>>
          tpu.wait_dma2 semaphore(%run_scoped3A : memref<!tpu.dma_semaphore, #tpu.memory_space<semaphore_mem>>) src(%dma_wait3A_164 : memref<512xi32, #tpu.memory_space<hbm>>) dst(%arg8 : memref<512xi32, #tpu.memory_space<vmem>>)
          tpu.yield
        }) : () -> ()
        %dma_start3A_154 = arith.constant 0 : i32
        %dma_start3A_155 = arith.constant 0 : i32
        %dma_start3A_156 = tpu.memref_slice %arg4[%add3A_92, %dma_start3A_154, %dma_start3A_155] : memref<10x100352x16xf32, #tpu.memory_space<hbm>> -> memref<1x100352x16xf32, #tpu.memory_space<hbm>>
        %dma_start3A_157 = tpu.memref_squeeze %dma_start3A_156 : memref<1x100352x16xf32, #tpu.memory_space<hbm>> -> memref<100352x16xf32, #tpu.memory_space<hbm>>
        %dma_start3A_158 = arith.constant 0 : i32
        %dma_start3A_159 = arith.constant 0 : i32
        %dma_start3A_160 = tpu.memref_slice %dma_start3A_157[%dma_start3A_158, %dma_start3A_159] : memref<100352x16xf32, #tpu.memory_space<hbm>> -> memref<100352x16xf32, #tpu.memory_space<hbm>>
        tpu.enqueue_indirect_dma source(%dma_start3A_160 : memref<100352x16xf32, #tpu.memory_space<hbm>>) target(%arg11 : memref<512x16xf32, #tpu.memory_space<vmem>>) offsets(%arg7 : memref<512xi32, #tpu.memory_space<vmem>>) semaphore(%arg14 : memref<!tpu.dma_semaphore, #tpu.memory_space<semaphore_mem>>)
      } else {
      }
      %dma_wait3A_140 = arith.constant 0 : i32
      %dma_wait3A_141 = arith.constant 0 : i32
      %dma_wait3A_142 = tpu.memref_slice %arg4[%add3A_92, %dma_wait3A_140, %dma_wait3A_141] : memref<10x100352x16xf32, #tpu.memory_space<hbm>> -> memref<1x100352x16xf32, #tpu.memory_space<hbm>>
      %dma_wait3A_143 = tpu.memref_squeeze %dma_wait3A_142 : memref<1x100352x16xf32, #tpu.memory_space<hbm>> -> memref<100352x16xf32, #tpu.memory_space<hbm>>
      %dma_wait3A_144 = arith.constant 0 : i32
      %dma_wait3A_145 = arith.constant 0 : i32
      %dma_wait3A_146 = tpu.memref_slice %dma_wait3A_143[%dma_wait3A_144, %dma_wait3A_145] : memref<100352x16xf32, #tpu.memory_space<hbm>> -> memref<100352x16xf32, #tpu.memory_space<hbm>>
      tpu.wait_indirect_dma semaphore(%arg15 : memref<!tpu.dma_semaphore, #tpu.memory_space<semaphore_mem>>) src(%dma_wait3A_146 : memref<100352x16xf32, #tpu.memory_space<hbm>>) dst(%arg12 : memref<512x16xf32, #tpu.memory_space<vmem>>)
      "tpu.region"() ({
        %run_scoped3A = tpu.sem_alloc : memref<!tpu.dma_semaphore, #tpu.memory_space<semaphore_mem>>
        %dma_start3A_147 = arith.constant 0 : i32
        %dma_start3A_148 = arith.constant 0 : i32
        %dma_start3A_149 = tpu.memref_slice %arg13[%dma_start3A_147, %dma_start3A_148] : memref<100352x16xf32, #tpu.memory_space<vmem_shared>> -> memref<100352x16xf32, #tpu.memory_space<vmem_shared>>
        tpu.enqueue_indirect_dma source(%arg12 : memref<512x16xf32, #tpu.memory_space<vmem>>) target(%dma_start3A_149 : memref<100352x16xf32, #tpu.memory_space<vmem_shared>>) offsets(%arg10 : memref<512xi32, #tpu.memory_space<vmem>>) semaphore(%run_scoped3A : memref<!tpu.dma_semaphore, #tpu.memory_space<semaphore_mem>>) {add = true}
        %dma_wait3A_150 = arith.constant 0 : i32
        %dma_wait3A_151 = arith.constant 0 : i32
        %dma_wait3A_152 = tpu.memref_slice %arg13[%dma_wait3A_150, %dma_wait3A_151] : memref<100352x16xf32, #tpu.memory_space<vmem_shared>> -> memref<100352x16xf32, #tpu.memory_space<vmem_shared>>
        tpu.wait_indirect_dma semaphore(%run_scoped3A : memref<!tpu.dma_semaphore, #tpu.memory_space<semaphore_mem>>) src(%arg12 : memref<512x16xf32, #tpu.memory_space<vmem>>) dst(%dma_wait3A_152 : memref<100352x16xf32, #tpu.memory_space<vmem_shared>>)
        tpu.yield
      }) : () -> ()
    }
    %scan3A_110 = arith.constant 196 : i32
    %barrier3A_111 = arith.constant 0 : index
    tpu.barrier barrier_id(%barrier3A_111)
    %mul3A_112 = arith.constant 6272 : i32
    %mul3A_113 = arith.muli %arg1, %mul3A_112 : i32
    "tpu.region"() ({
      %run_scoped3A = tpu.sem_alloc : memref<!tpu.dma_semaphore, #tpu.memory_space<semaphore_mem>>
      %dma_start3A_115 = arith.constant 0 : i32
      %dma_start3A_116 = arith.constant 0 : i32
      %dma_start3A_117 = tpu.memref_slice %arg6[%add3A_92, %arg1, %dma_start3A_115, %dma_start3A_116] : memref<10x16x6272x16xf32, #tpu.memory_space<hbm>> -> memref<1x1x6272x16xf32, #tpu.memory_space<hbm>>
      %dma_start3A_118 = tpu.memref_squeeze %dma_start3A_117 : memref<1x1x6272x16xf32, #tpu.memory_space<hbm>> -> memref<6272x16xf32, #tpu.memory_space<hbm>>
      %dma_start3A_119 = arith.constant 0 : i32
      %dma_start3A_120 = tpu.memref_slice %arg13[%mul3A_113, %dma_start3A_119] : memref<100352x16xf32, #tpu.memory_space<vmem_shared>> -> memref<6272x16xf32, #tpu.memory_space<vmem_shared>>
      tpu.enqueue_dma source(%dma_start3A_120 : memref<6272x16xf32, #tpu.memory_space<vmem_shared>>) target(%dma_start3A_118 : memref<6272x16xf32, #tpu.memory_space<hbm>>) target_semaphore(%run_scoped3A : memref<!tpu.dma_semaphore, #tpu.memory_space<semaphore_mem>>)
      %dma_wait3A = arith.constant 0 : i32
      %dma_wait3A_121 = arith.constant 0 : i32
      %dma_wait3A_122 = tpu.memref_slice %arg6[%add3A_92, %arg1, %dma_wait3A, %dma_wait3A_121] : memref<10x16x6272x16xf32, #tpu.memory_space<hbm>> -> memref<1x1x6272x16xf32, #tpu.memory_space<hbm>>
      %dma_wait3A_123 = tpu.memref_squeeze %dma_wait3A_122 : memref<1x1x6272x16xf32, #tpu.memory_space<hbm>> -> memref<6272x16xf32, #tpu.memory_space<hbm>>
      %dma_wait3A_124 = arith.constant 0 : i32
      %dma_wait3A_125 = tpu.memref_slice %arg13[%mul3A_113, %dma_wait3A_124] : memref<100352x16xf32, #tpu.memory_space<vmem_shared>> -> memref<6272x16xf32, #tpu.memory_space<vmem_shared>>
      tpu.wait_dma2 semaphore(%run_scoped3A : memref<!tpu.dma_semaphore, #tpu.memory_space<semaphore_mem>>) src(%dma_wait3A_125 : memref<6272x16xf32, #tpu.memory_space<vmem_shared>>) dst(%dma_wait3A_123 : memref<6272x16xf32, #tpu.memory_space<hbm>>)
      tpu.yield
    }) : () -> ()
    %barrier3A_114 = arith.constant 0 : index
    tpu.barrier barrier_id(%barrier3A_114)
    return
  }
}

#map = affine_map<(d0, d1) -> (0)>
#map1 = affine_map<(d0, d1) -> (0, 0, 0)>
module attributes {stable_mosaic.version = 14 : i64} {
  func.func @deg_kernel(%arg0: i32, %arg1: i32, %arg2: memref<3211264xi32, #tpu.memory_space<hbm>>, %arg3: memref<512xf32, #tpu.memory_space<hbm>>, %arg4: memref<6272xf32, #tpu.memory_space<hbm>>, %arg5: memref<2x16x6272xf32, #tpu.memory_space<hbm>>, %arg6: memref<512xi32, #tpu.memory_space<vmem>>, %arg7: memref<512xf32, #tpu.memory_space<vmem>>, %arg8: memref<100352xf32, #tpu.memory_space<vmem_shared>>) attributes {dimension_semantics = [#tpu.dimension_semantics<core_parallel>, #tpu.dimension_semantics<subcore_parallel>], iteration_bounds = array<i64: 2, 16>, scalar_prefetch = 0 : i64, scratch_operands = 3 : i64, tpu.core_type = #tpu.core_type<sc_vector_subcore>, window_params = [{transform_indices = #map}, {transform_indices = #map}, {transform_indices = #map}, {transform_indices = #map1}]} {
    %mul3A = arith.constant 16 : i32
    %mul3A_0 = arith.muli %arg0, %mul3A : i32
    %add3A = arith.addi %mul3A_0, %arg1 : i32
    %mul3A_1 = arith.constant 6272 : i32
    %mul3A_2 = arith.muli %arg1, %mul3A_1 : i32
    "tpu.region"() ({
      %run_scoped3A = tpu.sem_alloc : memref<!tpu.dma_semaphore, #tpu.memory_space<semaphore_mem>>
      %dma_start3A = tpu.memref_slice %arg8[%mul3A_2] : memref<100352xf32, #tpu.memory_space<vmem_shared>> -> memref<6272xf32, #tpu.memory_space<vmem_shared>>
      tpu.enqueue_dma source(%arg4 : memref<6272xf32, #tpu.memory_space<hbm>>) target(%dma_start3A : memref<6272xf32, #tpu.memory_space<vmem_shared>>) target_semaphore(%run_scoped3A : memref<!tpu.dma_semaphore, #tpu.memory_space<semaphore_mem>>)
      %dma_wait3A = tpu.memref_slice %arg8[%mul3A_2] : memref<100352xf32, #tpu.memory_space<vmem_shared>> -> memref<6272xf32, #tpu.memory_space<vmem_shared>>
      tpu.wait_dma2 semaphore(%run_scoped3A : memref<!tpu.dma_semaphore, #tpu.memory_space<semaphore_mem>>) src(%arg4 : memref<6272xf32, #tpu.memory_space<hbm>>) dst(%dma_wait3A : memref<6272xf32, #tpu.memory_space<vmem_shared>>)
      tpu.yield
    }) : () -> ()
    "tpu.region"() ({
      %run_scoped3A = tpu.sem_alloc : memref<!tpu.dma_semaphore, #tpu.memory_space<semaphore_mem>>
      tpu.enqueue_dma source(%arg3 : memref<512xf32, #tpu.memory_space<hbm>>) target(%arg7 : memref<512xf32, #tpu.memory_space<vmem>>) target_semaphore(%run_scoped3A : memref<!tpu.dma_semaphore, #tpu.memory_space<semaphore_mem>>)
      tpu.wait_dma2 semaphore(%run_scoped3A : memref<!tpu.dma_semaphore, #tpu.memory_space<semaphore_mem>>) src(%arg3 : memref<512xf32, #tpu.memory_space<hbm>>) dst(%arg7 : memref<512xf32, #tpu.memory_space<vmem>>)
      tpu.yield
    }) : () -> ()
    %barrier3A = arith.constant 0 : index
    tpu.barrier barrier_id(%barrier3A)
    %mul3A_3 = arith.constant 100352 : i32
    %mul3A_4 = arith.muli %add3A, %mul3A_3 : i32
    %scan3A = arith.constant 0 : i32
    %scan3A_5 = arith.constant 0 : i32
    %scan3A_6 = arith.constant 196 : i32
    %scan3A_7 = arith.addi %scan3A_5, %scan3A_6 : i32
    %scan3A_8 = arith.constant 1 : i32
    scf.for %scan3A_13 = %scan3A_5 to %scan3A_7 step %scan3A_8  : i32 {
      %mul3A_14 = arith.constant 512 : i32
      %mul3A_15 = arith.muli %scan3A_13, %mul3A_14 : i32
      %add3A_16 = arith.addi %mul3A_4, %mul3A_15 : i32
      "tpu.region"() ({
        %run_scoped3A = tpu.sem_alloc : memref<!tpu.dma_semaphore, #tpu.memory_space<semaphore_mem>>
        %dma_start3A = tpu.memref_slice %arg2[%add3A_16] : memref<3211264xi32, #tpu.memory_space<hbm>> -> memref<512xi32, #tpu.memory_space<hbm>>
        %dma_start3A_17 = tpu.memref_slice %arg2[%add3A_16] : memref<3211264xi32, #tpu.memory_space<hbm>> -> memref<512xi32, #tpu.memory_space<hbm>>
        tpu.enqueue_dma source(%dma_start3A_17 : memref<512xi32, #tpu.memory_space<hbm>>) target(%arg6 : memref<512xi32, #tpu.memory_space<vmem>>) target_semaphore(%run_scoped3A : memref<!tpu.dma_semaphore, #tpu.memory_space<semaphore_mem>>)
        %dma_wait3A = tpu.memref_slice %arg2[%add3A_16] : memref<3211264xi32, #tpu.memory_space<hbm>> -> memref<512xi32, #tpu.memory_space<hbm>>
        %dma_wait3A_18 = tpu.memref_slice %arg2[%add3A_16] : memref<3211264xi32, #tpu.memory_space<hbm>> -> memref<512xi32, #tpu.memory_space<hbm>>
        tpu.wait_dma2 semaphore(%run_scoped3A : memref<!tpu.dma_semaphore, #tpu.memory_space<semaphore_mem>>) src(%dma_wait3A_18 : memref<512xi32, #tpu.memory_space<hbm>>) dst(%arg6 : memref<512xi32, #tpu.memory_space<vmem>>)
        tpu.yield
      }) : () -> ()
      "tpu.region"() ({
        %run_scoped3A = tpu.sem_alloc : memref<!tpu.dma_semaphore, #tpu.memory_space<semaphore_mem>>
        %dma_start3A = arith.constant 0 : i32
        %dma_start3A_17 = tpu.memref_slice %arg8[%dma_start3A] : memref<100352xf32, #tpu.memory_space<vmem_shared>> -> memref<100352xf32, #tpu.memory_space<vmem_shared>>
        tpu.enqueue_indirect_dma source(%arg7 : memref<512xf32, #tpu.memory_space<vmem>>) target(%dma_start3A_17 : memref<100352xf32, #tpu.memory_space<vmem_shared>>) offsets(%arg6 : memref<512xi32, #tpu.memory_space<vmem>>) semaphore(%run_scoped3A : memref<!tpu.dma_semaphore, #tpu.memory_space<semaphore_mem>>) {add = true}
        %dma_wait3A = arith.constant 0 : i32
        %dma_wait3A_18 = tpu.memref_slice %arg8[%dma_wait3A] : memref<100352xf32, #tpu.memory_space<vmem_shared>> -> memref<100352xf32, #tpu.memory_space<vmem_shared>>
        tpu.wait_indirect_dma semaphore(%run_scoped3A : memref<!tpu.dma_semaphore, #tpu.memory_space<semaphore_mem>>) src(%arg7 : memref<512xf32, #tpu.memory_space<vmem>>) dst(%dma_wait3A_18 : memref<100352xf32, #tpu.memory_space<vmem_shared>>)
        tpu.yield
      }) : () -> ()
    }
    %scan3A_9 = arith.constant 196 : i32
    %barrier3A_10 = arith.constant 0 : index
    tpu.barrier barrier_id(%barrier3A_10)
    %mul3A_11 = arith.constant 6272 : i32
    %mul3A_12 = arith.muli %arg1, %mul3A_11 : i32
    "tpu.region"() ({
      %run_scoped3A = tpu.sem_alloc : memref<!tpu.dma_semaphore, #tpu.memory_space<semaphore_mem>>
      %dma_start3A = arith.constant 0 : i32
      %dma_start3A_13 = tpu.memref_slice %arg5[%arg0, %arg1, %dma_start3A] : memref<2x16x6272xf32, #tpu.memory_space<hbm>> -> memref<1x1x6272xf32, #tpu.memory_space<hbm>>
      %dma_start3A_14 = tpu.memref_squeeze %dma_start3A_13 : memref<1x1x6272xf32, #tpu.memory_space<hbm>> -> memref<6272xf32, #tpu.memory_space<hbm>>
      %dma_start3A_15 = tpu.memref_slice %arg8[%mul3A_12] : memref<100352xf32, #tpu.memory_space<vmem_shared>> -> memref<6272xf32, #tpu.memory_space<vmem_shared>>
      tpu.enqueue_dma source(%dma_start3A_15 : memref<6272xf32, #tpu.memory_space<vmem_shared>>) target(%dma_start3A_14 : memref<6272xf32, #tpu.memory_space<hbm>>) target_semaphore(%run_scoped3A : memref<!tpu.dma_semaphore, #tpu.memory_space<semaphore_mem>>)
      %dma_wait3A = arith.constant 0 : i32
      %dma_wait3A_16 = tpu.memref_slice %arg5[%arg0, %arg1, %dma_wait3A] : memref<2x16x6272xf32, #tpu.memory_space<hbm>> -> memref<1x1x6272xf32, #tpu.memory_space<hbm>>
      %dma_wait3A_17 = tpu.memref_squeeze %dma_wait3A_16 : memref<1x1x6272xf32, #tpu.memory_space<hbm>> -> memref<6272xf32, #tpu.memory_space<hbm>>
      %dma_wait3A_18 = tpu.memref_slice %arg8[%mul3A_12] : memref<100352xf32, #tpu.memory_space<vmem_shared>> -> memref<6272xf32, #tpu.memory_space<vmem_shared>>
      tpu.wait_dma2 semaphore(%run_scoped3A : memref<!tpu.dma_semaphore, #tpu.memory_space<semaphore_mem>>) src(%dma_wait3A_18 : memref<6272xf32, #tpu.memory_space<vmem_shared>>) dst(%dma_wait3A_17 : memref<6272xf32, #tpu.memory_space<hbm>>)
      tpu.yield
    }) : () -> ()
    return
  }
}

#map = affine_map<(d0, d1) -> (0)>
#map1 = affine_map<(d0, d1) -> (0, 0)>
#map2 = affine_map<(d0, d1) -> (0, 0, 0, 0)>
module attributes {stable_mosaic.version = 14 : i64} {
  func.func @conv1_kernel(%arg0: i32, %arg1: i32, %arg2: memref<3211264xi32, #tpu.memory_space<hbm>>, %arg3: memref<3211264xi32, #tpu.memory_space<hbm>>, %arg4: memref<100352x16xf32, #tpu.memory_space<hbm>>, %arg5: memref<6272x16xf32, #tpu.memory_space<hbm>>, %arg6: memref<2x16x6272x16xf32, #tpu.memory_space<hbm>>, %arg7: memref<512xi32, #tpu.memory_space<vmem>>, %arg8: memref<512xi32, #tpu.memory_space<vmem>>, %arg9: memref<512xi32, #tpu.memory_space<vmem>>, %arg10: memref<512xi32, #tpu.memory_space<vmem>>, %arg11: memref<512x16xf32, #tpu.memory_space<vmem>>, %arg12: memref<512x16xf32, #tpu.memory_space<vmem>>, %arg13: memref<100352x16xf32, #tpu.memory_space<vmem_shared>>, %arg14: memref<!tpu.dma_semaphore, #tpu.memory_space<semaphore_mem>>, %arg15: memref<!tpu.dma_semaphore, #tpu.memory_space<semaphore_mem>>) attributes {dimension_semantics = [#tpu.dimension_semantics<core_parallel>, #tpu.dimension_semantics<subcore_parallel>], iteration_bounds = array<i64: 2, 16>, scalar_prefetch = 0 : i64, scratch_operands = 9 : i64, tpu.core_type = #tpu.core_type<sc_vector_subcore>, window_params = [{transform_indices = #map}, {transform_indices = #map}, {transform_indices = #map1}, {transform_indices = #map1}, {transform_indices = #map2}]} {
    %mul3A = arith.constant 16 : i32
    %mul3A_0 = arith.muli %arg0, %mul3A : i32
    %add3A = arith.addi %mul3A_0, %arg1 : i32
    %mul3A_1 = arith.constant 6272 : i32
    %mul3A_2 = arith.muli %arg1, %mul3A_1 : i32
    "tpu.region"() ({
      %run_scoped3A = tpu.sem_alloc : memref<!tpu.dma_semaphore, #tpu.memory_space<semaphore_mem>>
      %dma_start3A_15 = arith.constant 0 : i32
      %dma_start3A_16 = tpu.memref_slice %arg13[%mul3A_2, %dma_start3A_15] : memref<100352x16xf32, #tpu.memory_space<vmem_shared>> -> memref<6272x16xf32, #tpu.memory_space<vmem_shared>>
      tpu.enqueue_dma source(%arg5 : memref<6272x16xf32, #tpu.memory_space<hbm>>) target(%dma_start3A_16 : memref<6272x16xf32, #tpu.memory_space<vmem_shared>>) target_semaphore(%run_scoped3A : memref<!tpu.dma_semaphore, #tpu.memory_space<semaphore_mem>>)
      %dma_wait3A = arith.constant 0 : i32
      %dma_wait3A_17 = tpu.memref_slice %arg13[%mul3A_2, %dma_wait3A] : memref<100352x16xf32, #tpu.memory_space<vmem_shared>> -> memref<6272x16xf32, #tpu.memory_space<vmem_shared>>
      tpu.wait_dma2 semaphore(%run_scoped3A : memref<!tpu.dma_semaphore, #tpu.memory_space<semaphore_mem>>) src(%arg5 : memref<6272x16xf32, #tpu.memory_space<hbm>>) dst(%dma_wait3A_17 : memref<6272x16xf32, #tpu.memory_space<vmem_shared>>)
      tpu.yield
    }) : () -> ()
    %barrier3A = arith.constant 0 : index
    tpu.barrier barrier_id(%barrier3A)
    %mul3A_3 = arith.constant 100352 : i32
    %mul3A_4 = arith.muli %add3A, %mul3A_3 : i32
    "tpu.region"() ({
      %run_scoped3A = tpu.sem_alloc : memref<!tpu.dma_semaphore, #tpu.memory_space<semaphore_mem>>
      %dma_start3A_15 = tpu.memref_slice %arg2[%mul3A_4] : memref<3211264xi32, #tpu.memory_space<hbm>> -> memref<512xi32, #tpu.memory_space<hbm>>
      %dma_start3A_16 = tpu.memref_slice %arg2[%mul3A_4] : memref<3211264xi32, #tpu.memory_space<hbm>> -> memref<512xi32, #tpu.memory_space<hbm>>
      tpu.enqueue_dma source(%dma_start3A_16 : memref<512xi32, #tpu.memory_space<hbm>>) target(%arg7 : memref<512xi32, #tpu.memory_space<vmem>>) target_semaphore(%run_scoped3A : memref<!tpu.dma_semaphore, #tpu.memory_space<semaphore_mem>>)
      %dma_wait3A = tpu.memref_slice %arg2[%mul3A_4] : memref<3211264xi32, #tpu.memory_space<hbm>> -> memref<512xi32, #tpu.memory_space<hbm>>
      %dma_wait3A_17 = tpu.memref_slice %arg2[%mul3A_4] : memref<3211264xi32, #tpu.memory_space<hbm>> -> memref<512xi32, #tpu.memory_space<hbm>>
      tpu.wait_dma2 semaphore(%run_scoped3A : memref<!tpu.dma_semaphore, #tpu.memory_space<semaphore_mem>>) src(%dma_wait3A_17 : memref<512xi32, #tpu.memory_space<hbm>>) dst(%arg7 : memref<512xi32, #tpu.memory_space<vmem>>)
      tpu.yield
    }) : () -> ()
    "tpu.region"() ({
      %run_scoped3A = tpu.sem_alloc : memref<!tpu.dma_semaphore, #tpu.memory_space<semaphore_mem>>
      %dma_start3A_15 = tpu.memref_slice %arg3[%mul3A_4] : memref<3211264xi32, #tpu.memory_space<hbm>> -> memref<512xi32, #tpu.memory_space<hbm>>
      %dma_start3A_16 = tpu.memref_slice %arg3[%mul3A_4] : memref<3211264xi32, #tpu.memory_space<hbm>> -> memref<512xi32, #tpu.memory_space<hbm>>
      tpu.enqueue_dma source(%dma_start3A_16 : memref<512xi32, #tpu.memory_space<hbm>>) target(%arg8 : memref<512xi32, #tpu.memory_space<vmem>>) target_semaphore(%run_scoped3A : memref<!tpu.dma_semaphore, #tpu.memory_space<semaphore_mem>>)
      %dma_wait3A = tpu.memref_slice %arg3[%mul3A_4] : memref<3211264xi32, #tpu.memory_space<hbm>> -> memref<512xi32, #tpu.memory_space<hbm>>
      %dma_wait3A_17 = tpu.memref_slice %arg3[%mul3A_4] : memref<3211264xi32, #tpu.memory_space<hbm>> -> memref<512xi32, #tpu.memory_space<hbm>>
      tpu.wait_dma2 semaphore(%run_scoped3A : memref<!tpu.dma_semaphore, #tpu.memory_space<semaphore_mem>>) src(%dma_wait3A_17 : memref<512xi32, #tpu.memory_space<hbm>>) dst(%arg8 : memref<512xi32, #tpu.memory_space<vmem>>)
      tpu.yield
    }) : () -> ()
    %dma_start3A = arith.constant 0 : i32
    %dma_start3A_5 = arith.constant 0 : i32
    %dma_start3A_6 = tpu.memref_slice %arg4[%dma_start3A, %dma_start3A_5] : memref<100352x16xf32, #tpu.memory_space<hbm>> -> memref<100352x16xf32, #tpu.memory_space<hbm>>
    tpu.enqueue_indirect_dma source(%dma_start3A_6 : memref<100352x16xf32, #tpu.memory_space<hbm>>) target(%arg11 : memref<512x16xf32, #tpu.memory_space<vmem>>) offsets(%arg7 : memref<512xi32, #tpu.memory_space<vmem>>) semaphore(%arg14 : memref<!tpu.dma_semaphore, #tpu.memory_space<semaphore_mem>>)
    %scan3A = arith.constant 0 : i32
    %scan3A_7 = arith.constant 0 : i32
    %scan3A_8 = arith.constant 98 : i32
    %scan3A_9 = arith.addi %scan3A_7, %scan3A_8 : i32
    %scan3A_10 = arith.constant 1 : i32
    scf.for %scan3A_15 = %scan3A_7 to %scan3A_9 step %scan3A_10  : i32 {
      %mul3A_16 = arith.constant 2 : i32
      %mul3A_17 = arith.muli %mul3A_16, %scan3A_15 : i32
      %add3A_18 = arith.constant 1 : i32
      %add3A_19 = arith.addi %mul3A_17, %add3A_18 : i32
      %mul3A_20 = arith.constant 512 : i32
      %mul3A_21 = arith.muli %add3A_19, %mul3A_20 : i32
      %add3A_22 = arith.addi %mul3A_4, %mul3A_21 : i32
      "tpu.region"() ({
        %run_scoped3A = tpu.sem_alloc : memref<!tpu.dma_semaphore, #tpu.memory_space<semaphore_mem>>
        %dma_start3A_35 = tpu.memref_slice %arg2[%add3A_22] : memref<3211264xi32, #tpu.memory_space<hbm>> -> memref<512xi32, #tpu.memory_space<hbm>>
        %dma_start3A_36 = tpu.memref_slice %arg2[%add3A_22] : memref<3211264xi32, #tpu.memory_space<hbm>> -> memref<512xi32, #tpu.memory_space<hbm>>
        tpu.enqueue_dma source(%dma_start3A_36 : memref<512xi32, #tpu.memory_space<hbm>>) target(%arg9 : memref<512xi32, #tpu.memory_space<vmem>>) target_semaphore(%run_scoped3A : memref<!tpu.dma_semaphore, #tpu.memory_space<semaphore_mem>>)
        %dma_wait3A_37 = tpu.memref_slice %arg2[%add3A_22] : memref<3211264xi32, #tpu.memory_space<hbm>> -> memref<512xi32, #tpu.memory_space<hbm>>
        %dma_wait3A_38 = tpu.memref_slice %arg2[%add3A_22] : memref<3211264xi32, #tpu.memory_space<hbm>> -> memref<512xi32, #tpu.memory_space<hbm>>
        tpu.wait_dma2 semaphore(%run_scoped3A : memref<!tpu.dma_semaphore, #tpu.memory_space<semaphore_mem>>) src(%dma_wait3A_38 : memref<512xi32, #tpu.memory_space<hbm>>) dst(%arg9 : memref<512xi32, #tpu.memory_space<vmem>>)
        tpu.yield
      }) : () -> ()
      "tpu.region"() ({
        %run_scoped3A = tpu.sem_alloc : memref<!tpu.dma_semaphore, #tpu.memory_space<semaphore_mem>>
        %dma_start3A_35 = tpu.memref_slice %arg3[%add3A_22] : memref<3211264xi32, #tpu.memory_space<hbm>> -> memref<512xi32, #tpu.memory_space<hbm>>
        %dma_start3A_36 = tpu.memref_slice %arg3[%add3A_22] : memref<3211264xi32, #tpu.memory_space<hbm>> -> memref<512xi32, #tpu.memory_space<hbm>>
        tpu.enqueue_dma source(%dma_start3A_36 : memref<512xi32, #tpu.memory_space<hbm>>) target(%arg10 : memref<512xi32, #tpu.memory_space<vmem>>) target_semaphore(%run_scoped3A : memref<!tpu.dma_semaphore, #tpu.memory_space<semaphore_mem>>)
        %dma_wait3A_37 = tpu.memref_slice %arg3[%add3A_22] : memref<3211264xi32, #tpu.memory_space<hbm>> -> memref<512xi32, #tpu.memory_space<hbm>>
        %dma_wait3A_38 = tpu.memref_slice %arg3[%add3A_22] : memref<3211264xi32, #tpu.memory_space<hbm>> -> memref<512xi32, #tpu.memory_space<hbm>>
        tpu.wait_dma2 semaphore(%run_scoped3A : memref<!tpu.dma_semaphore, #tpu.memory_space<semaphore_mem>>) src(%dma_wait3A_38 : memref<512xi32, #tpu.memory_space<hbm>>) dst(%arg10 : memref<512xi32, #tpu.memory_space<vmem>>)
        tpu.yield
      }) : () -> ()
      %dma_start3A_23 = arith.constant 0 : i32
      %dma_start3A_24 = arith.constant 0 : i32
      %dma_start3A_25 = tpu.memref_slice %arg4[%dma_start3A_23, %dma_start3A_24] : memref<100352x16xf32, #tpu.memory_space<hbm>> -> memref<100352x16xf32, #tpu.memory_space<hbm>>
      tpu.enqueue_indirect_dma source(%dma_start3A_25 : memref<100352x16xf32, #tpu.memory_space<hbm>>) target(%arg12 : memref<512x16xf32, #tpu.memory_space<vmem>>) offsets(%arg9 : memref<512xi32, #tpu.memory_space<vmem>>) semaphore(%arg15 : memref<!tpu.dma_semaphore, #tpu.memory_space<semaphore_mem>>)
      %dma_wait3A = arith.constant 0 : i32
      %dma_wait3A_26 = arith.constant 0 : i32
      %dma_wait3A_27 = tpu.memref_slice %arg4[%dma_wait3A, %dma_wait3A_26] : memref<100352x16xf32, #tpu.memory_space<hbm>> -> memref<100352x16xf32, #tpu.memory_space<hbm>>
      tpu.wait_indirect_dma semaphore(%arg14 : memref<!tpu.dma_semaphore, #tpu.memory_space<semaphore_mem>>) src(%dma_wait3A_27 : memref<100352x16xf32, #tpu.memory_space<hbm>>) dst(%arg11 : memref<512x16xf32, #tpu.memory_space<vmem>>)
      "tpu.region"() ({
        %run_scoped3A = tpu.sem_alloc : memref<!tpu.dma_semaphore, #tpu.memory_space<semaphore_mem>>
        %dma_start3A_35 = arith.constant 0 : i32
        %dma_start3A_36 = arith.constant 0 : i32
        %dma_start3A_37 = tpu.memref_slice %arg13[%dma_start3A_35, %dma_start3A_36] : memref<100352x16xf32, #tpu.memory_space<vmem_shared>> -> memref<100352x16xf32, #tpu.memory_space<vmem_shared>>
        tpu.enqueue_indirect_dma source(%arg11 : memref<512x16xf32, #tpu.memory_space<vmem>>) target(%dma_start3A_37 : memref<100352x16xf32, #tpu.memory_space<vmem_shared>>) offsets(%arg8 : memref<512xi32, #tpu.memory_space<vmem>>) semaphore(%run_scoped3A : memref<!tpu.dma_semaphore, #tpu.memory_space<semaphore_mem>>) {add = true}
        %dma_wait3A_38 = arith.constant 0 : i32
        %dma_wait3A_39 = arith.constant 0 : i32
        %dma_wait3A_40 = tpu.memref_slice %arg13[%dma_wait3A_38, %dma_wait3A_39] : memref<100352x16xf32, #tpu.memory_space<vmem_shared>> -> memref<100352x16xf32, #tpu.memory_space<vmem_shared>>
        tpu.wait_indirect_dma semaphore(%run_scoped3A : memref<!tpu.dma_semaphore, #tpu.memory_space<semaphore_mem>>) src(%arg11 : memref<512x16xf32, #tpu.memory_space<vmem>>) dst(%dma_wait3A_40 : memref<100352x16xf32, #tpu.memory_space<vmem_shared>>)
        tpu.yield
      }) : () -> ()
      %add3A_28 = arith.constant 1 : i32
      %add3A_29 = arith.addi %scan3A_15, %add3A_28 : i32
      %lt3A = arith.constant 98 : i32
      %lt3A_30 = arith.cmpi slt, %add3A_29, %lt3A : i32
      %convert_element_type3A = arith.extui %lt3A_30 : i1 to i32
      %cond3A = arith.constant 0 : i32
      %cond3A_31 = arith.cmpi ne, %convert_element_type3A, %cond3A : i32
      scf.if %cond3A_31 {
        %mul3A_35 = arith.constant 2 : i32
        %mul3A_36 = arith.muli %mul3A_35, %scan3A_15 : i32
        %add3A_37 = arith.constant 2 : i32
        %add3A_38 = arith.addi %mul3A_36, %add3A_37 : i32
        %mul3A_39 = arith.constant 512 : i32
        %mul3A_40 = arith.muli %add3A_38, %mul3A_39 : i32
        %add3A_41 = arith.addi %mul3A_4, %mul3A_40 : i32
        "tpu.region"() ({
          %run_scoped3A = tpu.sem_alloc : memref<!tpu.dma_semaphore, #tpu.memory_space<semaphore_mem>>
          %dma_start3A_45 = tpu.memref_slice %arg2[%add3A_41] : memref<3211264xi32, #tpu.memory_space<hbm>> -> memref<512xi32, #tpu.memory_space<hbm>>
          %dma_start3A_46 = tpu.memref_slice %arg2[%add3A_41] : memref<3211264xi32, #tpu.memory_space<hbm>> -> memref<512xi32, #tpu.memory_space<hbm>>
          tpu.enqueue_dma source(%dma_start3A_46 : memref<512xi32, #tpu.memory_space<hbm>>) target(%arg7 : memref<512xi32, #tpu.memory_space<vmem>>) target_semaphore(%run_scoped3A : memref<!tpu.dma_semaphore, #tpu.memory_space<semaphore_mem>>)
          %dma_wait3A_47 = tpu.memref_slice %arg2[%add3A_41] : memref<3211264xi32, #tpu.memory_space<hbm>> -> memref<512xi32, #tpu.memory_space<hbm>>
          %dma_wait3A_48 = tpu.memref_slice %arg2[%add3A_41] : memref<3211264xi32, #tpu.memory_space<hbm>> -> memref<512xi32, #tpu.memory_space<hbm>>
          tpu.wait_dma2 semaphore(%run_scoped3A : memref<!tpu.dma_semaphore, #tpu.memory_space<semaphore_mem>>) src(%dma_wait3A_48 : memref<512xi32, #tpu.memory_space<hbm>>) dst(%arg7 : memref<512xi32, #tpu.memory_space<vmem>>)
          tpu.yield
        }) : () -> ()
        "tpu.region"() ({
          %run_scoped3A = tpu.sem_alloc : memref<!tpu.dma_semaphore, #tpu.memory_space<semaphore_mem>>
          %dma_start3A_45 = tpu.memref_slice %arg3[%add3A_41] : memref<3211264xi32, #tpu.memory_space<hbm>> -> memref<512xi32, #tpu.memory_space<hbm>>
          %dma_start3A_46 = tpu.memref_slice %arg3[%add3A_41] : memref<3211264xi32, #tpu.memory_space<hbm>> -> memref<512xi32, #tpu.memory_space<hbm>>
          tpu.enqueue_dma source(%dma_start3A_46 : memref<512xi32, #tpu.memory_space<hbm>>) target(%arg8 : memref<512xi32, #tpu.memory_space<vmem>>) target_semaphore(%run_scoped3A : memref<!tpu.dma_semaphore, #tpu.memory_space<semaphore_mem>>)
          %dma_wait3A_47 = tpu.memref_slice %arg3[%add3A_41] : memref<3211264xi32, #tpu.memory_space<hbm>> -> memref<512xi32, #tpu.memory_space<hbm>>
          %dma_wait3A_48 = tpu.memref_slice %arg3[%add3A_41] : memref<3211264xi32, #tpu.memory_space<hbm>> -> memref<512xi32, #tpu.memory_space<hbm>>
          tpu.wait_dma2 semaphore(%run_scoped3A : memref<!tpu.dma_semaphore, #tpu.memory_space<semaphore_mem>>) src(%dma_wait3A_48 : memref<512xi32, #tpu.memory_space<hbm>>) dst(%arg8 : memref<512xi32, #tpu.memory_space<vmem>>)
          tpu.yield
        }) : () -> ()
        %dma_start3A_42 = arith.constant 0 : i32
        %dma_start3A_43 = arith.constant 0 : i32
        %dma_start3A_44 = tpu.memref_slice %arg4[%dma_start3A_42, %dma_start3A_43] : memref<100352x16xf32, #tpu.memory_space<hbm>> -> memref<100352x16xf32, #tpu.memory_space<hbm>>
        tpu.enqueue_indirect_dma source(%dma_start3A_44 : memref<100352x16xf32, #tpu.memory_space<hbm>>) target(%arg11 : memref<512x16xf32, #tpu.memory_space<vmem>>) offsets(%arg7 : memref<512xi32, #tpu.memory_space<vmem>>) semaphore(%arg14 : memref<!tpu.dma_semaphore, #tpu.memory_space<semaphore_mem>>)
      } else {
      }
      %dma_wait3A_32 = arith.constant 0 : i32
      %dma_wait3A_33 = arith.constant 0 : i32
      %dma_wait3A_34 = tpu.memref_slice %arg4[%dma_wait3A_32, %dma_wait3A_33] : memref<100352x16xf32, #tpu.memory_space<hbm>> -> memref<100352x16xf32, #tpu.memory_space<hbm>>
      tpu.wait_indirect_dma semaphore(%arg15 : memref<!tpu.dma_semaphore, #tpu.memory_space<semaphore_mem>>) src(%dma_wait3A_34 : memref<100352x16xf32, #tpu.memory_space<hbm>>) dst(%arg12 : memref<512x16xf32, #tpu.memory_space<vmem>>)
      "tpu.region"() ({
        %run_scoped3A = tpu.sem_alloc : memref<!tpu.dma_semaphore, #tpu.memory_space<semaphore_mem>>
        %dma_start3A_35 = arith.constant 0 : i32
        %dma_start3A_36 = arith.constant 0 : i32
        %dma_start3A_37 = tpu.memref_slice %arg13[%dma_start3A_35, %dma_start3A_36] : memref<100352x16xf32, #tpu.memory_space<vmem_shared>> -> memref<100352x16xf32, #tpu.memory_space<vmem_shared>>
        tpu.enqueue_indirect_dma source(%arg12 : memref<512x16xf32, #tpu.memory_space<vmem>>) target(%dma_start3A_37 : memref<100352x16xf32, #tpu.memory_space<vmem_shared>>) offsets(%arg10 : memref<512xi32, #tpu.memory_space<vmem>>) semaphore(%run_scoped3A : memref<!tpu.dma_semaphore, #tpu.memory_space<semaphore_mem>>) {add = true}
        %dma_wait3A_38 = arith.constant 0 : i32
        %dma_wait3A_39 = arith.constant 0 : i32
        %dma_wait3A_40 = tpu.memref_slice %arg13[%dma_wait3A_38, %dma_wait3A_39] : memref<100352x16xf32, #tpu.memory_space<vmem_shared>> -> memref<100352x16xf32, #tpu.memory_space<vmem_shared>>
        tpu.wait_indirect_dma semaphore(%run_scoped3A : memref<!tpu.dma_semaphore, #tpu.memory_space<semaphore_mem>>) src(%arg12 : memref<512x16xf32, #tpu.memory_space<vmem>>) dst(%dma_wait3A_40 : memref<100352x16xf32, #tpu.memory_space<vmem_shared>>)
        tpu.yield
      }) : () -> ()
    }
    %scan3A_11 = arith.constant 98 : i32
    %barrier3A_12 = arith.constant 0 : index
    tpu.barrier barrier_id(%barrier3A_12)
    %mul3A_13 = arith.constant 6272 : i32
    %mul3A_14 = arith.muli %arg1, %mul3A_13 : i32
    "tpu.region"() ({
      %run_scoped3A = tpu.sem_alloc : memref<!tpu.dma_semaphore, #tpu.memory_space<semaphore_mem>>
      %dma_start3A_15 = arith.constant 0 : i32
      %dma_start3A_16 = arith.constant 0 : i32
      %dma_start3A_17 = tpu.memref_slice %arg6[%arg0, %arg1, %dma_start3A_15, %dma_start3A_16] : memref<2x16x6272x16xf32, #tpu.memory_space<hbm>> -> memref<1x1x6272x16xf32, #tpu.memory_space<hbm>>
      %dma_start3A_18 = tpu.memref_squeeze %dma_start3A_17 : memref<1x1x6272x16xf32, #tpu.memory_space<hbm>> -> memref<6272x16xf32, #tpu.memory_space<hbm>>
      %dma_start3A_19 = arith.constant 0 : i32
      %dma_start3A_20 = tpu.memref_slice %arg13[%mul3A_14, %dma_start3A_19] : memref<100352x16xf32, #tpu.memory_space<vmem_shared>> -> memref<6272x16xf32, #tpu.memory_space<vmem_shared>>
      tpu.enqueue_dma source(%dma_start3A_20 : memref<6272x16xf32, #tpu.memory_space<vmem_shared>>) target(%dma_start3A_18 : memref<6272x16xf32, #tpu.memory_space<hbm>>) target_semaphore(%run_scoped3A : memref<!tpu.dma_semaphore, #tpu.memory_space<semaphore_mem>>)
      %dma_wait3A = arith.constant 0 : i32
      %dma_wait3A_21 = arith.constant 0 : i32
      %dma_wait3A_22 = tpu.memref_slice %arg6[%arg0, %arg1, %dma_wait3A, %dma_wait3A_21] : memref<2x16x6272x16xf32, #tpu.memory_space<hbm>> -> memref<1x1x6272x16xf32, #tpu.memory_space<hbm>>
      %dma_wait3A_23 = tpu.memref_squeeze %dma_wait3A_22 : memref<1x1x6272x16xf32, #tpu.memory_space<hbm>> -> memref<6272x16xf32, #tpu.memory_space<hbm>>
      %dma_wait3A_24 = arith.constant 0 : i32
      %dma_wait3A_25 = tpu.memref_slice %arg13[%mul3A_14, %dma_wait3A_24] : memref<100352x16xf32, #tpu.memory_space<vmem_shared>> -> memref<6272x16xf32, #tpu.memory_space<vmem_shared>>
      tpu.wait_dma2 semaphore(%run_scoped3A : memref<!tpu.dma_semaphore, #tpu.memory_space<semaphore_mem>>) src(%dma_wait3A_25 : memref<6272x16xf32, #tpu.memory_space<vmem_shared>>) dst(%dma_wait3A_23 : memref<6272x16xf32, #tpu.memory_space<hbm>>)
      tpu.yield
    }) : () -> ()
    return
  }
}

module attributes {stable_mosaic.version = 14 : i64} {
  func.func @body(%arg0: i32, %arg1: memref<512x2xf32, #tpu.memory_space<vmem>>, %arg2: memref<512x16xf32, #tpu.memory_space<vmem>>, %arg3: memref<512x16xf32, #tpu.memory_space<vmem>>, %arg4: memref<512x16xf32, #tpu.memory_space<vmem>>) attributes {dimension_semantics = [#tpu.dimension_semantics<arbitrary>], iteration_bounds = array<i64: 196>, scalar_prefetch = 0 : i64, scratch_operands = 0 : i64, tpu.core_type = #tpu.core_type<tc>, window_params = [{transform_indices = @transform_0, window_bounds = array<i64: 512, 2>}, {transform_indices = @transform_1, window_bounds = array<i64: 512, 16>}, {transform_indices = @transform_2, window_bounds = array<i64: 512, 16>}, {transform_indices = @transform_3, window_bounds = array<i64: 512, 16>}]} {
    %get3A = arith.constant 0 : index
    %get3A_0 = arith.constant 0 : index
    %get3A_1 = vector.load %arg1[%get3A, %get3A_0] : memref<512x2xf32, #tpu.memory_space<vmem>>, vector<512x1xf32>
    %get3A_2 = arith.constant 0 : index
    %get3A_3 = arith.constant 1 : index
    %get3A_4 = vector.load %arg1[%get3A_2, %get3A_3] : memref<512x2xf32, #tpu.memory_space<vmem>>, vector<512x1xf32>
    %add3A = arith.addf %get3A_1, %get3A_4 : vector<512x1xf32>
    %add3A_5 = arith.constant 1.000000e+00 : f32
    %add3A_6 = vector.broadcast %add3A_5 : f32 to vector<512x1xf32>
    %add3A_7 = arith.addf %add3A, %add3A_6 : vector<512x1xf32>
    %rsqrt3A = math.rsqrt %add3A_7 : vector<512x1xf32>
    %broadcast_in_dim3A = vector.shape_cast %rsqrt3A : vector<512x1xf32> to vector<512x1xf32>
    %broadcast_in_dim3A_8 = vector.broadcast %broadcast_in_dim3A : vector<512x1xf32> to vector<512x16xf32>
    %swap3A = arith.constant 0 : index
    %swap3A_9 = arith.constant 0 : index
    %swap3A_10 = vector.load %arg4[%swap3A, %swap3A_9] : memref<512x16xf32, #tpu.memory_space<vmem>>, vector<512x16xf32>
    tpu.vector_store %arg4[%swap3A, %swap3A_9], %broadcast_in_dim3A_8 {strides = array<i32>} : memref<512x16xf32, #tpu.memory_space<vmem>>, vector<512x16xf32>,
    %get3A_11 = arith.constant 0 : index
    %get3A_12 = arith.constant 0 : index
    %get3A_13 = vector.load %arg2[%get3A_11, %get3A_12] : memref<512x16xf32, #tpu.memory_space<vmem>>, vector<512x16xf32>
    %convert_element_type3A = arith.truncf %get3A_13 : vector<512x16xf32> to vector<512x16xbf16>
    %convert_element_type3A_14 = arith.extf %convert_element_type3A : vector<512x16xbf16> to vector<512x16xf32>
    %mul3A = arith.mulf %convert_element_type3A_14, %broadcast_in_dim3A_8 : vector<512x16xf32>
    %swap3A_15 = arith.constant 0 : index
    %swap3A_16 = arith.constant 0 : index
    %swap3A_17 = vector.load %arg3[%swap3A_15, %swap3A_16] : memref<512x16xf32, #tpu.memory_space<vmem>>, vector<512x16xf32>
    tpu.vector_store %arg3[%swap3A_15, %swap3A_16], %mul3A {strides = array<i32>} : memref<512x16xf32, #tpu.memory_space<vmem>>, vector<512x16xf32>,
    return
  }
  func.func @transform_0(%arg0: i32) -> (i32, i32) {
    %c0_i32 = arith.constant 0 : i32
    %c0_i32_0 = arith.constant 0 : i32
    return %arg0, %c0_i32 : i32, i32
  }
  func.func @transform_1(%arg0: i32) -> (i32, i32) {
    %c0_i32 = arith.constant 0 : i32
    %c0_i32_0 = arith.constant 0 : i32
    return %arg0, %c0_i32 : i32, i32
  }
  func.func @transform_2(%arg0: i32) -> (i32, i32) {
    %c0_i32 = arith.constant 0 : i32
    %c0_i32_0 = arith.constant 0 : i32
    return %arg0, %c0_i32 : i32, i32
  }
  func.func @transform_3(%arg0: i32) -> (i32, i32) {
    %c0_i32 = arith.constant 0 : i32
    %c0_i32_0 = arith.constant 0 : i32
    return %arg0, %c0_i32 : i32, i32
  }
}

module attributes {stable_mosaic.version = 14 : i64} {
  func.func @body(%arg0: i32, %arg1: memref<2x512x16xf32, #tpu.memory_space<vmem>>, %arg2: memref<512x16xf32, #tpu.memory_space<vmem>>, %arg3: memref<512x16xf32, #tpu.memory_space<vmem>>, %arg4: memref<16x160xf32, #tpu.memory_space<vmem>>, %arg5: memref<1x160xf32, #tpu.memory_space<vmem>>, %arg6: memref<10x512x16xf32, #tpu.memory_space<vmem>>) attributes {dimension_semantics = [#tpu.dimension_semantics<arbitrary>], iteration_bounds = array<i64: 196>, scalar_prefetch = 0 : i64, scratch_operands = 0 : i64, tpu.core_type = #tpu.core_type<tc>, window_params = [{transform_indices = @transform_0, window_bounds = array<i64: 2, 512, 16>}, {transform_indices = @transform_1, window_bounds = array<i64: 512, 16>}, {transform_indices = @transform_2, window_bounds = array<i64: 512, 16>}, {pipeline_mode = #tpu.pipeline_mode<synchronous>, transform_indices = @transform_3, window_bounds = array<i64: 16, 160>}, {pipeline_mode = #tpu.pipeline_mode<synchronous>, transform_indices = @transform_4, window_bounds = array<i64: 1, 160>}, {transform_indices = @transform_5, window_bounds = array<i64: 10, 512, 16>}]} {
    %get3A = arith.constant 0 : index
    %get3A_0 = arith.constant 0 : index
    %get3A_1 = vector.load %arg3[%get3A, %get3A_0] : memref<512x16xf32, #tpu.memory_space<vmem>>, vector<512x16xf32>
    %get3A_2 = arith.constant 0 : index
    %get3A_3 = arith.constant 0 : index
    %get3A_4 = arith.constant 0 : index
    %get3A_5 = vector.load %arg1[%get3A_2, %get3A_3, %get3A_4] : memref<2x512x16xf32, #tpu.memory_space<vmem>>, vector<1x512x16xf32>
    %get3A_6 = vector.shape_cast %get3A_5 : vector<1x512x16xf32> to vector<512x16xf32>
    %get3A_7 = arith.constant 1 : index
    %get3A_8 = arith.constant 0 : index
    %get3A_9 = arith.constant 0 : index
    %get3A_10 = vector.load %arg1[%get3A_7, %get3A_8, %get3A_9] : memref<2x512x16xf32, #tpu.memory_space<vmem>>, vector<1x512x16xf32>
    %get3A_11 = vector.shape_cast %get3A_10 : vector<1x512x16xf32> to vector<512x16xf32>
    %add3A = arith.addf %get3A_6, %get3A_11 : vector<512x16xf32>
    %get3A_12 = arith.constant 0 : index
    %get3A_13 = arith.constant 0 : index
    %get3A_14 = vector.load %arg2[%get3A_12, %get3A_13] : memref<512x16xf32, #tpu.memory_space<vmem>>, vector<512x16xf32>
    %add3A_15 = arith.addf %add3A, %get3A_14 : vector<512x16xf32>
    %mul3A = arith.mulf %add3A_15, %get3A_1 : vector<512x16xf32>
    %get3A_16 = arith.constant 0 : index
    %get3A_17 = arith.constant 0 : index
    %get3A_18 = vector.load %arg4[%get3A_16, %get3A_17] : memref<16x160xf32, #tpu.memory_space<vmem>>, vector<16x160xf32>
    %convert_element_type3A = arith.truncf %get3A_18 : vector<16x160xf32> to vector<16x160xbf16>
    %convert_element_type3A_19 = arith.extf %convert_element_type3A : vector<16x160xbf16> to vector<16x160xf32>
    %dot_general3A = arith.constant dense<0.000000e+00> : vector<512x160xf32>
    %dot_general3A_20 = tpu.matmul %mul3A, %convert_element_type3A_19, %dot_general3A {dimension_numbers = #tpu.dot_dimension_numbers<[1], [0], [0], [1], [0, 0, 1, 1], [], []>, precision = #tpu.contract_precision<fp32>, transpose_lhs_hint = false} : vector<512x16xf32>, vector<16x160xf32>, vector<512x160xf32> -> vector<512x160xf32>
    %get3A_21 = arith.constant 0 : index
    %get3A_22 = arith.constant 0 : index
    %get3A_23 = vector.load %arg5[%get3A_21, %get3A_22] : memref<1x160xf32, #tpu.memory_space<vmem>>, vector<1x160xf32>
    %add3A_24 = vector.broadcast %get3A_23 : vector<1x160xf32> to vector<512x160xf32>
    %add3A_25 = arith.addf %dot_general3A_20, %add3A_24 : vector<512x160xf32>
    %max3A = arith.constant 0.000000e+00 : f32
    %max3A_26 = vector.broadcast %max3A : f32 to vector<512x160xf32>
    %max3A_27 = arith.maximumf %add3A_25, %max3A_26 : vector<512x160xf32>
    %slice3A = vector.extract_strided_slice %max3A_27 {offsets = [0, 0], sizes = [512, 16], strides = [1, 1]} : vector<512x160xf32> to vector<512x16xf32>
    %convert_element_type3A_28 = arith.truncf %slice3A : vector<512x16xf32> to vector<512x16xbf16>
    %convert_element_type3A_29 = arith.extf %convert_element_type3A_28 : vector<512x16xbf16> to vector<512x16xf32>
    %mul3A_30 = arith.mulf %convert_element_type3A_29, %get3A_1 : vector<512x16xf32>
    %swap3A = arith.constant 0 : index
    %swap3A_31 = arith.constant 0 : index
    %swap3A_32 = arith.constant 0 : index
    %swap3A_33 = vector.load %arg6[%swap3A, %swap3A_31, %swap3A_32] : memref<10x512x16xf32, #tpu.memory_space<vmem>>, vector<1x512x16xf32>
    %swap3A_34 = vector.shape_cast %swap3A_33 : vector<1x512x16xf32> to vector<512x16xf32>
    %swap3A_35 = vector.shape_cast %mul3A_30 : vector<512x16xf32> to vector<1x512x16xf32>
    tpu.vector_store %arg6[%swap3A, %swap3A_31, %swap3A_32], %swap3A_35 {strides = array<i32>} : memref<10x512x16xf32, #tpu.memory_space<vmem>>, vector<1x512x16xf32>,
    %slice3A_36 = vector.extract_strided_slice %max3A_27 {offsets = [0, 16], sizes = [512, 16], strides = [1, 1]} : vector<512x160xf32> to vector<512x16xf32>
    %convert_element_type3A_37 = arith.truncf %slice3A_36 : vector<512x16xf32> to vector<512x16xbf16>
    %convert_element_type3A_38 = arith.extf %convert_element_type3A_37 : vector<512x16xbf16> to vector<512x16xf32>
    %mul3A_39 = arith.mulf %convert_element_type3A_38, %get3A_1 : vector<512x16xf32>
    %swap3A_40 = arith.constant 1 : index
    %swap3A_41 = arith.constant 0 : index
    %swap3A_42 = arith.constant 0 : index
    %swap3A_43 = vector.load %arg6[%swap3A_40, %swap3A_41, %swap3A_42] : memref<10x512x16xf32, #tpu.memory_space<vmem>>, vector<1x512x16xf32>
    %swap3A_44 = vector.shape_cast %swap3A_43 : vector<1x512x16xf32> to vector<512x16xf32>
    %swap3A_45 = vector.shape_cast %mul3A_39 : vector<512x16xf32> to vector<1x512x16xf32>
    tpu.vector_store %arg6[%swap3A_40, %swap3A_41, %swap3A_42], %swap3A_45 {strides = array<i32>} : memref<10x512x16xf32, #tpu.memory_space<vmem>>, vector<1x512x16xf32>,
    %slice3A_46 = vector.extract_strided_slice %max3A_27 {offsets = [0, 32], sizes = [512, 16], strides = [1, 1]} : vector<512x160xf32> to vector<512x16xf32>
    %convert_element_type3A_47 = arith.truncf %slice3A_46 : vector<512x16xf32> to vector<512x16xbf16>
    %convert_element_type3A_48 = arith.extf %convert_element_type3A_47 : vector<512x16xbf16> to vector<512x16xf32>
    %mul3A_49 = arith.mulf %convert_element_type3A_48, %get3A_1 : vector<512x16xf32>
    %swap3A_50 = arith.constant 2 : index
    %swap3A_51 = arith.constant 0 : index
    %swap3A_52 = arith.constant 0 : index
    %swap3A_53 = vector.load %arg6[%swap3A_50, %swap3A_51, %swap3A_52] : memref<10x512x16xf32, #tpu.memory_space<vmem>>, vector<1x512x16xf32>
    %swap3A_54 = vector.shape_cast %swap3A_53 : vector<1x512x16xf32> to vector<512x16xf32>
    %swap3A_55 = vector.shape_cast %mul3A_49 : vector<512x16xf32> to vector<1x512x16xf32>
    tpu.vector_store %arg6[%swap3A_50, %swap3A_51, %swap3A_52], %swap3A_55 {strides = array<i32>} : memref<10x512x16xf32, #tpu.memory_space<vmem>>, vector<1x512x16xf32>,
    %slice3A_56 = vector.extract_strided_slice %max3A_27 {offsets = [0, 48], sizes = [512, 16], strides = [1, 1]} : vector<512x160xf32> to vector<512x16xf32>
    %convert_element_type3A_57 = arith.truncf %slice3A_56 : vector<512x16xf32> to vector<512x16xbf16>
    %convert_element_type3A_58 = arith.extf %convert_element_type3A_57 : vector<512x16xbf16> to vector<512x16xf32>
    %mul3A_59 = arith.mulf %convert_element_type3A_58, %get3A_1 : vector<512x16xf32>
    %swap3A_60 = arith.constant 3 : index
    %swap3A_61 = arith.constant 0 : index
    %swap3A_62 = arith.constant 0 : index
    %swap3A_63 = vector.load %arg6[%swap3A_60, %swap3A_61, %swap3A_62] : memref<10x512x16xf32, #tpu.memory_space<vmem>>, vector<1x512x16xf32>
    %swap3A_64 = vector.shape_cast %swap3A_63 : vector<1x512x16xf32> to vector<512x16xf32>
    %swap3A_65 = vector.shape_cast %mul3A_59 : vector<512x16xf32> to vector<1x512x16xf32>
    tpu.vector_store %arg6[%swap3A_60, %swap3A_61, %swap3A_62], %swap3A_65 {strides = array<i32>} : memref<10x512x16xf32, #tpu.memory_space<vmem>>, vector<1x512x16xf32>,
    %slice3A_66 = vector.extract_strided_slice %max3A_27 {offsets = [0, 64], sizes = [512, 16], strides = [1, 1]} : vector<512x160xf32> to vector<512x16xf32>
    %convert_element_type3A_67 = arith.truncf %slice3A_66 : vector<512x16xf32> to vector<512x16xbf16>
    %convert_element_type3A_68 = arith.extf %convert_element_type3A_67 : vector<512x16xbf16> to vector<512x16xf32>
    %mul3A_69 = arith.mulf %convert_element_type3A_68, %get3A_1 : vector<512x16xf32>
    %swap3A_70 = arith.constant 4 : index
    %swap3A_71 = arith.constant 0 : index
    %swap3A_72 = arith.constant 0 : index
    %swap3A_73 = vector.load %arg6[%swap3A_70, %swap3A_71, %swap3A_72] : memref<10x512x16xf32, #tpu.memory_space<vmem>>, vector<1x512x16xf32>
    %swap3A_74 = vector.shape_cast %swap3A_73 : vector<1x512x16xf32> to vector<512x16xf32>
    %swap3A_75 = vector.shape_cast %mul3A_69 : vector<512x16xf32> to vector<1x512x16xf32>
    tpu.vector_store %arg6[%swap3A_70, %swap3A_71, %swap3A_72], %swap3A_75 {strides = array<i32>} : memref<10x512x16xf32, #tpu.memory_space<vmem>>, vector<1x512x16xf32>,
    %slice3A_76 = vector.extract_strided_slice %max3A_27 {offsets = [0, 80], sizes = [512, 16], strides = [1, 1]} : vector<512x160xf32> to vector<512x16xf32>
    %convert_element_type3A_77 = arith.truncf %slice3A_76 : vector<512x16xf32> to vector<512x16xbf16>
    %convert_element_type3A_78 = arith.extf %convert_element_type3A_77 : vector<512x16xbf16> to vector<512x16xf32>
    %mul3A_79 = arith.mulf %convert_element_type3A_78, %get3A_1 : vector<512x16xf32>
    %swap3A_80 = arith.constant 5 : index
    %swap3A_81 = arith.constant 0 : index
    %swap3A_82 = arith.constant 0 : index
    %swap3A_83 = vector.load %arg6[%swap3A_80, %swap3A_81, %swap3A_82] : memref<10x512x16xf32, #tpu.memory_space<vmem>>, vector<1x512x16xf32>
    %swap3A_84 = vector.shape_cast %swap3A_83 : vector<1x512x16xf32> to vector<512x16xf32>
    %swap3A_85 = vector.shape_cast %mul3A_79 : vector<512x16xf32> to vector<1x512x16xf32>
    tpu.vector_store %arg6[%swap3A_80, %swap3A_81, %swap3A_82], %swap3A_85 {strides = array<i32>} : memref<10x512x16xf32, #tpu.memory_space<vmem>>, vector<1x512x16xf32>,
    %slice3A_86 = vector.extract_strided_slice %max3A_27 {offsets = [0, 96], sizes = [512, 16], strides = [1, 1]} : vector<512x160xf32> to vector<512x16xf32>
    %convert_element_type3A_87 = arith.truncf %slice3A_86 : vector<512x16xf32> to vector<512x16xbf16>
    %convert_element_type3A_88 = arith.extf %convert_element_type3A_87 : vector<512x16xbf16> to vector<512x16xf32>
    %mul3A_89 = arith.mulf %convert_element_type3A_88, %get3A_1 : vector<512x16xf32>
    %swap3A_90 = arith.constant 6 : index
    %swap3A_91 = arith.constant 0 : index
    %swap3A_92 = arith.constant 0 : index
    %swap3A_93 = vector.load %arg6[%swap3A_90, %swap3A_91, %swap3A_92] : memref<10x512x16xf32, #tpu.memory_space<vmem>>, vector<1x512x16xf32>
    %swap3A_94 = vector.shape_cast %swap3A_93 : vector<1x512x16xf32> to vector<512x16xf32>
    %swap3A_95 = vector.shape_cast %mul3A_89 : vector<512x16xf32> to vector<1x512x16xf32>
    tpu.vector_store %arg6[%swap3A_90, %swap3A_91, %swap3A_92], %swap3A_95 {strides = array<i32>} : memref<10x512x16xf32, #tpu.memory_space<vmem>>, vector<1x512x16xf32>,
    %slice3A_96 = vector.extract_strided_slice %max3A_27 {offsets = [0, 112], sizes = [512, 16], strides = [1, 1]} : vector<512x160xf32> to vector<512x16xf32>
    %convert_element_type3A_97 = arith.truncf %slice3A_96 : vector<512x16xf32> to vector<512x16xbf16>
    %convert_element_type3A_98 = arith.extf %convert_element_type3A_97 : vector<512x16xbf16> to vector<512x16xf32>
    %mul3A_99 = arith.mulf %convert_element_type3A_98, %get3A_1 : vector<512x16xf32>
    %swap3A_100 = arith.constant 7 : index
    %swap3A_101 = arith.constant 0 : index
    %swap3A_102 = arith.constant 0 : index
    %swap3A_103 = vector.load %arg6[%swap3A_100, %swap3A_101, %swap3A_102] : memref<10x512x16xf32, #tpu.memory_space<vmem>>, vector<1x512x16xf32>
    %swap3A_104 = vector.shape_cast %swap3A_103 : vector<1x512x16xf32> to vector<512x16xf32>
    %swap3A_105 = vector.shape_cast %mul3A_99 : vector<512x16xf32> to vector<1x512x16xf32>
    tpu.vector_store %arg6[%swap3A_100, %swap3A_101, %swap3A_102], %swap3A_105 {strides = array<i32>} : memref<10x512x16xf32, #tpu.memory_space<vmem>>, vector<1x512x16xf32>,
    %slice3A_106 = vector.extract_strided_slice %max3A_27 {offsets = [0, 128], sizes = [512, 16], strides = [1, 1]} : vector<512x160xf32> to vector<512x16xf32>
    %convert_element_type3A_107 = arith.truncf %slice3A_106 : vector<512x16xf32> to vector<512x16xbf16>
    %convert_element_type3A_108 = arith.extf %convert_element_type3A_107 : vector<512x16xbf16> to vector<512x16xf32>
    %mul3A_109 = arith.mulf %convert_element_type3A_108, %get3A_1 : vector<512x16xf32>
    %swap3A_110 = arith.constant 8 : index
    %swap3A_111 = arith.constant 0 : index
    %swap3A_112 = arith.constant 0 : index
    %swap3A_113 = vector.load %arg6[%swap3A_110, %swap3A_111, %swap3A_112] : memref<10x512x16xf32, #tpu.memory_space<vmem>>, vector<1x512x16xf32>
    %swap3A_114 = vector.shape_cast %swap3A_113 : vector<1x512x16xf32> to vector<512x16xf32>
    %swap3A_115 = vector.shape_cast %mul3A_109 : vector<512x16xf32> to vector<1x512x16xf32>
    tpu.vector_store %arg6[%swap3A_110, %swap3A_111, %swap3A_112], %swap3A_115 {strides = array<i32>} : memref<10x512x16xf32, #tpu.memory_space<vmem>>, vector<1x512x16xf32>,
    %slice3A_116 = vector.extract_strided_slice %max3A_27 {offsets = [0, 144], sizes = [512, 16], strides = [1, 1]} : vector<512x160xf32> to vector<512x16xf32>
    %convert_element_type3A_117 = arith.truncf %slice3A_116 : vector<512x16xf32> to vector<512x16xbf16>
    %convert_element_type3A_118 = arith.extf %convert_element_type3A_117 : vector<512x16xbf16> to vector<512x16xf32>
    %mul3A_119 = arith.mulf %convert_element_type3A_118, %get3A_1 : vector<512x16xf32>
    %swap3A_120 = arith.constant 9 : index
    %swap3A_121 = arith.constant 0 : index
    %swap3A_122 = arith.constant 0 : index
    %swap3A_123 = vector.load %arg6[%swap3A_120, %swap3A_121, %swap3A_122] : memref<10x512x16xf32, #tpu.memory_space<vmem>>, vector<1x512x16xf32>
    %swap3A_124 = vector.shape_cast %swap3A_123 : vector<1x512x16xf32> to vector<512x16xf32>
    %swap3A_125 = vector.shape_cast %mul3A_119 : vector<512x16xf32> to vector<1x512x16xf32>
    tpu.vector_store %arg6[%swap3A_120, %swap3A_121, %swap3A_122], %swap3A_125 {strides = array<i32>} : memref<10x512x16xf32, #tpu.memory_space<vmem>>, vector<1x512x16xf32>,
    return
  }
  func.func @transform_0(%arg0: i32) -> (i32, i32, i32) {
    %c0_i32 = arith.constant 0 : i32
    %c0_i32_0 = arith.constant 0 : i32
    %c0_i32_1 = arith.constant 0 : i32
    return %c0_i32, %arg0, %c0_i32_0 : i32, i32, i32
  }
  func.func @transform_1(%arg0: i32) -> (i32, i32) {
    %c0_i32 = arith.constant 0 : i32
    %c0_i32_0 = arith.constant 0 : i32
    return %arg0, %c0_i32 : i32, i32
  }
  func.func @transform_2(%arg0: i32) -> (i32, i32) {
    %c0_i32 = arith.constant 0 : i32
    %c0_i32_0 = arith.constant 0 : i32
    return %arg0, %c0_i32 : i32, i32
  }
  func.func @transform_3(%arg0: i32) -> (i32, i32) {
    %c0_i32 = arith.constant 0 : i32
    %c0_i32_0 = arith.constant 0 : i32
    %c0_i32_1 = arith.constant 0 : i32
    return %c0_i32, %c0_i32_0 : i32, i32
  }
  func.func @transform_4(%arg0: i32) -> (i32, i32) {
    %c0_i32 = arith.constant 0 : i32
    %c0_i32_0 = arith.constant 0 : i32
    %c0_i32_1 = arith.constant 0 : i32
    return %c0_i32, %c0_i32_0 : i32, i32
  }
  func.func @transform_5(%arg0: i32) -> (i32, i32, i32) {
    %c0_i32 = arith.constant 0 : i32
    %c0_i32_0 = arith.constant 0 : i32
    %c0_i32_1 = arith.constant 0 : i32
    return %c0_i32, %arg0, %c0_i32_0 : i32, i32, i32
  }
}

module attributes {stable_mosaic.version = 14 : i64} {
  func.func @body(%arg0: i32, %arg1: memref<512x200xf32, #tpu.memory_space<vmem>>, %arg2: memref<8x200xf32, #tpu.memory_space<vmem>>, %arg3: memref<1x200xf32, #tpu.memory_space<vmem>>, %arg4: memref<1x200xf32, #tpu.memory_space<vmem>>, %arg5: memref<200x400xf32, #tpu.memory_space<vmem>>, %arg6: memref<1x400xf32, #tpu.memory_space<vmem>>, %arg7: memref<512x400xf32, #tpu.memory_space<vmem>>, %arg8: memref<8x400xf32, #tpu.memory_space<vmem>>) attributes {dimension_semantics = [#tpu.dimension_semantics<arbitrary>], iteration_bounds = array<i64: 196>, scalar_prefetch = 0 : i64, scratch_operands = 0 : i64, tpu.core_type = #tpu.core_type<tc>, window_params = [{transform_indices = @transform_0, window_bounds = array<i64: 512, 200>}, {pipeline_mode = #tpu.pipeline_mode<synchronous>, transform_indices = @transform_1, window_bounds = array<i64: 8, 200>}, {pipeline_mode = #tpu.pipeline_mode<synchronous>, transform_indices = @transform_2, window_bounds = array<i64: 1, 200>}, {pipeline_mode = #tpu.pipeline_mode<synchronous>, transform_indices = @transform_3, window_bounds = array<i64: 1, 200>}, {pipeline_mode = #tpu.pipeline_mode<synchronous>, transform_indices = @transform_4, window_bounds = array<i64: 200, 400>}, {pipeline_mode = #tpu.pipeline_mode<synchronous>, transform_indices = @transform_5, window_bounds = array<i64: 1, 400>}, {transform_indices = @transform_6, window_bounds = array<i64: 512, 400>}, {pipeline_mode = #tpu.pipeline_mode<synchronous>, transform_indices = @transform_7, window_bounds = array<i64: 8, 400>}]} {
    %get3A = arith.constant 0 : index
    %get3A_0 = arith.constant 0 : index
    %get3A_1 = vector.load %arg2[%get3A, %get3A_0] : memref<8x200xf32, #tpu.memory_space<vmem>>, vector<1x200xf32>
    %mul3A = arith.constant 9.99999974E-6 : f32
    %mul3A_2 = vector.broadcast %mul3A : f32 to vector<1x200xf32>
    %mul3A_3 = arith.mulf %get3A_1, %mul3A_2 : vector<1x200xf32>
    %get3A_4 = arith.constant 1 : index
    %get3A_5 = arith.constant 0 : index
    %get3A_6 = vector.load %arg2[%get3A_4, %get3A_5] : memref<8x200xf32, #tpu.memory_space<vmem>>, vector<1x200xf32>
    %mul3A_7 = arith.constant 9.99999974E-6 : f32
    %mul3A_8 = vector.broadcast %mul3A_7 : f32 to vector<1x200xf32>
    %mul3A_9 = arith.mulf %get3A_6, %mul3A_8 : vector<1x200xf32>
    %mul3A_10 = arith.mulf %mul3A_3, %mul3A_3 : vector<1x200xf32>
    %sub3A = arith.subf %mul3A_9, %mul3A_10 : vector<1x200xf32>
    %get3A_11 = arith.constant 0 : index
    %get3A_12 = arith.constant 0 : index
    %get3A_13 = vector.load %arg3[%get3A_11, %get3A_12] : memref<1x200xf32, #tpu.memory_space<vmem>>, vector<1x200xf32>
    %add3A = arith.constant 9.99999974E-6 : f32
    %add3A_14 = vector.broadcast %add3A : f32 to vector<1x200xf32>
    %add3A_15 = arith.addf %sub3A, %add3A_14 : vector<1x200xf32>
    %rsqrt3A = math.rsqrt %add3A_15 : vector<1x200xf32>
    %mul3A_16 = arith.mulf %get3A_13, %rsqrt3A : vector<1x200xf32>
    %get3A_17 = arith.constant 0 : index
    %get3A_18 = arith.constant 0 : index
    %get3A_19 = vector.load %arg1[%get3A_17, %get3A_18] : memref<512x200xf32, #tpu.memory_space<vmem>>, vector<512x200xf32>
    %sub3A_20 = vector.broadcast %mul3A_3 : vector<1x200xf32> to vector<512x200xf32>
    %sub3A_21 = arith.subf %get3A_19, %sub3A_20 : vector<512x200xf32>
    %mul3A_22 = vector.broadcast %mul3A_16 : vector<1x200xf32> to vector<512x200xf32>
    %mul3A_23 = arith.mulf %sub3A_21, %mul3A_22 : vector<512x200xf32>
    %get3A_24 = arith.constant 0 : index
    %get3A_25 = arith.constant 0 : index
    %get3A_26 = vector.load %arg4[%get3A_24, %get3A_25] : memref<1x200xf32, #tpu.memory_space<vmem>>, vector<1x200xf32>
    %add3A_27 = vector.broadcast %get3A_26 : vector<1x200xf32> to vector<512x200xf32>
    %add3A_28 = arith.addf %mul3A_23, %add3A_27 : vector<512x200xf32>
    %max3A = arith.constant 0.000000e+00 : f32
    %max3A_29 = vector.broadcast %max3A : f32 to vector<512x200xf32>
    %max3A_30 = arith.maximumf %add3A_28, %max3A_29 : vector<512x200xf32>
    %convert_element_type3A = arith.truncf %max3A_30 : vector<512x200xf32> to vector<512x200xbf16>
    %get3A_31 = arith.constant 0 : index
    %get3A_32 = arith.constant 0 : index
    %get3A_33 = vector.load %arg5[%get3A_31, %get3A_32] : memref<200x400xf32, #tpu.memory_space<vmem>>, vector<200x400xf32>
    %convert_element_type3A_34 = arith.truncf %get3A_33 : vector<200x400xf32> to vector<200x400xbf16>
    %dot_general3A = arith.constant dense<0.000000e+00> : vector<512x400xf32>
    %dot_general3A_35 = tpu.matmul %convert_element_type3A, %convert_element_type3A_34, %dot_general3A {dimension_numbers = #tpu.dot_dimension_numbers<[1], [0], [0], [1], [0, 0, 1, 1], [], []>, transpose_lhs_hint = false} : vector<512x200xbf16>, vector<200x400xbf16>, vector<512x400xf32> -> vector<512x400xf32>
    %get3A_36 = arith.constant 0 : index
    %get3A_37 = arith.constant 0 : index
    %get3A_38 = vector.load %arg6[%get3A_36, %get3A_37] : memref<1x400xf32, #tpu.memory_space<vmem>>, vector<1x400xf32>
    %add3A_39 = vector.broadcast %get3A_38 : vector<1x400xf32> to vector<512x400xf32>
    %add3A_40 = arith.addf %dot_general3A_35, %add3A_39 : vector<512x400xf32>
    %swap3A = arith.constant 0 : index
    %swap3A_41 = arith.constant 0 : index
    %swap3A_42 = vector.load %arg7[%swap3A, %swap3A_41] : memref<512x400xf32, #tpu.memory_space<vmem>>, vector<512x400xf32>
    tpu.vector_store %arg7[%swap3A, %swap3A_41], %add3A_40 {strides = array<i32>} : memref<512x400xf32, #tpu.memory_space<vmem>>, vector<512x400xf32>,
    %iota3A = tpu.iota {dimensions = array<i32: 0>} : vector<512x1xi32>
    %mul3A_43 = arith.constant 512 : i32
    %mul3A_44 = arith.muli %arg0, %mul3A_43 : i32
    %add3A_45 = vector.broadcast %mul3A_44 : i32 to vector<512x1xi32>
    %add3A_46 = arith.addi %iota3A, %add3A_45 : vector<512x1xi32>
    %lt3A = arith.constant 100000 : i32
    %lt3A_47 = vector.broadcast %lt3A : i32 to vector<512x1xi32>
    %lt3A_48 = arith.cmpi slt, %add3A_46, %lt3A_47 : vector<512x1xi32>
    %jit3A = arith.constant 0.000000e+00 : f32
    %broadcast_in_dim3A = vector.shape_cast %lt3A_48 : vector<512x1xi1> to vector<512x1xi1>
    %broadcast_in_dim3A_49 = vector.broadcast %broadcast_in_dim3A : vector<512x1xi1> to vector<512x400xi1>
    %broadcast_in_dim3A_50 = vector.broadcast %jit3A : f32 to vector<512x400xf32>
    %select_n3A = arith.select %broadcast_in_dim3A_49, %add3A_40, %broadcast_in_dim3A_50 : vector<512x400xi1>, vector<512x400xf32>
    %eq3A = arith.constant 0 : i32
    %eq3A_51 = arith.cmpi eq, %arg0, %eq3A : i32
    %convert_element_type3A_52 = arith.extui %eq3A_51 : i1 to i32
    %cond3A = arith.constant 0 : i32
    %cond3A_53 = arith.cmpi ne, %convert_element_type3A_52, %cond3A : i32
    scf.if %cond3A_53 {
      %broadcast_in_dim3A_74 = arith.constant 0.000000e+00 : f32
      %broadcast_in_dim3A_75 = vector.broadcast %broadcast_in_dim3A_74 : f32 to vector<8x400xf32>
      %swap3A_76 = arith.constant 0 : index
      %swap3A_77 = arith.constant 0 : index
      %swap3A_78 = vector.load %arg8[%swap3A_76, %swap3A_77] : memref<8x400xf32, #tpu.memory_space<vmem>>, vector<8x400xf32>
      tpu.vector_store %arg8[%swap3A_76, %swap3A_77], %broadcast_in_dim3A_75 {strides = array<i32>} : memref<8x400xf32, #tpu.memory_space<vmem>>, vector<8x400xf32>,
    } else {
    }
    %get3A_54 = arith.constant 0 : index
    %get3A_55 = arith.constant 0 : index
    %get3A_56 = vector.load %arg8[%get3A_54, %get3A_55] : memref<8x400xf32, #tpu.memory_space<vmem>>, vector<1x400xf32>
    %reduce_sum3A = arith.constant dense<0.000000e+00> : vector<400xf32>
    %reduce_sum3A_57 = vector.multi_reduction <add>, %select_n3A, %reduce_sum3A [0] : vector<512x400xf32> to vector<400xf32>
    %broadcast_in_dim3A_58 = vector.shape_cast %reduce_sum3A_57 : vector<400xf32> to vector<1x400xf32>
    %add3A_59 = arith.addf %get3A_56, %broadcast_in_dim3A_58 : vector<1x400xf32>
    %swap3A_60 = arith.constant 0 : index
    %swap3A_61 = arith.constant 0 : index
    %swap3A_62 = vector.load %arg8[%swap3A_60, %swap3A_61] : memref<8x400xf32, #tpu.memory_space<vmem>>, vector<1x400xf32>
    tpu.vector_store %arg8[%swap3A_60, %swap3A_61], %add3A_59 {strides = array<i32>} : memref<8x400xf32, #tpu.memory_space<vmem>>, vector<1x400xf32>,
    %get3A_63 = arith.constant 1 : index
    %get3A_64 = arith.constant 0 : index
    %get3A_65 = vector.load %arg8[%get3A_63, %get3A_64] : memref<8x400xf32, #tpu.memory_space<vmem>>, vector<1x400xf32>
    %mul3A_66 = arith.mulf %select_n3A, %select_n3A : vector<512x400xf32>
    %reduce_sum3A_67 = arith.constant dense<0.000000e+00> : vector<400xf32>
    %reduce_sum3A_68 = vector.multi_reduction <add>, %mul3A_66, %reduce_sum3A_67 [0] : vector<512x400xf32> to vector<400xf32>
    %broadcast_in_dim3A_69 = vector.shape_cast %reduce_sum3A_68 : vector<400xf32> to vector<1x400xf32>
    %add3A_70 = arith.addf %get3A_65, %broadcast_in_dim3A_69 : vector<1x400xf32>
    %swap3A_71 = arith.constant 1 : index
    %swap3A_72 = arith.constant 0 : index
    %swap3A_73 = vector.load %arg8[%swap3A_71, %swap3A_72] : memref<8x400xf32, #tpu.memory_space<vmem>>, vector<1x400xf32>
    tpu.vector_store %arg8[%swap3A_71, %swap3A_72], %add3A_70 {strides = array<i32>} : memref<8x400xf32, #tpu.memory_space<vmem>>, vector<1x400xf32>,
    return
  }
  func.func @transform_0(%arg0: i32) -> (i32, i32) {
    %c0_i32 = arith.constant 0 : i32
    %c0_i32_0 = arith.constant 0 : i32
    return %arg0, %c0_i32 : i32, i32
  }
  func.func @transform_1(%arg0: i32) -> (i32, i32) {
    %c0_i32 = arith.constant 0 : i32
    %c0_i32_0 = arith.constant 0 : i32
    %c0_i32_1 = arith.constant 0 : i32
    return %c0_i32, %c0_i32_0 : i32, i32
  }
  func.func @transform_2(%arg0: i32) -> (i32, i32) {
    %c0_i32 = arith.constant 0 : i32
    %c0_i32_0 = arith.constant 0 : i32
    %c0_i32_1 = arith.constant 0 : i32
    return %c0_i32, %c0_i32_0 : i32, i32
  }
  func.func @transform_3(%arg0: i32) -> (i32, i32) {
    %c0_i32 = arith.constant 0 : i32
    %c0_i32_0 = arith.constant 0 : i32
    %c0_i32_1 = arith.constant 0 : i32
    return %c0_i32, %c0_i32_0 : i32, i32
  }
  func.func @transform_4(%arg0: i32) -> (i32, i32) {
    %c0_i32 = arith.constant 0 : i32
    %c0_i32_0 = arith.constant 0 : i32
    %c0_i32_1 = arith.constant 0 : i32
    return %c0_i32, %c0_i32_0 : i32, i32
  }
  func.func @transform_5(%arg0: i32) -> (i32, i32) {
    %c0_i32 = arith.constant 0 : i32
    %c0_i32_0 = arith.constant 0 : i32
    %c0_i32_1 = arith.constant 0 : i32
    return %c0_i32, %c0_i32_0 : i32, i32
  }
  func.func @transform_6(%arg0: i32) -> (i32, i32) {
    %c0_i32 = arith.constant 0 : i32
    %c0_i32_0 = arith.constant 0 : i32
    return %arg0, %c0_i32 : i32, i32
  }
  func.func @transform_7(%arg0: i32) -> (i32, i32) {
    %c0_i32 = arith.constant 0 : i32
    %c0_i32_0 = arith.constant 0 : i32
    %c0_i32_1 = arith.constant 0 : i32
    return %c0_i32, %c0_i32_0 : i32, i32
  }
}

module attributes {stable_mosaic.version = 14 : i64} {
  func.func @body(%arg0: i32, %arg1: memref<10x512x16xf32, #tpu.memory_space<vmem>>, %arg2: memref<10x512x16xf32, #tpu.memory_space<vmem>>, %arg3: memref<512x16xf32, #tpu.memory_space<vmem>>, %arg4: memref<160x200xf32, #tpu.memory_space<vmem>>, %arg5: memref<1x200xf32, #tpu.memory_space<vmem>>, %arg6: memref<512x200xf32, #tpu.memory_space<vmem>>, %arg7: memref<8x200xf32, #tpu.memory_space<vmem>>) attributes {dimension_semantics = [#tpu.dimension_semantics<arbitrary>], iteration_bounds = array<i64: 196>, scalar_prefetch = 0 : i64, scratch_operands = 0 : i64, tpu.core_type = #tpu.core_type<tc>, window_params = [{transform_indices = @transform_0, window_bounds = array<i64: 10, 512, 16>}, {transform_indices = @transform_1, window_bounds = array<i64: 10, 512, 16>}, {transform_indices = @transform_2, window_bounds = array<i64: 512, 16>}, {pipeline_mode = #tpu.pipeline_mode<synchronous>, transform_indices = @transform_3, window_bounds = array<i64: 160, 200>}, {pipeline_mode = #tpu.pipeline_mode<synchronous>, transform_indices = @transform_4, window_bounds = array<i64: 1, 200>}, {transform_indices = @transform_5, window_bounds = array<i64: 512, 200>}, {pipeline_mode = #tpu.pipeline_mode<synchronous>, transform_indices = @transform_6, window_bounds = array<i64: 8, 200>}]} {
    %get3A = arith.constant 0 : index
    %get3A_0 = arith.constant 0 : index
    %get3A_1 = vector.load %arg3[%get3A, %get3A_0] : memref<512x16xf32, #tpu.memory_space<vmem>>, vector<512x16xf32>
    %get3A_2 = arith.constant 0 : index
    %get3A_3 = arith.constant 0 : index
    %get3A_4 = arith.constant 0 : index
    %get3A_5 = vector.load %arg1[%get3A_2, %get3A_3, %get3A_4] : memref<10x512x16xf32, #tpu.memory_space<vmem>>, vector<1x512x16xf32>
    %get3A_6 = vector.shape_cast %get3A_5 : vector<1x512x16xf32> to vector<512x16xf32>
    %get3A_7 = arith.constant 0 : index
    %get3A_8 = arith.constant 0 : index
    %get3A_9 = arith.constant 0 : index
    %get3A_10 = vector.load %arg2[%get3A_7, %get3A_8, %get3A_9] : memref<10x512x16xf32, #tpu.memory_space<vmem>>, vector<1x512x16xf32>
    %get3A_11 = vector.shape_cast %get3A_10 : vector<1x512x16xf32> to vector<512x16xf32>
    %add3A = arith.addf %get3A_6, %get3A_11 : vector<512x16xf32>
    %mul3A = arith.mulf %add3A, %get3A_1 : vector<512x16xf32>
    %get3A_12 = arith.constant 1 : index
    %get3A_13 = arith.constant 0 : index
    %get3A_14 = arith.constant 0 : index
    %get3A_15 = vector.load %arg1[%get3A_12, %get3A_13, %get3A_14] : memref<10x512x16xf32, #tpu.memory_space<vmem>>, vector<1x512x16xf32>
    %get3A_16 = vector.shape_cast %get3A_15 : vector<1x512x16xf32> to vector<512x16xf32>
    %get3A_17 = arith.constant 1 : index
    %get3A_18 = arith.constant 0 : index
    %get3A_19 = arith.constant 0 : index
    %get3A_20 = vector.load %arg2[%get3A_17, %get3A_18, %get3A_19] : memref<10x512x16xf32, #tpu.memory_space<vmem>>, vector<1x512x16xf32>
    %get3A_21 = vector.shape_cast %get3A_20 : vector<1x512x16xf32> to vector<512x16xf32>
    %add3A_22 = arith.addf %get3A_16, %get3A_21 : vector<512x16xf32>
    %mul3A_23 = arith.mulf %add3A_22, %get3A_1 : vector<512x16xf32>
    %get3A_24 = arith.constant 2 : index
    %get3A_25 = arith.constant 0 : index
    %get3A_26 = arith.constant 0 : index
    %get3A_27 = vector.load %arg1[%get3A_24, %get3A_25, %get3A_26] : memref<10x512x16xf32, #tpu.memory_space<vmem>>, vector<1x512x16xf32>
    %get3A_28 = vector.shape_cast %get3A_27 : vector<1x512x16xf32> to vector<512x16xf32>
    %get3A_29 = arith.constant 2 : index
    %get3A_30 = arith.constant 0 : index
    %get3A_31 = arith.constant 0 : index
    %get3A_32 = vector.load %arg2[%get3A_29, %get3A_30, %get3A_31] : memref<10x512x16xf32, #tpu.memory_space<vmem>>, vector<1x512x16xf32>
    %get3A_33 = vector.shape_cast %get3A_32 : vector<1x512x16xf32> to vector<512x16xf32>
    %add3A_34 = arith.addf %get3A_28, %get3A_33 : vector<512x16xf32>
    %mul3A_35 = arith.mulf %add3A_34, %get3A_1 : vector<512x16xf32>
    %get3A_36 = arith.constant 3 : index
    %get3A_37 = arith.constant 0 : index
    %get3A_38 = arith.constant 0 : index
    %get3A_39 = vector.load %arg1[%get3A_36, %get3A_37, %get3A_38] : memref<10x512x16xf32, #tpu.memory_space<vmem>>, vector<1x512x16xf32>
    %get3A_40 = vector.shape_cast %get3A_39 : vector<1x512x16xf32> to vector<512x16xf32>
    %get3A_41 = arith.constant 3 : index
    %get3A_42 = arith.constant 0 : index
    %get3A_43 = arith.constant 0 : index
    %get3A_44 = vector.load %arg2[%get3A_41, %get3A_42, %get3A_43] : memref<10x512x16xf32, #tpu.memory_space<vmem>>, vector<1x512x16xf32>
    %get3A_45 = vector.shape_cast %get3A_44 : vector<1x512x16xf32> to vector<512x16xf32>
    %add3A_46 = arith.addf %get3A_40, %get3A_45 : vector<512x16xf32>
    %mul3A_47 = arith.mulf %add3A_46, %get3A_1 : vector<512x16xf32>
    %get3A_48 = arith.constant 4 : index
    %get3A_49 = arith.constant 0 : index
    %get3A_50 = arith.constant 0 : index
    %get3A_51 = vector.load %arg1[%get3A_48, %get3A_49, %get3A_50] : memref<10x512x16xf32, #tpu.memory_space<vmem>>, vector<1x512x16xf32>
    %get3A_52 = vector.shape_cast %get3A_51 : vector<1x512x16xf32> to vector<512x16xf32>
    %get3A_53 = arith.constant 4 : index
    %get3A_54 = arith.constant 0 : index
    %get3A_55 = arith.constant 0 : index
    %get3A_56 = vector.load %arg2[%get3A_53, %get3A_54, %get3A_55] : memref<10x512x16xf32, #tpu.memory_space<vmem>>, vector<1x512x16xf32>
    %get3A_57 = vector.shape_cast %get3A_56 : vector<1x512x16xf32> to vector<512x16xf32>
    %add3A_58 = arith.addf %get3A_52, %get3A_57 : vector<512x16xf32>
    %mul3A_59 = arith.mulf %add3A_58, %get3A_1 : vector<512x16xf32>
    %get3A_60 = arith.constant 5 : index
    %get3A_61 = arith.constant 0 : index
    %get3A_62 = arith.constant 0 : index
    %get3A_63 = vector.load %arg1[%get3A_60, %get3A_61, %get3A_62] : memref<10x512x16xf32, #tpu.memory_space<vmem>>, vector<1x512x16xf32>
    %get3A_64 = vector.shape_cast %get3A_63 : vector<1x512x16xf32> to vector<512x16xf32>
    %get3A_65 = arith.constant 5 : index
    %get3A_66 = arith.constant 0 : index
    %get3A_67 = arith.constant 0 : index
    %get3A_68 = vector.load %arg2[%get3A_65, %get3A_66, %get3A_67] : memref<10x512x16xf32, #tpu.memory_space<vmem>>, vector<1x512x16xf32>
    %get3A_69 = vector.shape_cast %get3A_68 : vector<1x512x16xf32> to vector<512x16xf32>
    %add3A_70 = arith.addf %get3A_64, %get3A_69 : vector<512x16xf32>
    %mul3A_71 = arith.mulf %add3A_70, %get3A_1 : vector<512x16xf32>
    %get3A_72 = arith.constant 6 : index
    %get3A_73 = arith.constant 0 : index
    %get3A_74 = arith.constant 0 : index
    %get3A_75 = vector.load %arg1[%get3A_72, %get3A_73, %get3A_74] : memref<10x512x16xf32, #tpu.memory_space<vmem>>, vector<1x512x16xf32>
    %get3A_76 = vector.shape_cast %get3A_75 : vector<1x512x16xf32> to vector<512x16xf32>
    %get3A_77 = arith.constant 6 : index
    %get3A_78 = arith.constant 0 : index
    %get3A_79 = arith.constant 0 : index
    %get3A_80 = vector.load %arg2[%get3A_77, %get3A_78, %get3A_79] : memref<10x512x16xf32, #tpu.memory_space<vmem>>, vector<1x512x16xf32>
    %get3A_81 = vector.shape_cast %get3A_80 : vector<1x512x16xf32> to vector<512x16xf32>
    %add3A_82 = arith.addf %get3A_76, %get3A_81 : vector<512x16xf32>
    %mul3A_83 = arith.mulf %add3A_82, %get3A_1 : vector<512x16xf32>
    %get3A_84 = arith.constant 7 : index
    %get3A_85 = arith.constant 0 : index
    %get3A_86 = arith.constant 0 : index
    %get3A_87 = vector.load %arg1[%get3A_84, %get3A_85, %get3A_86] : memref<10x512x16xf32, #tpu.memory_space<vmem>>, vector<1x512x16xf32>
    %get3A_88 = vector.shape_cast %get3A_87 : vector<1x512x16xf32> to vector<512x16xf32>
    %get3A_89 = arith.constant 7 : index
    %get3A_90 = arith.constant 0 : index
    %get3A_91 = arith.constant 0 : index
    %get3A_92 = vector.load %arg2[%get3A_89, %get3A_90, %get3A_91] : memref<10x512x16xf32, #tpu.memory_space<vmem>>, vector<1x512x16xf32>
    %get3A_93 = vector.shape_cast %get3A_92 : vector<1x512x16xf32> to vector<512x16xf32>
    %add3A_94 = arith.addf %get3A_88, %get3A_93 : vector<512x16xf32>
    %mul3A_95 = arith.mulf %add3A_94, %get3A_1 : vector<512x16xf32>
    %get3A_96 = arith.constant 8 : index
    %get3A_97 = arith.constant 0 : index
    %get3A_98 = arith.constant 0 : index
    %get3A_99 = vector.load %arg1[%get3A_96, %get3A_97, %get3A_98] : memref<10x512x16xf32, #tpu.memory_space<vmem>>, vector<1x512x16xf32>
    %get3A_100 = vector.shape_cast %get3A_99 : vector<1x512x16xf32> to vector<512x16xf32>
    %get3A_101 = arith.constant 8 : index
    %get3A_102 = arith.constant 0 : index
    %get3A_103 = arith.constant 0 : index
    %get3A_104 = vector.load %arg2[%get3A_101, %get3A_102, %get3A_103] : memref<10x512x16xf32, #tpu.memory_space<vmem>>, vector<1x512x16xf32>
    %get3A_105 = vector.shape_cast %get3A_104 : vector<1x512x16xf32> to vector<512x16xf32>
    %add3A_106 = arith.addf %get3A_100, %get3A_105 : vector<512x16xf32>
    %mul3A_107 = arith.mulf %add3A_106, %get3A_1 : vector<512x16xf32>
    %get3A_108 = arith.constant 9 : index
    %get3A_109 = arith.constant 0 : index
    %get3A_110 = arith.constant 0 : index
    %get3A_111 = vector.load %arg1[%get3A_108, %get3A_109, %get3A_110] : memref<10x512x16xf32, #tpu.memory_space<vmem>>, vector<1x512x16xf32>
    %get3A_112 = vector.shape_cast %get3A_111 : vector<1x512x16xf32> to vector<512x16xf32>
    %get3A_113 = arith.constant 9 : index
    %get3A_114 = arith.constant 0 : index
    %get3A_115 = arith.constant 0 : index
    %get3A_116 = vector.load %arg2[%get3A_113, %get3A_114, %get3A_115] : memref<10x512x16xf32, #tpu.memory_space<vmem>>, vector<1x512x16xf32>
    %get3A_117 = vector.shape_cast %get3A_116 : vector<1x512x16xf32> to vector<512x16xf32>
    %add3A_118 = arith.addf %get3A_112, %get3A_117 : vector<512x16xf32>
    %mul3A_119 = arith.mulf %add3A_118, %get3A_1 : vector<512x16xf32>
    %concatenate3A = tpu.concatenate %mul3A, %mul3A_23, %mul3A_35, %mul3A_47, %mul3A_59, %mul3A_71, %mul3A_83, %mul3A_95, %mul3A_107, %mul3A_119 in 1 : vector<512x16xf32>, vector<512x16xf32>, vector<512x16xf32>, vector<512x16xf32>, vector<512x16xf32>, vector<512x16xf32>, vector<512x16xf32>, vector<512x16xf32>, vector<512x16xf32>, vector<512x16xf32> -> vector<512x160xf32>
    %get3A_120 = arith.constant 0 : index
    %get3A_121 = arith.constant 0 : index
    %get3A_122 = vector.load %arg4[%get3A_120, %get3A_121] : memref<160x200xf32, #tpu.memory_space<vmem>>, vector<160x200xf32>
    %convert_element_type3A = arith.truncf %get3A_122 : vector<160x200xf32> to vector<160x200xbf16>
    %convert_element_type3A_123 = arith.extf %convert_element_type3A : vector<160x200xbf16> to vector<160x200xf32>
    %dot_general3A = arith.constant dense<0.000000e+00> : vector<512x200xf32>
    %dot_general3A_124 = tpu.matmul %concatenate3A, %convert_element_type3A_123, %dot_general3A {dimension_numbers = #tpu.dot_dimension_numbers<[1], [0], [0], [1], [0, 0, 1, 1], [], []>, precision = #tpu.contract_precision<fp32>, transpose_lhs_hint = false} : vector<512x160xf32>, vector<160x200xf32>, vector<512x200xf32> -> vector<512x200xf32>
    %get3A_125 = arith.constant 0 : index
    %get3A_126 = arith.constant 0 : index
    %get3A_127 = vector.load %arg5[%get3A_125, %get3A_126] : memref<1x200xf32, #tpu.memory_space<vmem>>, vector<1x200xf32>
    %add3A_128 = vector.broadcast %get3A_127 : vector<1x200xf32> to vector<512x200xf32>
    %add3A_129 = arith.addf %dot_general3A_124, %add3A_128 : vector<512x200xf32>
    %swap3A = arith.constant 0 : index
    %swap3A_130 = arith.constant 0 : index
    %swap3A_131 = vector.load %arg6[%swap3A, %swap3A_130] : memref<512x200xf32, #tpu.memory_space<vmem>>, vector<512x200xf32>
    tpu.vector_store %arg6[%swap3A, %swap3A_130], %add3A_129 {strides = array<i32>} : memref<512x200xf32, #tpu.memory_space<vmem>>, vector<512x200xf32>,
    %iota3A = tpu.iota {dimensions = array<i32: 0>} : vector<512x1xi32>
    %mul3A_132 = arith.constant 512 : i32
    %mul3A_133 = arith.muli %arg0, %mul3A_132 : i32
    %add3A_134 = vector.broadcast %mul3A_133 : i32 to vector<512x1xi32>
    %add3A_135 = arith.addi %iota3A, %add3A_134 : vector<512x1xi32>
    %lt3A = arith.constant 100000 : i32
    %lt3A_136 = vector.broadcast %lt3A : i32 to vector<512x1xi32>
    %lt3A_137 = arith.cmpi slt, %add3A_135, %lt3A_136 : vector<512x1xi32>
    %jit3A = arith.constant 0.000000e+00 : f32
    %broadcast_in_dim3A = vector.shape_cast %lt3A_137 : vector<512x1xi1> to vector<512x1xi1>
    %broadcast_in_dim3A_138 = vector.broadcast %broadcast_in_dim3A : vector<512x1xi1> to vector<512x200xi1>
    %broadcast_in_dim3A_139 = vector.broadcast %jit3A : f32 to vector<512x200xf32>
    %select_n3A = arith.select %broadcast_in_dim3A_138, %add3A_129, %broadcast_in_dim3A_139 : vector<512x200xi1>, vector<512x200xf32>
    %eq3A = arith.constant 0 : i32
    %eq3A_140 = arith.cmpi eq, %arg0, %eq3A : i32
    %convert_element_type3A_141 = arith.extui %eq3A_140 : i1 to i32
    %cond3A = arith.constant 0 : i32
    %cond3A_142 = arith.cmpi ne, %convert_element_type3A_141, %cond3A : i32
    scf.if %cond3A_142 {
      %broadcast_in_dim3A_163 = arith.constant 0.000000e+00 : f32
      %broadcast_in_dim3A_164 = vector.broadcast %broadcast_in_dim3A_163 : f32 to vector<8x200xf32>
      %swap3A_165 = arith.constant 0 : index
      %swap3A_166 = arith.constant 0 : index
      %swap3A_167 = vector.load %arg7[%swap3A_165, %swap3A_166] : memref<8x200xf32, #tpu.memory_space<vmem>>, vector<8x200xf32>
      tpu.vector_store %arg7[%swap3A_165, %swap3A_166], %broadcast_in_dim3A_164 {strides = array<i32>} : memref<8x200xf32, #tpu.memory_space<vmem>>, vector<8x200xf32>,
    } else {
    }
    %get3A_143 = arith.constant 0 : index
    %get3A_144 = arith.constant 0 : index
    %get3A_145 = vector.load %arg7[%get3A_143, %get3A_144] : memref<8x200xf32, #tpu.memory_space<vmem>>, vector<1x200xf32>
    %reduce_sum3A = arith.constant dense<0.000000e+00> : vector<200xf32>
    %reduce_sum3A_146 = vector.multi_reduction <add>, %select_n3A, %reduce_sum3A [0] : vector<512x200xf32> to vector<200xf32>
    %broadcast_in_dim3A_147 = vector.shape_cast %reduce_sum3A_146 : vector<200xf32> to vector<1x200xf32>
    %add3A_148 = arith.addf %get3A_145, %broadcast_in_dim3A_147 : vector<1x200xf32>
    %swap3A_149 = arith.constant 0 : index
    %swap3A_150 = arith.constant 0 : index
    %swap3A_151 = vector.load %arg7[%swap3A_149, %swap3A_150] : memref<8x200xf32, #tpu.memory_space<vmem>>, vector<1x200xf32>
    tpu.vector_store %arg7[%swap3A_149, %swap3A_150], %add3A_148 {strides = array<i32>} : memref<8x200xf32, #tpu.memory_space<vmem>>, vector<1x200xf32>,
    %get3A_152 = arith.constant 1 : index
    %get3A_153 = arith.constant 0 : index
    %get3A_154 = vector.load %arg7[%get3A_152, %get3A_153] : memref<8x200xf32, #tpu.memory_space<vmem>>, vector<1x200xf32>
    %mul3A_155 = arith.mulf %select_n3A, %select_n3A : vector<512x200xf32>
    %reduce_sum3A_156 = arith.constant dense<0.000000e+00> : vector<200xf32>
    %reduce_sum3A_157 = vector.multi_reduction <add>, %mul3A_155, %reduce_sum3A_156 [0] : vector<512x200xf32> to vector<200xf32>
    %broadcast_in_dim3A_158 = vector.shape_cast %reduce_sum3A_157 : vector<200xf32> to vector<1x200xf32>
    %add3A_159 = arith.addf %get3A_154, %broadcast_in_dim3A_158 : vector<1x200xf32>
    %swap3A_160 = arith.constant 1 : index
    %swap3A_161 = arith.constant 0 : index
    %swap3A_162 = vector.load %arg7[%swap3A_160, %swap3A_161] : memref<8x200xf32, #tpu.memory_space<vmem>>, vector<1x200xf32>
    tpu.vector_store %arg7[%swap3A_160, %swap3A_161], %add3A_159 {strides = array<i32>} : memref<8x200xf32, #tpu.memory_space<vmem>>, vector<1x200xf32>,
    return
  }
  func.func @transform_0(%arg0: i32) -> (i32, i32, i32) {
    %c0_i32 = arith.constant 0 : i32
    %c0_i32_0 = arith.constant 0 : i32
    %c0_i32_1 = arith.constant 0 : i32
    return %c0_i32, %arg0, %c0_i32_0 : i32, i32, i32
  }
  func.func @transform_1(%arg0: i32) -> (i32, i32, i32) {
    %c0_i32 = arith.constant 0 : i32
    %c0_i32_0 = arith.constant 0 : i32
    %c0_i32_1 = arith.constant 0 : i32
    return %c0_i32, %arg0, %c0_i32_0 : i32, i32, i32
  }
  func.func @transform_2(%arg0: i32) -> (i32, i32) {
    %c0_i32 = arith.constant 0 : i32
    %c0_i32_0 = arith.constant 0 : i32
    return %arg0, %c0_i32 : i32, i32
  }
  func.func @transform_3(%arg0: i32) -> (i32, i32) {
    %c0_i32 = arith.constant 0 : i32
    %c0_i32_0 = arith.constant 0 : i32
    %c0_i32_1 = arith.constant 0 : i32
    return %c0_i32, %c0_i32_0 : i32, i32
  }
  func.func @transform_4(%arg0: i32) -> (i32, i32) {
    %c0_i32 = arith.constant 0 : i32
    %c0_i32_0 = arith.constant 0 : i32
    %c0_i32_1 = arith.constant 0 : i32
    return %c0_i32, %c0_i32_0 : i32, i32
  }
  func.func @transform_5(%arg0: i32) -> (i32, i32) {
    %c0_i32 = arith.constant 0 : i32
    %c0_i32_0 = arith.constant 0 : i32
    return %arg0, %c0_i32 : i32, i32
  }
  func.func @transform_6(%arg0: i32) -> (i32, i32) {
    %c0_i32 = arith.constant 0 : i32
    %c0_i32_0 = arith.constant 0 : i32
    %c0_i32_1 = arith.constant 0 : i32
    return %c0_i32, %c0_i32_0 : i32, i32
  }
}

module attributes {stable_mosaic.version = 14 : i64} {
  func.func @body(%arg0: i32, %arg1: memref<512x400xf32, #tpu.memory_space<vmem>>, %arg2: memref<8x400xf32, #tpu.memory_space<vmem>>, %arg3: memref<1x400xf32, #tpu.memory_space<vmem>>, %arg4: memref<1x400xf32, #tpu.memory_space<vmem>>, %arg5: memref<400x200xf32, #tpu.memory_space<vmem>>, %arg6: memref<1x200xf32, #tpu.memory_space<vmem>>, %arg7: memref<512x200xf32, #tpu.memory_space<vmem>>, %arg8: memref<8x200xf32, #tpu.memory_space<vmem>>) attributes {dimension_semantics = [#tpu.dimension_semantics<arbitrary>], iteration_bounds = array<i64: 196>, scalar_prefetch = 0 : i64, scratch_operands = 0 : i64, tpu.core_type = #tpu.core_type<tc>, window_params = [{transform_indices = @transform_0, window_bounds = array<i64: 512, 400>}, {pipeline_mode = #tpu.pipeline_mode<synchronous>, transform_indices = @transform_1, window_bounds = array<i64: 8, 400>}, {pipeline_mode = #tpu.pipeline_mode<synchronous>, transform_indices = @transform_2, window_bounds = array<i64: 1, 400>}, {pipeline_mode = #tpu.pipeline_mode<synchronous>, transform_indices = @transform_3, window_bounds = array<i64: 1, 400>}, {pipeline_mode = #tpu.pipeline_mode<synchronous>, transform_indices = @transform_4, window_bounds = array<i64: 400, 200>}, {pipeline_mode = #tpu.pipeline_mode<synchronous>, transform_indices = @transform_5, window_bounds = array<i64: 1, 200>}, {transform_indices = @transform_6, window_bounds = array<i64: 512, 200>}, {pipeline_mode = #tpu.pipeline_mode<synchronous>, transform_indices = @transform_7, window_bounds = array<i64: 8, 200>}]} {
    %get3A = arith.constant 0 : index
    %get3A_0 = arith.constant 0 : index
    %get3A_1 = vector.load %arg2[%get3A, %get3A_0] : memref<8x400xf32, #tpu.memory_space<vmem>>, vector<1x400xf32>
    %mul3A = arith.constant 9.99999974E-6 : f32
    %mul3A_2 = vector.broadcast %mul3A : f32 to vector<1x400xf32>
    %mul3A_3 = arith.mulf %get3A_1, %mul3A_2 : vector<1x400xf32>
    %get3A_4 = arith.constant 1 : index
    %get3A_5 = arith.constant 0 : index
    %get3A_6 = vector.load %arg2[%get3A_4, %get3A_5] : memref<8x400xf32, #tpu.memory_space<vmem>>, vector<1x400xf32>
    %mul3A_7 = arith.constant 9.99999974E-6 : f32
    %mul3A_8 = vector.broadcast %mul3A_7 : f32 to vector<1x400xf32>
    %mul3A_9 = arith.mulf %get3A_6, %mul3A_8 : vector<1x400xf32>
    %mul3A_10 = arith.mulf %mul3A_3, %mul3A_3 : vector<1x400xf32>
    %sub3A = arith.subf %mul3A_9, %mul3A_10 : vector<1x400xf32>
    %get3A_11 = arith.constant 0 : index
    %get3A_12 = arith.constant 0 : index
    %get3A_13 = vector.load %arg3[%get3A_11, %get3A_12] : memref<1x400xf32, #tpu.memory_space<vmem>>, vector<1x400xf32>
    %add3A = arith.constant 9.99999974E-6 : f32
    %add3A_14 = vector.broadcast %add3A : f32 to vector<1x400xf32>
    %add3A_15 = arith.addf %sub3A, %add3A_14 : vector<1x400xf32>
    %rsqrt3A = math.rsqrt %add3A_15 : vector<1x400xf32>
    %mul3A_16 = arith.mulf %get3A_13, %rsqrt3A : vector<1x400xf32>
    %get3A_17 = arith.constant 0 : index
    %get3A_18 = arith.constant 0 : index
    %get3A_19 = vector.load %arg1[%get3A_17, %get3A_18] : memref<512x400xf32, #tpu.memory_space<vmem>>, vector<512x400xf32>
    %sub3A_20 = vector.broadcast %mul3A_3 : vector<1x400xf32> to vector<512x400xf32>
    %sub3A_21 = arith.subf %get3A_19, %sub3A_20 : vector<512x400xf32>
    %mul3A_22 = vector.broadcast %mul3A_16 : vector<1x400xf32> to vector<512x400xf32>
    %mul3A_23 = arith.mulf %sub3A_21, %mul3A_22 : vector<512x400xf32>
    %get3A_24 = arith.constant 0 : index
    %get3A_25 = arith.constant 0 : index
    %get3A_26 = vector.load %arg4[%get3A_24, %get3A_25] : memref<1x400xf32, #tpu.memory_space<vmem>>, vector<1x400xf32>
    %add3A_27 = vector.broadcast %get3A_26 : vector<1x400xf32> to vector<512x400xf32>
    %add3A_28 = arith.addf %mul3A_23, %add3A_27 : vector<512x400xf32>
    %max3A = arith.constant 0.000000e+00 : f32
    %max3A_29 = vector.broadcast %max3A : f32 to vector<512x400xf32>
    %max3A_30 = arith.maximumf %add3A_28, %max3A_29 : vector<512x400xf32>
    %convert_element_type3A = arith.truncf %max3A_30 : vector<512x400xf32> to vector<512x400xbf16>
    %get3A_31 = arith.constant 0 : index
    %get3A_32 = arith.constant 0 : index
    %get3A_33 = vector.load %arg5[%get3A_31, %get3A_32] : memref<400x200xf32, #tpu.memory_space<vmem>>, vector<400x200xf32>
    %convert_element_type3A_34 = arith.truncf %get3A_33 : vector<400x200xf32> to vector<400x200xbf16>
    %dot_general3A = arith.constant dense<0.000000e+00> : vector<512x200xf32>
    %dot_general3A_35 = tpu.matmul %convert_element_type3A, %convert_element_type3A_34, %dot_general3A {dimension_numbers = #tpu.dot_dimension_numbers<[1], [0], [0], [1], [0, 0, 1, 1], [], []>, transpose_lhs_hint = false} : vector<512x400xbf16>, vector<400x200xbf16>, vector<512x200xf32> -> vector<512x200xf32>
    %get3A_36 = arith.constant 0 : index
    %get3A_37 = arith.constant 0 : index
    %get3A_38 = vector.load %arg6[%get3A_36, %get3A_37] : memref<1x200xf32, #tpu.memory_space<vmem>>, vector<1x200xf32>
    %add3A_39 = vector.broadcast %get3A_38 : vector<1x200xf32> to vector<512x200xf32>
    %add3A_40 = arith.addf %dot_general3A_35, %add3A_39 : vector<512x200xf32>
    %swap3A = arith.constant 0 : index
    %swap3A_41 = arith.constant 0 : index
    %swap3A_42 = vector.load %arg7[%swap3A, %swap3A_41] : memref<512x200xf32, #tpu.memory_space<vmem>>, vector<512x200xf32>
    tpu.vector_store %arg7[%swap3A, %swap3A_41], %add3A_40 {strides = array<i32>} : memref<512x200xf32, #tpu.memory_space<vmem>>, vector<512x200xf32>,
    %iota3A = tpu.iota {dimensions = array<i32: 0>} : vector<512x1xi32>
    %mul3A_43 = arith.constant 512 : i32
    %mul3A_44 = arith.muli %arg0, %mul3A_43 : i32
    %add3A_45 = vector.broadcast %mul3A_44 : i32 to vector<512x1xi32>
    %add3A_46 = arith.addi %iota3A, %add3A_45 : vector<512x1xi32>
    %lt3A = arith.constant 100000 : i32
    %lt3A_47 = vector.broadcast %lt3A : i32 to vector<512x1xi32>
    %lt3A_48 = arith.cmpi slt, %add3A_46, %lt3A_47 : vector<512x1xi32>
    %jit3A = arith.constant 0.000000e+00 : f32
    %broadcast_in_dim3A = vector.shape_cast %lt3A_48 : vector<512x1xi1> to vector<512x1xi1>
    %broadcast_in_dim3A_49 = vector.broadcast %broadcast_in_dim3A : vector<512x1xi1> to vector<512x200xi1>
    %broadcast_in_dim3A_50 = vector.broadcast %jit3A : f32 to vector<512x200xf32>
    %select_n3A = arith.select %broadcast_in_dim3A_49, %add3A_40, %broadcast_in_dim3A_50 : vector<512x200xi1>, vector<512x200xf32>
    %eq3A = arith.constant 0 : i32
    %eq3A_51 = arith.cmpi eq, %arg0, %eq3A : i32
    %convert_element_type3A_52 = arith.extui %eq3A_51 : i1 to i32
    %cond3A = arith.constant 0 : i32
    %cond3A_53 = arith.cmpi ne, %convert_element_type3A_52, %cond3A : i32
    scf.if %cond3A_53 {
      %broadcast_in_dim3A_74 = arith.constant 0.000000e+00 : f32
      %broadcast_in_dim3A_75 = vector.broadcast %broadcast_in_dim3A_74 : f32 to vector<8x200xf32>
      %swap3A_76 = arith.constant 0 : index
      %swap3A_77 = arith.constant 0 : index
      %swap3A_78 = vector.load %arg8[%swap3A_76, %swap3A_77] : memref<8x200xf32, #tpu.memory_space<vmem>>, vector<8x200xf32>
      tpu.vector_store %arg8[%swap3A_76, %swap3A_77], %broadcast_in_dim3A_75 {strides = array<i32>} : memref<8x200xf32, #tpu.memory_space<vmem>>, vector<8x200xf32>,
    } else {
    }
    %get3A_54 = arith.constant 0 : index
    %get3A_55 = arith.constant 0 : index
    %get3A_56 = vector.load %arg8[%get3A_54, %get3A_55] : memref<8x200xf32, #tpu.memory_space<vmem>>, vector<1x200xf32>
    %reduce_sum3A = arith.constant dense<0.000000e+00> : vector<200xf32>
    %reduce_sum3A_57 = vector.multi_reduction <add>, %select_n3A, %reduce_sum3A [0] : vector<512x200xf32> to vector<200xf32>
    %broadcast_in_dim3A_58 = vector.shape_cast %reduce_sum3A_57 : vector<200xf32> to vector<1x200xf32>
    %add3A_59 = arith.addf %get3A_56, %broadcast_in_dim3A_58 : vector<1x200xf32>
    %swap3A_60 = arith.constant 0 : index
    %swap3A_61 = arith.constant 0 : index
    %swap3A_62 = vector.load %arg8[%swap3A_60, %swap3A_61] : memref<8x200xf32, #tpu.memory_space<vmem>>, vector<1x200xf32>
    tpu.vector_store %arg8[%swap3A_60, %swap3A_61], %add3A_59 {strides = array<i32>} : memref<8x200xf32, #tpu.memory_space<vmem>>, vector<1x200xf32>,
    %get3A_63 = arith.constant 1 : index
    %get3A_64 = arith.constant 0 : index
    %get3A_65 = vector.load %arg8[%get3A_63, %get3A_64] : memref<8x200xf32, #tpu.memory_space<vmem>>, vector<1x200xf32>
    %mul3A_66 = arith.mulf %select_n3A, %select_n3A : vector<512x200xf32>
    %reduce_sum3A_67 = arith.constant dense<0.000000e+00> : vector<200xf32>
    %reduce_sum3A_68 = vector.multi_reduction <add>, %mul3A_66, %reduce_sum3A_67 [0] : vector<512x200xf32> to vector<200xf32>
    %broadcast_in_dim3A_69 = vector.shape_cast %reduce_sum3A_68 : vector<200xf32> to vector<1x200xf32>
    %add3A_70 = arith.addf %get3A_65, %broadcast_in_dim3A_69 : vector<1x200xf32>
    %swap3A_71 = arith.constant 1 : index
    %swap3A_72 = arith.constant 0 : index
    %swap3A_73 = vector.load %arg8[%swap3A_71, %swap3A_72] : memref<8x200xf32, #tpu.memory_space<vmem>>, vector<1x200xf32>
    tpu.vector_store %arg8[%swap3A_71, %swap3A_72], %add3A_70 {strides = array<i32>} : memref<8x200xf32, #tpu.memory_space<vmem>>, vector<1x200xf32>,
    return
  }
  func.func @transform_0(%arg0: i32) -> (i32, i32) {
    %c0_i32 = arith.constant 0 : i32
    %c0_i32_0 = arith.constant 0 : i32
    return %arg0, %c0_i32 : i32, i32
  }
  func.func @transform_1(%arg0: i32) -> (i32, i32) {
    %c0_i32 = arith.constant 0 : i32
    %c0_i32_0 = arith.constant 0 : i32
    %c0_i32_1 = arith.constant 0 : i32
    return %c0_i32, %c0_i32_0 : i32, i32
  }
  func.func @transform_2(%arg0: i32) -> (i32, i32) {
    %c0_i32 = arith.constant 0 : i32
    %c0_i32_0 = arith.constant 0 : i32
    %c0_i32_1 = arith.constant 0 : i32
    return %c0_i32, %c0_i32_0 : i32, i32
  }
  func.func @transform_3(%arg0: i32) -> (i32, i32) {
    %c0_i32 = arith.constant 0 : i32
    %c0_i32_0 = arith.constant 0 : i32
    %c0_i32_1 = arith.constant 0 : i32
    return %c0_i32, %c0_i32_0 : i32, i32
  }
  func.func @transform_4(%arg0: i32) -> (i32, i32) {
    %c0_i32 = arith.constant 0 : i32
    %c0_i32_0 = arith.constant 0 : i32
    %c0_i32_1 = arith.constant 0 : i32
    return %c0_i32, %c0_i32_0 : i32, i32
  }
  func.func @transform_5(%arg0: i32) -> (i32, i32) {
    %c0_i32 = arith.constant 0 : i32
    %c0_i32_0 = arith.constant 0 : i32
    %c0_i32_1 = arith.constant 0 : i32
    return %c0_i32, %c0_i32_0 : i32, i32
  }
  func.func @transform_6(%arg0: i32) -> (i32, i32) {
    %c0_i32 = arith.constant 0 : i32
    %c0_i32_0 = arith.constant 0 : i32
    return %arg0, %c0_i32 : i32, i32
  }
  func.func @transform_7(%arg0: i32) -> (i32, i32) {
    %c0_i32 = arith.constant 0 : i32
    %c0_i32_0 = arith.constant 0 : i32
    %c0_i32_1 = arith.constant 0 : i32
    return %c0_i32, %c0_i32_0 : i32, i32
  }
}

module attributes {stable_mosaic.version = 14 : i64} {
  func.func @body(%arg0: i32, %arg1: memref<512x200xf32, #tpu.memory_space<vmem>>, %arg2: memref<8x200xf32, #tpu.memory_space<vmem>>, %arg3: memref<1x200xf32, #tpu.memory_space<vmem>>, %arg4: memref<1x200xf32, #tpu.memory_space<vmem>>, %arg5: memref<200x8xf32, #tpu.memory_space<vmem>>, %arg6: memref<1x8xf32, #tpu.memory_space<vmem>>, %arg7: memref<512x8xf32, #tpu.memory_space<vmem>>, %arg8: memref<8x8xf32, #tpu.memory_space<vmem>>) attributes {dimension_semantics = [#tpu.dimension_semantics<arbitrary>], iteration_bounds = array<i64: 196>, scalar_prefetch = 0 : i64, scratch_operands = 0 : i64, tpu.core_type = #tpu.core_type<tc>, window_params = [{transform_indices = @transform_0, window_bounds = array<i64: 512, 200>}, {pipeline_mode = #tpu.pipeline_mode<synchronous>, transform_indices = @transform_1, window_bounds = array<i64: 8, 200>}, {pipeline_mode = #tpu.pipeline_mode<synchronous>, transform_indices = @transform_2, window_bounds = array<i64: 1, 200>}, {pipeline_mode = #tpu.pipeline_mode<synchronous>, transform_indices = @transform_3, window_bounds = array<i64: 1, 200>}, {pipeline_mode = #tpu.pipeline_mode<synchronous>, transform_indices = @transform_4, window_bounds = array<i64: 200, 8>}, {pipeline_mode = #tpu.pipeline_mode<synchronous>, transform_indices = @transform_5, window_bounds = array<i64: 1, 8>}, {transform_indices = @transform_6, window_bounds = array<i64: 512, 8>}, {pipeline_mode = #tpu.pipeline_mode<synchronous>, transform_indices = @transform_7, window_bounds = array<i64: 8, 8>}]} {
    %get3A = arith.constant 0 : index
    %get3A_0 = arith.constant 0 : index
    %get3A_1 = vector.load %arg2[%get3A, %get3A_0] : memref<8x200xf32, #tpu.memory_space<vmem>>, vector<1x200xf32>
    %mul3A = arith.constant 9.99999974E-6 : f32
    %mul3A_2 = vector.broadcast %mul3A : f32 to vector<1x200xf32>
    %mul3A_3 = arith.mulf %get3A_1, %mul3A_2 : vector<1x200xf32>
    %get3A_4 = arith.constant 1 : index
    %get3A_5 = arith.constant 0 : index
    %get3A_6 = vector.load %arg2[%get3A_4, %get3A_5] : memref<8x200xf32, #tpu.memory_space<vmem>>, vector<1x200xf32>
    %mul3A_7 = arith.constant 9.99999974E-6 : f32
    %mul3A_8 = vector.broadcast %mul3A_7 : f32 to vector<1x200xf32>
    %mul3A_9 = arith.mulf %get3A_6, %mul3A_8 : vector<1x200xf32>
    %mul3A_10 = arith.mulf %mul3A_3, %mul3A_3 : vector<1x200xf32>
    %sub3A = arith.subf %mul3A_9, %mul3A_10 : vector<1x200xf32>
    %get3A_11 = arith.constant 0 : index
    %get3A_12 = arith.constant 0 : index
    %get3A_13 = vector.load %arg3[%get3A_11, %get3A_12] : memref<1x200xf32, #tpu.memory_space<vmem>>, vector<1x200xf32>
    %add3A = arith.constant 9.99999974E-6 : f32
    %add3A_14 = vector.broadcast %add3A : f32 to vector<1x200xf32>
    %add3A_15 = arith.addf %sub3A, %add3A_14 : vector<1x200xf32>
    %rsqrt3A = math.rsqrt %add3A_15 : vector<1x200xf32>
    %mul3A_16 = arith.mulf %get3A_13, %rsqrt3A : vector<1x200xf32>
    %get3A_17 = arith.constant 0 : index
    %get3A_18 = arith.constant 0 : index
    %get3A_19 = vector.load %arg1[%get3A_17, %get3A_18] : memref<512x200xf32, #tpu.memory_space<vmem>>, vector<512x200xf32>
    %sub3A_20 = vector.broadcast %mul3A_3 : vector<1x200xf32> to vector<512x200xf32>
    %sub3A_21 = arith.subf %get3A_19, %sub3A_20 : vector<512x200xf32>
    %mul3A_22 = vector.broadcast %mul3A_16 : vector<1x200xf32> to vector<512x200xf32>
    %mul3A_23 = arith.mulf %sub3A_21, %mul3A_22 : vector<512x200xf32>
    %get3A_24 = arith.constant 0 : index
    %get3A_25 = arith.constant 0 : index
    %get3A_26 = vector.load %arg4[%get3A_24, %get3A_25] : memref<1x200xf32, #tpu.memory_space<vmem>>, vector<1x200xf32>
    %add3A_27 = vector.broadcast %get3A_26 : vector<1x200xf32> to vector<512x200xf32>
    %add3A_28 = arith.addf %mul3A_23, %add3A_27 : vector<512x200xf32>
    %max3A = arith.constant 0.000000e+00 : f32
    %max3A_29 = vector.broadcast %max3A : f32 to vector<512x200xf32>
    %max3A_30 = arith.maximumf %add3A_28, %max3A_29 : vector<512x200xf32>
    %convert_element_type3A = arith.truncf %max3A_30 : vector<512x200xf32> to vector<512x200xbf16>
    %get3A_31 = arith.constant 0 : index
    %get3A_32 = arith.constant 0 : index
    %get3A_33 = vector.load %arg5[%get3A_31, %get3A_32] : memref<200x8xf32, #tpu.memory_space<vmem>>, vector<200x8xf32>
    %convert_element_type3A_34 = arith.truncf %get3A_33 : vector<200x8xf32> to vector<200x8xbf16>
    %dot_general3A = arith.constant dense<0.000000e+00> : vector<512x8xf32>
    %dot_general3A_35 = tpu.matmul %convert_element_type3A, %convert_element_type3A_34, %dot_general3A {dimension_numbers = #tpu.dot_dimension_numbers<[1], [0], [0], [1], [0, 0, 1, 1], [], []>, transpose_lhs_hint = false} : vector<512x200xbf16>, vector<200x8xbf16>, vector<512x8xf32> -> vector<512x8xf32>
    %get3A_36 = arith.constant 0 : index
    %get3A_37 = arith.constant 0 : index
    %get3A_38 = vector.load %arg6[%get3A_36, %get3A_37] : memref<1x8xf32, #tpu.memory_space<vmem>>, vector<1x8xf32>
    %add3A_39 = vector.broadcast %get3A_38 : vector<1x8xf32> to vector<512x8xf32>
    %add3A_40 = arith.addf %dot_general3A_35, %add3A_39 : vector<512x8xf32>
    %swap3A = arith.constant 0 : index
    %swap3A_41 = arith.constant 0 : index
    %swap3A_42 = vector.load %arg7[%swap3A, %swap3A_41] : memref<512x8xf32, #tpu.memory_space<vmem>>, vector<512x8xf32>
    tpu.vector_store %arg7[%swap3A, %swap3A_41], %add3A_40 {strides = array<i32>} : memref<512x8xf32, #tpu.memory_space<vmem>>, vector<512x8xf32>,
    return
  }
  func.func @transform_0(%arg0: i32) -> (i32, i32) {
    %c0_i32 = arith.constant 0 : i32
    %c0_i32_0 = arith.constant 0 : i32
    return %arg0, %c0_i32 : i32, i32
  }
  func.func @transform_1(%arg0: i32) -> (i32, i32) {
    %c0_i32 = arith.constant 0 : i32
    %c0_i32_0 = arith.constant 0 : i32
    %c0_i32_1 = arith.constant 0 : i32
    return %c0_i32, %c0_i32_0 : i32, i32
  }
  func.func @transform_2(%arg0: i32) -> (i32, i32) {
    %c0_i32 = arith.constant 0 : i32
    %c0_i32_0 = arith.constant 0 : i32
    %c0_i32_1 = arith.constant 0 : i32
    return %c0_i32, %c0_i32_0 : i32, i32
  }
  func.func @transform_3(%arg0: i32) -> (i32, i32) {
    %c0_i32 = arith.constant 0 : i32
    %c0_i32_0 = arith.constant 0 : i32
    %c0_i32_1 = arith.constant 0 : i32
    return %c0_i32, %c0_i32_0 : i32, i32
  }
  func.func @transform_4(%arg0: i32) -> (i32, i32) {
    %c0_i32 = arith.constant 0 : i32
    %c0_i32_0 = arith.constant 0 : i32
    %c0_i32_1 = arith.constant 0 : i32
    return %c0_i32, %c0_i32_0 : i32, i32
  }
  func.func @transform_5(%arg0: i32) -> (i32, i32) {
    %c0_i32 = arith.constant 0 : i32
    %c0_i32_0 = arith.constant 0 : i32
    %c0_i32_1 = arith.constant 0 : i32
    return %c0_i32, %c0_i32_0 : i32, i32
  }
  func.func @transform_6(%arg0: i32) -> (i32, i32) {
    %c0_i32 = arith.constant 0 : i32
    %c0_i32_0 = arith.constant 0 : i32
    return %arg0, %c0_i32 : i32, i32
  }
  func.func @transform_7(%arg0: i32) -> (i32, i32) {
    %c0_i32 = arith.constant 0 : i32
    %c0_i32_0 = arith.constant 0 : i32
    %c0_i32_1 = arith.constant 0 : i32
    return %c0_i32, %c0_i32_0 : i32, i32
  }
}

</mosaic_0001>

<sc_bundles>
// kernel: kernel.11.cloned.1.call-start
scs
__scs_entry_jumppad:
0x0: {  	(pc) =	sbr.rel $0x88, $3  }
0x1: {  	(tag) =	ssettag $0x0;
	lr =	simm.s32 $0x1  }
0x2: {  	[smem:$0x3F8F] =	sst lr;
	_ =	strace $0xD0000000  }
0x3: {  	_ = 	snop  }
0x4: {  	_ = 	snop  }
0x5: {  	_ = 	snop  }
0x6: {  	_ = 	snop  }
0x7: {  	_ = 	snop  }
__scs_overlays_trampoline_lowered:
0x8: {  	[smem:$0x3F9E] =	sst s0  }
0x9: {  	[smem:$0x3F9F] =	sst s1  }
0xa: {  	[smem:$0x3FA0] =	sst s2  }
0xb: {  	[smem:$0x3FA1] =	sst s3  }
0xc: {  	[smem:$0x3FA2] =	sst s4  }
0xd: {  	[smem:$0x3FA3] =	sst s5  }
0xe: {  	[smem:$0x3FA4] =	sst s6  }
0xf: {  	[smem:$0x3FA5] =	sst s7  }
0x10: {  	[smem:$0x3FA6] =	sst s8  }
0x11: {  	[smem:$0x3FA7] =	sst s9;
	s0 =	simm.s32 @!p0 $0x0  }
0x12: {  	s1 =	sld [smem:$0x3F8D];
	s0 =	simm.s32 @p0 $0x1  }
0x13: {  	[smem:$0x3FA8] =	sst s0;
	s0 =	simm.s32 @!p1 $0x0  }
0x14: {  	s2 =	sld [smem:$0x3F8C];
	s0 =	simm.s32 @p1 $0x1  }
0x15: {  	[smem:$0x3FA9] =	sst s0;
	s0 =	simm.s32 @!p2 $0x0  }
0x16: {  	s3 =	sld [smem:$0x3FDB];
	s0 =	simm.s32 @p2 $0x1  }
0x17: {  	s4 =	simm.s32 $0x1BF5;
	[smem:$0x3FAB] =	sst s0  }
0x18: {  	s0 =	sld [smem:$0x3F8E];
	_ =	swait.ge [sflag:s4], $0x0  }
0x19: {  	s7 =	sld [smem:$0x3F8F]  }
0x1a: {  	s8 =	sadd.s32 $0xFFFFE003, lr  }
0x1b: {  	s9 =	sadd.s32 $0xFFFFFEF7, lr;
	s5 =	simm.s32 $0xFFFFFFFF;
	p2 =	slt.u32 s8, $0xFFFFF086  }
0x1c: {  	p1 =	slt.u32 s9, $0xF7A;
	s5 =	simm.s32 @!p2 $0x0  }
0x1d: {  	s5 =	simm.s32 @p1 $0x1;
	p0 =	seq.s32 s7, s2  }
0x1e: {  	s7 =	smul.u32 @!p0 $0xF7A, s2;
	p2 =	seq.s32 @!p0 s5, $0x0  }
0x1f: {  	s9 =	smul.u32 $0xF7A, s1;
	s8 =	simm.s32 @!p0 $0x1BF5;
	p2 =	por !p2, p0  }
0x20: {  	[sflag:s8] =	ssyncset.s32 @!p0 $0xFFFFF086;
	s6 =	sadd.s32 @!p0 s3, s7;
	s7 =	simm.s32 @!p0 $0x108  }
0x21: {  	s3 =	sadd.s32 s3, s9;
	s6 =	sadd.s32 @!p0 $0x88, s6;
	s7 =	simm.s32 @p2 $0x1082  }
0x22: {  	[simem:s7], [sflag:s8] =	dma.local @!p0 [hbm:s6], $0xF7A  }
0x23: {  	s9 =	sor.u32 $0xD0000000, s2;
	s6 =	simm.s32 $0x108;
	_ =	swait.ge @!p0 [sflag:s8], $0x0  }
0x24: {  	s3 =	sadd.s32 $0x88, s3;
	s6 =	simm.s32 @!p1 $0x1082;
	[sflag:s4] =	ssyncset.s32 $0xFFFFF086  }
0x25: {  	[simem:s6], [sflag:s4] =	dma.local [hbm:s3], $0xF7A  }
0x26: {  	[smem:$0x3F8F] =	sst s1;
	(tag) =	ssettag s2;
	_ =	strace s9  }
0x27: {  	s1 =	sld [smem:$0x3F9F]  }
0x28: {  	s2 =	sld [smem:$0x3FA0]  }
0x29: {  	s4 =	sld [smem:$0x3FA2]  }
0x2a: {  	p0 =	seq.s32 s5, $0x0;
	s5 =	sld [smem:$0x3FA3]  }
0x2b: {  	s6 =	sld [smem:$0x3FA4]  }
0x2c: {  	s7 =	sld [smem:$0x3FA5]  }
0x2d: {  	s3 =	simm.s32 $0x108;
	s8 =	sld [smem:$0x3FA6]  }
0x2e: {  	s3 =	simm.s32 @!p0 $0x1082;
	s9 =	sld [smem:$0x3FA7]  }
0x2f: {  	lr =	sadd.s32 s0, s3;
	s0 =	sld [smem:$0x3F9E]  }
0x30: {  	s3 =	sld [smem:$0x3FA1]  }
0x31: {  	[smem:$0x3FAA] =	sst s10  }
0x32: {  	s10 =	sld [smem:$0x3FA8];
	_ =	sdelay $0x3  }
0x33: {  	p0 =	seq.s32 s10, $0x1;
	s10 =	sld [smem:$0x3FAA];
	_ =	sdelay $0x3  }
0x34: {  	[smem:$0x3FAA] =	sst s10  }
0x35: {  	s10 =	sld [smem:$0x3FA9];
	_ =	sdelay $0x3  }
0x36: {  	p1 =	seq.s32 s10, $0x1;
	s10 =	sld [smem:$0x3FAA];
	_ =	sdelay $0x3  }
0x37: {  	[smem:$0x3FAA] =	sst s10  }
0x38: {  	s10 =	sld [smem:$0x3FAB]  }
0x39: {  	_ = 	snop;
	(pc) =	sbr.ind lr, $3  }
0x3a: {  	_ = 	snop  }
0x3b: {  	_ = 	snop  }
0x3c: {  	p2 =	seq.s32 s10, $0x1;
	s10 =	sld [smem:$0x3FAA]  }
0x3d: {  	_ =	shalt  }
0x3e: {  	_ =	shalt  }
0x3f: {  	_ =	shalt  }
0x40: {  	_ =	shalt  }
0x41: {  	_ =	shalt  }
0x42: {  	_ =	shalt  }
0x43: {  	_ =	shalt  }
0x44: {  	_ =	shalt  }
0x45: {  	_ =	shalt  }
0x46: {  	_ =	shalt  }
0x47: {  	_ =	shalt  }
0x48: {  	_ =	shalt  }
0x49: {  	_ =	shalt  }
0x4a: {  	_ =	shalt  }
0x4b: {  	_ =	shalt  }
0x4c: {  	_ =	shalt  }
0x4d: {  	_ =	shalt  }
0x4e: {  	_ =	shalt  }
0x4f: {  	_ =	shalt  }
0x50: {  	_ =	shalt  }
0x51: {  	_ =	shalt  }
0x52: {  	_ =	shalt  }
0x53: {  	_ =	shalt  }
0x54: {  	_ =	shalt  }
0x55: {  	_ =	shalt  }
0x56: {  	_ =	shalt  }
0x57: {  	_ =	shalt  }
0x58: {  	_ =	shalt  }
0x59: {  	_ =	shalt  }
0x5a: {  	_ =	shalt  }
0x5b: {  	_ =	shalt  }
0x5c: {  	_ =	shalt  }
0x5d: {  	_ =	shalt  }
0x5e: {  	_ =	shalt  }
0x5f: {  	_ =	shalt  }
0x60: {  	_ =	shalt  }
0x61: {  	_ =	shalt  }
0x62: {  	_ =	shalt  }
0x63: {  	_ =	shalt  }
0x64: {  	_ =	shalt  }
0x65: {  	_ =	shalt  }
0x66: {  	_ =	shalt  }
0x67: {  	_ =	shalt  }
0x68: {  	_ =	shalt  }
0x69: {  	_ =	shalt  }
0x6a: {  	_ =	shalt  }
0x6b: {  	_ =	shalt  }
0x6c: {  	_ =	shalt  }
0x6d: {  	_ =	shalt  }
0x6e: {  	_ =	shalt  }
0x6f: {  	_ =	shalt  }
0x70: {  	_ =	shalt  }
0x71: {  	_ =	shalt  }
0x72: {  	_ =	shalt  }
0x73: {  	_ =	shalt  }
0x74: {  	_ =	shalt  }
0x75: {  	_ =	shalt  }
0x76: {  	_ =	shalt  }
0x77: {  	_ =	shalt  }
0x78: {  	_ =	shalt  }
0x79: {  	_ =	shalt  }
0x7a: {  	_ =	shalt  }
0x7b: {  	_ =	shalt  }
0x7c: {  	_ =	shalt  }
0x7d: {  	_ =	shalt  }
0x7e: {  	_ =	shalt  }
0x7f: {  	_ =	shalt  }
0x80: {  	_ =	shalt  }
0x81: {  	_ =	shalt  }
0x82: {  	_ =	shalt  }
0x83: {  	_ =	shalt  }
0x84: {  	_ =	shalt  }
0x85: {  	_ =	shalt  }
0x86: {  	_ =	shalt  }
0x87: {  	_ =	shalt  }
.Lfunc_end0:
.L_simem_size_0:
called_computation_lowered:
.L_overlay_start_0:
0x88: {  	s2 =	sld [smem:$0x3FD9]  }
0x89: {  	s3 =	sld [smem:$0x3FFE];
	_ =	sdelay $0x1  }
0x8a: {  	s1 =	srdreg.scid  }
0x8b: {  	s0 =	sand.u32 $0x1, s1  }
0x8c: {  	s17 =	sshll.u32 s0, $0xA;
	s2 =	sadd.s32 s3, s2  }
0x8d: {  	s2 =	sadd.s32 s2, s17  }
0x8e: {  	[smem:$0x3FB6] =	sst s2  }
0x8f: {  	_ = 	snop  }
0x90: {  	s2 =	sld [smem:$0x3FD0];
	(tm) =	ssettm $0x1  }
0x91: {  	s18 =	sld [smem:$0x3FFB];
	_ =	sdelay $0x3  }
0x92: {  	_ =	strace s18  }
0x93: {  	s3 =	sld [smem:$0x3FFC];
	_ =	sdelay $0x3  }
0x94: {  	_ =	strace s3  }
0x95: {  	s3 =	sld [smem:$0x3FFD];
	_ =	sdelay $0x3  }
0x96: {  	_ =	strace s3  }
0x97: {  	_ =	strace $0x8FFFFFFF  }
0x98: {  	s19 =	sld [smem:$0x3FDB];
	_ =	sdelay $0x1  }
0x99: {  	s4 =	simm.s32 $_scs_section_size  }
0x9a: {  	s5 =	simm.s32 $_size__tile_overlayer_lowered;
	s6 =	simm.s32 $_tile_overlayer_lowered  }
0x9b: {  	s22 =	simm.s32 $0x1BFF;
	s21 =	sshll.u32 s6, $0x1;
	s3 =	sadd.s32 s4, s19  }
0x9c: {  	s7 =	simm.s32 $0x0;
	s20 =	sshll.u32 s5, $0x1;
	s5 =	sadd.s32 s21, s3  }
0x9d: {  	[timem:s7], [sflag:s22] =	dma.local [hbm:s5], s20  }
0x9e: {  	_ =	swait.ge [sflag:s22], s20  }
0x9f: {  	s4 =	ssub.s32 $0x0, s20;
	[sflag:s22] =	ssyncset.done $0x0  }
0xa0: {  	[sflag:s22] =	ssyncadd.s32 s4;
	_ =	sdelay $0x1  }
0xa1: {  	s23 =	simm.s32 $0x1B8B  }
0xa2: {  	_ =	swait.ge [sflag:s23], $0x1  }
0xa3: {  	[sflag:s23] =	ssyncset.done $0x0  }
0xa4: {  	s25 =	simm.s32 $0x1B8E;
	s24 =	sld [smem:$0x3FFE];
	[sflag:s23] =	ssyncadd.s32 $0xFFFFFFFF  }
0xa5: {  	s26 =	simm.s32 $execute0_lowered;
	[smem:$0x3FD2] =	sst s25  }
0xa6: {  	s5 =	sshll.u32 s26, $0x1;
	_ =	strace $0x80000046;
	[dreg:$0x1] =	wrdreg $0xFFFFFFFF  }
0xa7: {  	s28 =	simm.s32 $_size_execute0_lowered;
	s3 =	sadd.s32 s3, s5;
	[dreg:$0x0] =	wrdreg $0x0  }
0xa8: {  	s5 =	sshll.u32 s28, $0x1;
	[dreg:$0x2] =	wrdreg s3  }
0xa9: {  	[dreg:$0x3] =	wrdreg s5  }
0xaa: {  	[dreg:$0x4] =	wrdreg $0xC0  }
0xab: {  	_ =	task [dreg:s7], $0x5FFFF  }
0xac: {  	[dreg:$0x1] =	wrdreg $0xFFFFFFFF  }
0xad: {  	[dreg:$0x0] =	wrdreg $0x60  }
0xae: {  	[dreg:$0x2] =	wrdreg s24  }
0xaf: {  	[dreg:$0x3] =	wrdreg s2  }
0xb0: {  	[dreg:$0x4] =	wrdreg $0x4000  }
0xb1: {  	[dreg:$0x5] =	wrdreg $0x9  }
0xb2: {  	_ =	task.clear_ibuf [dreg:s7], $0x6FFFF;
	_ =	strace $0x90000046  }
0xb3: {  	s29 =	simm.s32 $0x9;
	_ =	strace $0x80000048  }
0xb4: {  	_ =	swait.ge [sflag:s29], $0x1  }
0xb5: {  	[sflag:s29] =	ssyncadd.s32 $0xFFFFFFFF  }
0xb6: {  	_ =	strace $0x90000048  }
0xb7: {  	_ =	sfence  }
0xb8: {  	s30 =	sld [smem:$0x0];
	_ =	sdelay $0x2  }
0xb9: {  	s31 =	sshll.u32 s1, $0xD;
	s1 =	sshrl.u32 s1, $0x2  }
0xba: {  	s3 =	sand.u32 $0x4000, s31;
	s1 =	sadd.s32 s1, s30  }
0xbb: {  	s0 =	sor.u32 s3, s0;
	s1 =	sshll.u32 s1, $0x11  }
0xbc: {  	s0 =	sor.u32 s1, s0  }
0xbd: {  	s0 =	sadd.s32 $0x8F2B, s0  }
0xbe: {  	[sflag:s0] =	ssyncadd.remote.s32 $0x1  }
0xbf: {  	_ =	sfence.sel $0xFFFF  }
0xc0: {  	[dreg:$0x0] =	wrdreg $0xFFFFFFFF;
	(pc) =	sbr.abs _section_cstart, $3  }
0xc1: {  	[dreg:$0x1] =	wrdreg $0xFFFFFFFF  }
0xc2: {  	_ =	task.clear_ibuf [dreg:s7], $0x2FFFF;
	_ =	strace $0x9FFFFFFF  }
0xc3: {  	(tm) =	ssettm $0x7FFFFFFF  }
tec
execute0_lowered:
.L_overlay_start_1:
0x0: {  	(tag) =	ssettag $0x1  }
0x1: {  	s6 =	rddreg [dreg:$0x0]  }
0x2: {  	s0 =	srdreg.scid;
	s2 =	rddreg [dreg:$0x1]  }
0x3: {  	s3 =	rddreg [dreg:$0x2];
	s5 =	sand.u32 $0x1, s0  }
0x4: {  	s0 =	stileid.u32;
	s7 =	smul.u32 $0x188000, s5  }
0x5: {  	s1 =	rddreg [dreg:$0x3];
	s4 =	simm.s32 $0x0;
	s8 =	smul.u32 $0x18800, s0  }
0x6: {  	s12 =	simm.s32 $0x200;
	[smem:$0x7FF] =	sst s4;
	s9 =	smul.u32 $0x1880, s0  }
0x7: {  	s13 =	simm.s32 $0x0;
	s26 =	smul.u32 $0x18800, s5;
	_ =	strace $0x80000047  }
0x8: {  	s29 =	ssub.s32 $0x2, s5;
	s5 =	sadd.s32 $0x66400, s6;
	s30 =	sshll.u32 s0, $0x6  }
0x9: {  	s11 =	sshrl.u32 s29, $0x1;
	s7 =	sadd.s32 s8, s7;
	s28 =	sadd.s32 s9, s26  }
0xa: {  	s8 =	ssub.s32 s29, s11;
	s31 =	sadd.s32 s9, s3;
	s7 =	sshrl.u32 s7, $0x3  }
0xb: {  	s11 =	simm.s32 $0x1;
	s10 =	sadd.s32 s7, s6;
	s7 =	sshrl.u32 s28, $0x3  }
0xc: {  	s8 =	smax.u32 s8, $0x1;
	s7 =	sadd.s32 s7, s6;
	s6 =	sor.u32 $0x1C01, s30  }
0xd: {  	s9 =	sadd.s32 $0x4400, s10;
	s10 =	sshrl.u32 s31, $0x3;
	s7 =	sadd.s32 $0x66600, s7  }
.LBB2_1:
0xe: {  	[spmem:s10], [sflag:s6] =	dma.local [hbm:s2], $0x310  }
0xf: {  	_ =	swait.ge [sflag:s11], $0x310  }
0x10: {  	[sflag:s11] =	ssyncset.done $0x0  }
0x11: {  	[sflag:s11] =	ssyncadd.s32 $0xFFFFFCF0  }
0x12: {  	[tilespmem:s12], [sflag:$0x1] =	stream.linear.gather [hbm4b:s5+s4], $0x200, $0x38;
	[tilespmem:$0x1C80] =	vst v63  }
0x13: {  	_ =	swait.ge [sflag:s11], $0x200  }
0x14: {  	[sflag:s11] =	ssyncset.done $0x0  }
0x15: {  	[sflag:s11] =	ssyncadd.s32 $0xFFFFFE00  }
0x16: {  	s14 =	sadd.s32 $0x0, s9;
	[bflag:$0x0] =	sbarrier.arrive $0xFFFF  }
0x17: {  	[tilespmem:s4], [sflag:$0x1] =	stream.linear.gather [hbm4b:s14+s4], $0x200, $0x38;
	[tilespmem:$0x1C80] =	vst v63  }
0x18: {  	_ =	swait.ge [sflag:s11], $0x200  }
0x19: {  	[sflag:s11] =	ssyncset.done $0x0  }
0x1a: {  	[sflag:s11] =	ssyncadd.s32 $0xFFFFFE00  }
0x1b: {  	[spmem:s3] =	stream.indirect.scatter.add.f32 [tilespmem:s12], [sflag:$0x1], $0x1, s4, s12, $0xb8;
	[tilespmem:$0x1C80] =	vst v63  }
0x1c: {  	_ =	swait.ge [sflag:s11], $0x200  }
0x1d: {  	s15 =	simm.s32 $0x80;
	s14 =	simm.s32 $0x40;
	[sflag:s11] =	ssyncset.done $0x0  }
.LBB2_2:
0x1e: {  	s16 =	sadd.s32 s14, s9  }
0x1f: {  	[sflag:s11] =	ssyncadd.s32 $0xFFFFFE00;
	s14 =	smov.u32 s15;
	s17 =	sadd.s32 $0x40, s15  }
0x20: {  	[tilespmem:s4], [sflag:$0x1] =	stream.linear.gather [hbm4b:s16+s4], $0x200, $0x38;
	[tilespmem:$0x1C80] =	vst v63  }
0x21: {  	p0 =	sne.s32 s15, $0x30C0;
	_ =	swait.ge [sflag:s11], $0x200  }
.Ltmp0:
0x22: {  	[sflag:s11] =	ssyncset.done $0x0;
	(pc) =	sbr.rel @p0 .LBB2_2-.Ltmp0, $4  }
0x23: {  	[sflag:s11] =	ssyncadd.s32 $0xFFFFFE00  }
0x24: {  	[spmem:s3] =	stream.indirect.scatter.add.f32 [tilespmem:s12], [sflag:$0x1], $0x1, s4, s12, $0xb8;
	[tilespmem:$0x1C80] =	vst v63  }
0x25: {  	_ =	swait.ge [sflag:s11], $0x200  }
0x26: {  	s15 =	smov.u32 s17;
	[sflag:s11] =	ssyncset.done $0x0  }
0x27: {  	s14 =	sadd.s32 s14, s9;
	[sflag:s11] =	ssyncadd.s32 $0xFFFFFE00  }
0x28: {  	[tilespmem:s4], [sflag:$0x1] =	stream.linear.gather [hbm4b:s14+s4], $0x200, $0x38;
	[tilespmem:$0x1C80] =	vst v63  }
0x29: {  	_ =	swait.ge [sflag:s11], $0x200  }
0x2a: {  	[sflag:s11] =	ssyncset.done $0x0  }
0x2b: {  	[sflag:s11] =	ssyncadd.s32 $0xFFFFFE00  }
0x2c: {  	[spmem:s3] =	stream.indirect.scatter.add.f32 [tilespmem:s12], [sflag:$0x1], $0x1, s4, s12, $0xb8;
	[tilespmem:$0x1C80] =	vst v63  }
0x2d: {  	_ =	swait.ge [sflag:s11], $0x200  }
0x2e: {  	s13 =	sadd.s32 $0x1, s13;
	[sflag:s11] =	ssyncset.done $0x0  }
0x2f: {  	p0 =	sne.s32 s13, s8;
	[sflag:s11] =	ssyncadd.s32 $0xFFFFFE00  }
.Ltmp1:
0x30: {  	[bflag:$0x0] =	sbarrier.arrive $0xFFFF;
	(pc) =	sbr.rel @p0 .LBB2_1-.Ltmp1, $4  }
0x31: {  	[hbm:s7], [sflag:s6] =	dma.local [spmem:s10], $0x310  }
0x32: {  	_ =	swait.ge [sflag:s11], $0x310  }
0x33: {  	[sflag:s11] =	ssyncset.done $0x0  }
0x34: {  	[sflag:s11] =	ssyncadd.s32 $0xFFFFFCF0  }
0x35: {  	_ =	sfence.sel $0x180000  }
0x36: {  	[bflag:$0x0] =	sbarrier.arrive $0xFFFF  }
0x37: {  	p0 =	sne.s32 s0, $0x0;
	_ =	strace $0x90000047  }
0x38: {  	s0 =	sadd.s32 @!p0 $0x100000, s1;
	[bflag:$0x2] =	sbarrier.arrive $0xFFFF  }
0x39: {  	[sflag:s0] =	ssyncadd.tile.s32 @!p0 $0x1;
	_ =	shalt  }
.Lfunc_end2:
_tile_overlayer_lowered:
.L_overlay_start_2:
0x3a: {  	(tag) =	ssettag $0x2  }
0x3b: {  	s0 =	rddreg [dreg:$0x0];
	s2 =	stileid.u32  }
0x3c: {  	s1 =	rddreg [dreg:$0x1];
	p0 =	sne.s32 s2, $0x0  }
0x3d: {  	s3 =	rddreg [dreg:$0x2];
	[bflag:$0x3] =	sbarrier.arrive $0xFFFF;
	s2 =	simm.s32 @!p0 $0x1C01  }
0x3e: {  	[timem:s3], [sflag:s2] =	dma.local @!p0 [hbm:s0], s1  }
0x3f: {  	s0 =	simm.s32 @!p0 $0x1  }
0x40: {  	_ =	swait.ge @!p0 [sflag:s0], s1  }
0x41: {  	s1 =	ssub.s32 @!p0 $0x0, s1;
	[sflag:s0] =	ssyncset.done @!p0 $0x0  }
0x42: {  	[sflag:s0] =	ssyncadd.s32 @!p0 s1  }
0x43: {  	[bflag:$0x3] =	sbarrier.arrive $0xFFFF  }
0x44: {  	_ =	shalt  }

// kernel: kernel.14.cloned.1.call-start
scs
__scs_entry_jumppad:
0x0: {  	(pc) =	sbr.rel $0x88, $3  }
0x1: {  	(tag) =	ssettag $0x0;
	lr =	simm.s32 $0x1  }
0x2: {  	[smem:$0x3F8F] =	sst lr;
	_ =	strace $0xD0000000  }
0x3: {  	_ = 	snop  }
0x4: {  	_ = 	snop  }
0x5: {  	_ = 	snop  }
0x6: {  	_ = 	snop  }
0x7: {  	_ = 	snop  }
__scs_overlays_trampoline_lowered:
0x8: {  	[smem:$0x3F9E] =	sst s0  }
0x9: {  	[smem:$0x3F9F] =	sst s1  }
0xa: {  	[smem:$0x3FA0] =	sst s2  }
0xb: {  	[smem:$0x3FA1] =	sst s3  }
0xc: {  	[smem:$0x3FA2] =	sst s4  }
0xd: {  	[smem:$0x3FA3] =	sst s5  }
0xe: {  	[smem:$0x3FA4] =	sst s6  }
0xf: {  	[smem:$0x3FA5] =	sst s7  }
0x10: {  	[smem:$0x3FA6] =	sst s8  }
0x11: {  	[smem:$0x3FA7] =	sst s9;
	s0 =	simm.s32 @!p0 $0x0  }
0x12: {  	s1 =	sld [smem:$0x3F8D];
	s0 =	simm.s32 @p0 $0x1  }
0x13: {  	[smem:$0x3FA8] =	sst s0;
	s0 =	simm.s32 @!p1 $0x0  }
0x14: {  	s2 =	sld [smem:$0x3F8C];
	s0 =	simm.s32 @p1 $0x1  }
0x15: {  	[smem:$0x3FA9] =	sst s0;
	s0 =	simm.s32 @!p2 $0x0  }
0x16: {  	s3 =	sld [smem:$0x3FDB];
	s0 =	simm.s32 @p2 $0x1  }
0x17: {  	s4 =	simm.s32 $0x1BF5;
	[smem:$0x3FAB] =	sst s0  }
0x18: {  	s0 =	sld [smem:$0x3F8E];
	_ =	swait.ge [sflag:s4], $0x0  }
0x19: {  	s7 =	sld [smem:$0x3F8F]  }
0x1a: {  	s8 =	sadd.s32 $0xFFFFE003, lr  }
0x1b: {  	s9 =	sadd.s32 $0xFFFFFEF7, lr;
	s5 =	simm.s32 $0xFFFFFFFF;
	p2 =	slt.u32 s8, $0xFFFFF086  }
0x1c: {  	p1 =	slt.u32 s9, $0xF7A;
	s5 =	simm.s32 @!p2 $0x0  }
0x1d: {  	s5 =	simm.s32 @p1 $0x1;
	p0 =	seq.s32 s7, s2  }
0x1e: {  	s7 =	smul.u32 @!p0 $0xF7A, s2;
	p2 =	seq.s32 @!p0 s5, $0x0  }
0x1f: {  	s9 =	smul.u32 $0xF7A, s1;
	s8 =	simm.s32 @!p0 $0x1BF5;
	p2 =	por !p2, p0  }
0x20: {  	[sflag:s8] =	ssyncset.s32 @!p0 $0xFFFFF086;
	s6 =	sadd.s32 @!p0 s3, s7;
	s7 =	simm.s32 @!p0 $0x108  }
0x21: {  	s3 =	sadd.s32 s3, s9;
	s6 =	sadd.s32 @!p0 $0x88, s6;
	s7 =	simm.s32 @p2 $0x1082  }
0x22: {  	[simem:s7], [sflag:s8] =	dma.local @!p0 [hbm:s6], $0xF7A  }
0x23: {  	s9 =	sor.u32 $0xD0000000, s2;
	s6 =	simm.s32 $0x108;
	_ =	swait.ge @!p0 [sflag:s8], $0x0  }
0x24: {  	s3 =	sadd.s32 $0x88, s3;
	s6 =	simm.s32 @!p1 $0x1082;
	[sflag:s4] =	ssyncset.s32 $0xFFFFF086  }
0x25: {  	[simem:s6], [sflag:s4] =	dma.local [hbm:s3], $0xF7A  }
0x26: {  	[smem:$0x3F8F] =	sst s1;
	(tag) =	ssettag s2;
	_ =	strace s9  }
0x27: {  	s1 =	sld [smem:$0x3F9F]  }
0x28: {  	s2 =	sld [smem:$0x3FA0]  }
0x29: {  	s4 =	sld [smem:$0x3FA2]  }
0x2a: {  	p0 =	seq.s32 s5, $0x0;
	s5 =	sld [smem:$0x3FA3]  }
0x2b: {  	s6 =	sld [smem:$0x3FA4]  }
0x2c: {  	s7 =	sld [smem:$0x3FA5]  }
0x2d: {  	s3 =	simm.s32 $0x108;
	s8 =	sld [smem:$0x3FA6]  }
0x2e: {  	s3 =	simm.s32 @!p0 $0x1082;
	s9 =	sld [smem:$0x3FA7]  }
0x2f: {  	lr =	sadd.s32 s0, s3;
	s0 =	sld [smem:$0x3F9E]  }
0x30: {  	s3 =	sld [smem:$0x3FA1]  }
0x31: {  	[smem:$0x3FAA] =	sst s10  }
0x32: {  	s10 =	sld [smem:$0x3FA8];
	_ =	sdelay $0x3  }
0x33: {  	p0 =	seq.s32 s10, $0x1;
	s10 =	sld [smem:$0x3FAA];
	_ =	sdelay $0x3  }
0x34: {  	[smem:$0x3FAA] =	sst s10  }
0x35: {  	s10 =	sld [smem:$0x3FA9];
	_ =	sdelay $0x3  }
0x36: {  	p1 =	seq.s32 s10, $0x1;
	s10 =	sld [smem:$0x3FAA];
	_ =	sdelay $0x3  }
0x37: {  	[smem:$0x3FAA] =	sst s10  }
0x38: {  	s10 =	sld [smem:$0x3FAB]  }
0x39: {  	_ = 	snop;
	(pc) =	sbr.ind lr, $3  }
0x3a: {  	_ = 	snop  }
0x3b: {  	_ = 	snop  }
0x3c: {  	p2 =	seq.s32 s10, $0x1;
	s10 =	sld [smem:$0x3FAA]  }
0x3d: {  	_ =	shalt  }
0x3e: {  	_ =	shalt  }
0x3f: {  	_ =	shalt  }
0x40: {  	_ =	shalt  }
0x41: {  	_ =	shalt  }
0x42: {  	_ =	shalt  }
0x43: {  	_ =	shalt  }
0x44: {  	_ =	shalt  }
0x45: {  	_ =	shalt  }
0x46: {  	_ =	shalt  }
0x47: {  	_ =	shalt  }
0x48: {  	_ =	shalt  }
0x49: {  	_ =	shalt  }
0x4a: {  	_ =	shalt  }
0x4b: {  	_ =	shalt  }
0x4c: {  	_ =	shalt  }
0x4d: {  	_ =	shalt  }
0x4e: {  	_ =	shalt  }
0x4f: {  	_ =	shalt  }
0x50: {  	_ =	shalt  }
0x51: {  	_ =	shalt  }
0x52: {  	_ =	shalt  }
0x53: {  	_ =	shalt  }
0x54: {  	_ =	shalt  }
0x55: {  	_ =	shalt  }
0x56: {  	_ =	shalt  }
0x57: {  	_ =	shalt  }
0x58: {  	_ =	shalt  }
0x59: {  	_ =	shalt  }
0x5a: {  	_ =	shalt  }
0x5b: {  	_ =	shalt  }
0x5c: {  	_ =	shalt  }
0x5d: {  	_ =	shalt  }
0x5e: {  	_ =	shalt  }
0x5f: {  	_ =	shalt  }
0x60: {  	_ =	shalt  }
0x61: {  	_ =	shalt  }
0x62: {  	_ =	shalt  }
0x63: {  	_ =	shalt  }
0x64: {  	_ =	shalt  }
0x65: {  	_ =	shalt  }
0x66: {  	_ =	shalt  }
0x67: {  	_ =	shalt  }
0x68: {  	_ =	shalt  }
0x69: {  	_ =	shalt  }
0x6a: {  	_ =	shalt  }
0x6b: {  	_ =	shalt  }
0x6c: {  	_ =	shalt  }
0x6d: {  	_ =	shalt  }
0x6e: {  	_ =	shalt  }
0x6f: {  	_ =	shalt  }
0x70: {  	_ =	shalt  }
0x71: {  	_ =	shalt  }
0x72: {  	_ =	shalt  }
0x73: {  	_ =	shalt  }
0x74: {  	_ =	shalt  }
0x75: {  	_ =	shalt  }
0x76: {  	_ =	shalt  }
0x77: {  	_ =	shalt  }
0x78: {  	_ =	shalt  }
0x79: {  	_ =	shalt  }
0x7a: {  	_ =	shalt  }
0x7b: {  	_ =	shalt  }
0x7c: {  	_ =	shalt  }
0x7d: {  	_ =	shalt  }
0x7e: {  	_ =	shalt  }
0x7f: {  	_ =	shalt  }
0x80: {  	_ =	shalt  }
0x81: {  	_ =	shalt  }
0x82: {  	_ =	shalt  }
0x83: {  	_ =	shalt  }
0x84: {  	_ =	shalt  }
0x85: {  	_ =	shalt  }
0x86: {  	_ =	shalt  }
0x87: {  	_ =	shalt  }
.Lfunc_end0:
.L_simem_size_0:
called_computation.1_lowered:
.L_overlay_start_0:
0x88: {  	s2 =	sld [smem:$0x3FD9]  }
0x89: {  	s3 =	sld [smem:$0x3FFE];
	_ =	sdelay $0x1  }
0x8a: {  	s1 =	srdreg.scid  }
0x8b: {  	s0 =	sand.u32 $0x1, s1  }
0x8c: {  	s16 =	sshll.u32 s0, $0xA;
	s2 =	sadd.s32 s3, s2  }
0x8d: {  	s2 =	sadd.s32 s2, s16  }
0x8e: {  	[smem:$0x3FB6] =	sst s2  }
0x8f: {  	_ = 	snop  }
0x90: {  	(tm) =	ssettm $0x1  }
0x91: {  	s17 =	sld [smem:$0x3FFB];
	_ =	sdelay $0x3  }
0x92: {  	_ =	strace s17  }
0x93: {  	s2 =	sld [smem:$0x3FFC];
	_ =	sdelay $0x3  }
0x94: {  	_ =	strace s2  }
0x95: {  	s2 =	sld [smem:$0x3FFD];
	_ =	sdelay $0x3  }
0x96: {  	_ =	strace s2  }
0x97: {  	_ =	strace $0x8FFFFFFF  }
0x98: {  	s18 =	sld [smem:$0x3FDB];
	_ =	sdelay $0x1  }
0x99: {  	s19 =	simm.s32 $_scs_section_size  }
0x9a: {  	s4 =	simm.s32 $_size__tile_overlayer_lowered;
	s5 =	simm.s32 $_tile_overlayer_lowered  }
0x9b: {  	s22 =	simm.s32 $0x1BFF;
	s21 =	sshll.u32 s5, $0x1;
	s2 =	sadd.s32 s19, s18  }
0x9c: {  	s6 =	simm.s32 $0x0;
	s20 =	sshll.u32 s4, $0x1;
	s4 =	sadd.s32 s21, s2  }
0x9d: {  	[timem:s6], [sflag:s22] =	dma.local [hbm:s4], s20  }
0x9e: {  	_ =	swait.ge [sflag:s22], s20  }
0x9f: {  	s3 =	ssub.s32 $0x0, s20;
	[sflag:s22] =	ssyncset.done $0x0  }
0xa0: {  	[sflag:s22] =	ssyncadd.s32 s3;
	_ =	sdelay $0x1  }
0xa1: {  	s23 =	simm.s32 $0x1B8B  }
0xa2: {  	_ =	swait.ge [sflag:s23], $0x1  }
0xa3: {  	[sflag:s23] =	ssyncset.done $0x0  }
0xa4: {  	s25 =	simm.s32 $0x1B8E;
	s24 =	sld [smem:$0x3FFE];
	[sflag:s23] =	ssyncadd.s32 $0xFFFFFFFF  }
0xa5: {  	s26 =	simm.s32 $execute0_lowered;
	[smem:$0x3FD2] =	sst s25  }
0xa6: {  	s4 =	sshll.u32 s26, $0x1;
	_ =	strace $0x80000049;
	[dreg:$0x1] =	wrdreg $0xFFFFFFFF  }
0xa7: {  	s28 =	simm.s32 $_size_execute0_lowered;
	s2 =	sadd.s32 s2, s4;
	[dreg:$0x0] =	wrdreg $0x0  }
0xa8: {  	s4 =	sshll.u32 s28, $0x1;
	[dreg:$0x2] =	wrdreg s2  }
0xa9: {  	[dreg:$0x3] =	wrdreg s4  }
0xaa: {  	[dreg:$0x4] =	wrdreg $0xC0  }
0xab: {  	_ =	task [dreg:s6], $0x5FFFF  }
0xac: {  	[dreg:$0x1] =	wrdreg $0xFFFFFFFF  }
0xad: {  	[dreg:$0x0] =	wrdreg $0x60  }
0xae: {  	[dreg:$0x2] =	wrdreg s24  }
0xaf: {  	[dreg:$0x3] =	wrdreg $0x48000  }
0xb0: {  	[dreg:$0x4] =	wrdreg $0x9  }
0xb1: {  	_ =	task.clear_ibuf [dreg:s6], $0x5FFFF;
	_ =	strace $0x90000049  }
0xb2: {  	s29 =	simm.s32 $0x9;
	_ =	strace $0x8000004B  }
0xb3: {  	_ =	swait.ge [sflag:s29], $0x1  }
0xb4: {  	[sflag:s29] =	ssyncadd.s32 $0xFFFFFFFF  }
0xb5: {  	_ =	strace $0x9000004B  }
0xb6: {  	_ =	sfence  }
0xb7: {  	s30 =	sld [smem:$0x0];
	_ =	sdelay $0x2  }
0xb8: {  	s31 =	sshll.u32 s1, $0xD;
	s1 =	sshrl.u32 s1, $0x2  }
0xb9: {  	s3 =	sand.u32 $0x4000, s31;
	s1 =	sadd.s32 s1, s30  }
0xba: {  	s0 =	sor.u32 s3, s0;
	s1 =	sshll.u32 s1, $0x11  }
0xbb: {  	s0 =	sor.u32 s1, s0  }
0xbc: {  	s0 =	sadd.s32 $0x8F2B, s0  }
0xbd: {  	[sflag:s0] =	ssyncadd.remote.s32 $0x1  }
0xbe: {  	_ =	sfence.sel $0xFFFF  }
0xbf: {  	[dreg:$0x0] =	wrdreg $0xFFFFFFFF;
	(pc) =	sbr.abs _section_cstart, $3  }
0xc0: {  	[dreg:$0x1] =	wrdreg $0xFFFFFFFF  }
0xc1: {  	_ =	task.clear_ibuf [dreg:s6], $0x2FFFF;
	_ =	strace $0x9FFFFFFF  }
0xc2: {  	(tm) =	ssettm $0x7FFFFFFF  }
0xc3: {  	_ =	shalt  }
tec
execute0_lowered:
.L_overlay_start_1:
0x0: {  	(tag) =	ssettag $0x1  }
0x1: {  	s6 =	rddreg [dreg:$0x0]  }
0x2: {  	s1 =	rddreg [dreg:$0x1];
	s2 =	srdreg.scid  }
0x3: {  	s3 =	simm.s32 $0x0;
	s19 =	simm.s32 $0x200;
	s20 =	simm.s32 $0x800  }
0x4: {  	s21 =	simm.s32 $0x400;
	s22 =	simm.s32 $0x600;
	s23 =	simm.s32 $0x2800  }
0x5: {  	s24 =	simm.s32 $0x1;
	s5 =	sand.u32 $0x1, s2;
	s2 =	stileid.u32  }
0x6: {  	[smem:$0x7FF] =	sst s3;
	s16 =	sadd.s32 $0x6C800, s6;
	s7 =	smul.u32 $0x188000, s5  }
0x7: {  	s15 =	sadd.s32 $0x4400, s6;
	s4 =	sadd.s32 $0xCE800, s6;
	s8 =	smul.u32 $0x18800, s2  }
0x8: {  	_ =	strace $0x8000004A;
	s25 =	sshll.u32 s5, $0x4;
	s26 =	ssub.s32 $0x2, s5  }
0x9: {  	s29 =	smul.u32 $0x62000, s2;
	s5 =	sadd.s32 $0x66400, s6;
	s31 =	sshll.u32 s2, $0x6  }
0xa: {  	s28 =	sor.u32 s2, s25;
	s10 =	sshrl.u32 s26, $0x1;
	s25 =	simm.s32 $0x2  }
0xb: {  	s13 =	sadd.s32 s8, s7;
	s11 =	smul.u32 $0x18800, s28;
	s10 =	ssub.s32 s26, s10  }
0xc: {  	s30 =	sshrl.u32 s29, $0x2;
	s26 =	simm.s32 $0x0;
	s9 =	sshrl.u32 s13, $0x3  }
0xd: {  	s17 =	sadd.s32 s30, s1;
	s10 =	smax.u32 s10, $0x1;
	s14 =	sor.u32 $0x400, s13  }
0xe: {  	s18 =	sor.u32 $0x200, s13;
	s9 =	sadd.s32 s9, s6;
	s11 =	sshrl.u32 s11, $0x3  }
0xf: {  	s6 =	sor.u32 $0x1C03, s31;
	s14 =	sshrl.u32 s14, $0x3;
	s18 =	sshrl.u32 s18, $0x3  }
0x10: {  	s17 =	sshrl.u32 s17, $0x3;
	s7 =	sadd.s32 s16, s11;
	s8 =	sadd.s32 s15, s11  }
0x11: {  	s9 =	sadd.s32 $0xFF800, s9;
	s12 =	sadd.s32 $0x30C0, s11;
	s13 =	sadd.s32 s14, s15  }
0x12: {  	s14 =	sadd.s32 s14, s16;
	s11 =	sadd.s32 s16, s12;
	s12 =	sadd.s32 s15, s12  }
0x13: {  	s15 =	sadd.s32 s18, s15;
	s16 =	sadd.s32 s18, s16;
	s18 =	simm.s32 $0x3  }
.LBB2_1:
0x14: {  	[spmem:s17], [sflag:s6] =	dma.local [hbm:s5], $0x3100  }
0x15: {  	_ =	swait.ge [sflag:s18], $0x3100  }
0x16: {  	[sflag:s18] =	ssyncset.done $0x0  }
0x17: {  	[sflag:s18] =	ssyncadd.s32 $0xFFFFCF00  }
0x18: {  	[bflag:$0x0] =	sbarrier.arrive $0xFFFF  }
0x19: {  	[tilespmem:s3], [sflag:$0x3] =	stream.linear.gather [hbm4b:s7+s3], $0x200, $0x38;
	[tilespmem:$0x1D000] =	vst v63  }
0x1a: {  	_ =	swait.ge [sflag:s18], $0x200  }
0x1b: {  	[sflag:s18] =	ssyncset.done $0x0  }
0x1c: {  	[sflag:s18] =	ssyncadd.s32 $0xFFFFFE00  }
0x1d: {  	[tilespmem:s19], [sflag:$0x3] =	stream.linear.gather [hbm4b:s8+s3], $0x200, $0x38;
	[tilespmem:$0x1D000] =	vst v63  }
0x1e: {  	_ =	swait.ge [sflag:s18], $0x200  }
0x1f: {  	[sflag:s18] =	ssyncset.done $0x0  }
0x20: {  	[sflag:s18] =	ssyncadd.s32 $0xFFFFFE00  }
0x21: {  	[tilespmem:s20], [sflag:$0x1] =	stream.indirect.gather [hbm4b:s4+s19], $0x10, s3, s19, $0xb8;
	[tilespmem:$0x1D000] =	vst v63  }
0x22: {  	s28 =	sadd.s32 $0x0, s16  }
0x23: {  	[tilespmem:s21], [sflag:$0x3] =	stream.linear.gather [hbm4b:s28+s3], $0x200, $0x38;
	[tilespmem:$0x1D000] =	vst v63  }
0x24: {  	_ =	swait.ge [sflag:s18], $0x200  }
0x25: {  	[sflag:s18] =	ssyncset.done $0x0  }
0x26: {  	s28 =	sadd.s32 $0x0, s15;
	[sflag:s18] =	ssyncadd.s32 $0xFFFFFE00  }
0x27: {  	[tilespmem:s22], [sflag:$0x3] =	stream.linear.gather [hbm4b:s28+s3], $0x200, $0x38;
	[tilespmem:$0x1D000] =	vst v63  }
0x28: {  	_ =	swait.ge [sflag:s18], $0x200  }
0x29: {  	[sflag:s18] =	ssyncset.done $0x0  }
0x2a: {  	[sflag:s18] =	ssyncadd.s32 $0xFFFFFE00  }
0x2b: {  	[tilespmem:s23], [sflag:$0x2] =	stream.indirect.gather [hbm4b:s4+s19], $0x10, s21, s19, $0xb8;
	[tilespmem:$0x1D000] =	vst v63  }
0x2c: {  	_ =	swait.ge [sflag:s24], $0x2000  }
0x2d: {  	[sflag:s24] =	ssyncset.done $0x0  }
0x2e: {  	[sflag:s24] =	ssyncadd.s32 $0xFFFFE000  }
0x2f: {  	[spmem:s1] =	stream.indirect.scatter.add.f32 [tilespmem:s20], [sflag:$0x3], $0x10, s19, s19, $0xb8;
	[tilespmem:$0x1D000] =	vst v63  }
0x30: {  	_ =	swait.ge [sflag:s18], $0x2000  }
0x31: {  	[sflag:s18] =	ssyncset.done $0x0  }
0x32: {  	s28 =	sadd.s32 $0x0, s14;
	[sflag:s18] =	ssyncadd.s32 $0xFFFFE000  }
0x33: {  	[tilespmem:s3], [sflag:$0x3] =	stream.linear.gather [hbm4b:s28+s3], $0x200, $0x38;
	[tilespmem:$0x1D000] =	vst v63  }
0x34: {  	_ =	swait.ge [sflag:s18], $0x200  }
0x35: {  	[sflag:s18] =	ssyncset.done $0x0  }
0x36: {  	s28 =	sadd.s32 $0x0, s13;
	[sflag:s18] =	ssyncadd.s32 $0xFFFFFE00  }
0x37: {  	[tilespmem:s19], [sflag:$0x3] =	stream.linear.gather [hbm4b:s28+s3], $0x200, $0x38;
	[tilespmem:$0x1D000] =	vst v63  }
0x38: {  	_ =	swait.ge [sflag:s18], $0x200  }
0x39: {  	[sflag:s18] =	ssyncset.done $0x0  }
0x3a: {  	[sflag:s18] =	ssyncadd.s32 $0xFFFFFE00  }
0x3b: {  	[tilespmem:s20], [sflag:$0x1] =	stream.indirect.gather [hbm4b:s4+s19], $0x10, s3, s19, $0xb8;
	[tilespmem:$0x1D000] =	vst v63  }
0x3c: {  	_ =	swait.ge [sflag:s25], $0x2000  }
0x3d: {  	[sflag:s25] =	ssyncset.done $0x0  }
0x3e: {  	[sflag:s25] =	ssyncadd.s32 $0xFFFFE000  }
0x3f: {  	[spmem:s1] =	stream.indirect.scatter.add.f32 [tilespmem:s23], [sflag:$0x3], $0x10, s22, s19, $0xb8;
	[tilespmem:$0x1D000] =	vst v63  }
0x40: {  	_ =	swait.ge [sflag:s18], $0x2000  }
0x41: {  	s30 =	simm.s32 $0x100;
	s28 =	simm.s32 $0x80;
	[sflag:s18] =	ssyncset.done $0x0  }
.LBB2_2:
0x42: {  	s31 =	sadd.s32 s28, s16  }
0x43: {  	[sflag:s18] =	ssyncadd.s32 $0xFFFFE000;
	s0 =	smov.u32 s30;
	s29 =	sadd.s32 $0x80, s30  }
0x44: {  	[tilespmem:s21], [sflag:$0x3] =	stream.linear.gather [hbm4b:s31+s3], $0x200, $0x38;
	[tilespmem:$0x1D000] =	vst v63  }
0x45: {  	p0 =	sne.s32 s30, $0x3000;
	_ =	swait.ge [sflag:s18], $0x200  }
0x46: {  	[sflag:s18] =	ssyncset.done $0x0  }
0x47: {  	s30 =	sadd.s32 s28, s15;
	[sflag:s18] =	ssyncadd.s32 $0xFFFFFE00  }
0x48: {  	[tilespmem:s22], [sflag:$0x3] =	stream.linear.gather [hbm4b:s30+s3], $0x200, $0x38;
	[tilespmem:$0x1D000] =	vst v63  }
0x49: {  	_ =	swait.ge [sflag:s18], $0x200  }
0x4a: {  	[sflag:s18] =	ssyncset.done $0x0  }
0x4b: {  	[sflag:s18] =	ssyncadd.s32 $0xFFFFFE00  }
0x4c: {  	[tilespmem:s23], [sflag:$0x2] =	stream.indirect.gather [hbm4b:s4+s19], $0x10, s21, s19, $0xb8;
	[tilespmem:$0x1D000] =	vst v63  }
0x4d: {  	_ =	swait.ge [sflag:s24], $0x2000  }
0x4e: {  	[sflag:s24] =	ssyncset.done $0x0  }
0x4f: {  	[sflag:s24] =	ssyncadd.s32 $0xFFFFE000  }
0x50: {  	[spmem:s1] =	stream.indirect.scatter.add.f32 [tilespmem:s20], [sflag:$0x3], $0x10, s19, s19, $0xb8;
	[tilespmem:$0x1D000] =	vst v63  }
0x51: {  	_ =	swait.ge [sflag:s18], $0x2000  }
0x52: {  	[sflag:s18] =	ssyncset.done $0x0  }
0x53: {  	s30 =	sadd.s32 s28, s14;
	[sflag:s18] =	ssyncadd.s32 $0xFFFFE000  }
0x54: {  	[tilespmem:s3], [sflag:$0x3] =	stream.linear.gather [hbm4b:s30+s3], $0x200, $0x38;
	[tilespmem:$0x1D000] =	vst v63  }
0x55: {  	_ =	swait.ge [sflag:s18], $0x200  }
0x56: {  	[sflag:s18] =	ssyncset.done $0x0  }
0x57: {  	s30 =	sadd.s32 s28, s13;
	s28 =	smov.u32 s0;
	[sflag:s18] =	ssyncadd.s32 $0xFFFFFE00  }
0x58: {  	[tilespmem:s19], [sflag:$0x3] =	stream.linear.gather [hbm4b:s30+s3], $0x200, $0x38;
	[tilespmem:$0x1D000] =	vst v63  }
0x59: {  	_ =	swait.ge [sflag:s18], $0x200  }
0x5a: {  	[sflag:s18] =	ssyncset.done $0x0  }
0x5b: {  	[sflag:s18] =	ssyncadd.s32 $0xFFFFFE00  }
0x5c: {  	[tilespmem:s20], [sflag:$0x1] =	stream.indirect.gather [hbm4b:s4+s19], $0x10, s3, s19, $0xb8;
	[tilespmem:$0x1D000] =	vst v63  }
0x5d: {  	_ =	swait.ge [sflag:s25], $0x2000  }
.Ltmp0:
0x5e: {  	[sflag:s25] =	ssyncset.done $0x0;
	(pc) =	sbr.rel @p0 .LBB2_2-.Ltmp0, $4  }
0x5f: {  	[sflag:s25] =	ssyncadd.s32 $0xFFFFE000  }
0x60: {  	[spmem:s1] =	stream.indirect.scatter.add.f32 [tilespmem:s23], [sflag:$0x3], $0x10, s22, s19, $0xb8;
	[tilespmem:$0x1D000] =	vst v63  }
0x61: {  	_ =	swait.ge [sflag:s18], $0x2000  }
0x62: {  	s30 =	smov.u32 s29;
	[sflag:s18] =	ssyncset.done $0x0  }
0x63: {  	s0 =	sadd.s32 s28, s16;
	[sflag:s18] =	ssyncadd.s32 $0xFFFFE000  }
0x64: {  	[tilespmem:s21], [sflag:$0x3] =	stream.linear.gather [hbm4b:s0+s3], $0x200, $0x38;
	[tilespmem:$0x1D000] =	vst v63  }
0x65: {  	_ =	swait.ge [sflag:s18], $0x200  }
0x66: {  	[sflag:s18] =	ssyncset.done $0x0  }
0x67: {  	s29 =	sadd.s32 s28, s15;
	[sflag:s18] =	ssyncadd.s32 $0xFFFFFE00  }
0x68: {  	[tilespmem:s22], [sflag:$0x3] =	stream.linear.gather [hbm4b:s29+s3], $0x200, $0x38;
	[tilespmem:$0x1D000] =	vst v63  }
0x69: {  	_ =	swait.ge [sflag:s18], $0x200  }
0x6a: {  	[sflag:s18] =	ssyncset.done $0x0  }
0x6b: {  	[sflag:s18] =	ssyncadd.s32 $0xFFFFFE00  }
0x6c: {  	[tilespmem:s23], [sflag:$0x2] =	stream.indirect.gather [hbm4b:s4+s19], $0x10, s21, s19, $0xb8;
	[tilespmem:$0x1D000] =	vst v63  }
0x6d: {  	_ =	swait.ge [sflag:s24], $0x2000  }
0x6e: {  	[sflag:s24] =	ssyncset.done $0x0  }
0x6f: {  	[sflag:s24] =	ssyncadd.s32 $0xFFFFE000  }
0x70: {  	[spmem:s1] =	stream.indirect.scatter.add.f32 [tilespmem:s20], [sflag:$0x3], $0x10, s19, s19, $0xb8;
	[tilespmem:$0x1D000] =	vst v63  }
0x71: {  	_ =	swait.ge [sflag:s18], $0x2000  }
0x72: {  	[sflag:s18] =	ssyncset.done $0x0  }
0x73: {  	s30 =	sadd.s32 s28, s14;
	[sflag:s18] =	ssyncadd.s32 $0xFFFFE000  }
0x74: {  	[tilespmem:s3], [sflag:$0x3] =	stream.linear.gather [hbm4b:s30+s3], $0x200, $0x38;
	[tilespmem:$0x1D000] =	vst v63  }
0x75: {  	_ =	swait.ge [sflag:s18], $0x200  }
0x76: {  	[sflag:s18] =	ssyncset.done $0x0  }
0x77: {  	s31 =	sadd.s32 s28, s13;
	[sflag:s18] =	ssyncadd.s32 $0xFFFFFE00  }
0x78: {  	[tilespmem:s19], [sflag:$0x3] =	stream.linear.gather [hbm4b:s31+s3], $0x200, $0x38;
	[tilespmem:$0x1D000] =	vst v63  }
0x79: {  	_ =	swait.ge [sflag:s18], $0x200  }
0x7a: {  	[sflag:s18] =	ssyncset.done $0x0  }
0x7b: {  	[sflag:s18] =	ssyncadd.s32 $0xFFFFFE00  }
0x7c: {  	[tilespmem:s20], [sflag:$0x1] =	stream.indirect.gather [hbm4b:s4+s19], $0x10, s3, s19, $0xb8;
	[tilespmem:$0x1D000] =	vst v63  }
0x7d: {  	_ =	swait.ge [sflag:s25], $0x2000  }
0x7e: {  	[sflag:s25] =	ssyncset.done $0x0  }
0x7f: {  	[sflag:s25] =	ssyncadd.s32 $0xFFFFE000  }
0x80: {  	[spmem:s1] =	stream.indirect.scatter.add.f32 [tilespmem:s23], [sflag:$0x3], $0x10, s22, s19, $0xb8;
	[tilespmem:$0x1D000] =	vst v63  }
0x81: {  	_ =	swait.ge [sflag:s18], $0x2000  }
0x82: {  	[sflag:s18] =	ssyncset.done $0x0  }
0x83: {  	[sflag:s18] =	ssyncadd.s32 $0xFFFFE000  }
0x84: {  	[tilespmem:s21], [sflag:$0x3] =	stream.linear.gather [hbm4b:s11+s3], $0x200, $0x38;
	[tilespmem:$0x1D000] =	vst v63  }
0x85: {  	_ =	swait.ge [sflag:s18], $0x200  }
0x86: {  	[sflag:s18] =	ssyncset.done $0x0  }
0x87: {  	[sflag:s18] =	ssyncadd.s32 $0xFFFFFE00  }
0x88: {  	[tilespmem:s22], [sflag:$0x3] =	stream.linear.gather [hbm4b:s12+s3], $0x200, $0x38;
	[tilespmem:$0x1D000] =	vst v63  }
0x89: {  	_ =	swait.ge [sflag:s18], $0x200  }
0x8a: {  	[sflag:s18] =	ssyncset.done $0x0  }
0x8b: {  	[sflag:s18] =	ssyncadd.s32 $0xFFFFFE00  }
0x8c: {  	[tilespmem:s23], [sflag:$0x2] =	stream.indirect.gather [hbm4b:s4+s19], $0x10, s21, s19, $0xb8;
	[tilespmem:$0x1D000] =	vst v63  }
0x8d: {  	_ =	swait.ge [sflag:s24], $0x2000  }
0x8e: {  	[sflag:s24] =	ssyncset.done $0x0  }
0x8f: {  	[sflag:s24] =	ssyncadd.s32 $0xFFFFE000  }
0x90: {  	[spmem:s1] =	stream.indirect.scatter.add.f32 [tilespmem:s20], [sflag:$0x3], $0x10, s19, s19, $0xb8;
	[tilespmem:$0x1D000] =	vst v63  }
0x91: {  	_ =	swait.ge [sflag:s18], $0x2000  }
0x92: {  	[sflag:s18] =	ssyncset.done $0x0  }
0x93: {  	[sflag:s18] =	ssyncadd.s32 $0xFFFFE000  }
0x94: {  	_ =	swait.ge [sflag:s25], $0x2000  }
0x95: {  	[sflag:s25] =	ssyncset.done $0x0  }
0x96: {  	[sflag:s25] =	ssyncadd.s32 $0xFFFFE000  }
0x97: {  	[spmem:s1] =	stream.indirect.scatter.add.f32 [tilespmem:s23], [sflag:$0x3], $0x10, s22, s19, $0xb8;
	[tilespmem:$0x1D000] =	vst v63  }
0x98: {  	_ =	swait.ge [sflag:s18], $0x2000  }
0x99: {  	s26 =	sadd.s32 $0x1, s26;
	[sflag:s18] =	ssyncset.done $0x0  }
0x9a: {  	p0 =	sne.s32 s26, s10;
	[sflag:s18] =	ssyncadd.s32 $0xFFFFE000  }
.Ltmp1:
0x9b: {  	[bflag:$0x0] =	sbarrier.arrive $0xFFFF;
	(pc) =	sbr.rel @p0 .LBB2_1-.Ltmp1, $4  }
0x9c: {  	[hbm:s9], [sflag:s6] =	dma.local [spmem:s17], $0x3100  }
0x9d: {  	_ =	swait.ge [sflag:s18], $0x3100  }
0x9e: {  	[sflag:s18] =	ssyncset.done $0x0  }
0x9f: {  	[sflag:s18] =	ssyncadd.s32 $0xFFFFCF00  }
0xa0: {  	_ =	sfence.sel $0x180000  }
0xa1: {  	[bflag:$0x0] =	sbarrier.arrive $0xFFFF  }
0xa2: {  	_ =	strace $0x9000004A  }
0xa3: {  	[bflag:$0x2] =	sbarrier.arrive $0xFFFF  }
0xa4: {  	p0 =	sne.s32 s2, $0x0;
	s0 =	rddreg [dreg:$0x2]  }
0xa5: {  	s0 =	sadd.s32 @!p0 $0x100000, s0  }
0xa6: {  	[sflag:s0] =	ssyncadd.tile.s32 @!p0 $0x1;
	_ =	shalt  }
.Lfunc_end2:
_tile_overlayer_lowered:
.L_overlay_start_2:
0xa7: {  	(tag) =	ssettag $0x2  }
0xa8: {  	s0 =	rddreg [dreg:$0x0];
	s2 =	stileid.u32  }
0xa9: {  	s1 =	rddreg [dreg:$0x1];
	p0 =	sne.s32 s2, $0x0  }
0xaa: {  	s3 =	rddreg [dreg:$0x2];
	[bflag:$0x3] =	sbarrier.arrive $0xFFFF;
	s2 =	simm.s32 @!p0 $0x1C03  }
0xab: {  	[timem:s3], [sflag:s2] =	dma.local @!p0 [hbm:s0], s1  }
0xac: {  	s0 =	simm.s32 @!p0 $0x3  }
0xad: {  	_ =	swait.ge @!p0 [sflag:s0], s1  }
0xae: {  	s1 =	ssub.s32 @!p0 $0x0, s1;
	[sflag:s0] =	ssyncset.done @!p0 $0x0  }
0xaf: {  	[sflag:s0] =	ssyncadd.s32 @!p0 s1  }
0xb0: {  	[bflag:$0x3] =	sbarrier.arrive $0xFFFF  }
0xb1: {  	_ =	shalt  }

// kernel: kernel.17.cloned.1.call-start
scs
__scs_entry_jumppad:
0x0: {  	(pc) =	sbr.rel $0x88, $3  }
0x1: {  	(tag) =	ssettag $0x0;
	lr =	simm.s32 $0x1  }
0x2: {  	[smem:$0x3F8F] =	sst lr;
	_ =	strace $0xD0000000  }
0x3: {  	_ = 	snop  }
0x4: {  	_ = 	snop  }
0x5: {  	_ = 	snop  }
0x6: {  	_ = 	snop  }
0x7: {  	_ = 	snop  }
__scs_overlays_trampoline_lowered:
0x8: {  	[smem:$0x3F9E] =	sst s0  }
0x9: {  	[smem:$0x3F9F] =	sst s1  }
0xa: {  	[smem:$0x3FA0] =	sst s2  }
0xb: {  	[smem:$0x3FA1] =	sst s3  }
0xc: {  	[smem:$0x3FA2] =	sst s4  }
0xd: {  	[smem:$0x3FA3] =	sst s5  }
0xe: {  	[smem:$0x3FA4] =	sst s6  }
0xf: {  	[smem:$0x3FA5] =	sst s7  }
0x10: {  	[smem:$0x3FA6] =	sst s8  }
0x11: {  	[smem:$0x3FA7] =	sst s9;
	s0 =	simm.s32 @!p0 $0x0  }
0x12: {  	s1 =	sld [smem:$0x3F8D];
	s0 =	simm.s32 @p0 $0x1  }
0x13: {  	[smem:$0x3FA8] =	sst s0;
	s0 =	simm.s32 @!p1 $0x0  }
0x14: {  	s2 =	sld [smem:$0x3F8C];
	s0 =	simm.s32 @p1 $0x1  }
0x15: {  	[smem:$0x3FA9] =	sst s0;
	s0 =	simm.s32 @!p2 $0x0  }
0x16: {  	s3 =	sld [smem:$0x3FDB];
	s0 =	simm.s32 @p2 $0x1  }
0x17: {  	s4 =	simm.s32 $0x1BF5;
	[smem:$0x3FAB] =	sst s0  }
0x18: {  	s0 =	sld [smem:$0x3F8E];
	_ =	swait.ge [sflag:s4], $0x0  }
0x19: {  	s7 =	sld [smem:$0x3F8F]  }
0x1a: {  	s8 =	sadd.s32 $0xFFFFE003, lr  }
0x1b: {  	s9 =	sadd.s32 $0xFFFFFEF7, lr;
	s5 =	simm.s32 $0xFFFFFFFF;
	p2 =	slt.u32 s8, $0xFFFFF086  }
0x1c: {  	p1 =	slt.u32 s9, $0xF7A;
	s5 =	simm.s32 @!p2 $0x0  }
0x1d: {  	s5 =	simm.s32 @p1 $0x1;
	p0 =	seq.s32 s7, s2  }
0x1e: {  	s7 =	smul.u32 @!p0 $0xF7A, s2;
	p2 =	seq.s32 @!p0 s5, $0x0  }
0x1f: {  	s9 =	smul.u32 $0xF7A, s1;
	s8 =	simm.s32 @!p0 $0x1BF5;
	p2 =	por !p2, p0  }
0x20: {  	[sflag:s8] =	ssyncset.s32 @!p0 $0xFFFFF086;
	s6 =	sadd.s32 @!p0 s3, s7;
	s7 =	simm.s32 @!p0 $0x108  }
0x21: {  	s3 =	sadd.s32 s3, s9;
	s6 =	sadd.s32 @!p0 $0x88, s6;
	s7 =	simm.s32 @p2 $0x1082  }
0x22: {  	[simem:s7], [sflag:s8] =	dma.local @!p0 [hbm:s6], $0xF7A  }
0x23: {  	s9 =	sor.u32 $0xD0000000, s2;
	s6 =	simm.s32 $0x108;
	_ =	swait.ge @!p0 [sflag:s8], $0x0  }
0x24: {  	s3 =	sadd.s32 $0x88, s3;
	s6 =	simm.s32 @!p1 $0x1082;
	[sflag:s4] =	ssyncset.s32 $0xFFFFF086  }
0x25: {  	[simem:s6], [sflag:s4] =	dma.local [hbm:s3], $0xF7A  }
0x26: {  	[smem:$0x3F8F] =	sst s1;
	(tag) =	ssettag s2;
	_ =	strace s9  }
0x27: {  	s1 =	sld [smem:$0x3F9F]  }
0x28: {  	s2 =	sld [smem:$0x3FA0]  }
0x29: {  	s4 =	sld [smem:$0x3FA2]  }
0x2a: {  	p0 =	seq.s32 s5, $0x0;
	s5 =	sld [smem:$0x3FA3]  }
0x2b: {  	s6 =	sld [smem:$0x3FA4]  }
0x2c: {  	s7 =	sld [smem:$0x3FA5]  }
0x2d: {  	s3 =	simm.s32 $0x108;
	s8 =	sld [smem:$0x3FA6]  }
0x2e: {  	s3 =	simm.s32 @!p0 $0x1082;
	s9 =	sld [smem:$0x3FA7]  }
0x2f: {  	lr =	sadd.s32 s0, s3;
	s0 =	sld [smem:$0x3F9E]  }
0x30: {  	s3 =	sld [smem:$0x3FA1]  }
0x31: {  	[smem:$0x3FAA] =	sst s10  }
0x32: {  	s10 =	sld [smem:$0x3FA8];
	_ =	sdelay $0x3  }
0x33: {  	p0 =	seq.s32 s10, $0x1;
	s10 =	sld [smem:$0x3FAA];
	_ =	sdelay $0x3  }
0x34: {  	[smem:$0x3FAA] =	sst s10  }
0x35: {  	s10 =	sld [smem:$0x3FA9];
	_ =	sdelay $0x3  }
0x36: {  	p1 =	seq.s32 s10, $0x1;
	s10 =	sld [smem:$0x3FAA];
	_ =	sdelay $0x3  }
0x37: {  	[smem:$0x3FAA] =	sst s10  }
0x38: {  	s10 =	sld [smem:$0x3FAB]  }
0x39: {  	_ = 	snop;
	(pc) =	sbr.ind lr, $3  }
0x3a: {  	_ = 	snop  }
0x3b: {  	_ = 	snop  }
0x3c: {  	p2 =	seq.s32 s10, $0x1;
	s10 =	sld [smem:$0x3FAA]  }
0x3d: {  	_ =	shalt  }
0x3e: {  	_ =	shalt  }
0x3f: {  	_ =	shalt  }
0x40: {  	_ =	shalt  }
0x41: {  	_ =	shalt  }
0x42: {  	_ =	shalt  }
0x43: {  	_ =	shalt  }
0x44: {  	_ =	shalt  }
0x45: {  	_ =	shalt  }
0x46: {  	_ =	shalt  }
0x47: {  	_ =	shalt  }
0x48: {  	_ =	shalt  }
0x49: {  	_ =	shalt  }
0x4a: {  	_ =	shalt  }
0x4b: {  	_ =	shalt  }
0x4c: {  	_ =	shalt  }
0x4d: {  	_ =	shalt  }
0x4e: {  	_ =	shalt  }
0x4f: {  	_ =	shalt  }
0x50: {  	_ =	shalt  }
0x51: {  	_ =	shalt  }
0x52: {  	_ =	shalt  }
0x53: {  	_ =	shalt  }
0x54: {  	_ =	shalt  }
0x55: {  	_ =	shalt  }
0x56: {  	_ =	shalt  }
0x57: {  	_ =	shalt  }
0x58: {  	_ =	shalt  }
0x59: {  	_ =	shalt  }
0x5a: {  	_ =	shalt  }
0x5b: {  	_ =	shalt  }
0x5c: {  	_ =	shalt  }
0x5d: {  	_ =	shalt  }
0x5e: {  	_ =	shalt  }
0x5f: {  	_ =	shalt  }
0x60: {  	_ =	shalt  }
0x61: {  	_ =	shalt  }
0x62: {  	_ =	shalt  }
0x63: {  	_ =	shalt  }
0x64: {  	_ =	shalt  }
0x65: {  	_ =	shalt  }
0x66: {  	_ =	shalt  }
0x67: {  	_ =	shalt  }
0x68: {  	_ =	shalt  }
0x69: {  	_ =	shalt  }
0x6a: {  	_ =	shalt  }
0x6b: {  	_ =	shalt  }
0x6c: {  	_ =	shalt  }
0x6d: {  	_ =	shalt  }
0x6e: {  	_ =	shalt  }
0x6f: {  	_ =	shalt  }
0x70: {  	_ =	shalt  }
0x71: {  	_ =	shalt  }
0x72: {  	_ =	shalt  }
0x73: {  	_ =	shalt  }
0x74: {  	_ =	shalt  }
0x75: {  	_ =	shalt  }
0x76: {  	_ =	shalt  }
0x77: {  	_ =	shalt  }
0x78: {  	_ =	shalt  }
0x79: {  	_ =	shalt  }
0x7a: {  	_ =	shalt  }
0x7b: {  	_ =	shalt  }
0x7c: {  	_ =	shalt  }
0x7d: {  	_ =	shalt  }
0x7e: {  	_ =	shalt  }
0x7f: {  	_ =	shalt  }
0x80: {  	_ =	shalt  }
0x81: {  	_ =	shalt  }
0x82: {  	_ =	shalt  }
0x83: {  	_ =	shalt  }
0x84: {  	_ =	shalt  }
0x85: {  	_ =	shalt  }
0x86: {  	_ =	shalt  }
0x87: {  	_ =	shalt  }
.Lfunc_end0:
.L_simem_size_0:
called_computation.2_lowered:
.L_overlay_start_0:
0x88: {  	s2 =	sld [smem:$0x3FD9]  }
0x89: {  	s3 =	sld [smem:$0x3FFE];
	_ =	sdelay $0x1  }
0x8a: {  	s1 =	srdreg.scid  }
0x8b: {  	s0 =	sand.u32 $0x1, s1  }
0x8c: {  	s16 =	sshll.u32 s0, $0xA;
	s2 =	sadd.s32 s3, s2  }
0x8d: {  	s2 =	sadd.s32 s2, s16  }
0x8e: {  	[smem:$0x3FB6] =	sst s2  }
0x8f: {  	_ = 	snop  }
0x90: {  	(tm) =	ssettm $0x1  }
0x91: {  	s17 =	sld [smem:$0x3FFB];
	_ =	sdelay $0x3  }
0x92: {  	_ =	strace s17  }
0x93: {  	s2 =	sld [smem:$0x3FFC];
	_ =	sdelay $0x3  }
0x94: {  	_ =	strace s2  }
0x95: {  	s2 =	sld [smem:$0x3FFD];
	_ =	sdelay $0x3  }
0x96: {  	_ =	strace s2  }
0x97: {  	_ =	strace $0x8FFFFFFF  }
0x98: {  	s18 =	sld [smem:$0x3FDB];
	_ =	sdelay $0x1  }
0x99: {  	s19 =	simm.s32 $_scs_section_size  }
0x9a: {  	s4 =	simm.s32 $_size__tile_overlayer_lowered;
	s5 =	simm.s32 $_tile_overlayer_lowered  }
0x9b: {  	s22 =	simm.s32 $0x1BFF;
	s21 =	sshll.u32 s5, $0x1;
	s2 =	sadd.s32 s19, s18  }
0x9c: {  	s6 =	simm.s32 $0x0;
	s20 =	sshll.u32 s4, $0x1;
	s4 =	sadd.s32 s21, s2  }
0x9d: {  	[timem:s6], [sflag:s22] =	dma.local [hbm:s4], s20  }
0x9e: {  	_ =	swait.ge [sflag:s22], s20  }
0x9f: {  	s3 =	ssub.s32 $0x0, s20;
	[sflag:s22] =	ssyncset.done $0x0  }
0xa0: {  	[sflag:s22] =	ssyncadd.s32 s3;
	_ =	sdelay $0x1  }
0xa1: {  	s23 =	simm.s32 $0x1B8B  }
0xa2: {  	_ =	swait.ge [sflag:s23], $0x1  }
0xa3: {  	[sflag:s23] =	ssyncset.done $0x0  }
0xa4: {  	s25 =	simm.s32 $0x1B8E;
	s24 =	sld [smem:$0x3FFE];
	[sflag:s23] =	ssyncadd.s32 $0xFFFFFFFF  }
0xa5: {  	s26 =	simm.s32 $execute0_lowered;
	[smem:$0x3FD2] =	sst s25  }
0xa6: {  	s4 =	sshll.u32 s26, $0x1;
	_ =	strace $0x8000004C;
	[dreg:$0x1] =	wrdreg $0xFFFFFFFF  }
0xa7: {  	s28 =	simm.s32 $_size_execute0_lowered;
	s2 =	sadd.s32 s2, s4;
	[dreg:$0x0] =	wrdreg $0x0  }
0xa8: {  	s4 =	sshll.u32 s28, $0x1;
	[dreg:$0x2] =	wrdreg s2  }
0xa9: {  	[dreg:$0x3] =	wrdreg s4  }
0xaa: {  	[dreg:$0x4] =	wrdreg $0xC0  }
0xab: {  	_ =	task [dreg:s6], $0x5FFFF  }
0xac: {  	[dreg:$0x1] =	wrdreg $0xFFFFFFFF  }
0xad: {  	[dreg:$0x0] =	wrdreg $0x60  }
0xae: {  	[dreg:$0x2] =	wrdreg s24  }
0xaf: {  	[dreg:$0x3] =	wrdreg $0x48000  }
0xb0: {  	[dreg:$0x4] =	wrdreg $0x9  }
0xb1: {  	_ =	task.clear_ibuf [dreg:s6], $0x5FFFF;
	_ =	strace $0x9000004C  }
0xb2: {  	s29 =	simm.s32 $0x9;
	_ =	strace $0x8000004E  }
0xb3: {  	_ =	swait.ge [sflag:s29], $0x1  }
0xb4: {  	[sflag:s29] =	ssyncadd.s32 $0xFFFFFFFF  }
0xb5: {  	_ =	strace $0x9000004E  }
0xb6: {  	_ =	sfence  }
0xb7: {  	s30 =	sld [smem:$0x0];
	_ =	sdelay $0x2  }
0xb8: {  	s31 =	sshll.u32 s1, $0xD;
	s1 =	sshrl.u32 s1, $0x2  }
0xb9: {  	s3 =	sand.u32 $0x4000, s31;
	s1 =	sadd.s32 s1, s30  }
0xba: {  	s0 =	sor.u32 s3, s0;
	s1 =	sshll.u32 s1, $0x11  }
0xbb: {  	s0 =	sor.u32 s1, s0  }
0xbc: {  	s0 =	sadd.s32 $0x8F2B, s0  }
0xbd: {  	[sflag:s0] =	ssyncadd.remote.s32 $0x1  }
0xbe: {  	_ =	sfence.sel $0xFFFF  }
0xbf: {  	[dreg:$0x0] =	wrdreg $0xFFFFFFFF;
	(pc) =	sbr.abs _section_cstart, $3  }
0xc0: {  	[dreg:$0x1] =	wrdreg $0xFFFFFFFF  }
0xc1: {  	_ =	task.clear_ibuf [dreg:s6], $0x2FFFF;
	_ =	strace $0x9FFFFFFF  }
0xc2: {  	(tm) =	ssettm $0x7FFFFFFF  }
0xc3: {  	_ =	shalt  }
tec
execute0_lowered:
.L_overlay_start_1:
0x0: {  	(tag) =	ssettag $0x1  }
0x1: {  	s0 =	rddreg [dreg:$0x0]  }
0x2: {  	s1 =	rddreg [dreg:$0x1];
	s2 =	simm.s32 $0x0;
	s4 =	srdreg.scid  }
0x3: {  	s20 =	stileid.u32;
	s28 =	simm.s32 $0x400;
	s29 =	simm.s32 $0x600  }
0x4: {  	s30 =	simm.s32 $0x2800;
	s31 =	simm.s32 $0x1;
	[smem:$0x7FF] =	sst s2  }
0x5: {  	s3 =	sadd.s32 $0x6C800, s0;
	s5 =	sadd.s32 $0x4400, s0;
	s10 =	sadd.s32 $0xCE800, s0  }
0x6: {  	s6 =	sand.u32 $0x1, s4;
	s7 =	smul.u32 $0x62000, s20;
	s4 =	sadd.s32 $0x66400, s0  }
0x7: {  	s9 =	smul.u32 $0x31000, s20;
	s0 =	sadd.s32 $0x2B8800, s0;
	s8 =	ssub.s32 $0x2, s6  }
0x8: {  	s16 =	smul.u32 $0x18800, s20;
	_ =	strace $0x8000004D;
	s11 =	sshrl.u32 s8, $0x1  }
0x9: {  	s12 =	smul.u32 $0x188000, s6;
	s18 =	sshrl.u32 s9, $0x3;
	s14 =	ssub.s32 s8, s11  }
0xa: {  	s8 =	sshrl.u32 s7, $0x2;
	s11 =	sshll.u32 s20, $0x6;
	s7 =	sadd.s32 s3, s18  }
0xb: {  	s13 =	sadd.s32 s16, s12;
	s15 =	sshrl.u32 s12, $0x3;
	s19 =	sadd.s32 $0x310000, s12  }
0xc: {  	s25 =	sadd.s32 $0x930000, s12;
	s6 =	sadd.s32 s8, s1;
	s8 =	sadd.s32 s5, s18  }
0xd: {  	s13 =	sshrl.u32 s13, $0x3;
	s9 =	sadd.s32 s10, s15;
	s21 =	sshrl.u32 s19, $0x3  }
0xe: {  	s15 =	sadd.s32 s16, s19;
	s26 =	sshrl.u32 s25, $0x3;
	s19 =	sadd.s32 s16, s25  }
0xf: {  	s25 =	smul.u32 $0x6200, s20;
	[dreg:$0x3] =	wrdreg s6;
	s6 =	sor.u32 $0x1C03, s11  }
0x10: {  	s17 =	sadd.s32 s0, s13;
	s11 =	sadd.s32 s10, s21;
	s22 =	sshrl.u32 s15, $0x3  }
0x11: {  	s21 =	sshrl.u32 s19, $0x3;
	[dreg:$0x4] =	wrdreg s17;
	s17 =	sadd.s32 $0x620000, s12  }
0x12: {  	s13 =	sadd.s32 s0, s22;
	s12 =	sadd.s32 $0xC40000, s12;
	s23 =	sadd.s32 s16, s17  }
0x13: {  	[dreg:$0x5] =	wrdreg s13;
	s24 =	sshrl.u32 s17, $0x3;
	s22 =	sshrl.u32 s12, $0x3  }
0x14: {  	s17 =	sadd.s32 s0, s21;
	s15 =	sshrl.u32 s23, $0x3;
	s13 =	sadd.s32 s10, s24  }
0x15: {  	[dreg:$0x7] =	wrdreg s17;
	s17 =	sadd.s32 s10, s22;
	s23 =	sadd.s32 s16, s12  }
0x16: {  	s24 =	sadd.s32 $0x61C0, s18;
	s22 =	sadd.s32 s25, s5;
	s15 =	sadd.s32 s0, s15  }
0x17: {  	s20 =	sadd.s32 s3, s24;
	s21 =	sadd.s32 s5, s24;
	s24 =	simm.s32 $0x3  }
0x18: {  	[dreg:$0x6] =	wrdreg s15;
	s15 =	sadd.s32 s10, s26;
	s10 =	sshrl.u32 s23, $0x3  }
0x19: {  	s26 =	smax.u32 s14, $0x1;
	s23 =	sadd.s32 s25, s3;
	s25 =	simm.s32 $0x200  }
0x1a: {  	s3 =	simm.s32 $0x0;
	s0 =	sadd.s32 s0, s10;
	[dreg:$0x9] =	wrdreg s26  }
0x1b: {  	s26 =	simm.s32 $0x800;
	[dreg:$0x8] =	wrdreg s0;
	s0 =	simm.s32 $0x2  }
.LBB2_1:
0x1c: {  	s5 =	rddreg [dreg:$0x3]  }
0x1d: {  	s5 =	sshrl.u32 s5, $0x3  }
0x1e: {  	[spmem:s5], [sflag:s6] =	dma.local [hbm:s4], $0x3100  }
0x1f: {  	_ =	swait.ge [sflag:s24], $0x3100  }
0x20: {  	[sflag:s24] =	ssyncset.done $0x0  }
0x21: {  	[sflag:s24] =	ssyncadd.s32 $0xFFFFCF00  }
0x22: {  	[bflag:$0x0] =	sbarrier.arrive $0xFFFF  }
0x23: {  	[tilespmem:s2], [sflag:$0x3] =	stream.linear.gather [hbm4b:s7+s2], $0x200, $0x38;
	[tilespmem:$0x1D000] =	vst v63  }
0x24: {  	_ =	swait.ge [sflag:s24], $0x200  }
0x25: {  	[sflag:s24] =	ssyncset.done $0x0  }
0x26: {  	[sflag:s24] =	ssyncadd.s32 $0xFFFFFE00  }
0x27: {  	[tilespmem:s25], [sflag:$0x3] =	stream.linear.gather [hbm4b:s8+s2], $0x200, $0x38;
	[tilespmem:$0x1D000] =	vst v63  }
0x28: {  	_ =	swait.ge [sflag:s24], $0x200  }
0x29: {  	[sflag:s24] =	ssyncset.done $0x0  }
0x2a: {  	s10 =	sadd.s32 $0xFFFF9E80, s23;
	[sflag:s24] =	ssyncadd.s32 $0xFFFFFE00  }
0x2b: {  	[tilespmem:s26], [sflag:$0x1] =	stream.indirect.gather [hbm4b:s9+s25], $0x10, s2, s25, $0xb8;
	[tilespmem:$0x1D000] =	vst v63  }
0x2c: {  	s12 =	sadd.s32 $0x61C0, s10  }
0x2d: {  	[tilespmem:s28], [sflag:$0x3] =	stream.linear.gather [hbm4b:s12+s2], $0x200, $0x38;
	[tilespmem:$0x1D000] =	vst v63  }
0x2e: {  	_ =	swait.ge [sflag:s24], $0x200  }
0x2f: {  	s18 =	sadd.s32 $0xFFFF9E80, s22;
	[sflag:s24] =	ssyncset.done $0x0  }
0x30: {  	s14 =	sadd.s32 $0x61C0, s18;
	[sflag:s24] =	ssyncadd.s32 $0xFFFFFE00  }
0x31: {  	[tilespmem:s29], [sflag:$0x3] =	stream.linear.gather [hbm4b:s14+s2], $0x200, $0x38;
	[tilespmem:$0x1D000] =	vst v63  }
0x32: {  	_ =	swait.ge [sflag:s24], $0x200  }
0x33: {  	[sflag:s24] =	ssyncset.done $0x0  }
0x34: {  	[sflag:s24] =	ssyncadd.s32 $0xFFFFFE00  }
0x35: {  	[tilespmem:s30], [sflag:$0x2] =	stream.indirect.gather [hbm4b:s9+s25], $0x10, s28, s25, $0xb8;
	[tilespmem:$0x1D000] =	vst v63  }
0x36: {  	_ =	swait.ge [sflag:s31], $0x2000  }
0x37: {  	[sflag:s31] =	ssyncset.done $0x0  }
0x38: {  	[sflag:s31] =	ssyncadd.s32 $0xFFFFE000  }
0x39: {  	[spmem:s1] =	stream.indirect.scatter.add.f32 [tilespmem:s26], [sflag:$0x3], $0x10, s25, s25, $0xb8;
	[tilespmem:$0x1D000] =	vst v63  }
0x3a: {  	_ =	swait.ge [sflag:s24], $0x2000  }
0x3b: {  	[sflag:s24] =	ssyncset.done $0x0  }
0x3c: {  	s10 =	sadd.s32 $0x6200, s10;
	[sflag:s24] =	ssyncadd.s32 $0xFFFFE000  }
0x3d: {  	[tilespmem:s2], [sflag:$0x3] =	stream.linear.gather [hbm4b:s10+s2], $0x200, $0x38;
	[tilespmem:$0x1D000] =	vst v63  }
0x3e: {  	_ =	swait.ge [sflag:s24], $0x200  }
0x3f: {  	[sflag:s24] =	ssyncset.done $0x0  }
0x40: {  	s19 =	sadd.s32 $0x6200, s18;
	[sflag:s24] =	ssyncadd.s32 $0xFFFFFE00  }
0x41: {  	[tilespmem:s25], [sflag:$0x3] =	stream.linear.gather [hbm4b:s19+s2], $0x200, $0x38;
	[tilespmem:$0x1D000] =	vst v63  }
0x42: {  	_ =	swait.ge [sflag:s24], $0x200  }
0x43: {  	[sflag:s24] =	ssyncset.done $0x0  }
0x44: {  	[sflag:s24] =	ssyncadd.s32 $0xFFFFFE00  }
0x45: {  	[tilespmem:s26], [sflag:$0x1] =	stream.indirect.gather [hbm4b:s9+s25], $0x10, s2, s25, $0xb8;
	[tilespmem:$0x1D000] =	vst v63  }
0x46: {  	_ =	swait.ge [sflag:s0], $0x2000  }
0x47: {  	[sflag:s0] =	ssyncset.done $0x0  }
0x48: {  	[sflag:s0] =	ssyncadd.s32 $0xFFFFE000  }
0x49: {  	[spmem:s1] =	stream.indirect.scatter.add.f32 [tilespmem:s30], [sflag:$0x3], $0x10, s29, s25, $0xb8;
	[tilespmem:$0x1D000] =	vst v63  }
0x4a: {  	s12 =	simm.s32 $0xFFFF9F80;
	_ =	swait.ge [sflag:s24], $0x2000  }
0x4b: {  	s14 =	sadd.s32 $0xFFFF9F00, s23;
	s10 =	simm.s32 $0xFFFF9F00;
	[sflag:s24] =	ssyncset.done $0x0  }
.LBB2_2:
0x4c: {  	s18 =	sadd.s32 $0x61C0, s14  }
0x4d: {  	[sflag:s24] =	ssyncadd.s32 $0xFFFFE000;
	s19 =	smov.u32 s12;
	s16 =	sadd.s32 $0x80, s12  }
0x4e: {  	[tilespmem:s28], [sflag:$0x3] =	stream.linear.gather [hbm4b:s18+s2], $0x200, $0x38;
	[tilespmem:$0x1D000] =	vst v63  }
0x4f: {  	p0 =	sne.s32 s12, $0xFFFFFF80;
	_ =	swait.ge [sflag:s24], $0x200  }
0x50: {  	s12 =	sadd.s32 s10, s22;
	s10 =	smov.u32 s19;
	[sflag:s24] =	ssyncset.done $0x0  }
0x51: {  	s18 =	sadd.s32 $0x61C0, s12;
	[sflag:s24] =	ssyncadd.s32 $0xFFFFFE00  }
0x52: {  	[tilespmem:s29], [sflag:$0x3] =	stream.linear.gather [hbm4b:s18+s2], $0x200, $0x38;
	[tilespmem:$0x1D000] =	vst v63  }
0x53: {  	_ =	swait.ge [sflag:s24], $0x200  }
0x54: {  	[sflag:s24] =	ssyncset.done $0x0  }
0x55: {  	[sflag:s24] =	ssyncadd.s32 $0xFFFFFE00  }
0x56: {  	[tilespmem:s30], [sflag:$0x2] =	stream.indirect.gather [hbm4b:s9+s25], $0x10, s28, s25, $0xb8;
	[tilespmem:$0x1D000] =	vst v63  }
0x57: {  	_ =	swait.ge [sflag:s31], $0x2000  }
0x58: {  	[sflag:s31] =	ssyncset.done $0x0  }
0x59: {  	[sflag:s31] =	ssyncadd.s32 $0xFFFFE000  }
0x5a: {  	[spmem:s1] =	stream.indirect.scatter.add.f32 [tilespmem:s26], [sflag:$0x3], $0x10, s25, s25, $0xb8;
	[tilespmem:$0x1D000] =	vst v63  }
0x5b: {  	_ =	swait.ge [sflag:s24], $0x2000  }
0x5c: {  	[sflag:s24] =	ssyncset.done $0x0  }
0x5d: {  	s14 =	sadd.s32 $0x6200, s14;
	[sflag:s24] =	ssyncadd.s32 $0xFFFFE000  }
0x5e: {  	[tilespmem:s2], [sflag:$0x3] =	stream.linear.gather [hbm4b:s14+s2], $0x200, $0x38;
	[tilespmem:$0x1D000] =	vst v63  }
0x5f: {  	_ =	swait.ge [sflag:s24], $0x200  }
0x60: {  	[sflag:s24] =	ssyncset.done $0x0  }
0x61: {  	s12 =	sadd.s32 $0x6200, s12;
	[sflag:s24] =	ssyncadd.s32 $0xFFFFFE00  }
0x62: {  	[tilespmem:s25], [sflag:$0x3] =	stream.linear.gather [hbm4b:s12+s2], $0x200, $0x38;
	[tilespmem:$0x1D000] =	vst v63  }
0x63: {  	_ =	swait.ge [sflag:s24], $0x200  }
0x64: {  	[sflag:s24] =	ssyncset.done $0x0  }
0x65: {  	[sflag:s24] =	ssyncadd.s32 $0xFFFFFE00  }
0x66: {  	[tilespmem:s26], [sflag:$0x1] =	stream.indirect.gather [hbm4b:s9+s25], $0x10, s2, s25, $0xb8;
	[tilespmem:$0x1D000] =	vst v63  }
0x67: {  	_ =	swait.ge [sflag:s0], $0x2000  }
.Ltmp0:
0x68: {  	[sflag:s0] =	ssyncset.done $0x0;
	(pc) =	sbr.rel @p0 .LBB2_2-.Ltmp0, $4  }
0x69: {  	[sflag:s0] =	ssyncadd.s32 $0xFFFFE000  }
0x6a: {  	[spmem:s1] =	stream.indirect.scatter.add.f32 [tilespmem:s30], [sflag:$0x3], $0x10, s29, s25, $0xb8;
	[tilespmem:$0x1D000] =	vst v63  }
0x6b: {  	_ =	swait.ge [sflag:s24], $0x2000  }
0x6c: {  	s14 =	sadd.s32 s10, s23;
	s12 =	smov.u32 s16;
	[sflag:s24] =	ssyncset.done $0x0  }
0x6d: {  	s12 =	sadd.s32 $0x61C0, s14;
	[sflag:s24] =	ssyncadd.s32 $0xFFFFE000  }
0x6e: {  	[tilespmem:s28], [sflag:$0x3] =	stream.linear.gather [hbm4b:s12+s2], $0x200, $0x38;
	[tilespmem:$0x1D000] =	vst v63  }
0x6f: {  	_ =	swait.ge [sflag:s24], $0x200  }
0x70: {  	s10 =	sadd.s32 s10, s22;
	[sflag:s24] =	ssyncset.done $0x0  }
0x71: {  	s19 =	sadd.s32 $0x61C0, s10;
	[sflag:s24] =	ssyncadd.s32 $0xFFFFFE00  }
0x72: {  	[tilespmem:s29], [sflag:$0x3] =	stream.linear.gather [hbm4b:s19+s2], $0x200, $0x38;
	[tilespmem:$0x1D000] =	vst v63  }
0x73: {  	_ =	swait.ge [sflag:s24], $0x200  }
0x74: {  	[sflag:s24] =	ssyncset.done $0x0  }
0x75: {  	[sflag:s24] =	ssyncadd.s32 $0xFFFFFE00  }
0x76: {  	[tilespmem:s30], [sflag:$0x2] =	stream.indirect.gather [hbm4b:s9+s25], $0x10, s28, s25, $0xb8;
	[tilespmem:$0x1D000] =	vst v63  }
0x77: {  	_ =	swait.ge [sflag:s31], $0x2000  }
0x78: {  	[sflag:s31] =	ssyncset.done $0x0  }
0x79: {  	[sflag:s31] =	ssyncadd.s32 $0xFFFFE000  }
0x7a: {  	[spmem:s1] =	stream.indirect.scatter.add.f32 [tilespmem:s26], [sflag:$0x3], $0x10, s25, s25, $0xb8;
	[tilespmem:$0x1D000] =	vst v63  }
0x7b: {  	_ =	swait.ge [sflag:s24], $0x2000  }
0x7c: {  	[sflag:s24] =	ssyncset.done $0x0  }
0x7d: {  	s16 =	sadd.s32 $0x6200, s14;
	[sflag:s24] =	ssyncadd.s32 $0xFFFFE000  }
0x7e: {  	[tilespmem:s2], [sflag:$0x3] =	stream.linear.gather [hbm4b:s16+s2], $0x200, $0x38;
	[tilespmem:$0x1D000] =	vst v63  }
0x7f: {  	_ =	swait.ge [sflag:s24], $0x200  }
0x80: {  	[sflag:s24] =	ssyncset.done $0x0  }
0x81: {  	s10 =	sadd.s32 $0x6200, s10;
	[sflag:s24] =	ssyncadd.s32 $0xFFFFFE00  }
0x82: {  	[tilespmem:s25], [sflag:$0x3] =	stream.linear.gather [hbm4b:s10+s2], $0x200, $0x38;
	[tilespmem:$0x1D000] =	vst v63  }
0x83: {  	_ =	swait.ge [sflag:s24], $0x200  }
0x84: {  	[sflag:s24] =	ssyncset.done $0x0  }
0x85: {  	[sflag:s24] =	ssyncadd.s32 $0xFFFFFE00  }
0x86: {  	[tilespmem:s26], [sflag:$0x1] =	stream.indirect.gather [hbm4b:s9+s25], $0x10, s2, s25, $0xb8;
	[tilespmem:$0x1D000] =	vst v63  }
0x87: {  	_ =	swait.ge [sflag:s0], $0x2000  }
0x88: {  	[sflag:s0] =	ssyncset.done $0x0  }
0x89: {  	[sflag:s0] =	ssyncadd.s32 $0xFFFFE000  }
0x8a: {  	[spmem:s1] =	stream.indirect.scatter.add.f32 [tilespmem:s30], [sflag:$0x3], $0x10, s29, s25, $0xb8;
	[tilespmem:$0x1D000] =	vst v63  }
0x8b: {  	_ =	swait.ge [sflag:s24], $0x2000  }
0x8c: {  	[sflag:s24] =	ssyncset.done $0x0  }
0x8d: {  	[sflag:s24] =	ssyncadd.s32 $0xFFFFE000  }
0x8e: {  	[tilespmem:s28], [sflag:$0x3] =	stream.linear.gather [hbm4b:s20+s2], $0x200, $0x38;
	[tilespmem:$0x1D000] =	vst v63  }
0x8f: {  	_ =	swait.ge [sflag:s24], $0x200  }
0x90: {  	[sflag:s24] =	ssyncset.done $0x0  }
0x91: {  	[sflag:s24] =	ssyncadd.s32 $0xFFFFFE00  }
0x92: {  	[tilespmem:s29], [sflag:$0x3] =	stream.linear.gather [hbm4b:s21+s2], $0x200, $0x38;
	[tilespmem:$0x1D000] =	vst v63  }
0x93: {  	_ =	swait.ge [sflag:s24], $0x200  }
0x94: {  	[sflag:s24] =	ssyncset.done $0x0  }
0x95: {  	[sflag:s24] =	ssyncadd.s32 $0xFFFFFE00  }
0x96: {  	[tilespmem:s30], [sflag:$0x2] =	stream.indirect.gather [hbm4b:s9+s25], $0x10, s28, s25, $0xb8;
	[tilespmem:$0x1D000] =	vst v63  }
0x97: {  	_ =	swait.ge [sflag:s31], $0x2000  }
0x98: {  	[sflag:s31] =	ssyncset.done $0x0  }
0x99: {  	[sflag:s31] =	ssyncadd.s32 $0xFFFFE000  }
0x9a: {  	[spmem:s1] =	stream.indirect.scatter.add.f32 [tilespmem:s26], [sflag:$0x3], $0x10, s25, s25, $0xb8;
	[tilespmem:$0x1D000] =	vst v63  }
0x9b: {  	_ =	swait.ge [sflag:s24], $0x2000  }
0x9c: {  	[sflag:s24] =	ssyncset.done $0x0  }
0x9d: {  	[sflag:s24] =	ssyncadd.s32 $0xFFFFE000  }
0x9e: {  	_ =	swait.ge [sflag:s0], $0x2000  }
0x9f: {  	[sflag:s0] =	ssyncset.done $0x0  }
0xa0: {  	[sflag:s0] =	ssyncadd.s32 $0xFFFFE000  }
0xa1: {  	[spmem:s1] =	stream.indirect.scatter.add.f32 [tilespmem:s30], [sflag:$0x3], $0x10, s29, s25, $0xb8;
	[tilespmem:$0x1D000] =	vst v63  }
0xa2: {  	_ =	swait.ge [sflag:s24], $0x2000  }
0xa3: {  	[sflag:s24] =	ssyncset.done $0x0  }
0xa4: {  	[sflag:s24] =	ssyncadd.s32 $0xFFFFE000  }
0xa5: {  	[bflag:$0x0] =	sbarrier.arrive $0xFFFF  }
0xa6: {  	s18 =	rddreg [dreg:$0x4]  }
0xa7: {  	[hbm:s18], [sflag:s6] =	dma.local [spmem:s5], $0x3100  }
0xa8: {  	_ =	swait.ge [sflag:s24], $0x3100  }
0xa9: {  	[sflag:s24] =	ssyncset.done $0x0  }
0xaa: {  	[sflag:s24] =	ssyncadd.s32 $0xFFFFCF00  }
0xab: {  	[bflag:$0x0] =	sbarrier.arrive $0xFFFF  }
0xac: {  	[spmem:s5], [sflag:s6] =	dma.local [hbm:s4], $0x3100  }
0xad: {  	_ =	swait.ge [sflag:s24], $0x3100  }
0xae: {  	[sflag:s24] =	ssyncset.done $0x0  }
0xaf: {  	[sflag:s24] =	ssyncadd.s32 $0xFFFFCF00  }
0xb0: {  	[bflag:$0x0] =	sbarrier.arrive $0xFFFF  }
0xb1: {  	[tilespmem:s2], [sflag:$0x3] =	stream.linear.gather [hbm4b:s7+s2], $0x200, $0x38;
	[tilespmem:$0x1D000] =	vst v63  }
0xb2: {  	_ =	swait.ge [sflag:s24], $0x200  }
0xb3: {  	[sflag:s24] =	ssyncset.done $0x0  }
0xb4: {  	[sflag:s24] =	ssyncadd.s32 $0xFFFFFE00  }
0xb5: {  	[tilespmem:s25], [sflag:$0x3] =	stream.linear.gather [hbm4b:s8+s2], $0x200, $0x38;
	[tilespmem:$0x1D000] =	vst v63  }
0xb6: {  	_ =	swait.ge [sflag:s24], $0x200  }
0xb7: {  	[sflag:s24] =	ssyncset.done $0x0  }
0xb8: {  	s19 =	sadd.s32 $0xFFFF9E80, s23;
	[sflag:s24] =	ssyncadd.s32 $0xFFFFFE00  }
0xb9: {  	[tilespmem:s26], [sflag:$0x1] =	stream.indirect.gather [hbm4b:s11+s25], $0x10, s2, s25, $0xb8;
	[tilespmem:$0x1D000] =	vst v63  }
0xba: {  	s14 =	sadd.s32 $0x61C0, s19  }
0xbb: {  	[tilespmem:s28], [sflag:$0x3] =	stream.linear.gather [hbm4b:s14+s2], $0x200, $0x38;
	[tilespmem:$0x1D000] =	vst v63  }
0xbc: {  	_ =	swait.ge [sflag:s24], $0x200  }
0xbd: {  	s16 =	sadd.s32 $0xFFFF9E80, s22;
	[sflag:s24] =	ssyncset.done $0x0  }
0xbe: {  	s18 =	sadd.s32 $0x61C0, s16;
	[sflag:s24] =	ssyncadd.s32 $0xFFFFFE00  }
0xbf: {  	[tilespmem:s29], [sflag:$0x3] =	stream.linear.gather [hbm4b:s18+s2], $0x200, $0x38;
	[tilespmem:$0x1D000] =	vst v63  }
0xc0: {  	_ =	swait.ge [sflag:s24], $0x200  }
0xc1: {  	[sflag:s24] =	ssyncset.done $0x0  }
0xc2: {  	[sflag:s24] =	ssyncadd.s32 $0xFFFFFE00  }
0xc3: {  	[tilespmem:s30], [sflag:$0x2] =	stream.indirect.gather [hbm4b:s11+s25], $0x10, s28, s25, $0xb8;
	[tilespmem:$0x1D000] =	vst v63  }
0xc4: {  	_ =	swait.ge [sflag:s31], $0x2000  }
0xc5: {  	[sflag:s31] =	ssyncset.done $0x0  }
0xc6: {  	[sflag:s31] =	ssyncadd.s32 $0xFFFFE000  }
0xc7: {  	[spmem:s1] =	stream.indirect.scatter.add.f32 [tilespmem:s26], [sflag:$0x3], $0x10, s25, s25, $0xb8;
	[tilespmem:$0x1D000] =	vst v63  }
0xc8: {  	_ =	swait.ge [sflag:s24], $0x2000  }
0xc9: {  	[sflag:s24] =	ssyncset.done $0x0  }
0xca: {  	s10 =	sadd.s32 $0x6200, s19;
	[sflag:s24] =	ssyncadd.s32 $0xFFFFE000  }
0xcb: {  	[tilespmem:s2], [sflag:$0x3] =	stream.linear.gather [hbm4b:s10+s2], $0x200, $0x38;
	[tilespmem:$0x1D000] =	vst v63  }
0xcc: {  	_ =	swait.ge [sflag:s24], $0x200  }
0xcd: {  	[sflag:s24] =	ssyncset.done $0x0  }
0xce: {  	s19 =	sadd.s32 $0x6200, s16;
	[sflag:s24] =	ssyncadd.s32 $0xFFFFFE00  }
0xcf: {  	[tilespmem:s25], [sflag:$0x3] =	stream.linear.gather [hbm4b:s19+s2], $0x200, $0x38;
	[tilespmem:$0x1D000] =	vst v63  }
0xd0: {  	_ =	swait.ge [sflag:s24], $0x200  }
0xd1: {  	[sflag:s24] =	ssyncset.done $0x0  }
0xd2: {  	[sflag:s24] =	ssyncadd.s32 $0xFFFFFE00  }
0xd3: {  	[tilespmem:s26], [sflag:$0x1] =	stream.indirect.gather [hbm4b:s11+s25], $0x10, s2, s25, $0xb8;
	[tilespmem:$0x1D000] =	vst v63  }
0xd4: {  	_ =	swait.ge [sflag:s0], $0x2000  }
0xd5: {  	[sflag:s0] =	ssyncset.done $0x0  }
0xd6: {  	[sflag:s0] =	ssyncadd.s32 $0xFFFFE000  }
0xd7: {  	[spmem:s1] =	stream.indirect.scatter.add.f32 [tilespmem:s30], [sflag:$0x3], $0x10, s29, s25, $0xb8;
	[tilespmem:$0x1D000] =	vst v63  }
0xd8: {  	s16 =	simm.s32 $0xFFFF9F80;
	_ =	swait.ge [sflag:s24], $0x2000  }
0xd9: {  	s14 =	sadd.s32 $0xFFFF9F00, s23;
	s10 =	simm.s32 $0xFFFF9F00;
	[sflag:s24] =	ssyncset.done $0x0  }
.LBB2_4:
0xda: {  	s18 =	sadd.s32 $0x61C0, s14  }
0xdb: {  	[sflag:s24] =	ssyncadd.s32 $0xFFFFE000;
	s19 =	smov.u32 s16;
	s12 =	sadd.s32 $0x80, s16  }
0xdc: {  	[tilespmem:s28], [sflag:$0x3] =	stream.linear.gather [hbm4b:s18+s2], $0x200, $0x38;
	[tilespmem:$0x1D000] =	vst v63  }
0xdd: {  	p0 =	sne.s32 s16, $0xFFFFFF80;
	_ =	swait.ge [sflag:s24], $0x200  }
0xde: {  	s16 =	sadd.s32 s10, s22;
	s10 =	smov.u32 s19;
	[sflag:s24] =	ssyncset.done $0x0  }
0xdf: {  	s18 =	sadd.s32 $0x61C0, s16;
	[sflag:s24] =	ssyncadd.s32 $0xFFFFFE00  }
0xe0: {  	[tilespmem:s29], [sflag:$0x3] =	stream.linear.gather [hbm4b:s18+s2], $0x200, $0x38;
	[tilespmem:$0x1D000] =	vst v63  }
0xe1: {  	_ =	swait.ge [sflag:s24], $0x200  }
0xe2: {  	[sflag:s24] =	ssyncset.done $0x0  }
0xe3: {  	[sflag:s24] =	ssyncadd.s32 $0xFFFFFE00  }
0xe4: {  	[tilespmem:s30], [sflag:$0x2] =	stream.indirect.gather [hbm4b:s11+s25], $0x10, s28, s25, $0xb8;
	[tilespmem:$0x1D000] =	vst v63  }
0xe5: {  	_ =	swait.ge [sflag:s31], $0x2000  }
0xe6: {  	[sflag:s31] =	ssyncset.done $0x0  }
0xe7: {  	[sflag:s31] =	ssyncadd.s32 $0xFFFFE000  }
0xe8: {  	[spmem:s1] =	stream.indirect.scatter.add.f32 [tilespmem:s26], [sflag:$0x3], $0x10, s25, s25, $0xb8;
	[tilespmem:$0x1D000] =	vst v63  }
0xe9: {  	_ =	swait.ge [sflag:s24], $0x2000  }
0xea: {  	[sflag:s24] =	ssyncset.done $0x0  }
0xeb: {  	s14 =	sadd.s32 $0x6200, s14;
	[sflag:s24] =	ssyncadd.s32 $0xFFFFE000  }
0xec: {  	[tilespmem:s2], [sflag:$0x3] =	stream.linear.gather [hbm4b:s14+s2], $0x200, $0x38;
	[tilespmem:$0x1D000] =	vst v63  }
0xed: {  	_ =	swait.ge [sflag:s24], $0x200  }
0xee: {  	[sflag:s24] =	ssyncset.done $0x0  }
0xef: {  	s14 =	sadd.s32 $0x6200, s16;
	[sflag:s24] =	ssyncadd.s32 $0xFFFFFE00  }
0xf0: {  	[tilespmem:s25], [sflag:$0x3] =	stream.linear.gather [hbm4b:s14+s2], $0x200, $0x38;
	[tilespmem:$0x1D000] =	vst v63  }
0xf1: {  	_ =	swait.ge [sflag:s24], $0x200  }
0xf2: {  	[sflag:s24] =	ssyncset.done $0x0  }
0xf3: {  	[sflag:s24] =	ssyncadd.s32 $0xFFFFFE00  }
0xf4: {  	[tilespmem:s26], [sflag:$0x1] =	stream.indirect.gather [hbm4b:s11+s25], $0x10, s2, s25, $0xb8;
	[tilespmem:$0x1D000] =	vst v63  }
0xf5: {  	_ =	swait.ge [sflag:s0], $0x2000  }
.Ltmp1:
0xf6: {  	[sflag:s0] =	ssyncset.done $0x0;
	(pc) =	sbr.rel @p0 .LBB2_4-.Ltmp1, $4  }
0xf7: {  	[sflag:s0] =	ssyncadd.s32 $0xFFFFE000  }
0xf8: {  	[spmem:s1] =	stream.indirect.scatter.add.f32 [tilespmem:s30], [sflag:$0x3], $0x10, s29, s25, $0xb8;
	[tilespmem:$0x1D000] =	vst v63  }
0xf9: {  	_ =	swait.ge [sflag:s24], $0x2000  }
0xfa: {  	s16 =	smov.u32 s12;
	s14 =	sadd.s32 s10, s23;
	[sflag:s24] =	ssyncset.done $0x0  }
0xfb: {  	s12 =	sadd.s32 $0x61C0, s14;
	[sflag:s24] =	ssyncadd.s32 $0xFFFFE000  }
0xfc: {  	[tilespmem:s28], [sflag:$0x3] =	stream.linear.gather [hbm4b:s12+s2], $0x200, $0x38;
	[tilespmem:$0x1D000] =	vst v63  }
0xfd: {  	_ =	swait.ge [sflag:s24], $0x200  }
0xfe: {  	s10 =	sadd.s32 s10, s22;
	[sflag:s24] =	ssyncset.done $0x0  }
0xff: {  	s19 =	sadd.s32 $0x61C0, s10;
	[sflag:s24] =	ssyncadd.s32 $0xFFFFFE00  }
0x100: {  	[tilespmem:s29], [sflag:$0x3] =	stream.linear.gather [hbm4b:s19+s2], $0x200, $0x38;
	[tilespmem:$0x1D000] =	vst v63  }
0x101: {  	_ =	swait.ge [sflag:s24], $0x200  }
0x102: {  	[sflag:s24] =	ssyncset.done $0x0  }
0x103: {  	[sflag:s24] =	ssyncadd.s32 $0xFFFFFE00  }
0x104: {  	[tilespmem:s30], [sflag:$0x2] =	stream.indirect.gather [hbm4b:s11+s25], $0x10, s28, s25, $0xb8;
	[tilespmem:$0x1D000] =	vst v63  }
0x105: {  	_ =	swait.ge [sflag:s31], $0x2000  }
0x106: {  	[sflag:s31] =	ssyncset.done $0x0  }
0x107: {  	[sflag:s31] =	ssyncadd.s32 $0xFFFFE000  }
0x108: {  	[spmem:s1] =	stream.indirect.scatter.add.f32 [tilespmem:s26], [sflag:$0x3], $0x10, s25, s25, $0xb8;
	[tilespmem:$0x1D000] =	vst v63  }
0x109: {  	_ =	swait.ge [sflag:s24], $0x2000  }
0x10a: {  	[sflag:s24] =	ssyncset.done $0x0  }
0x10b: {  	s16 =	sadd.s32 $0x6200, s14;
	[sflag:s24] =	ssyncadd.s32 $0xFFFFE000  }
0x10c: {  	[tilespmem:s2], [sflag:$0x3] =	stream.linear.gather [hbm4b:s16+s2], $0x200, $0x38;
	[tilespmem:$0x1D000] =	vst v63  }
0x10d: {  	_ =	swait.ge [sflag:s24], $0x200  }
0x10e: {  	[sflag:s24] =	ssyncset.done $0x0  }
0x10f: {  	s10 =	sadd.s32 $0x6200, s10;
	[sflag:s24] =	ssyncadd.s32 $0xFFFFFE00  }
0x110: {  	[tilespmem:s25], [sflag:$0x3] =	stream.linear.gather [hbm4b:s10+s2], $0x200, $0x38;
	[tilespmem:$0x1D000] =	vst v63  }
0x111: {  	_ =	swait.ge [sflag:s24], $0x200  }
0x112: {  	[sflag:s24] =	ssyncset.done $0x0  }
0x113: {  	[sflag:s24] =	ssyncadd.s32 $0xFFFFFE00  }
0x114: {  	[tilespmem:s26], [sflag:$0x1] =	stream.indirect.gather [hbm4b:s11+s25], $0x10, s2, s25, $0xb8;
	[tilespmem:$0x1D000] =	vst v63  }
0x115: {  	_ =	swait.ge [sflag:s0], $0x2000  }
0x116: {  	[sflag:s0] =	ssyncset.done $0x0  }
0x117: {  	[sflag:s0] =	ssyncadd.s32 $0xFFFFE000  }
0x118: {  	[spmem:s1] =	stream.indirect.scatter.add.f32 [tilespmem:s30], [sflag:$0x3], $0x10, s29, s25, $0xb8;
	[tilespmem:$0x1D000] =	vst v63  }
0x119: {  	_ =	swait.ge [sflag:s24], $0x2000  }
0x11a: {  	[sflag:s24] =	ssyncset.done $0x0  }
0x11b: {  	[sflag:s24] =	ssyncadd.s32 $0xFFFFE000  }
0x11c: {  	[tilespmem:s28], [sflag:$0x3] =	stream.linear.gather [hbm4b:s20+s2], $0x200, $0x38;
	[tilespmem:$0x1D000] =	vst v63  }
0x11d: {  	_ =	swait.ge [sflag:s24], $0x200  }
0x11e: {  	[sflag:s24] =	ssyncset.done $0x0  }
0x11f: {  	[sflag:s24] =	ssyncadd.s32 $0xFFFFFE00  }
0x120: {  	[tilespmem:s29], [sflag:$0x3] =	stream.linear.gather [hbm4b:s21+s2], $0x200, $0x38;
	[tilespmem:$0x1D000] =	vst v63  }
0x121: {  	_ =	swait.ge [sflag:s24], $0x200  }
0x122: {  	[sflag:s24] =	ssyncset.done $0x0  }
0x123: {  	[sflag:s24] =	ssyncadd.s32 $0xFFFFFE00  }
0x124: {  	[tilespmem:s30], [sflag:$0x2] =	stream.indirect.gather [hbm4b:s11+s25], $0x10, s28, s25, $0xb8;
	[tilespmem:$0x1D000] =	vst v63  }
0x125: {  	_ =	swait.ge [sflag:s31], $0x2000  }
0x126: {  	[sflag:s31] =	ssyncset.done $0x0  }
0x127: {  	[sflag:s31] =	ssyncadd.s32 $0xFFFFE000  }
0x128: {  	[spmem:s1] =	stream.indirect.scatter.add.f32 [tilespmem:s26], [sflag:$0x3], $0x10, s25, s25, $0xb8;
	[tilespmem:$0x1D000] =	vst v63  }
0x129: {  	_ =	swait.ge [sflag:s24], $0x2000  }
0x12a: {  	[sflag:s24] =	ssyncset.done $0x0  }
0x12b: {  	[sflag:s24] =	ssyncadd.s32 $0xFFFFE000  }
0x12c: {  	_ =	swait.ge [sflag:s0], $0x2000  }
0x12d: {  	[sflag:s0] =	ssyncset.done $0x0  }
0x12e: {  	[sflag:s0] =	ssyncadd.s32 $0xFFFFE000  }
0x12f: {  	[spmem:s1] =	stream.indirect.scatter.add.f32 [tilespmem:s30], [sflag:$0x3], $0x10, s29, s25, $0xb8;
	[tilespmem:$0x1D000] =	vst v63  }
0x130: {  	_ =	swait.ge [sflag:s24], $0x2000  }
0x131: {  	[sflag:s24] =	ssyncset.done $0x0  }
0x132: {  	[sflag:s24] =	ssyncadd.s32 $0xFFFFE000  }
0x133: {  	[bflag:$0x0] =	sbarrier.arrive $0xFFFF  }
0x134: {  	s18 =	rddreg [dreg:$0x5]  }
0x135: {  	[hbm:s18], [sflag:s6] =	dma.local [spmem:s5], $0x3100  }
0x136: {  	_ =	swait.ge [sflag:s24], $0x3100  }
0x137: {  	[sflag:s24] =	ssyncset.done $0x0  }
0x138: {  	[sflag:s24] =	ssyncadd.s32 $0xFFFFCF00  }
0x139: {  	[bflag:$0x0] =	sbarrier.arrive $0xFFFF  }
0x13a: {  	[spmem:s5], [sflag:s6] =	dma.local [hbm:s4], $0x3100  }
0x13b: {  	_ =	swait.ge [sflag:s24], $0x3100  }
0x13c: {  	[sflag:s24] =	ssyncset.done $0x0  }
0x13d: {  	[sflag:s24] =	ssyncadd.s32 $0xFFFFCF00  }
0x13e: {  	[bflag:$0x0] =	sbarrier.arrive $0xFFFF  }
0x13f: {  	[tilespmem:s2], [sflag:$0x3] =	stream.linear.gather [hbm4b:s7+s2], $0x200, $0x38;
	[tilespmem:$0x1D000] =	vst v63  }
0x140: {  	_ =	swait.ge [sflag:s24], $0x200  }
0x141: {  	[sflag:s24] =	ssyncset.done $0x0  }
0x142: {  	[sflag:s24] =	ssyncadd.s32 $0xFFFFFE00  }
0x143: {  	[tilespmem:s25], [sflag:$0x3] =	stream.linear.gather [hbm4b:s8+s2], $0x200, $0x38;
	[tilespmem:$0x1D000] =	vst v63  }
0x144: {  	_ =	swait.ge [sflag:s24], $0x200  }
0x145: {  	[sflag:s24] =	ssyncset.done $0x0  }
0x146: {  	s19 =	sadd.s32 $0xFFFF9E80, s23;
	[sflag:s24] =	ssyncadd.s32 $0xFFFFFE00  }
0x147: {  	[tilespmem:s26], [sflag:$0x1] =	stream.indirect.gather [hbm4b:s13+s25], $0x10, s2, s25, $0xb8;
	[tilespmem:$0x1D000] =	vst v63  }
0x148: {  	s14 =	sadd.s32 $0x61C0, s19  }
0x149: {  	[tilespmem:s28], [sflag:$0x3] =	stream.linear.gather [hbm4b:s14+s2], $0x200, $0x38;
	[tilespmem:$0x1D000] =	vst v63  }
0x14a: {  	_ =	swait.ge [sflag:s24], $0x200  }
0x14b: {  	s16 =	sadd.s32 $0xFFFF9E80, s22;
	[sflag:s24] =	ssyncset.done $0x0  }
0x14c: {  	s18 =	sadd.s32 $0x61C0, s16;
	[sflag:s24] =	ssyncadd.s32 $0xFFFFFE00  }
0x14d: {  	[tilespmem:s29], [sflag:$0x3] =	stream.linear.gather [hbm4b:s18+s2], $0x200, $0x38;
	[tilespmem:$0x1D000] =	vst v63  }
0x14e: {  	_ =	swait.ge [sflag:s24], $0x200  }
0x14f: {  	[sflag:s24] =	ssyncset.done $0x0  }
0x150: {  	[sflag:s24] =	ssyncadd.s32 $0xFFFFFE00  }
0x151: {  	[tilespmem:s30], [sflag:$0x2] =	stream.indirect.gather [hbm4b:s13+s25], $0x10, s28, s25, $0xb8;
	[tilespmem:$0x1D000] =	vst v63  }
0x152: {  	_ =	swait.ge [sflag:s31], $0x2000  }
0x153: {  	[sflag:s31] =	ssyncset.done $0x0  }
0x154: {  	[sflag:s31] =	ssyncadd.s32 $0xFFFFE000  }
0x155: {  	[spmem:s1] =	stream.indirect.scatter.add.f32 [tilespmem:s26], [sflag:$0x3], $0x10, s25, s25, $0xb8;
	[tilespmem:$0x1D000] =	vst v63  }
0x156: {  	_ =	swait.ge [sflag:s24], $0x2000  }
0x157: {  	[sflag:s24] =	ssyncset.done $0x0  }
0x158: {  	s10 =	sadd.s32 $0x6200, s19;
	[sflag:s24] =	ssyncadd.s32 $0xFFFFE000  }
0x159: {  	[tilespmem:s2], [sflag:$0x3] =	stream.linear.gather [hbm4b:s10+s2], $0x200, $0x38;
	[tilespmem:$0x1D000] =	vst v63  }
0x15a: {  	_ =	swait.ge [sflag:s24], $0x200  }
0x15b: {  	[sflag:s24] =	ssyncset.done $0x0  }
0x15c: {  	s19 =	sadd.s32 $0x6200, s16;
	[sflag:s24] =	ssyncadd.s32 $0xFFFFFE00  }
0x15d: {  	[tilespmem:s25], [sflag:$0x3] =	stream.linear.gather [hbm4b:s19+s2], $0x200, $0x38;
	[tilespmem:$0x1D000] =	vst v63  }
0x15e: {  	_ =	swait.ge [sflag:s24], $0x200  }
0x15f: {  	[sflag:s24] =	ssyncset.done $0x0  }
0x160: {  	[sflag:s24] =	ssyncadd.s32 $0xFFFFFE00  }
0x161: {  	[tilespmem:s26], [sflag:$0x1] =	stream.indirect.gather [hbm4b:s13+s25], $0x10, s2, s25, $0xb8;
	[tilespmem:$0x1D000] =	vst v63  }
0x162: {  	_ =	swait.ge [sflag:s0], $0x2000  }
0x163: {  	[sflag:s0] =	ssyncset.done $0x0  }
0x164: {  	[sflag:s0] =	ssyncadd.s32 $0xFFFFE000  }
0x165: {  	[spmem:s1] =	stream.indirect.scatter.add.f32 [tilespmem:s30], [sflag:$0x3], $0x10, s29, s25, $0xb8;
	[tilespmem:$0x1D000] =	vst v63  }
0x166: {  	s16 =	simm.s32 $0xFFFF9F80;
	_ =	swait.ge [sflag:s24], $0x2000  }
0x167: {  	s14 =	sadd.s32 $0xFFFF9F00, s23;
	s10 =	simm.s32 $0xFFFF9F00;
	[sflag:s24] =	ssyncset.done $0x0  }
.LBB2_6:
0x168: {  	s18 =	sadd.s32 $0x61C0, s14  }
0x169: {  	[sflag:s24] =	ssyncadd.s32 $0xFFFFE000;
	s19 =	smov.u32 s16;
	s12 =	sadd.s32 $0x80, s16  }
0x16a: {  	[tilespmem:s28], [sflag:$0x3] =	stream.linear.gather [hbm4b:s18+s2], $0x200, $0x38;
	[tilespmem:$0x1D000] =	vst v63  }
0x16b: {  	p0 =	sne.s32 s16, $0xFFFFFF80;
	_ =	swait.ge [sflag:s24], $0x200  }
0x16c: {  	s16 =	sadd.s32 s10, s22;
	s10 =	smov.u32 s19;
	[sflag:s24] =	ssyncset.done $0x0  }
0x16d: {  	s18 =	sadd.s32 $0x61C0, s16;
	[sflag:s24] =	ssyncadd.s32 $0xFFFFFE00  }
0x16e: {  	[tilespmem:s29], [sflag:$0x3] =	stream.linear.gather [hbm4b:s18+s2], $0x200, $0x38;
	[tilespmem:$0x1D000] =	vst v63  }
0x16f: {  	_ =	swait.ge [sflag:s24], $0x200  }
0x170: {  	[sflag:s24] =	ssyncset.done $0x0  }
0x171: {  	[sflag:s24] =	ssyncadd.s32 $0xFFFFFE00  }
0x172: {  	[tilespmem:s30], [sflag:$0x2] =	stream.indirect.gather [hbm4b:s13+s25], $0x10, s28, s25, $0xb8;
	[tilespmem:$0x1D000] =	vst v63  }
0x173: {  	_ =	swait.ge [sflag:s31], $0x2000  }
0x174: {  	[sflag:s31] =	ssyncset.done $0x0  }
0x175: {  	[sflag:s31] =	ssyncadd.s32 $0xFFFFE000  }
0x176: {  	[spmem:s1] =	stream.indirect.scatter.add.f32 [tilespmem:s26], [sflag:$0x3], $0x10, s25, s25, $0xb8;
	[tilespmem:$0x1D000] =	vst v63  }
0x177: {  	_ =	swait.ge [sflag:s24], $0x2000  }
0x178: {  	[sflag:s24] =	ssyncset.done $0x0  }
0x179: {  	s14 =	sadd.s32 $0x6200, s14;
	[sflag:s24] =	ssyncadd.s32 $0xFFFFE000  }
0x17a: {  	[tilespmem:s2], [sflag:$0x3] =	stream.linear.gather [hbm4b:s14+s2], $0x200, $0x38;
	[tilespmem:$0x1D000] =	vst v63  }
0x17b: {  	_ =	swait.ge [sflag:s24], $0x200  }
0x17c: {  	[sflag:s24] =	ssyncset.done $0x0  }
0x17d: {  	s14 =	sadd.s32 $0x6200, s16;
	[sflag:s24] =	ssyncadd.s32 $0xFFFFFE00  }
0x17e: {  	[tilespmem:s25], [sflag:$0x3] =	stream.linear.gather [hbm4b:s14+s2], $0x200, $0x38;
	[tilespmem:$0x1D000] =	vst v63  }
0x17f: {  	_ =	swait.ge [sflag:s24], $0x200  }
0x180: {  	[sflag:s24] =	ssyncset.done $0x0  }
0x181: {  	[sflag:s24] =	ssyncadd.s32 $0xFFFFFE00  }
0x182: {  	[tilespmem:s26], [sflag:$0x1] =	stream.indirect.gather [hbm4b:s13+s25], $0x10, s2, s25, $0xb8;
	[tilespmem:$0x1D000] =	vst v63  }
0x183: {  	_ =	swait.ge [sflag:s0], $0x2000  }
.Ltmp2:
0x184: {  	[sflag:s0] =	ssyncset.done $0x0;
	(pc) =	sbr.rel @p0 .LBB2_6-.Ltmp2, $4  }
0x185: {  	[sflag:s0] =	ssyncadd.s32 $0xFFFFE000  }
0x186: {  	[spmem:s1] =	stream.indirect.scatter.add.f32 [tilespmem:s30], [sflag:$0x3], $0x10, s29, s25, $0xb8;
	[tilespmem:$0x1D000] =	vst v63  }
0x187: {  	_ =	swait.ge [sflag:s24], $0x2000  }
0x188: {  	s16 =	smov.u32 s12;
	s14 =	sadd.s32 s10, s23;
	[sflag:s24] =	ssyncset.done $0x0  }
0x189: {  	s12 =	sadd.s32 $0x61C0, s14;
	[sflag:s24] =	ssyncadd.s32 $0xFFFFE000  }
0x18a: {  	[tilespmem:s28], [sflag:$0x3] =	stream.linear.gather [hbm4b:s12+s2], $0x200, $0x38;
	[tilespmem:$0x1D000] =	vst v63  }
0x18b: {  	_ =	swait.ge [sflag:s24], $0x200  }
0x18c: {  	s10 =	sadd.s32 s10, s22;
	[sflag:s24] =	ssyncset.done $0x0  }
0x18d: {  	s19 =	sadd.s32 $0x61C0, s10;
	[sflag:s24] =	ssyncadd.s32 $0xFFFFFE00  }
0x18e: {  	[tilespmem:s29], [sflag:$0x3] =	stream.linear.gather [hbm4b:s19+s2], $0x200, $0x38;
	[tilespmem:$0x1D000] =	vst v63  }
0x18f: {  	_ =	swait.ge [sflag:s24], $0x200  }
0x190: {  	[sflag:s24] =	ssyncset.done $0x0  }
0x191: {  	[sflag:s24] =	ssyncadd.s32 $0xFFFFFE00  }
0x192: {  	[tilespmem:s30], [sflag:$0x2] =	stream.indirect.gather [hbm4b:s13+s25], $0x10, s28, s25, $0xb8;
	[tilespmem:$0x1D000] =	vst v63  }
0x193: {  	_ =	swait.ge [sflag:s31], $0x2000  }
0x194: {  	[sflag:s31] =	ssyncset.done $0x0  }
0x195: {  	[sflag:s31] =	ssyncadd.s32 $0xFFFFE000  }
0x196: {  	[spmem:s1] =	stream.indirect.scatter.add.f32 [tilespmem:s26], [sflag:$0x3], $0x10, s25, s25, $0xb8;
	[tilespmem:$0x1D000] =	vst v63  }
0x197: {  	_ =	swait.ge [sflag:s24], $0x2000  }
0x198: {  	[sflag:s24] =	ssyncset.done $0x0  }
0x199: {  	s16 =	sadd.s32 $0x6200, s14;
	[sflag:s24] =	ssyncadd.s32 $0xFFFFE000  }
0x19a: {  	[tilespmem:s2], [sflag:$0x3] =	stream.linear.gather [hbm4b:s16+s2], $0x200, $0x38;
	[tilespmem:$0x1D000] =	vst v63  }
0x19b: {  	_ =	swait.ge [sflag:s24], $0x200  }
0x19c: {  	[sflag:s24] =	ssyncset.done $0x0  }
0x19d: {  	s10 =	sadd.s32 $0x6200, s10;
	[sflag:s24] =	ssyncadd.s32 $0xFFFFFE00  }
0x19e: {  	[tilespmem:s25], [sflag:$0x3] =	stream.linear.gather [hbm4b:s10+s2], $0x200, $0x38;
	[tilespmem:$0x1D000] =	vst v63  }
0x19f: {  	_ =	swait.ge [sflag:s24], $0x200  }
0x1a0: {  	[sflag:s24] =	ssyncset.done $0x0  }
0x1a1: {  	[sflag:s24] =	ssyncadd.s32 $0xFFFFFE00  }
0x1a2: {  	[tilespmem:s26], [sflag:$0x1] =	stream.indirect.gather [hbm4b:s13+s25], $0x10, s2, s25, $0xb8;
	[tilespmem:$0x1D000] =	vst v63  }
0x1a3: {  	_ =	swait.ge [sflag:s0], $0x2000  }
0x1a4: {  	[sflag:s0] =	ssyncset.done $0x0  }
0x1a5: {  	[sflag:s0] =	ssyncadd.s32 $0xFFFFE000  }
0x1a6: {  	[spmem:s1] =	stream.indirect.scatter.add.f32 [tilespmem:s30], [sflag:$0x3], $0x10, s29, s25, $0xb8;
	[tilespmem:$0x1D000] =	vst v63  }
0x1a7: {  	_ =	swait.ge [sflag:s24], $0x2000  }
0x1a8: {  	[sflag:s24] =	ssyncset.done $0x0  }
0x1a9: {  	[sflag:s24] =	ssyncadd.s32 $0xFFFFE000  }
0x1aa: {  	[tilespmem:s28], [sflag:$0x3] =	stream.linear.gather [hbm4b:s20+s2], $0x200, $0x38;
	[tilespmem:$0x1D000] =	vst v63  }
0x1ab: {  	_ =	swait.ge [sflag:s24], $0x200  }
0x1ac: {  	[sflag:s24] =	ssyncset.done $0x0  }
0x1ad: {  	[sflag:s24] =	ssyncadd.s32 $0xFFFFFE00  }
0x1ae: {  	[tilespmem:s29], [sflag:$0x3] =	stream.linear.gather [hbm4b:s21+s2], $0x200, $0x38;
	[tilespmem:$0x1D000] =	vst v63  }
0x1af: {  	_ =	swait.ge [sflag:s24], $0x200  }
0x1b0: {  	[sflag:s24] =	ssyncset.done $0x0  }
0x1b1: {  	[sflag:s24] =	ssyncadd.s32 $0xFFFFFE00  }
0x1b2: {  	[tilespmem:s30], [sflag:$0x2] =	stream.indirect.gather [hbm4b:s13+s25], $0x10, s28, s25, $0xb8;
	[tilespmem:$0x1D000] =	vst v63  }
0x1b3: {  	_ =	swait.ge [sflag:s31], $0x2000  }
0x1b4: {  	[sflag:s31] =	ssyncset.done $0x0  }
0x1b5: {  	[sflag:s31] =	ssyncadd.s32 $0xFFFFE000  }
0x1b6: {  	[spmem:s1] =	stream.indirect.scatter.add.f32 [tilespmem:s26], [sflag:$0x3], $0x10, s25, s25, $0xb8;
	[tilespmem:$0x1D000] =	vst v63  }
0x1b7: {  	_ =	swait.ge [sflag:s24], $0x2000  }
0x1b8: {  	[sflag:s24] =	ssyncset.done $0x0  }
0x1b9: {  	[sflag:s24] =	ssyncadd.s32 $0xFFFFE000  }
0x1ba: {  	_ =	swait.ge [sflag:s0], $0x2000  }
0x1bb: {  	[sflag:s0] =	ssyncset.done $0x0  }
0x1bc: {  	[sflag:s0] =	ssyncadd.s32 $0xFFFFE000  }
0x1bd: {  	[spmem:s1] =	stream.indirect.scatter.add.f32 [tilespmem:s30], [sflag:$0x3], $0x10, s29, s25, $0xb8;
	[tilespmem:$0x1D000] =	vst v63  }
0x1be: {  	_ =	swait.ge [sflag:s24], $0x2000  }
0x1bf: {  	[sflag:s24] =	ssyncset.done $0x0  }
0x1c0: {  	[sflag:s24] =	ssyncadd.s32 $0xFFFFE000  }
0x1c1: {  	[bflag:$0x0] =	sbarrier.arrive $0xFFFF  }
0x1c2: {  	s18 =	rddreg [dreg:$0x6]  }
0x1c3: {  	[hbm:s18], [sflag:s6] =	dma.local [spmem:s5], $0x3100  }
0x1c4: {  	_ =	swait.ge [sflag:s24], $0x3100  }
0x1c5: {  	[sflag:s24] =	ssyncset.done $0x0  }
0x1c6: {  	[sflag:s24] =	ssyncadd.s32 $0xFFFFCF00  }
0x1c7: {  	[bflag:$0x0] =	sbarrier.arrive $0xFFFF  }
0x1c8: {  	[spmem:s5], [sflag:s6] =	dma.local [hbm:s4], $0x3100  }
0x1c9: {  	_ =	swait.ge [sflag:s24], $0x3100  }
0x1ca: {  	[sflag:s24] =	ssyncset.done $0x0  }
0x1cb: {  	[sflag:s24] =	ssyncadd.s32 $0xFFFFCF00  }
0x1cc: {  	[bflag:$0x0] =	sbarrier.arrive $0xFFFF  }
0x1cd: {  	[tilespmem:s2], [sflag:$0x3] =	stream.linear.gather [hbm4b:s7+s2], $0x200, $0x38;
	[tilespmem:$0x1D000] =	vst v63  }
0x1ce: {  	_ =	swait.ge [sflag:s24], $0x200  }
0x1cf: {  	[sflag:s24] =	ssyncset.done $0x0  }
0x1d0: {  	[sflag:s24] =	ssyncadd.s32 $0xFFFFFE00  }
0x1d1: {  	[tilespmem:s25], [sflag:$0x3] =	stream.linear.gather [hbm4b:s8+s2], $0x200, $0x38;
	[tilespmem:$0x1D000] =	vst v63  }
0x1d2: {  	_ =	swait.ge [sflag:s24], $0x200  }
0x1d3: {  	[sflag:s24] =	ssyncset.done $0x0  }
0x1d4: {  	s19 =	sadd.s32 $0xFFFF9E80, s23;
	[sflag:s24] =	ssyncadd.s32 $0xFFFFFE00  }
0x1d5: {  	[tilespmem:s26], [sflag:$0x1] =	stream.indirect.gather [hbm4b:s15+s25], $0x10, s2, s25, $0xb8;
	[tilespmem:$0x1D000] =	vst v63  }
0x1d6: {  	s14 =	sadd.s32 $0x61C0, s19  }
0x1d7: {  	[tilespmem:s28], [sflag:$0x3] =	stream.linear.gather [hbm4b:s14+s2], $0x200, $0x38;
	[tilespmem:$0x1D000] =	vst v63  }
0x1d8: {  	_ =	swait.ge [sflag:s24], $0x200  }
0x1d9: {  	s16 =	sadd.s32 $0xFFFF9E80, s22;
	[sflag:s24] =	ssyncset.done $0x0  }
0x1da: {  	s18 =	sadd.s32 $0x61C0, s16;
	[sflag:s24] =	ssyncadd.s32 $0xFFFFFE00  }
0x1db: {  	[tilespmem:s29], [sflag:$0x3] =	stream.linear.gather [hbm4b:s18+s2], $0x200, $0x38;
	[tilespmem:$0x1D000] =	vst v63  }
0x1dc: {  	_ =	swait.ge [sflag:s24], $0x200  }
0x1dd: {  	[sflag:s24] =	ssyncset.done $0x0  }
0x1de: {  	[sflag:s24] =	ssyncadd.s32 $0xFFFFFE00  }
0x1df: {  	[tilespmem:s30], [sflag:$0x2] =	stream.indirect.gather [hbm4b:s15+s25], $0x10, s28, s25, $0xb8;
	[tilespmem:$0x1D000] =	vst v63  }
0x1e0: {  	_ =	swait.ge [sflag:s31], $0x2000  }
0x1e1: {  	[sflag:s31] =	ssyncset.done $0x0  }
0x1e2: {  	[sflag:s31] =	ssyncadd.s32 $0xFFFFE000  }
0x1e3: {  	[spmem:s1] =	stream.indirect.scatter.add.f32 [tilespmem:s26], [sflag:$0x3], $0x10, s25, s25, $0xb8;
	[tilespmem:$0x1D000] =	vst v63  }
0x1e4: {  	_ =	swait.ge [sflag:s24], $0x2000  }
0x1e5: {  	[sflag:s24] =	ssyncset.done $0x0  }
0x1e6: {  	s10 =	sadd.s32 $0x6200, s19;
	[sflag:s24] =	ssyncadd.s32 $0xFFFFE000  }
0x1e7: {  	[tilespmem:s2], [sflag:$0x3] =	stream.linear.gather [hbm4b:s10+s2], $0x200, $0x38;
	[tilespmem:$0x1D000] =	vst v63  }
0x1e8: {  	_ =	swait.ge [sflag:s24], $0x200  }
0x1e9: {  	[sflag:s24] =	ssyncset.done $0x0  }
0x1ea: {  	s19 =	sadd.s32 $0x6200, s16;
	[sflag:s24] =	ssyncadd.s32 $0xFFFFFE00  }
0x1eb: {  	[tilespmem:s25], [sflag:$0x3] =	stream.linear.gather [hbm4b:s19+s2], $0x200, $0x38;
	[tilespmem:$0x1D000] =	vst v63  }
0x1ec: {  	_ =	swait.ge [sflag:s24], $0x200  }
0x1ed: {  	[sflag:s24] =	ssyncset.done $0x0  }
0x1ee: {  	[sflag:s24] =	ssyncadd.s32 $0xFFFFFE00  }
0x1ef: {  	[tilespmem:s26], [sflag:$0x1] =	stream.indirect.gather [hbm4b:s15+s25], $0x10, s2, s25, $0xb8;
	[tilespmem:$0x1D000] =	vst v63  }
0x1f0: {  	_ =	swait.ge [sflag:s0], $0x2000  }
0x1f1: {  	[sflag:s0] =	ssyncset.done $0x0  }
0x1f2: {  	[sflag:s0] =	ssyncadd.s32 $0xFFFFE000  }
0x1f3: {  	[spmem:s1] =	stream.indirect.scatter.add.f32 [tilespmem:s30], [sflag:$0x3], $0x10, s29, s25, $0xb8;
	[tilespmem:$0x1D000] =	vst v63  }
0x1f4: {  	s16 =	simm.s32 $0xFFFF9F80;
	_ =	swait.ge [sflag:s24], $0x2000  }
0x1f5: {  	s14 =	sadd.s32 $0xFFFF9F00, s23;
	s10 =	simm.s32 $0xFFFF9F00;
	[sflag:s24] =	ssyncset.done $0x0  }
.LBB2_8:
0x1f6: {  	s18 =	sadd.s32 $0x61C0, s14  }
0x1f7: {  	[sflag:s24] =	ssyncadd.s32 $0xFFFFE000;
	s19 =	smov.u32 s16;
	s12 =	sadd.s32 $0x80, s16  }
0x1f8: {  	[tilespmem:s28], [sflag:$0x3] =	stream.linear.gather [hbm4b:s18+s2], $0x200, $0x38;
	[tilespmem:$0x1D000] =	vst v63  }
0x1f9: {  	p0 =	sne.s32 s16, $0xFFFFFF80;
	_ =	swait.ge [sflag:s24], $0x200  }
0x1fa: {  	s16 =	sadd.s32 s10, s22;
	s10 =	smov.u32 s19;
	[sflag:s24] =	ssyncset.done $0x0  }
0x1fb: {  	s18 =	sadd.s32 $0x61C0, s16;
	[sflag:s24] =	ssyncadd.s32 $0xFFFFFE00  }
0x1fc: {  	[tilespmem:s29], [sflag:$0x3] =	stream.linear.gather [hbm4b:s18+s2], $0x200, $0x38;
	[tilespmem:$0x1D000] =	vst v63  }
0x1fd: {  	_ =	swait.ge [sflag:s24], $0x200  }
0x1fe: {  	[sflag:s24] =	ssyncset.done $0x0  }
0x1ff: {  	[sflag:s24] =	ssyncadd.s32 $0xFFFFFE00  }
0x200: {  	[tilespmem:s30], [sflag:$0x2] =	stream.indirect.gather [hbm4b:s15+s25], $0x10, s28, s25, $0xb8;
	[tilespmem:$0x1D000] =	vst v63  }
0x201: {  	_ =	swait.ge [sflag:s31], $0x2000  }
0x202: {  	[sflag:s31] =	ssyncset.done $0x0  }
0x203: {  	[sflag:s31] =	ssyncadd.s32 $0xFFFFE000  }
0x204: {  	[spmem:s1] =	stream.indirect.scatter.add.f32 [tilespmem:s26], [sflag:$0x3], $0x10, s25, s25, $0xb8;
	[tilespmem:$0x1D000] =	vst v63  }
0x205: {  	_ =	swait.ge [sflag:s24], $0x2000  }
0x206: {  	[sflag:s24] =	ssyncset.done $0x0  }
0x207: {  	s14 =	sadd.s32 $0x6200, s14;
	[sflag:s24] =	ssyncadd.s32 $0xFFFFE000  }
0x208: {  	[tilespmem:s2], [sflag:$0x3] =	stream.linear.gather [hbm4b:s14+s2], $0x200, $0x38;
	[tilespmem:$0x1D000] =	vst v63  }
0x209: {  	_ =	swait.ge [sflag:s24], $0x200  }
0x20a: {  	[sflag:s24] =	ssyncset.done $0x0  }
0x20b: {  	s14 =	sadd.s32 $0x6200, s16;
	[sflag:s24] =	ssyncadd.s32 $0xFFFFFE00  }
0x20c: {  	[tilespmem:s25], [sflag:$0x3] =	stream.linear.gather [hbm4b:s14+s2], $0x200, $0x38;
	[tilespmem:$0x1D000] =	vst v63  }
0x20d: {  	_ =	swait.ge [sflag:s24], $0x200  }
0x20e: {  	[sflag:s24] =	ssyncset.done $0x0  }
0x20f: {  	[sflag:s24] =	ssyncadd.s32 $0xFFFFFE00  }
0x210: {  	[tilespmem:s26], [sflag:$0x1] =	stream.indirect.gather [hbm4b:s15+s25], $0x10, s2, s25, $0xb8;
	[tilespmem:$0x1D000] =	vst v63  }
0x211: {  	_ =	swait.ge [sflag:s0], $0x2000  }
.Ltmp3:
0x212: {  	[sflag:s0] =	ssyncset.done $0x0;
	(pc) =	sbr.rel @p0 .LBB2_8-.Ltmp3, $4  }
0x213: {  	[sflag:s0] =	ssyncadd.s32 $0xFFFFE000  }
0x214: {  	[spmem:s1] =	stream.indirect.scatter.add.f32 [tilespmem:s30], [sflag:$0x3], $0x10, s29, s25, $0xb8;
	[tilespmem:$0x1D000] =	vst v63  }
0x215: {  	_ =	swait.ge [sflag:s24], $0x2000  }
0x216: {  	s16 =	smov.u32 s12;
	s14 =	sadd.s32 s10, s23;
	[sflag:s24] =	ssyncset.done $0x0  }
0x217: {  	s12 =	sadd.s32 $0x61C0, s14;
	[sflag:s24] =	ssyncadd.s32 $0xFFFFE000  }
0x218: {  	[tilespmem:s28], [sflag:$0x3] =	stream.linear.gather [hbm4b:s12+s2], $0x200, $0x38;
	[tilespmem:$0x1D000] =	vst v63  }
0x219: {  	_ =	swait.ge [sflag:s24], $0x200  }
0x21a: {  	s10 =	sadd.s32 s10, s22;
	[sflag:s24] =	ssyncset.done $0x0  }
0x21b: {  	s19 =	sadd.s32 $0x61C0, s10;
	[sflag:s24] =	ssyncadd.s32 $0xFFFFFE00  }
0x21c: {  	[tilespmem:s29], [sflag:$0x3] =	stream.linear.gather [hbm4b:s19+s2], $0x200, $0x38;
	[tilespmem:$0x1D000] =	vst v63  }
0x21d: {  	_ =	swait.ge [sflag:s24], $0x200  }
0x21e: {  	[sflag:s24] =	ssyncset.done $0x0  }
0x21f: {  	[sflag:s24] =	ssyncadd.s32 $0xFFFFFE00  }
0x220: {  	[tilespmem:s30], [sflag:$0x2] =	stream.indirect.gather [hbm4b:s15+s25], $0x10, s28, s25, $0xb8;
	[tilespmem:$0x1D000] =	vst v63  }
0x221: {  	_ =	swait.ge [sflag:s31], $0x2000  }
0x222: {  	[sflag:s31] =	ssyncset.done $0x0  }
0x223: {  	[sflag:s31] =	ssyncadd.s32 $0xFFFFE000  }
0x224: {  	[spmem:s1] =	stream.indirect.scatter.add.f32 [tilespmem:s26], [sflag:$0x3], $0x10, s25, s25, $0xb8;
	[tilespmem:$0x1D000] =	vst v63  }
0x225: {  	_ =	swait.ge [sflag:s24], $0x2000  }
0x226: {  	[sflag:s24] =	ssyncset.done $0x0  }
0x227: {  	s16 =	sadd.s32 $0x6200, s14;
	[sflag:s24] =	ssyncadd.s32 $0xFFFFE000  }
0x228: {  	[tilespmem:s2], [sflag:$0x3] =	stream.linear.gather [hbm4b:s16+s2], $0x200, $0x38;
	[tilespmem:$0x1D000] =	vst v63  }
0x229: {  	_ =	swait.ge [sflag:s24], $0x200  }
0x22a: {  	[sflag:s24] =	ssyncset.done $0x0  }
0x22b: {  	s10 =	sadd.s32 $0x6200, s10;
	[sflag:s24] =	ssyncadd.s32 $0xFFFFFE00  }
0x22c: {  	[tilespmem:s25], [sflag:$0x3] =	stream.linear.gather [hbm4b:s10+s2], $0x200, $0x38;
	[tilespmem:$0x1D000] =	vst v63  }
0x22d: {  	_ =	swait.ge [sflag:s24], $0x200  }
0x22e: {  	[sflag:s24] =	ssyncset.done $0x0  }
0x22f: {  	[sflag:s24] =	ssyncadd.s32 $0xFFFFFE00  }
0x230: {  	[tilespmem:s26], [sflag:$0x1] =	stream.indirect.gather [hbm4b:s15+s25], $0x10, s2, s25, $0xb8;
	[tilespmem:$0x1D000] =	vst v63  }
0x231: {  	_ =	swait.ge [sflag:s0], $0x2000  }
0x232: {  	[sflag:s0] =	ssyncset.done $0x0  }
0x233: {  	[sflag:s0] =	ssyncadd.s32 $0xFFFFE000  }
0x234: {  	[spmem:s1] =	stream.indirect.scatter.add.f32 [tilespmem:s30], [sflag:$0x3], $0x10, s29, s25, $0xb8;
	[tilespmem:$0x1D000] =	vst v63  }
0x235: {  	_ =	swait.ge [sflag:s24], $0x2000  }
0x236: {  	[sflag:s24] =	ssyncset.done $0x0  }
0x237: {  	[sflag:s24] =	ssyncadd.s32 $0xFFFFE000  }
0x238: {  	[tilespmem:s28], [sflag:$0x3] =	stream.linear.gather [hbm4b:s20+s2], $0x200, $0x38;
	[tilespmem:$0x1D000] =	vst v63  }
0x239: {  	_ =	swait.ge [sflag:s24], $0x200  }
0x23a: {  	[sflag:s24] =	ssyncset.done $0x0  }
0x23b: {  	[sflag:s24] =	ssyncadd.s32 $0xFFFFFE00  }
0x23c: {  	[tilespmem:s29], [sflag:$0x3] =	stream.linear.gather [hbm4b:s21+s2], $0x200, $0x38;
	[tilespmem:$0x1D000] =	vst v63  }
0x23d: {  	_ =	swait.ge [sflag:s24], $0x200  }
0x23e: {  	[sflag:s24] =	ssyncset.done $0x0  }
0x23f: {  	[sflag:s24] =	ssyncadd.s32 $0xFFFFFE00  }
0x240: {  	[tilespmem:s30], [sflag:$0x2] =	stream.indirect.gather [hbm4b:s15+s25], $0x10, s28, s25, $0xb8;
	[tilespmem:$0x1D000] =	vst v63  }
0x241: {  	_ =	swait.ge [sflag:s31], $0x2000  }
0x242: {  	[sflag:s31] =	ssyncset.done $0x0  }
0x243: {  	[sflag:s31] =	ssyncadd.s32 $0xFFFFE000  }
0x244: {  	[spmem:s1] =	stream.indirect.scatter.add.f32 [tilespmem:s26], [sflag:$0x3], $0x10, s25, s25, $0xb8;
	[tilespmem:$0x1D000] =	vst v63  }
0x245: {  	_ =	swait.ge [sflag:s24], $0x2000  }
0x246: {  	[sflag:s24] =	ssyncset.done $0x0  }
0x247: {  	[sflag:s24] =	ssyncadd.s32 $0xFFFFE000  }
0x248: {  	_ =	swait.ge [sflag:s0], $0x2000  }
0x249: {  	[sflag:s0] =	ssyncset.done $0x0  }
0x24a: {  	[sflag:s0] =	ssyncadd.s32 $0xFFFFE000  }
0x24b: {  	[spmem:s1] =	stream.indirect.scatter.add.f32 [tilespmem:s30], [sflag:$0x3], $0x10, s29, s25, $0xb8;
	[tilespmem:$0x1D000] =	vst v63  }
0x24c: {  	_ =	swait.ge [sflag:s24], $0x2000  }
0x24d: {  	[sflag:s24] =	ssyncset.done $0x0  }
0x24e: {  	[sflag:s24] =	ssyncadd.s32 $0xFFFFE000  }
0x24f: {  	[bflag:$0x0] =	sbarrier.arrive $0xFFFF  }
0x250: {  	s18 =	rddreg [dreg:$0x7]  }
0x251: {  	[hbm:s18], [sflag:s6] =	dma.local [spmem:s5], $0x3100  }
0x252: {  	_ =	swait.ge [sflag:s24], $0x3100  }
0x253: {  	[sflag:s24] =	ssyncset.done $0x0  }
0x254: {  	[sflag:s24] =	ssyncadd.s32 $0xFFFFCF00  }
0x255: {  	[bflag:$0x0] =	sbarrier.arrive $0xFFFF  }
0x256: {  	[spmem:s5], [sflag:s6] =	dma.local [hbm:s4], $0x3100  }
0x257: {  	_ =	swait.ge [sflag:s24], $0x3100  }
0x258: {  	[sflag:s24] =	ssyncset.done $0x0  }
0x259: {  	[sflag:s24] =	ssyncadd.s32 $0xFFFFCF00  }
0x25a: {  	[bflag:$0x0] =	sbarrier.arrive $0xFFFF  }
0x25b: {  	[tilespmem:s2], [sflag:$0x3] =	stream.linear.gather [hbm4b:s7+s2], $0x200, $0x38;
	[tilespmem:$0x1D000] =	vst v63  }
0x25c: {  	_ =	swait.ge [sflag:s24], $0x200  }
0x25d: {  	[sflag:s24] =	ssyncset.done $0x0  }
0x25e: {  	[sflag:s24] =	ssyncadd.s32 $0xFFFFFE00  }
0x25f: {  	[tilespmem:s25], [sflag:$0x3] =	stream.linear.gather [hbm4b:s8+s2], $0x200, $0x38;
	[tilespmem:$0x1D000] =	vst v63  }
0x260: {  	_ =	swait.ge [sflag:s24], $0x200  }
0x261: {  	[sflag:s24] =	ssyncset.done $0x0  }
0x262: {  	s19 =	sadd.s32 $0xFFFF9E80, s23;
	[sflag:s24] =	ssyncadd.s32 $0xFFFFFE00  }
0x263: {  	[tilespmem:s26], [sflag:$0x1] =	stream.indirect.gather [hbm4b:s17+s25], $0x10, s2, s25, $0xb8;
	[tilespmem:$0x1D000] =	vst v63  }
0x264: {  	s14 =	sadd.s32 $0x61C0, s19  }
0x265: {  	[tilespmem:s28], [sflag:$0x3] =	stream.linear.gather [hbm4b:s14+s2], $0x200, $0x38;
	[tilespmem:$0x1D000] =	vst v63  }
0x266: {  	_ =	swait.ge [sflag:s24], $0x200  }
0x267: {  	s16 =	sadd.s32 $0xFFFF9E80, s22;
	[sflag:s24] =	ssyncset.done $0x0  }
0x268: {  	s18 =	sadd.s32 $0x61C0, s16;
	[sflag:s24] =	ssyncadd.s32 $0xFFFFFE00  }
0x269: {  	[tilespmem:s29], [sflag:$0x3] =	stream.linear.gather [hbm4b:s18+s2], $0x200, $0x38;
	[tilespmem:$0x1D000] =	vst v63  }
0x26a: {  	_ =	swait.ge [sflag:s24], $0x200  }
0x26b: {  	[sflag:s24] =	ssyncset.done $0x0  }
0x26c: {  	[sflag:s24] =	ssyncadd.s32 $0xFFFFFE00  }
0x26d: {  	[tilespmem:s30], [sflag:$0x2] =	stream.indirect.gather [hbm4b:s17+s25], $0x10, s28, s25, $0xb8;
	[tilespmem:$0x1D000] =	vst v63  }
0x26e: {  	_ =	swait.ge [sflag:s31], $0x2000  }
0x26f: {  	[sflag:s31] =	ssyncset.done $0x0  }
0x270: {  	[sflag:s31] =	ssyncadd.s32 $0xFFFFE000  }
0x271: {  	[spmem:s1] =	stream.indirect.scatter.add.f32 [tilespmem:s26], [sflag:$0x3], $0x10, s25, s25, $0xb8;
	[tilespmem:$0x1D000] =	vst v63  }
0x272: {  	_ =	swait.ge [sflag:s24], $0x2000  }
0x273: {  	[sflag:s24] =	ssyncset.done $0x0  }
0x274: {  	s10 =	sadd.s32 $0x6200, s19;
	[sflag:s24] =	ssyncadd.s32 $0xFFFFE000  }
0x275: {  	[tilespmem:s2], [sflag:$0x3] =	stream.linear.gather [hbm4b:s10+s2], $0x200, $0x38;
	[tilespmem:$0x1D000] =	vst v63  }
0x276: {  	_ =	swait.ge [sflag:s24], $0x200  }
0x277: {  	[sflag:s24] =	ssyncset.done $0x0  }
0x278: {  	s19 =	sadd.s32 $0x6200, s16;
	[sflag:s24] =	ssyncadd.s32 $0xFFFFFE00  }
0x279: {  	[tilespmem:s25], [sflag:$0x3] =	stream.linear.gather [hbm4b:s19+s2], $0x200, $0x38;
	[tilespmem:$0x1D000] =	vst v63  }
0x27a: {  	_ =	swait.ge [sflag:s24], $0x200  }
0x27b: {  	[sflag:s24] =	ssyncset.done $0x0  }
0x27c: {  	[sflag:s24] =	ssyncadd.s32 $0xFFFFFE00  }
0x27d: {  	[tilespmem:s26], [sflag:$0x1] =	stream.indirect.gather [hbm4b:s17+s25], $0x10, s2, s25, $0xb8;
	[tilespmem:$0x1D000] =	vst v63  }
0x27e: {  	_ =	swait.ge [sflag:s0], $0x2000  }
0x27f: {  	[sflag:s0] =	ssyncset.done $0x0  }
0x280: {  	[sflag:s0] =	ssyncadd.s32 $0xFFFFE000  }
0x281: {  	[spmem:s1] =	stream.indirect.scatter.add.f32 [tilespmem:s30], [sflag:$0x3], $0x10, s29, s25, $0xb8;
	[tilespmem:$0x1D000] =	vst v63  }
0x282: {  	s16 =	simm.s32 $0xFFFF9F80;
	_ =	swait.ge [sflag:s24], $0x2000  }
0x283: {  	s14 =	sadd.s32 $0xFFFF9F00, s23;
	s10 =	simm.s32 $0xFFFF9F00;
	[sflag:s24] =	ssyncset.done $0x0  }
.LBB2_10:
0x284: {  	s18 =	sadd.s32 $0x61C0, s14  }
0x285: {  	[sflag:s24] =	ssyncadd.s32 $0xFFFFE000;
	s19 =	smov.u32 s16;
	s12 =	sadd.s32 $0x80, s16  }
0x286: {  	[tilespmem:s28], [sflag:$0x3] =	stream.linear.gather [hbm4b:s18+s2], $0x200, $0x38;
	[tilespmem:$0x1D000] =	vst v63  }
0x287: {  	p0 =	sne.s32 s16, $0xFFFFFF80;
	_ =	swait.ge [sflag:s24], $0x200  }
0x288: {  	s16 =	sadd.s32 s10, s22;
	s10 =	smov.u32 s19;
	[sflag:s24] =	ssyncset.done $0x0  }
0x289: {  	s18 =	sadd.s32 $0x61C0, s16;
	[sflag:s24] =	ssyncadd.s32 $0xFFFFFE00  }
0x28a: {  	[tilespmem:s29], [sflag:$0x3] =	stream.linear.gather [hbm4b:s18+s2], $0x200, $0x38;
	[tilespmem:$0x1D000] =	vst v63  }
0x28b: {  	_ =	swait.ge [sflag:s24], $0x200  }
0x28c: {  	[sflag:s24] =	ssyncset.done $0x0  }
0x28d: {  	[sflag:s24] =	ssyncadd.s32 $0xFFFFFE00  }
0x28e: {  	[tilespmem:s30], [sflag:$0x2] =	stream.indirect.gather [hbm4b:s17+s25], $0x10, s28, s25, $0xb8;
	[tilespmem:$0x1D000] =	vst v63  }
0x28f: {  	_ =	swait.ge [sflag:s31], $0x2000  }
0x290: {  	[sflag:s31] =	ssyncset.done $0x0  }
0x291: {  	[sflag:s31] =	ssyncadd.s32 $0xFFFFE000  }
0x292: {  	[spmem:s1] =	stream.indirect.scatter.add.f32 [tilespmem:s26], [sflag:$0x3], $0x10, s25, s25, $0xb8;
	[tilespmem:$0x1D000] =	vst v63  }
0x293: {  	_ =	swait.ge [sflag:s24], $0x2000  }
0x294: {  	[sflag:s24] =	ssyncset.done $0x0  }
0x295: {  	s14 =	sadd.s32 $0x6200, s14;
	[sflag:s24] =	ssyncadd.s32 $0xFFFFE000  }
0x296: {  	[tilespmem:s2], [sflag:$0x3] =	stream.linear.gather [hbm4b:s14+s2], $0x200, $0x38;
	[tilespmem:$0x1D000] =	vst v63  }
0x297: {  	_ =	swait.ge [sflag:s24], $0x200  }
0x298: {  	[sflag:s24] =	ssyncset.done $0x0  }
0x299: {  	s14 =	sadd.s32 $0x6200, s16;
	[sflag:s24] =	ssyncadd.s32 $0xFFFFFE00  }
0x29a: {  	[tilespmem:s25], [sflag:$0x3] =	stream.linear.gather [hbm4b:s14+s2], $0x200, $0x38;
	[tilespmem:$0x1D000] =	vst v63  }
0x29b: {  	_ =	swait.ge [sflag:s24], $0x200  }
0x29c: {  	[sflag:s24] =	ssyncset.done $0x0  }
0x29d: {  	[sflag:s24] =	ssyncadd.s32 $0xFFFFFE00  }
0x29e: {  	[tilespmem:s26], [sflag:$0x1] =	stream.indirect.gather [hbm4b:s17+s25], $0x10, s2, s25, $0xb8;
	[tilespmem:$0x1D000] =	vst v63  }
0x29f: {  	_ =	swait.ge [sflag:s0], $0x2000  }
.Ltmp4:
0x2a0: {  	[sflag:s0] =	ssyncset.done $0x0;
	(pc) =	sbr.rel @p0 .LBB2_10-.Ltmp4, $4  }
0x2a1: {  	[sflag:s0] =	ssyncadd.s32 $0xFFFFE000  }
0x2a2: {  	[spmem:s1] =	stream.indirect.scatter.add.f32 [tilespmem:s30], [sflag:$0x3], $0x10, s29, s25, $0xb8;
	[tilespmem:$0x1D000] =	vst v63  }
0x2a3: {  	_ =	swait.ge [sflag:s24], $0x2000  }
0x2a4: {  	s16 =	smov.u32 s12;
	s14 =	sadd.s32 s10, s23;
	[sflag:s24] =	ssyncset.done $0x0  }
0x2a5: {  	s12 =	sadd.s32 $0x61C0, s14;
	[sflag:s24] =	ssyncadd.s32 $0xFFFFE000  }
0x2a6: {  	[tilespmem:s28], [sflag:$0x3] =	stream.linear.gather [hbm4b:s12+s2], $0x200, $0x38;
	[tilespmem:$0x1D000] =	vst v63  }
0x2a7: {  	_ =	swait.ge [sflag:s24], $0x200  }
0x2a8: {  	s10 =	sadd.s32 s10, s22;
	[sflag:s24] =	ssyncset.done $0x0  }
0x2a9: {  	s19 =	sadd.s32 $0x61C0, s10;
	[sflag:s24] =	ssyncadd.s32 $0xFFFFFE00  }
0x2aa: {  	[tilespmem:s29], [sflag:$0x3] =	stream.linear.gather [hbm4b:s19+s2], $0x200, $0x38;
	[tilespmem:$0x1D000] =	vst v63  }
0x2ab: {  	_ =	swait.ge [sflag:s24], $0x200  }
0x2ac: {  	[sflag:s24] =	ssyncset.done $0x0  }
0x2ad: {  	[sflag:s24] =	ssyncadd.s32 $0xFFFFFE00  }
0x2ae: {  	[tilespmem:s30], [sflag:$0x2] =	stream.indirect.gather [hbm4b:s17+s25], $0x10, s28, s25, $0xb8;
	[tilespmem:$0x1D000] =	vst v63  }
0x2af: {  	_ =	swait.ge [sflag:s31], $0x2000  }
0x2b0: {  	[sflag:s31] =	ssyncset.done $0x0  }
0x2b1: {  	[sflag:s31] =	ssyncadd.s32 $0xFFFFE000  }
0x2b2: {  	[spmem:s1] =	stream.indirect.scatter.add.f32 [tilespmem:s26], [sflag:$0x3], $0x10, s25, s25, $0xb8;
	[tilespmem:$0x1D000] =	vst v63  }
0x2b3: {  	_ =	swait.ge [sflag:s24], $0x2000  }
0x2b4: {  	[sflag:s24] =	ssyncset.done $0x0  }
0x2b5: {  	s16 =	sadd.s32 $0x6200, s14;
	[sflag:s24] =	ssyncadd.s32 $0xFFFFE000  }
0x2b6: {  	[tilespmem:s2], [sflag:$0x3] =	stream.linear.gather [hbm4b:s16+s2], $0x200, $0x38;
	[tilespmem:$0x1D000] =	vst v63  }
0x2b7: {  	_ =	swait.ge [sflag:s24], $0x200  }
0x2b8: {  	[sflag:s24] =	ssyncset.done $0x0  }
0x2b9: {  	s10 =	sadd.s32 $0x6200, s10;
	[sflag:s24] =	ssyncadd.s32 $0xFFFFFE00  }
0x2ba: {  	[tilespmem:s25], [sflag:$0x3] =	stream.linear.gather [hbm4b:s10+s2], $0x200, $0x38;
	[tilespmem:$0x1D000] =	vst v63  }
0x2bb: {  	_ =	swait.ge [sflag:s24], $0x200  }
0x2bc: {  	[sflag:s24] =	ssyncset.done $0x0  }
0x2bd: {  	[sflag:s24] =	ssyncadd.s32 $0xFFFFFE00  }
0x2be: {  	[tilespmem:s26], [sflag:$0x1] =	stream.indirect.gather [hbm4b:s17+s25], $0x10, s2, s25, $0xb8;
	[tilespmem:$0x1D000] =	vst v63  }
0x2bf: {  	_ =	swait.ge [sflag:s0], $0x2000  }
0x2c0: {  	[sflag:s0] =	ssyncset.done $0x0  }
0x2c1: {  	[sflag:s0] =	ssyncadd.s32 $0xFFFFE000  }
0x2c2: {  	[spmem:s1] =	stream.indirect.scatter.add.f32 [tilespmem:s30], [sflag:$0x3], $0x10, s29, s25, $0xb8;
	[tilespmem:$0x1D000] =	vst v63  }
0x2c3: {  	_ =	swait.ge [sflag:s24], $0x2000  }
0x2c4: {  	[sflag:s24] =	ssyncset.done $0x0  }
0x2c5: {  	[sflag:s24] =	ssyncadd.s32 $0xFFFFE000  }
0x2c6: {  	[tilespmem:s28], [sflag:$0x3] =	stream.linear.gather [hbm4b:s20+s2], $0x200, $0x38;
	[tilespmem:$0x1D000] =	vst v63  }
0x2c7: {  	_ =	swait.ge [sflag:s24], $0x200  }
0x2c8: {  	[sflag:s24] =	ssyncset.done $0x0  }
0x2c9: {  	[sflag:s24] =	ssyncadd.s32 $0xFFFFFE00  }
0x2ca: {  	[tilespmem:s29], [sflag:$0x3] =	stream.linear.gather [hbm4b:s21+s2], $0x200, $0x38;
	[tilespmem:$0x1D000] =	vst v63  }
0x2cb: {  	_ =	swait.ge [sflag:s24], $0x200  }
0x2cc: {  	[sflag:s24] =	ssyncset.done $0x0  }
0x2cd: {  	[sflag:s24] =	ssyncadd.s32 $0xFFFFFE00  }
0x2ce: {  	[tilespmem:s30], [sflag:$0x2] =	stream.indirect.gather [hbm4b:s17+s25], $0x10, s28, s25, $0xb8;
	[tilespmem:$0x1D000] =	vst v63  }
0x2cf: {  	_ =	swait.ge [sflag:s31], $0x2000  }
0x2d0: {  	[sflag:s31] =	ssyncset.done $0x0  }
0x2d1: {  	[sflag:s31] =	ssyncadd.s32 $0xFFFFE000  }
0x2d2: {  	[spmem:s1] =	stream.indirect.scatter.add.f32 [tilespmem:s26], [sflag:$0x3], $0x10, s25, s25, $0xb8;
	[tilespmem:$0x1D000] =	vst v63  }
0x2d3: {  	_ =	swait.ge [sflag:s24], $0x2000  }
0x2d4: {  	[sflag:s24] =	ssyncset.done $0x0  }
0x2d5: {  	[sflag:s24] =	ssyncadd.s32 $0xFFFFE000  }
0x2d6: {  	_ =	swait.ge [sflag:s0], $0x2000  }
0x2d7: {  	[sflag:s0] =	ssyncset.done $0x0  }
0x2d8: {  	[sflag:s0] =	ssyncadd.s32 $0xFFFFE000  }
0x2d9: {  	[spmem:s1] =	stream.indirect.scatter.add.f32 [tilespmem:s30], [sflag:$0x3], $0x10, s29, s25, $0xb8;
	[tilespmem:$0x1D000] =	vst v63  }
0x2da: {  	_ =	swait.ge [sflag:s24], $0x2000  }
0x2db: {  	[sflag:s24] =	ssyncset.done $0x0  }
0x2dc: {  	[sflag:s24] =	ssyncadd.s32 $0xFFFFE000  }
0x2dd: {  	[bflag:$0x0] =	sbarrier.arrive $0xFFFF  }
0x2de: {  	s18 =	rddreg [dreg:$0x8]  }
0x2df: {  	[hbm:s18], [sflag:s6] =	dma.local [spmem:s5], $0x3100  }
0x2e0: {  	_ =	swait.ge [sflag:s24], $0x3100  }
0x2e1: {  	s3 =	sadd.s32 $0x1, s3;
	s19 =	rddreg [dreg:$0x9]  }
0x2e2: {  	p0 =	sne.s32 s3, s19  }
.Ltmp5:
0x2e3: {  	_ = 	snop;
	(pc) =	sbr.rel @p0 .LBB2_1-.Ltmp5, $3  }
0x2e4: {  	[sflag:s24] =	ssyncset.done $0x0  }
0x2e5: {  	[sflag:s24] =	ssyncadd.s32 $0xFFFFCF00  }
0x2e6: {  	[bflag:$0x0] =	sbarrier.arrive $0xFFFF;
	_ =	sdelay $0x1  }
0x2e7: {  	_ =	sfence.sel $0x180000  }
0x2e8: {  	[bflag:$0x0] =	sbarrier.arrive $0xFFFF  }
0x2e9: {  	_ =	strace $0x9000004D  }
0x2ea: {  	s0 =	stileid.u32;
	[bflag:$0x2] =	sbarrier.arrive $0xFFFF  }
0x2eb: {  	p0 =	sne.s32 s0, $0x0;
	s0 =	rddreg [dreg:$0x2]  }
0x2ec: {  	s0 =	sadd.s32 @!p0 $0x100000, s0  }
0x2ed: {  	[sflag:s0] =	ssyncadd.tile.s32 @!p0 $0x1;
	_ =	shalt  }
.Lfunc_end2:
_tile_overlayer_lowered:
.L_overlay_start_2:
0x2ee: {  	(tag) =	ssettag $0x2  }
0x2ef: {  	s0 =	rddreg [dreg:$0x0];
	s2 =	stileid.u32  }
0x2f0: {  	s1 =	rddreg [dreg:$0x1];
	p0 =	sne.s32 s2, $0x0  }
0x2f1: {  	s3 =	rddreg [dreg:$0x2];
	[bflag:$0x3] =	sbarrier.arrive $0xFFFF;
	s2 =	simm.s32 @!p0 $0x1C03  }
0x2f2: {  	[timem:s3], [sflag:s2] =	dma.local @!p0 [hbm:s0], s1  }
0x2f3: {  	s0 =	simm.s32 @!p0 $0x3  }
0x2f4: {  	_ =	swait.ge @!p0 [sflag:s0], s1  }
0x2f5: {  	s1 =	ssub.s32 @!p0 $0x0, s1;
	[sflag:s0] =	ssyncset.done @!p0 $0x0  }
0x2f6: {  	[sflag:s0] =	ssyncadd.s32 @!p0 s1  }
0x2f7: {  	[bflag:$0x3] =	sbarrier.arrive $0xFFFF  }
0x2f8: {  	_ =	shalt  }

</sc_bundles>
